<compile_context>
chip_gen: v7x
topology: tpu7x:2x2x1
jax: 0.10.2.dev20260603
libtpu: 0.0.44.dev20260713+nightly
codegen_flags: <defaults>
</compile_context>

<pallas_src>
import jax
import jax.numpy as jnp
from jax import lax
from jax.experimental import pallas as pl
from jax.experimental.pallas import tpu as pltpu
from jax.experimental.pallas import tpu_sc as plsc

N = 10000
E = 320000
D = 128
D2 = D // 2
EPS = 1e-5
NEG_SLOPE = 0.01

NC = 2
NS = 16
NW = NC * NS
E_PER_T = E // NS
CHUNK = 80
NCH = E_PER_T // CHUNK
N_PAD = 10240
STRIPE = N_PAD // NS
DEGW = 16
ZROWS = 80
NBLK = STRIPE // ZROWS


NBUF = 5
PREF = 4


def _edge_scatter_body(src_hbm, dst_hbm, xt_hbm,
                       s_out, d_out,
                       sidx, didx, rows0, rows1, rows2, rows3, rows4,
                       ones_v, zb_d,
                       gsem0, gsem1, gsem2, gsem3, gsem4,
                       ssem0, ssem1, ssem2, ssem3, ssem4, osem,
                       acc_s, acc_d):
    c = lax.axis_index("c")
    s = lax.axis_index("s")
    w = c * NS + s

    pltpu.sync_copy(src_hbm.at[pl.ds(s * E_PER_T, E_PER_T)], sidx)
    pltpu.sync_copy(dst_hbm.at[pl.ds(s * E_PER_T, E_PER_T)], didx)


    def xform_chunk(k):
        for j in range(CHUNK // 16):
            off = pl.multiple_of(k * CHUNK + j * 16, 16)
            sidx[pl.ds(off, 16)] = sidx[pl.ds(off, 16)] * 2 + c

    zero16 = jnp.zeros((16,), jnp.float32)
    one16 = jnp.ones((16,), jnp.float32)

    def fill_zs(i, carry):
        def inner(j, cc):
            rows0[i, pl.ds(pl.multiple_of(j * 16, 16), 16)] = zero16
            return cc
        return lax.fori_loop(0, D2 // 16, inner, carry)

    lax.fori_loop(0, ZROWS, fill_zs, 0)

    def fill_zd(i, carry):
        zb_d[i, :] = zero16
        return carry

    lax.fori_loop(0, ZROWS, fill_zd, 0)

    def fill_on(i, carry):
        ones_v[i, :] = one16
        return carry

    lax.fori_loop(0, CHUNK, fill_on, 0)

    for p in range(NBLK):
        pltpu.sync_copy(rows0.at[pl.ds(0, ZROWS)], acc_s.at[pl.ds(s * STRIPE + p * ZROWS, ZROWS)])
        pltpu.sync_copy(zb_d, acc_d.at[pl.ds(s * STRIPE + p * ZROWS, ZROWS)])

    plsc.subcore_barrier()

    rows_b = (rows0, rows1, rows2, rows3, rows4)
    gsems = (gsem0, gsem1, gsem2, gsem3, gsem4)
    ssems = (ssem0, ssem1, ssem2, ssem3, ssem4)
    LAG = NBUF - PREF

    def make_loop(deg_lo):
        def visit(k, b):
            pltpu.make_async_copy(xt_hbm.at[sidx.at[pl.ds(k * CHUNK, CHUNK)]],
                                  rows_b[b], gsems[b]).wait()
            pltpu.async_copy(rows_b[b], acc_s.at[didx.at[pl.ds(k * CHUNK, CHUNK)]],
                             ssems[b], add=True)

            @pl.when((k >= deg_lo) & (k < deg_lo + NCH // 2))
            def _deg():
                pltpu.async_copy(ones_v, acc_d.at[didx.at[pl.ds(k * CHUNK, CHUNK)]],
                                     osem, add=True)

            bn = (b + PREF) % NBUF

            @pl.when(k >= LAG)
            def _free():
                pltpu.make_async_copy(rows_b[bn], acc_s.at[didx.at[pl.ds(0, CHUNK)]],
                                      ssems[bn]).wait()

            @pl.when(k + PREF < NCH)
            def _prefetch():
                xform_chunk(k + PREF)
                pltpu.async_copy(xt_hbm.at[sidx.at[pl.ds((k + PREF) * CHUNK, CHUNK)]],
                                 rows_b[bn], gsems[bn])

        def group(g, carry):
            for b in range(NBUF):
                visit(NBUF * g + b, b)
            return carry

        def run():
            for b in range(PREF):
                xform_chunk(b)
                pltpu.async_copy(xt_hbm.at[sidx.at[pl.ds(b * CHUNK, CHUNK)]],
                                 rows_b[b], gsems[b])
            lax.fori_loop(0, NCH // NBUF, group, 0)

        return run

    pl.when(c == 0)(make_loop(0))
    pl.when(c == 1)(make_loop(NCH // 2))

    for k in range(NCH - LAG, NCH):
        b = k % NBUF
        pltpu.make_async_copy(rows_b[b], acc_s.at[didx.at[pl.ds(0, CHUNK)]],
                              ssems[b]).wait()

    def drain_ones(i, carry):
        pltpu.make_async_copy(ones_v, acc_d.at[didx.at[pl.ds(0, CHUNK)]], osem).wait()
        return carry

    lax.fori_loop(0, NCH // 2, drain_ones, 0)

    plsc.subcore_barrier()

    for p in range(NBLK):
        pltpu.sync_copy(acc_s.at[pl.ds(s * STRIPE + p * ZROWS, ZROWS)], rows0.at[pl.ds(0, ZROWS)])
        pltpu.sync_copy(rows0.at[pl.ds(0, ZROWS)], s_out.at[w, p])
        pltpu.sync_copy(acc_d.at[pl.ds(s * STRIPE + p * ZROWS, ZROWS)], zb_d)
        pltpu.sync_copy(zb_d, d_out.at[w, p])


def _edge_scatter(src, dst, xt):
    mesh = plsc.VectorSubcoreMesh(core_axis_name="c", subcore_axis_name="s")
    k = pl.kernel(
        _edge_scatter_body,
        out_type=(
            jax.ShapeDtypeStruct((NW, NBLK, ZROWS, D2), jnp.float32),
            jax.ShapeDtypeStruct((NW, NBLK, ZROWS, DEGW), jnp.float32),
        ),
        mesh=mesh,
        compiler_params=pltpu.CompilerParams(use_tc_tiling_on_sc=False),
        scratch_types=[
            pltpu.VMEM((E_PER_T,), jnp.int32),
            pltpu.VMEM((E_PER_T,), jnp.int32),
            pltpu.VMEM((CHUNK, D2), jnp.float32),
            pltpu.VMEM((CHUNK, D2), jnp.float32),
            pltpu.VMEM((CHUNK, D2), jnp.float32),
            pltpu.VMEM((CHUNK, D2), jnp.float32),
            pltpu.VMEM((CHUNK, D2), jnp.float32),
            pltpu.VMEM((CHUNK, DEGW), jnp.float32),
            pltpu.VMEM((ZROWS, DEGW), jnp.float32),
            pltpu.SemaphoreType.DMA,
            pltpu.SemaphoreType.DMA,
            pltpu.SemaphoreType.DMA,
            pltpu.SemaphoreType.DMA,
            pltpu.SemaphoreType.DMA,
            pltpu.SemaphoreType.DMA,
            pltpu.SemaphoreType.DMA,
            pltpu.SemaphoreType.DMA,
            pltpu.SemaphoreType.DMA,
            pltpu.SemaphoreType.DMA,
            pltpu.SemaphoreType.DMA,
            pltpu.VMEM_SHARED((N_PAD, D2), jnp.float32),
            pltpu.VMEM_SHARED((N_PAD, DEGW), jnp.float32),
        ],
    )
    return k(src, dst, xt)


def _finalize_body(x_ref, sp_ref, dp_ref, wd_ref, w2_ref, b_ref, g_ref, be_ref, o_ref):
    sp = sp_ref[...]
    s0 = sp[:NS].reshape(N_PAD, D2)[:N]
    s1 = sp[NS:].reshape(N_PAD, D2)[:N]
    xa = jnp.concatenate([s0, s1], axis=-1)
    dp = dp_ref[...]
    d0 = dp[:NS].reshape(N_PAD, DEGW)[:N]
    d1 = dp[NS:].reshape(N_PAD, DEGW)[:N]
    deg = d0[:, 0:1] + d1[:, 0:1]
    a = jnp.dot(x_ref[...], wd_ref[...], preferred_element_type=jnp.float32) + b_ref[...]
    s = jnp.dot(xa, w2_ref[...], preferred_element_type=jnp.float32)
    h = deg * a + s
    mean = jnp.mean(h, axis=0, keepdims=True)
    var = jnp.mean((h - mean) ** 2, axis=0, keepdims=True)
    hn = (h - mean) * lax.rsqrt(var + EPS) * g_ref[...] + be_ref[...]
    o_ref[...] = jnp.where(hn >= 0, hn, NEG_SLOPE * hn)


def _finalize(x, s_part, d_part, wd_t, w2_t, b2d, gamma2d, beta2d):
    return pl.pallas_call(
        _finalize_body,
        out_shape=jax.ShapeDtypeStruct((N, D), jnp.float32),
    )(x, s_part, d_part, wd_t, w2_t, b2d, gamma2d, beta2d)


def kernel(node_features, edge_index, W, b, bn_weight, bn_bias):
    x = node_features.astype(jnp.float32)
    w1t = W[:, :D].T
    w2t = W[:, D:].T
    wd_t = w1t - w2t

    xt = x.reshape(2 * N, D2)
    ei = edge_index.astype(jnp.int32)
    s_part, d_part = _edge_scatter(ei[0], ei[1], xt)

    return _finalize(x, s_part, d_part, wd_t, w2t,
                     jnp.broadcast_to(b[None, :], (1, D)),
                     jnp.broadcast_to(bn_weight[None, :], (1, D)),
                     jnp.broadcast_to(bn_bias[None, :], (1, D)))

# --- scband reference (transcript-rebuilt; emitter-appended) ---
"""Pipeline reference for scband-edge-conv-72834055406397 (READ-ONLY COPY).

The authoritative reference and input builder live on the scoring server;
editing this copy changes nothing except your own understanding.
"""

import jax, jax.numpy as jnp
import numpy as np

N_NODES = 10000
N_EDGES = 320000
D_IN = 128
D_OUT = 128
EPS = 1e-5
NEG_SLOPE = 0.01


def setup_inputs(seed: int = 0) -> dict:
    key = jax.random.key(seed)
    k1, k2, k3, k4 = jax.random.split(key, 4)
    node_features = jax.random.normal(k1, (N_NODES, D_IN), dtype=jnp.float32)
    edge_index = jax.random.randint(k2, (2, N_EDGES), 0, N_NODES, dtype=jnp.int64)
    # Linear(2*node_feats, out_feats): weight [out, in], bias [out]
    fan_in = 2 * D_IN
    bound = 1.0 / np.sqrt(fan_in)
    W = jax.random.uniform(k3, (D_OUT, 2 * D_IN), dtype=jnp.float32, minval=-bound, maxval=bound)
    b = jax.random.uniform(k4, (D_OUT,), dtype=jnp.float32, minval=-bound, maxval=bound)
    bn_weight = jnp.ones((D_OUT,), dtype=jnp.float32)
    bn_bias = jnp.zeros((D_OUT,), dtype=jnp.float32)
    return {"node_features": node_features, "edge_index": edge_index, "W": W, "b": b,
            "bn_weight": bn_weight, "bn_bias": bn_bias}


def reference(node_features, edge_index, W, b, bn_weight, bn_bias):
    src = edge_index[0]  # x_j (neighbor)
    dst = edge_index[1]  # x_i (central node / aggregation target)
    x_i = jnp.take(node_features, dst, axis=0)
    x_j = jnp.take(node_features, src, axis=0)
    # EdgeConv message: nn(cat([x_i, x_j - x_i], dim=-1))
    msg_in = jnp.concatenate([x_i, x_j - x_i], axis=-1)
    msg = msg_in @ W.T + b
    # aggr='add' scatter to destination nodes
    h = jax.ops.segment_sum(msg, dst, num_segments=N_NODES)
    # BatchNorm1d in training mode: batch statistics (biased variance)
    mean = jnp.mean(h, axis=0)
    var = jnp.mean((h - mean) ** 2, axis=0)
    h_norm = (h - mean) / jnp.sqrt(var + EPS) * bn_weight + bn_bias
    # leaky_relu default negative_slope=0.01
    out = jnp.where(h_norm >= 0, h_norm, NEG_SLOPE * h_norm)
    return out

if __name__ == "__main__":
    import jax
    _d = setup_inputs()
    print(jax.jit(kernel)(*tuple(_d.values())))

</pallas_src>

<mosaic_0001>
#map = affine_map<(d0, d1) -> (0)>
#map1 = affine_map<(d0, d1) -> (0, 0)>
#map2 = affine_map<(d0, d1) -> (0, 0, 0, 0)>
module attributes {stable_mosaic.version = 14 : i64} {
  func.func @_edge_scatter_body(%arg0: i32, %arg1: i32, %arg2: memref<320000xi32, #tpu.memory_space<hbm>>, %arg3: memref<320000xi32, #tpu.memory_space<hbm>>, %arg4: memref<20000x64xf32, #tpu.memory_space<hbm>>, %arg5: memref<32x8x80x64xf32, #tpu.memory_space<hbm>>, %arg6: memref<32x8x80x16xf32, #tpu.memory_space<hbm>>, %arg7: memref<20000xi32, #tpu.memory_space<vmem>>, %arg8: memref<20000xi32, #tpu.memory_space<vmem>>, %arg9: memref<80x64xf32, #tpu.memory_space<vmem>>, %arg10: memref<80x64xf32, #tpu.memory_space<vmem>>, %arg11: memref<80x64xf32, #tpu.memory_space<vmem>>, %arg12: memref<80x64xf32, #tpu.memory_space<vmem>>, %arg13: memref<80x64xf32, #tpu.memory_space<vmem>>, %arg14: memref<80x16xf32, #tpu.memory_space<vmem>>, %arg15: memref<80x16xf32, #tpu.memory_space<vmem>>, %arg16: memref<!tpu.dma_semaphore, #tpu.memory_space<semaphore_mem>>, %arg17: memref<!tpu.dma_semaphore, #tpu.memory_space<semaphore_mem>>, %arg18: memref<!tpu.dma_semaphore, #tpu.memory_space<semaphore_mem>>, %arg19: memref<!tpu.dma_semaphore, #tpu.memory_space<semaphore_mem>>, %arg20: memref<!tpu.dma_semaphore, #tpu.memory_space<semaphore_mem>>, %arg21: memref<!tpu.dma_semaphore, #tpu.memory_space<semaphore_mem>>, %arg22: memref<!tpu.dma_semaphore, #tpu.memory_space<semaphore_mem>>, %arg23: memref<!tpu.dma_semaphore, #tpu.memory_space<semaphore_mem>>, %arg24: memref<!tpu.dma_semaphore, #tpu.memory_space<semaphore_mem>>, %arg25: memref<!tpu.dma_semaphore, #tpu.memory_space<semaphore_mem>>, %arg26: memref<!tpu.dma_semaphore, #tpu.memory_space<semaphore_mem>>, %arg27: memref<10240x64xf32, #tpu.memory_space<vmem_shared>>, %arg28: memref<10240x16xf32, #tpu.memory_space<vmem_shared>>) attributes {dimension_semantics = [#tpu.dimension_semantics<core_parallel>, #tpu.dimension_semantics<subcore_parallel>], iteration_bounds = array<i64: 2, 16>, scalar_prefetch = 0 : i64, scratch_operands = 22 : i64, tpu.core_type = #tpu.core_type<sc_vector_subcore>, window_params = [{transform_indices = #map}, {transform_indices = #map}, {transform_indices = #map1}, {transform_indices = #map2}, {transform_indices = #map2}]} {
    %mul3A = arith.constant 16 : i32
    %mul3A_0 = arith.muli %arg0, %mul3A : i32
    %add3A = arith.addi %mul3A_0, %arg1 : i32
    %mul3A_1 = arith.constant 20000 : i32
    %mul3A_2 = arith.muli %arg1, %mul3A_1 : i32
    "tpu.region"() ({
      %run_scoped3A_186 = tpu.sem_alloc : memref<!tpu.dma_semaphore, #tpu.memory_space<semaphore_mem>>
      %dma_start3A = tpu.memref_slice %arg2[%mul3A_2] : memref<320000xi32, #tpu.memory_space<hbm>> -> memref<20000xi32, #tpu.memory_space<hbm>>
      %dma_start3A_187 = tpu.memref_slice %arg2[%mul3A_2] : memref<320000xi32, #tpu.memory_space<hbm>> -> memref<20000xi32, #tpu.memory_space<hbm>>
      tpu.enqueue_dma source(%dma_start3A_187 : memref<20000xi32, #tpu.memory_space<hbm>>) target(%arg7 : memref<20000xi32, #tpu.memory_space<vmem>>) target_semaphore(%run_scoped3A_186 : memref<!tpu.dma_semaphore, #tpu.memory_space<semaphore_mem>>)
      %dma_wait3A_188 = tpu.memref_slice %arg2[%mul3A_2] : memref<320000xi32, #tpu.memory_space<hbm>> -> memref<20000xi32, #tpu.memory_space<hbm>>
      %dma_wait3A_189 = tpu.memref_slice %arg2[%mul3A_2] : memref<320000xi32, #tpu.memory_space<hbm>> -> memref<20000xi32, #tpu.memory_space<hbm>>
      tpu.wait_dma2 semaphore(%run_scoped3A_186 : memref<!tpu.dma_semaphore, #tpu.memory_space<semaphore_mem>>) src(%dma_wait3A_189 : memref<20000xi32, #tpu.memory_space<hbm>>) dst(%arg7 : memref<20000xi32, #tpu.memory_space<vmem>>)
      tpu.yield
    }) : () -> ()
    %mul3A_3 = arith.constant 20000 : i32
    %mul3A_4 = arith.muli %arg1, %mul3A_3 : i32
    "tpu.region"() ({
      %run_scoped3A_186 = tpu.sem_alloc : memref<!tpu.dma_semaphore, #tpu.memory_space<semaphore_mem>>
      %dma_start3A = tpu.memref_slice %arg3[%mul3A_4] : memref<320000xi32, #tpu.memory_space<hbm>> -> memref<20000xi32, #tpu.memory_space<hbm>>
      %dma_start3A_187 = tpu.memref_slice %arg3[%mul3A_4] : memref<320000xi32, #tpu.memory_space<hbm>> -> memref<20000xi32, #tpu.memory_space<hbm>>
      tpu.enqueue_dma source(%dma_start3A_187 : memref<20000xi32, #tpu.memory_space<hbm>>) target(%arg8 : memref<20000xi32, #tpu.memory_space<vmem>>) target_semaphore(%run_scoped3A_186 : memref<!tpu.dma_semaphore, #tpu.memory_space<semaphore_mem>>)
      %dma_wait3A_188 = tpu.memref_slice %arg3[%mul3A_4] : memref<320000xi32, #tpu.memory_space<hbm>> -> memref<20000xi32, #tpu.memory_space<hbm>>
      %dma_wait3A_189 = tpu.memref_slice %arg3[%mul3A_4] : memref<320000xi32, #tpu.memory_space<hbm>> -> memref<20000xi32, #tpu.memory_space<hbm>>
      tpu.wait_dma2 semaphore(%run_scoped3A_186 : memref<!tpu.dma_semaphore, #tpu.memory_space<semaphore_mem>>) src(%dma_wait3A_189 : memref<20000xi32, #tpu.memory_space<hbm>>) dst(%arg8 : memref<20000xi32, #tpu.memory_space<vmem>>)
      tpu.yield
    }) : () -> ()
    %broadcast_in_dim3A = arith.constant 0.000000e+00 : f32
    %broadcast_in_dim3A_5 = vector.broadcast %broadcast_in_dim3A : f32 to vector<16xf32>
    %broadcast_in_dim3A_6 = arith.constant 1.000000e+00 : f32
    %broadcast_in_dim3A_7 = vector.broadcast %broadcast_in_dim3A_6 : f32 to vector<16xf32>
    %scan3A = arith.constant 0 : i32
    %scan3A_8 = arith.constant 0 : i32
    %scan3A_9 = arith.constant 80 : i32
    %scan3A_10 = arith.addi %scan3A_8, %scan3A_9 : i32
    %scan3A_11 = arith.constant 1 : i32
    scf.for %scan3A_186 = %scan3A_8 to %scan3A_10 step %scan3A_11  : i32 {
      %scan3A_187 = arith.constant 0 : i32
      %scan3A_188 = arith.constant 4 : i32
      %scan3A_189 = arith.addi %scan3A_187, %scan3A_188 : i32
      %scan3A_190 = arith.constant 1 : i32
      scf.for %scan3A_192 = %scan3A_187 to %scan3A_189 step %scan3A_190  : i32 {
        %mul3A_193 = arith.constant 16 : i32
        %mul3A_194 = arith.muli %scan3A_192, %mul3A_193 : i32
        %multiple_of3A = tpu.assume_multiple %mul3A_194, 16 : i32
        %swap3A = arith.index_cast %scan3A_186 : i32 to index
        %swap3A_195 = arith.index_cast %multiple_of3A : i32 to index
        %swap3A_196 = tpu.vector_load %arg9[%swap3A, %swap3A_195] {strides = array<i32>} : memref<80x64xf32, #tpu.memory_space<vmem>>, vector<1x16xf32>,
        %swap3A_197 = vector.shape_cast %swap3A_196 : vector<1x16xf32> to vector<16xf32>
        %swap3A_198 = vector.shape_cast %broadcast_in_dim3A_5 : vector<16xf32> to vector<1x16xf32>
        tpu.vector_store %arg9[%swap3A, %swap3A_195], %swap3A_198 {strides = array<i32>} : memref<80x64xf32, #tpu.memory_space<vmem>>, vector<1x16xf32>,
      }
      %scan3A_191 = arith.constant 4 : i32
    }
    %scan3A_12 = arith.constant 80 : i32
    %scan3A_13 = arith.constant 0 : i32
    %scan3A_14 = arith.constant 0 : i32
    %scan3A_15 = arith.constant 80 : i32
    %scan3A_16 = arith.addi %scan3A_14, %scan3A_15 : i32
    %scan3A_17 = arith.constant 1 : i32
    scf.for %scan3A_186 = %scan3A_14 to %scan3A_16 step %scan3A_17  : i32 {
      %swap3A = arith.index_cast %scan3A_186 : i32 to index
      %swap3A_187 = arith.constant 0 : index
      %swap3A_188 = tpu.vector_load %arg15[%swap3A, %swap3A_187] {strides = array<i32>} : memref<80x16xf32, #tpu.memory_space<vmem>>, vector<1x16xf32>,
      %swap3A_189 = vector.shape_cast %swap3A_188 : vector<1x16xf32> to vector<16xf32>
      %swap3A_190 = vector.shape_cast %broadcast_in_dim3A_5 : vector<16xf32> to vector<1x16xf32>
      tpu.vector_store %arg15[%swap3A, %swap3A_187], %swap3A_190 {strides = array<i32>} : memref<80x16xf32, #tpu.memory_space<vmem>>, vector<1x16xf32>,
    }
    %scan3A_18 = arith.constant 80 : i32
    %scan3A_19 = arith.constant 0 : i32
    %scan3A_20 = arith.constant 0 : i32
    %scan3A_21 = arith.constant 80 : i32
    %scan3A_22 = arith.addi %scan3A_20, %scan3A_21 : i32
    %scan3A_23 = arith.constant 1 : i32
    scf.for %scan3A_186 = %scan3A_20 to %scan3A_22 step %scan3A_23  : i32 {
      %swap3A = arith.index_cast %scan3A_186 : i32 to index
      %swap3A_187 = arith.constant 0 : index
      %swap3A_188 = tpu.vector_load %arg14[%swap3A, %swap3A_187] {strides = array<i32>} : memref<80x16xf32, #tpu.memory_space<vmem>>, vector<1x16xf32>,
      %swap3A_189 = vector.shape_cast %swap3A_188 : vector<1x16xf32> to vector<16xf32>
      %swap3A_190 = vector.shape_cast %broadcast_in_dim3A_7 : vector<16xf32> to vector<1x16xf32>
      tpu.vector_store %arg14[%swap3A, %swap3A_187], %swap3A_190 {strides = array<i32>} : memref<80x16xf32, #tpu.memory_space<vmem>>, vector<1x16xf32>,
    }
    %scan3A_24 = arith.constant 80 : i32
    %mul3A_25 = arith.constant 640 : i32
    %mul3A_26 = arith.muli %arg1, %mul3A_25 : i32
    %add3A_27 = arith.constant 0 : i32
    %add3A_28 = arith.addi %mul3A_26, %add3A_27 : i32
    "tpu.region"() ({
      %run_scoped3A_186 = tpu.sem_alloc : memref<!tpu.dma_semaphore, #tpu.memory_space<semaphore_mem>>
      %dma_start3A = arith.constant 0 : i32
      %dma_start3A_187 = arith.constant 0 : i32
      %dma_start3A_188 = tpu.memref_slice %arg9[%dma_start3A, %dma_start3A_187] : memref<80x64xf32, #tpu.memory_space<vmem>> -> memref<80x64xf32, #tpu.memory_space<vmem>>
      %dma_start3A_189 = arith.constant 0 : i32
      %dma_start3A_190 = tpu.memref_slice %arg27[%add3A_28, %dma_start3A_189] : memref<10240x64xf32, #tpu.memory_space<vmem_shared>> -> memref<80x64xf32, #tpu.memory_space<vmem_shared>>
      %dma_start3A_191 = arith.constant 0 : i32
      %dma_start3A_192 = tpu.memref_slice %arg27[%add3A_28, %dma_start3A_191] : memref<10240x64xf32, #tpu.memory_space<vmem_shared>> -> memref<80x64xf32, #tpu.memory_space<vmem_shared>>
      %dma_start3A_193 = arith.constant 0 : i32
      %dma_start3A_194 = arith.constant 0 : i32
      %dma_start3A_195 = tpu.memref_slice %arg9[%dma_start3A_193, %dma_start3A_194] : memref<80x64xf32, #tpu.memory_space<vmem>> -> memref<80x64xf32, #tpu.memory_space<vmem>>
      tpu.enqueue_dma source(%dma_start3A_195 : memref<80x64xf32, #tpu.memory_space<vmem>>) target(%dma_start3A_192 : memref<80x64xf32, #tpu.memory_space<vmem_shared>>) target_semaphore(%run_scoped3A_186 : memref<!tpu.dma_semaphore, #tpu.memory_space<semaphore_mem>>)
      %dma_wait3A_196 = arith.constant 0 : i32
      %dma_wait3A_197 = arith.constant 0 : i32
      %dma_wait3A_198 = tpu.memref_slice %arg9[%dma_wait3A_196, %dma_wait3A_197] : memref<80x64xf32, #tpu.memory_space<vmem>> -> memref<80x64xf32, #tpu.memory_space<vmem>>
      %dma_wait3A_199 = arith.constant 0 : i32
      %dma_wait3A_200 = tpu.memref_slice %arg27[%add3A_28, %dma_wait3A_199] : memref<10240x64xf32, #tpu.memory_space<vmem_shared>> -> memref<80x64xf32, #tpu.memory_space<vmem_shared>>
      %dma_wait3A_201 = arith.constant 0 : i32
      %dma_wait3A_202 = tpu.memref_slice %arg27[%add3A_28, %dma_wait3A_201] : memref<10240x64xf32, #tpu.memory_space<vmem_shared>> -> memref<80x64xf32, #tpu.memory_space<vmem_shared>>
      %dma_wait3A_203 = arith.constant 0 : i32
      %dma_wait3A_204 = arith.constant 0 : i32
      %dma_wait3A_205 = tpu.memref_slice %arg9[%dma_wait3A_203, %dma_wait3A_204] : memref<80x64xf32, #tpu.memory_space<vmem>> -> memref<80x64xf32, #tpu.memory_space<vmem>>
      tpu.wait_dma2 semaphore(%run_scoped3A_186 : memref<!tpu.dma_semaphore, #tpu.memory_space<semaphore_mem>>) src(%dma_wait3A_205 : memref<80x64xf32, #tpu.memory_space<vmem>>) dst(%dma_wait3A_202 : memref<80x64xf32, #tpu.memory_space<vmem_shared>>)
      tpu.yield
    }) : () -> ()
    %mul3A_29 = arith.constant 640 : i32
    %mul3A_30 = arith.muli %arg1, %mul3A_29 : i32
    %add3A_31 = arith.constant 0 : i32
    %add3A_32 = arith.addi %mul3A_30, %add3A_31 : i32
    "tpu.region"() ({
      %run_scoped3A_186 = tpu.sem_alloc : memref<!tpu.dma_semaphore, #tpu.memory_space<semaphore_mem>>
      %dma_start3A = arith.constant 0 : i32
      %dma_start3A_187 = tpu.memref_slice %arg28[%add3A_32, %dma_start3A] : memref<10240x16xf32, #tpu.memory_space<vmem_shared>> -> memref<80x16xf32, #tpu.memory_space<vmem_shared>>
      %dma_start3A_188 = arith.constant 0 : i32
      %dma_start3A_189 = tpu.memref_slice %arg28[%add3A_32, %dma_start3A_188] : memref<10240x16xf32, #tpu.memory_space<vmem_shared>> -> memref<80x16xf32, #tpu.memory_space<vmem_shared>>
      tpu.enqueue_dma source(%arg15 : memref<80x16xf32, #tpu.memory_space<vmem>>) target(%dma_start3A_189 : memref<80x16xf32, #tpu.memory_space<vmem_shared>>) target_semaphore(%run_scoped3A_186 : memref<!tpu.dma_semaphore, #tpu.memory_space<semaphore_mem>>)
      %dma_wait3A_190 = arith.constant 0 : i32
      %dma_wait3A_191 = tpu.memref_slice %arg28[%add3A_32, %dma_wait3A_190] : memref<10240x16xf32, #tpu.memory_space<vmem_shared>> -> memref<80x16xf32, #tpu.memory_space<vmem_shared>>
      %dma_wait3A_192 = arith.constant 0 : i32
      %dma_wait3A_193 = tpu.memref_slice %arg28[%add3A_32, %dma_wait3A_192] : memref<10240x16xf32, #tpu.memory_space<vmem_shared>> -> memref<80x16xf32, #tpu.memory_space<vmem_shared>>
      tpu.wait_dma2 semaphore(%run_scoped3A_186 : memref<!tpu.dma_semaphore, #tpu.memory_space<semaphore_mem>>) src(%arg15 : memref<80x16xf32, #tpu.memory_space<vmem>>) dst(%dma_wait3A_193 : memref<80x16xf32, #tpu.memory_space<vmem_shared>>)
      tpu.yield
    }) : () -> ()
    %mul3A_33 = arith.constant 640 : i32
    %mul3A_34 = arith.muli %arg1, %mul3A_33 : i32
    %add3A_35 = arith.constant 80 : i32
    %add3A_36 = arith.addi %mul3A_34, %add3A_35 : i32
    "tpu.region"() ({
      %run_scoped3A_186 = tpu.sem_alloc : memref<!tpu.dma_semaphore, #tpu.memory_space<semaphore_mem>>
      %dma_start3A = arith.constant 0 : i32
      %dma_start3A_187 = arith.constant 0 : i32
      %dma_start3A_188 = tpu.memref_slice %arg9[%dma_start3A, %dma_start3A_187] : memref<80x64xf32, #tpu.memory_space<vmem>> -> memref<80x64xf32, #tpu.memory_space<vmem>>
      %dma_start3A_189 = arith.constant 0 : i32
      %dma_start3A_190 = tpu.memref_slice %arg27[%add3A_36, %dma_start3A_189] : memref<10240x64xf32, #tpu.memory_space<vmem_shared>> -> memref<80x64xf32, #tpu.memory_space<vmem_shared>>
      %dma_start3A_191 = arith.constant 0 : i32
      %dma_start3A_192 = tpu.memref_slice %arg27[%add3A_36, %dma_start3A_191] : memref<10240x64xf32, #tpu.memory_space<vmem_shared>> -> memref<80x64xf32, #tpu.memory_space<vmem_shared>>
      %dma_start3A_193 = arith.constant 0 : i32
      %dma_start3A_194 = arith.constant 0 : i32
      %dma_start3A_195 = tpu.memref_slice %arg9[%dma_start3A_193, %dma_start3A_194] : memref<80x64xf32, #tpu.memory_space<vmem>> -> memref<80x64xf32, #tpu.memory_space<vmem>>
      tpu.enqueue_dma source(%dma_start3A_195 : memref<80x64xf32, #tpu.memory_space<vmem>>) target(%dma_start3A_192 : memref<80x64xf32, #tpu.memory_space<vmem_shared>>) target_semaphore(%run_scoped3A_186 : memref<!tpu.dma_semaphore, #tpu.memory_space<semaphore_mem>>)
      %dma_wait3A_196 = arith.constant 0 : i32
      %dma_wait3A_197 = arith.constant 0 : i32
      %dma_wait3A_198 = tpu.memref_slice %arg9[%dma_wait3A_196, %dma_wait3A_197] : memref<80x64xf32, #tpu.memory_space<vmem>> -> memref<80x64xf32, #tpu.memory_space<vmem>>
      %dma_wait3A_199 = arith.constant 0 : i32
      %dma_wait3A_200 = tpu.memref_slice %arg27[%add3A_36, %dma_wait3A_199] : memref<10240x64xf32, #tpu.memory_space<vmem_shared>> -> memref<80x64xf32, #tpu.memory_space<vmem_shared>>
      %dma_wait3A_201 = arith.constant 0 : i32
      %dma_wait3A_202 = tpu.memref_slice %arg27[%add3A_36, %dma_wait3A_201] : memref<10240x64xf32, #tpu.memory_space<vmem_shared>> -> memref<80x64xf32, #tpu.memory_space<vmem_shared>>
      %dma_wait3A_203 = arith.constant 0 : i32
      %dma_wait3A_204 = arith.constant 0 : i32
      %dma_wait3A_205 = tpu.memref_slice %arg9[%dma_wait3A_203, %dma_wait3A_204] : memref<80x64xf32, #tpu.memory_space<vmem>> -> memref<80x64xf32, #tpu.memory_space<vmem>>
      tpu.wait_dma2 semaphore(%run_scoped3A_186 : memref<!tpu.dma_semaphore, #tpu.memory_space<semaphore_mem>>) src(%dma_wait3A_205 : memref<80x64xf32, #tpu.memory_space<vmem>>) dst(%dma_wait3A_202 : memref<80x64xf32, #tpu.memory_space<vmem_shared>>)
      tpu.yield
    }) : () -> ()
    %mul3A_37 = arith.constant 640 : i32
    %mul3A_38 = arith.muli %arg1, %mul3A_37 : i32
    %add3A_39 = arith.constant 80 : i32
    %add3A_40 = arith.addi %mul3A_38, %add3A_39 : i32
    "tpu.region"() ({
      %run_scoped3A_186 = tpu.sem_alloc : memref<!tpu.dma_semaphore, #tpu.memory_space<semaphore_mem>>
      %dma_start3A = arith.constant 0 : i32
      %dma_start3A_187 = tpu.memref_slice %arg28[%add3A_40, %dma_start3A] : memref<10240x16xf32, #tpu.memory_space<vmem_shared>> -> memref<80x16xf32, #tpu.memory_space<vmem_shared>>
      %dma_start3A_188 = arith.constant 0 : i32
      %dma_start3A_189 = tpu.memref_slice %arg28[%add3A_40, %dma_start3A_188] : memref<10240x16xf32, #tpu.memory_space<vmem_shared>> -> memref<80x16xf32, #tpu.memory_space<vmem_shared>>
      tpu.enqueue_dma source(%arg15 : memref<80x16xf32, #tpu.memory_space<vmem>>) target(%dma_start3A_189 : memref<80x16xf32, #tpu.memory_space<vmem_shared>>) target_semaphore(%run_scoped3A_186 : memref<!tpu.dma_semaphore, #tpu.memory_space<semaphore_mem>>)
      %dma_wait3A_190 = arith.constant 0 : i32
      %dma_wait3A_191 = tpu.memref_slice %arg28[%add3A_40, %dma_wait3A_190] : memref<10240x16xf32, #tpu.memory_space<vmem_shared>> -> memref<80x16xf32, #tpu.memory_space<vmem_shared>>
      %dma_wait3A_192 = arith.constant 0 : i32
      %dma_wait3A_193 = tpu.memref_slice %arg28[%add3A_40, %dma_wait3A_192] : memref<10240x16xf32, #tpu.memory_space<vmem_shared>> -> memref<80x16xf32, #tpu.memory_space<vmem_shared>>
      tpu.wait_dma2 semaphore(%run_scoped3A_186 : memref<!tpu.dma_semaphore, #tpu.memory_space<semaphore_mem>>) src(%arg15 : memref<80x16xf32, #tpu.memory_space<vmem>>) dst(%dma_wait3A_193 : memref<80x16xf32, #tpu.memory_space<vmem_shared>>)
      tpu.yield
    }) : () -> ()
    %mul3A_41 = arith.constant 640 : i32
    %mul3A_42 = arith.muli %arg1, %mul3A_41 : i32
    %add3A_43 = arith.constant 160 : i32
    %add3A_44 = arith.addi %mul3A_42, %add3A_43 : i32
    "tpu.region"() ({
      %run_scoped3A_186 = tpu.sem_alloc : memref<!tpu.dma_semaphore, #tpu.memory_space<semaphore_mem>>
      %dma_start3A = arith.constant 0 : i32
      %dma_start3A_187 = arith.constant 0 : i32
      %dma_start3A_188 = tpu.memref_slice %arg9[%dma_start3A, %dma_start3A_187] : memref<80x64xf32, #tpu.memory_space<vmem>> -> memref<80x64xf32, #tpu.memory_space<vmem>>
      %dma_start3A_189 = arith.constant 0 : i32
      %dma_start3A_190 = tpu.memref_slice %arg27[%add3A_44, %dma_start3A_189] : memref<10240x64xf32, #tpu.memory_space<vmem_shared>> -> memref<80x64xf32, #tpu.memory_space<vmem_shared>>
      %dma_start3A_191 = arith.constant 0 : i32
      %dma_start3A_192 = tpu.memref_slice %arg27[%add3A_44, %dma_start3A_191] : memref<10240x64xf32, #tpu.memory_space<vmem_shared>> -> memref<80x64xf32, #tpu.memory_space<vmem_shared>>
      %dma_start3A_193 = arith.constant 0 : i32
      %dma_start3A_194 = arith.constant 0 : i32
      %dma_start3A_195 = tpu.memref_slice %arg9[%dma_start3A_193, %dma_start3A_194] : memref<80x64xf32, #tpu.memory_space<vmem>> -> memref<80x64xf32, #tpu.memory_space<vmem>>
      tpu.enqueue_dma source(%dma_start3A_195 : memref<80x64xf32, #tpu.memory_space<vmem>>) target(%dma_start3A_192 : memref<80x64xf32, #tpu.memory_space<vmem_shared>>) target_semaphore(%run_scoped3A_186 : memref<!tpu.dma_semaphore, #tpu.memory_space<semaphore_mem>>)
      %dma_wait3A_196 = arith.constant 0 : i32
      %dma_wait3A_197 = arith.constant 0 : i32
      %dma_wait3A_198 = tpu.memref_slice %arg9[%dma_wait3A_196, %dma_wait3A_197] : memref<80x64xf32, #tpu.memory_space<vmem>> -> memref<80x64xf32, #tpu.memory_space<vmem>>
      %dma_wait3A_199 = arith.constant 0 : i32
      %dma_wait3A_200 = tpu.memref_slice %arg27[%add3A_44, %dma_wait3A_199] : memref<10240x64xf32, #tpu.memory_space<vmem_shared>> -> memref<80x64xf32, #tpu.memory_space<vmem_shared>>
      %dma_wait3A_201 = arith.constant 0 : i32
      %dma_wait3A_202 = tpu.memref_slice %arg27[%add3A_44, %dma_wait3A_201] : memref<10240x64xf32, #tpu.memory_space<vmem_shared>> -> memref<80x64xf32, #tpu.memory_space<vmem_shared>>
      %dma_wait3A_203 = arith.constant 0 : i32
      %dma_wait3A_204 = arith.constant 0 : i32
      %dma_wait3A_205 = tpu.memref_slice %arg9[%dma_wait3A_203, %dma_wait3A_204] : memref<80x64xf32, #tpu.memory_space<vmem>> -> memref<80x64xf32, #tpu.memory_space<vmem>>
      tpu.wait_dma2 semaphore(%run_scoped3A_186 : memref<!tpu.dma_semaphore, #tpu.memory_space<semaphore_mem>>) src(%dma_wait3A_205 : memref<80x64xf32, #tpu.memory_space<vmem>>) dst(%dma_wait3A_202 : memref<80x64xf32, #tpu.memory_space<vmem_shared>>)
      tpu.yield
    }) : () -> ()
    %mul3A_45 = arith.constant 640 : i32
    %mul3A_46 = arith.muli %arg1, %mul3A_45 : i32
    %add3A_47 = arith.constant 160 : i32
    %add3A_48 = arith.addi %mul3A_46, %add3A_47 : i32
    "tpu.region"() ({
      %run_scoped3A_186 = tpu.sem_alloc : memref<!tpu.dma_semaphore, #tpu.memory_space<semaphore_mem>>
      %dma_start3A = arith.constant 0 : i32
      %dma_start3A_187 = tpu.memref_slice %arg28[%add3A_48, %dma_start3A] : memref<10240x16xf32, #tpu.memory_space<vmem_shared>> -> memref<80x16xf32, #tpu.memory_space<vmem_shared>>
      %dma_start3A_188 = arith.constant 0 : i32
      %dma_start3A_189 = tpu.memref_slice %arg28[%add3A_48, %dma_start3A_188] : memref<10240x16xf32, #tpu.memory_space<vmem_shared>> -> memref<80x16xf32, #tpu.memory_space<vmem_shared>>
      tpu.enqueue_dma source(%arg15 : memref<80x16xf32, #tpu.memory_space<vmem>>) target(%dma_start3A_189 : memref<80x16xf32, #tpu.memory_space<vmem_shared>>) target_semaphore(%run_scoped3A_186 : memref<!tpu.dma_semaphore, #tpu.memory_space<semaphore_mem>>)
      %dma_wait3A_190 = arith.constant 0 : i32
      %dma_wait3A_191 = tpu.memref_slice %arg28[%add3A_48, %dma_wait3A_190] : memref<10240x16xf32, #tpu.memory_space<vmem_shared>> -> memref<80x16xf32, #tpu.memory_space<vmem_shared>>
      %dma_wait3A_192 = arith.constant 0 : i32
      %dma_wait3A_193 = tpu.memref_slice %arg28[%add3A_48, %dma_wait3A_192] : memref<10240x16xf32, #tpu.memory_space<vmem_shared>> -> memref<80x16xf32, #tpu.memory_space<vmem_shared>>
      tpu.wait_dma2 semaphore(%run_scoped3A_186 : memref<!tpu.dma_semaphore, #tpu.memory_space<semaphore_mem>>) src(%arg15 : memref<80x16xf32, #tpu.memory_space<vmem>>) dst(%dma_wait3A_193 : memref<80x16xf32, #tpu.memory_space<vmem_shared>>)
      tpu.yield
    }) : () -> ()
    %mul3A_49 = arith.constant 640 : i32
    %mul3A_50 = arith.muli %arg1, %mul3A_49 : i32
    %add3A_51 = arith.constant 240 : i32
    %add3A_52 = arith.addi %mul3A_50, %add3A_51 : i32
    "tpu.region"() ({
      %run_scoped3A_186 = tpu.sem_alloc : memref<!tpu.dma_semaphore, #tpu.memory_space<semaphore_mem>>
      %dma_start3A = arith.constant 0 : i32
      %dma_start3A_187 = arith.constant 0 : i32
      %dma_start3A_188 = tpu.memref_slice %arg9[%dma_start3A, %dma_start3A_187] : memref<80x64xf32, #tpu.memory_space<vmem>> -> memref<80x64xf32, #tpu.memory_space<vmem>>
      %dma_start3A_189 = arith.constant 0 : i32
      %dma_start3A_190 = tpu.memref_slice %arg27[%add3A_52, %dma_start3A_189] : memref<10240x64xf32, #tpu.memory_space<vmem_shared>> -> memref<80x64xf32, #tpu.memory_space<vmem_shared>>
      %dma_start3A_191 = arith.constant 0 : i32
      %dma_start3A_192 = tpu.memref_slice %arg27[%add3A_52, %dma_start3A_191] : memref<10240x64xf32, #tpu.memory_space<vmem_shared>> -> memref<80x64xf32, #tpu.memory_space<vmem_shared>>
      %dma_start3A_193 = arith.constant 0 : i32
      %dma_start3A_194 = arith.constant 0 : i32
      %dma_start3A_195 = tpu.memref_slice %arg9[%dma_start3A_193, %dma_start3A_194] : memref<80x64xf32, #tpu.memory_space<vmem>> -> memref<80x64xf32, #tpu.memory_space<vmem>>
      tpu.enqueue_dma source(%dma_start3A_195 : memref<80x64xf32, #tpu.memory_space<vmem>>) target(%dma_start3A_192 : memref<80x64xf32, #tpu.memory_space<vmem_shared>>) target_semaphore(%run_scoped3A_186 : memref<!tpu.dma_semaphore, #tpu.memory_space<semaphore_mem>>)
      %dma_wait3A_196 = arith.constant 0 : i32
      %dma_wait3A_197 = arith.constant 0 : i32
      %dma_wait3A_198 = tpu.memref_slice %arg9[%dma_wait3A_196, %dma_wait3A_197] : memref<80x64xf32, #tpu.memory_space<vmem>> -> memref<80x64xf32, #tpu.memory_space<vmem>>
      %dma_wait3A_199 = arith.constant 0 : i32
      %dma_wait3A_200 = tpu.memref_slice %arg27[%add3A_52, %dma_wait3A_199] : memref<10240x64xf32, #tpu.memory_space<vmem_shared>> -> memref<80x64xf32, #tpu.memory_space<vmem_shared>>
      %dma_wait3A_201 = arith.constant 0 : i32
      %dma_wait3A_202 = tpu.memref_slice %arg27[%add3A_52, %dma_wait3A_201] : memref<10240x64xf32, #tpu.memory_space<vmem_shared>> -> memref<80x64xf32, #tpu.memory_space<vmem_shared>>
      %dma_wait3A_203 = arith.constant 0 : i32
      %dma_wait3A_204 = arith.constant 0 : i32
      %dma_wait3A_205 = tpu.memref_slice %arg9[%dma_wait3A_203, %dma_wait3A_204] : memref<80x64xf32, #tpu.memory_space<vmem>> -> memref<80x64xf32, #tpu.memory_space<vmem>>
      tpu.wait_dma2 semaphore(%run_scoped3A_186 : memref<!tpu.dma_semaphore, #tpu.memory_space<semaphore_mem>>) src(%dma_wait3A_205 : memref<80x64xf32, #tpu.memory_space<vmem>>) dst(%dma_wait3A_202 : memref<80x64xf32, #tpu.memory_space<vmem_shared>>)
      tpu.yield
    }) : () -> ()
    %mul3A_53 = arith.constant 640 : i32
    %mul3A_54 = arith.muli %arg1, %mul3A_53 : i32
    %add3A_55 = arith.constant 240 : i32
    %add3A_56 = arith.addi %mul3A_54, %add3A_55 : i32
    "tpu.region"() ({
      %run_scoped3A_186 = tpu.sem_alloc : memref<!tpu.dma_semaphore, #tpu.memory_space<semaphore_mem>>
      %dma_start3A = arith.constant 0 : i32
      %dma_start3A_187 = tpu.memref_slice %arg28[%add3A_56, %dma_start3A] : memref<10240x16xf32, #tpu.memory_space<vmem_shared>> -> memref<80x16xf32, #tpu.memory_space<vmem_shared>>
      %dma_start3A_188 = arith.constant 0 : i32
      %dma_start3A_189 = tpu.memref_slice %arg28[%add3A_56, %dma_start3A_188] : memref<10240x16xf32, #tpu.memory_space<vmem_shared>> -> memref<80x16xf32, #tpu.memory_space<vmem_shared>>
      tpu.enqueue_dma source(%arg15 : memref<80x16xf32, #tpu.memory_space<vmem>>) target(%dma_start3A_189 : memref<80x16xf32, #tpu.memory_space<vmem_shared>>) target_semaphore(%run_scoped3A_186 : memref<!tpu.dma_semaphore, #tpu.memory_space<semaphore_mem>>)
      %dma_wait3A_190 = arith.constant 0 : i32
      %dma_wait3A_191 = tpu.memref_slice %arg28[%add3A_56, %dma_wait3A_190] : memref<10240x16xf32, #tpu.memory_space<vmem_shared>> -> memref<80x16xf32, #tpu.memory_space<vmem_shared>>
      %dma_wait3A_192 = arith.constant 0 : i32
      %dma_wait3A_193 = tpu.memref_slice %arg28[%add3A_56, %dma_wait3A_192] : memref<10240x16xf32, #tpu.memory_space<vmem_shared>> -> memref<80x16xf32, #tpu.memory_space<vmem_shared>>
      tpu.wait_dma2 semaphore(%run_scoped3A_186 : memref<!tpu.dma_semaphore, #tpu.memory_space<semaphore_mem>>) src(%arg15 : memref<80x16xf32, #tpu.memory_space<vmem>>) dst(%dma_wait3A_193 : memref<80x16xf32, #tpu.memory_space<vmem_shared>>)
      tpu.yield
    }) : () -> ()
    %mul3A_57 = arith.constant 640 : i32
    %mul3A_58 = arith.muli %arg1, %mul3A_57 : i32
    %add3A_59 = arith.constant 320 : i32
    %add3A_60 = arith.addi %mul3A_58, %add3A_59 : i32
    "tpu.region"() ({
      %run_scoped3A_186 = tpu.sem_alloc : memref<!tpu.dma_semaphore, #tpu.memory_space<semaphore_mem>>
      %dma_start3A = arith.constant 0 : i32
      %dma_start3A_187 = arith.constant 0 : i32
      %dma_start3A_188 = tpu.memref_slice %arg9[%dma_start3A, %dma_start3A_187] : memref<80x64xf32, #tpu.memory_space<vmem>> -> memref<80x64xf32, #tpu.memory_space<vmem>>
      %dma_start3A_189 = arith.constant 0 : i32
      %dma_start3A_190 = tpu.memref_slice %arg27[%add3A_60, %dma_start3A_189] : memref<10240x64xf32, #tpu.memory_space<vmem_shared>> -> memref<80x64xf32, #tpu.memory_space<vmem_shared>>
      %dma_start3A_191 = arith.constant 0 : i32
      %dma_start3A_192 = tpu.memref_slice %arg27[%add3A_60, %dma_start3A_191] : memref<10240x64xf32, #tpu.memory_space<vmem_shared>> -> memref<80x64xf32, #tpu.memory_space<vmem_shared>>
      %dma_start3A_193 = arith.constant 0 : i32
      %dma_start3A_194 = arith.constant 0 : i32
      %dma_start3A_195 = tpu.memref_slice %arg9[%dma_start3A_193, %dma_start3A_194] : memref<80x64xf32, #tpu.memory_space<vmem>> -> memref<80x64xf32, #tpu.memory_space<vmem>>
      tpu.enqueue_dma source(%dma_start3A_195 : memref<80x64xf32, #tpu.memory_space<vmem>>) target(%dma_start3A_192 : memref<80x64xf32, #tpu.memory_space<vmem_shared>>) target_semaphore(%run_scoped3A_186 : memref<!tpu.dma_semaphore, #tpu.memory_space<semaphore_mem>>)
      %dma_wait3A_196 = arith.constant 0 : i32
      %dma_wait3A_197 = arith.constant 0 : i32
      %dma_wait3A_198 = tpu.memref_slice %arg9[%dma_wait3A_196, %dma_wait3A_197] : memref<80x64xf32, #tpu.memory_space<vmem>> -> memref<80x64xf32, #tpu.memory_space<vmem>>
      %dma_wait3A_199 = arith.constant 0 : i32
      %dma_wait3A_200 = tpu.memref_slice %arg27[%add3A_60, %dma_wait3A_199] : memref<10240x64xf32, #tpu.memory_space<vmem_shared>> -> memref<80x64xf32, #tpu.memory_space<vmem_shared>>
      %dma_wait3A_201 = arith.constant 0 : i32
      %dma_wait3A_202 = tpu.memref_slice %arg27[%add3A_60, %dma_wait3A_201] : memref<10240x64xf32, #tpu.memory_space<vmem_shared>> -> memref<80x64xf32, #tpu.memory_space<vmem_shared>>
      %dma_wait3A_203 = arith.constant 0 : i32
      %dma_wait3A_204 = arith.constant 0 : i32
      %dma_wait3A_205 = tpu.memref_slice %arg9[%dma_wait3A_203, %dma_wait3A_204] : memref<80x64xf32, #tpu.memory_space<vmem>> -> memref<80x64xf32, #tpu.memory_space<vmem>>
      tpu.wait_dma2 semaphore(%run_scoped3A_186 : memref<!tpu.dma_semaphore, #tpu.memory_space<semaphore_mem>>) src(%dma_wait3A_205 : memref<80x64xf32, #tpu.memory_space<vmem>>) dst(%dma_wait3A_202 : memref<80x64xf32, #tpu.memory_space<vmem_shared>>)
      tpu.yield
    }) : () -> ()
    %mul3A_61 = arith.constant 640 : i32
    %mul3A_62 = arith.muli %arg1, %mul3A_61 : i32
    %add3A_63 = arith.constant 320 : i32
    %add3A_64 = arith.addi %mul3A_62, %add3A_63 : i32
    "tpu.region"() ({
      %run_scoped3A_186 = tpu.sem_alloc : memref<!tpu.dma_semaphore, #tpu.memory_space<semaphore_mem>>
      %dma_start3A = arith.constant 0 : i32
      %dma_start3A_187 = tpu.memref_slice %arg28[%add3A_64, %dma_start3A] : memref<10240x16xf32, #tpu.memory_space<vmem_shared>> -> memref<80x16xf32, #tpu.memory_space<vmem_shared>>
      %dma_start3A_188 = arith.constant 0 : i32
      %dma_start3A_189 = tpu.memref_slice %arg28[%add3A_64, %dma_start3A_188] : memref<10240x16xf32, #tpu.memory_space<vmem_shared>> -> memref<80x16xf32, #tpu.memory_space<vmem_shared>>
      tpu.enqueue_dma source(%arg15 : memref<80x16xf32, #tpu.memory_space<vmem>>) target(%dma_start3A_189 : memref<80x16xf32, #tpu.memory_space<vmem_shared>>) target_semaphore(%run_scoped3A_186 : memref<!tpu.dma_semaphore, #tpu.memory_space<semaphore_mem>>)
      %dma_wait3A_190 = arith.constant 0 : i32
      %dma_wait3A_191 = tpu.memref_slice %arg28[%add3A_64, %dma_wait3A_190] : memref<10240x16xf32, #tpu.memory_space<vmem_shared>> -> memref<80x16xf32, #tpu.memory_space<vmem_shared>>
      %dma_wait3A_192 = arith.constant 0 : i32
      %dma_wait3A_193 = tpu.memref_slice %arg28[%add3A_64, %dma_wait3A_192] : memref<10240x16xf32, #tpu.memory_space<vmem_shared>> -> memref<80x16xf32, #tpu.memory_space<vmem_shared>>
      tpu.wait_dma2 semaphore(%run_scoped3A_186 : memref<!tpu.dma_semaphore, #tpu.memory_space<semaphore_mem>>) src(%arg15 : memref<80x16xf32, #tpu.memory_space<vmem>>) dst(%dma_wait3A_193 : memref<80x16xf32, #tpu.memory_space<vmem_shared>>)
      tpu.yield
    }) : () -> ()
    %mul3A_65 = arith.constant 640 : i32
    %mul3A_66 = arith.muli %arg1, %mul3A_65 : i32
    %add3A_67 = arith.constant 400 : i32
    %add3A_68 = arith.addi %mul3A_66, %add3A_67 : i32
    "tpu.region"() ({
      %run_scoped3A_186 = tpu.sem_alloc : memref<!tpu.dma_semaphore, #tpu.memory_space<semaphore_mem>>
      %dma_start3A = arith.constant 0 : i32
      %dma_start3A_187 = arith.constant 0 : i32
      %dma_start3A_188 = tpu.memref_slice %arg9[%dma_start3A, %dma_start3A_187] : memref<80x64xf32, #tpu.memory_space<vmem>> -> memref<80x64xf32, #tpu.memory_space<vmem>>
      %dma_start3A_189 = arith.constant 0 : i32
      %dma_start3A_190 = tpu.memref_slice %arg27[%add3A_68, %dma_start3A_189] : memref<10240x64xf32, #tpu.memory_space<vmem_shared>> -> memref<80x64xf32, #tpu.memory_space<vmem_shared>>
      %dma_start3A_191 = arith.constant 0 : i32
      %dma_start3A_192 = tpu.memref_slice %arg27[%add3A_68, %dma_start3A_191] : memref<10240x64xf32, #tpu.memory_space<vmem_shared>> -> memref<80x64xf32, #tpu.memory_space<vmem_shared>>
      %dma_start3A_193 = arith.constant 0 : i32
      %dma_start3A_194 = arith.constant 0 : i32
      %dma_start3A_195 = tpu.memref_slice %arg9[%dma_start3A_193, %dma_start3A_194] : memref<80x64xf32, #tpu.memory_space<vmem>> -> memref<80x64xf32, #tpu.memory_space<vmem>>
      tpu.enqueue_dma source(%dma_start3A_195 : memref<80x64xf32, #tpu.memory_space<vmem>>) target(%dma_start3A_192 : memref<80x64xf32, #tpu.memory_space<vmem_shared>>) target_semaphore(%run_scoped3A_186 : memref<!tpu.dma_semaphore, #tpu.memory_space<semaphore_mem>>)
      %dma_wait3A_196 = arith.constant 0 : i32
      %dma_wait3A_197 = arith.constant 0 : i32
      %dma_wait3A_198 = tpu.memref_slice %arg9[%dma_wait3A_196, %dma_wait3A_197] : memref<80x64xf32, #tpu.memory_space<vmem>> -> memref<80x64xf32, #tpu.memory_space<vmem>>
      %dma_wait3A_199 = arith.constant 0 : i32
      %dma_wait3A_200 = tpu.memref_slice %arg27[%add3A_68, %dma_wait3A_199] : memref<10240x64xf32, #tpu.memory_space<vmem_shared>> -> memref<80x64xf32, #tpu.memory_space<vmem_shared>>
      %dma_wait3A_201 = arith.constant 0 : i32
      %dma_wait3A_202 = tpu.memref_slice %arg27[%add3A_68, %dma_wait3A_201] : memref<10240x64xf32, #tpu.memory_space<vmem_shared>> -> memref<80x64xf32, #tpu.memory_space<vmem_shared>>
      %dma_wait3A_203 = arith.constant 0 : i32
      %dma_wait3A_204 = arith.constant 0 : i32
      %dma_wait3A_205 = tpu.memref_slice %arg9[%dma_wait3A_203, %dma_wait3A_204] : memref<80x64xf32, #tpu.memory_space<vmem>> -> memref<80x64xf32, #tpu.memory_space<vmem>>
      tpu.wait_dma2 semaphore(%run_scoped3A_186 : memref<!tpu.dma_semaphore, #tpu.memory_space<semaphore_mem>>) src(%dma_wait3A_205 : memref<80x64xf32, #tpu.memory_space<vmem>>) dst(%dma_wait3A_202 : memref<80x64xf32, #tpu.memory_space<vmem_shared>>)
      tpu.yield
    }) : () -> ()
    %mul3A_69 = arith.constant 640 : i32
    %mul3A_70 = arith.muli %arg1, %mul3A_69 : i32
    %add3A_71 = arith.constant 400 : i32
    %add3A_72 = arith.addi %mul3A_70, %add3A_71 : i32
    "tpu.region"() ({
      %run_scoped3A_186 = tpu.sem_alloc : memref<!tpu.dma_semaphore, #tpu.memory_space<semaphore_mem>>
      %dma_start3A = arith.constant 0 : i32
      %dma_start3A_187 = tpu.memref_slice %arg28[%add3A_72, %dma_start3A] : memref<10240x16xf32, #tpu.memory_space<vmem_shared>> -> memref<80x16xf32, #tpu.memory_space<vmem_shared>>
      %dma_start3A_188 = arith.constant 0 : i32
      %dma_start3A_189 = tpu.memref_slice %arg28[%add3A_72, %dma_start3A_188] : memref<10240x16xf32, #tpu.memory_space<vmem_shared>> -> memref<80x16xf32, #tpu.memory_space<vmem_shared>>
      tpu.enqueue_dma source(%arg15 : memref<80x16xf32, #tpu.memory_space<vmem>>) target(%dma_start3A_189 : memref<80x16xf32, #tpu.memory_space<vmem_shared>>) target_semaphore(%run_scoped3A_186 : memref<!tpu.dma_semaphore, #tpu.memory_space<semaphore_mem>>)
      %dma_wait3A_190 = arith.constant 0 : i32
      %dma_wait3A_191 = tpu.memref_slice %arg28[%add3A_72, %dma_wait3A_190] : memref<10240x16xf32, #tpu.memory_space<vmem_shared>> -> memref<80x16xf32, #tpu.memory_space<vmem_shared>>
      %dma_wait3A_192 = arith.constant 0 : i32
      %dma_wait3A_193 = tpu.memref_slice %arg28[%add3A_72, %dma_wait3A_192] : memref<10240x16xf32, #tpu.memory_space<vmem_shared>> -> memref<80x16xf32, #tpu.memory_space<vmem_shared>>
      tpu.wait_dma2 semaphore(%run_scoped3A_186 : memref<!tpu.dma_semaphore, #tpu.memory_space<semaphore_mem>>) src(%arg15 : memref<80x16xf32, #tpu.memory_space<vmem>>) dst(%dma_wait3A_193 : memref<80x16xf32, #tpu.memory_space<vmem_shared>>)
      tpu.yield
    }) : () -> ()
    %mul3A_73 = arith.constant 640 : i32
    %mul3A_74 = arith.muli %arg1, %mul3A_73 : i32
    %add3A_75 = arith.constant 480 : i32
    %add3A_76 = arith.addi %mul3A_74, %add3A_75 : i32
    "tpu.region"() ({
      %run_scoped3A_186 = tpu.sem_alloc : memref<!tpu.dma_semaphore, #tpu.memory_space<semaphore_mem>>
      %dma_start3A = arith.constant 0 : i32
      %dma_start3A_187 = arith.constant 0 : i32
      %dma_start3A_188 = tpu.memref_slice %arg9[%dma_start3A, %dma_start3A_187] : memref<80x64xf32, #tpu.memory_space<vmem>> -> memref<80x64xf32, #tpu.memory_space<vmem>>
      %dma_start3A_189 = arith.constant 0 : i32
      %dma_start3A_190 = tpu.memref_slice %arg27[%add3A_76, %dma_start3A_189] : memref<10240x64xf32, #tpu.memory_space<vmem_shared>> -> memref<80x64xf32, #tpu.memory_space<vmem_shared>>
      %dma_start3A_191 = arith.constant 0 : i32
      %dma_start3A_192 = tpu.memref_slice %arg27[%add3A_76, %dma_start3A_191] : memref<10240x64xf32, #tpu.memory_space<vmem_shared>> -> memref<80x64xf32, #tpu.memory_space<vmem_shared>>
      %dma_start3A_193 = arith.constant 0 : i32
      %dma_start3A_194 = arith.constant 0 : i32
      %dma_start3A_195 = tpu.memref_slice %arg9[%dma_start3A_193, %dma_start3A_194] : memref<80x64xf32, #tpu.memory_space<vmem>> -> memref<80x64xf32, #tpu.memory_space<vmem>>
      tpu.enqueue_dma source(%dma_start3A_195 : memref<80x64xf32, #tpu.memory_space<vmem>>) target(%dma_start3A_192 : memref<80x64xf32, #tpu.memory_space<vmem_shared>>) target_semaphore(%run_scoped3A_186 : memref<!tpu.dma_semaphore, #tpu.memory_space<semaphore_mem>>)
      %dma_wait3A_196 = arith.constant 0 : i32
      %dma_wait3A_197 = arith.constant 0 : i32
      %dma_wait3A_198 = tpu.memref_slice %arg9[%dma_wait3A_196, %dma_wait3A_197] : memref<80x64xf32, #tpu.memory_space<vmem>> -> memref<80x64xf32, #tpu.memory_space<vmem>>
      %dma_wait3A_199 = arith.constant 0 : i32
      %dma_wait3A_200 = tpu.memref_slice %arg27[%add3A_76, %dma_wait3A_199] : memref<10240x64xf32, #tpu.memory_space<vmem_shared>> -> memref<80x64xf32, #tpu.memory_space<vmem_shared>>
      %dma_wait3A_201 = arith.constant 0 : i32
      %dma_wait3A_202 = tpu.memref_slice %arg27[%add3A_76, %dma_wait3A_201] : memref<10240x64xf32, #tpu.memory_space<vmem_shared>> -> memref<80x64xf32, #tpu.memory_space<vmem_shared>>
      %dma_wait3A_203 = arith.constant 0 : i32
      %dma_wait3A_204 = arith.constant 0 : i32
      %dma_wait3A_205 = tpu.memref_slice %arg9[%dma_wait3A_203, %dma_wait3A_204] : memref<80x64xf32, #tpu.memory_space<vmem>> -> memref<80x64xf32, #tpu.memory_space<vmem>>
      tpu.wait_dma2 semaphore(%run_scoped3A_186 : memref<!tpu.dma_semaphore, #tpu.memory_space<semaphore_mem>>) src(%dma_wait3A_205 : memref<80x64xf32, #tpu.memory_space<vmem>>) dst(%dma_wait3A_202 : memref<80x64xf32, #tpu.memory_space<vmem_shared>>)
      tpu.yield
    }) : () -> ()
    %mul3A_77 = arith.constant 640 : i32
    %mul3A_78 = arith.muli %arg1, %mul3A_77 : i32
    %add3A_79 = arith.constant 480 : i32
    %add3A_80 = arith.addi %mul3A_78, %add3A_79 : i32
    "tpu.region"() ({
      %run_scoped3A_186 = tpu.sem_alloc : memref<!tpu.dma_semaphore, #tpu.memory_space<semaphore_mem>>
      %dma_start3A = arith.constant 0 : i32
      %dma_start3A_187 = tpu.memref_slice %arg28[%add3A_80, %dma_start3A] : memref<10240x16xf32, #tpu.memory_space<vmem_shared>> -> memref<80x16xf32, #tpu.memory_space<vmem_shared>>
      %dma_start3A_188 = arith.constant 0 : i32
      %dma_start3A_189 = tpu.memref_slice %arg28[%add3A_80, %dma_start3A_188] : memref<10240x16xf32, #tpu.memory_space<vmem_shared>> -> memref<80x16xf32, #tpu.memory_space<vmem_shared>>
      tpu.enqueue_dma source(%arg15 : memref<80x16xf32, #tpu.memory_space<vmem>>) target(%dma_start3A_189 : memref<80x16xf32, #tpu.memory_space<vmem_shared>>) target_semaphore(%run_scoped3A_186 : memref<!tpu.dma_semaphore, #tpu.memory_space<semaphore_mem>>)
      %dma_wait3A_190 = arith.constant 0 : i32
      %dma_wait3A_191 = tpu.memref_slice %arg28[%add3A_80, %dma_wait3A_190] : memref<10240x16xf32, #tpu.memory_space<vmem_shared>> -> memref<80x16xf32, #tpu.memory_space<vmem_shared>>
      %dma_wait3A_192 = arith.constant 0 : i32
      %dma_wait3A_193 = tpu.memref_slice %arg28[%add3A_80, %dma_wait3A_192] : memref<10240x16xf32, #tpu.memory_space<vmem_shared>> -> memref<80x16xf32, #tpu.memory_space<vmem_shared>>
      tpu.wait_dma2 semaphore(%run_scoped3A_186 : memref<!tpu.dma_semaphore, #tpu.memory_space<semaphore_mem>>) src(%arg15 : memref<80x16xf32, #tpu.memory_space<vmem>>) dst(%dma_wait3A_193 : memref<80x16xf32, #tpu.memory_space<vmem_shared>>)
      tpu.yield
    }) : () -> ()
    %mul3A_81 = arith.constant 640 : i32
    %mul3A_82 = arith.muli %arg1, %mul3A_81 : i32
    %add3A_83 = arith.constant 560 : i32
    %add3A_84 = arith.addi %mul3A_82, %add3A_83 : i32
    "tpu.region"() ({
      %run_scoped3A_186 = tpu.sem_alloc : memref<!tpu.dma_semaphore, #tpu.memory_space<semaphore_mem>>
      %dma_start3A = arith.constant 0 : i32
      %dma_start3A_187 = arith.constant 0 : i32
      %dma_start3A_188 = tpu.memref_slice %arg9[%dma_start3A, %dma_start3A_187] : memref<80x64xf32, #tpu.memory_space<vmem>> -> memref<80x64xf32, #tpu.memory_space<vmem>>
      %dma_start3A_189 = arith.constant 0 : i32
      %dma_start3A_190 = tpu.memref_slice %arg27[%add3A_84, %dma_start3A_189] : memref<10240x64xf32, #tpu.memory_space<vmem_shared>> -> memref<80x64xf32, #tpu.memory_space<vmem_shared>>
      %dma_start3A_191 = arith.constant 0 : i32
      %dma_start3A_192 = tpu.memref_slice %arg27[%add3A_84, %dma_start3A_191] : memref<10240x64xf32, #tpu.memory_space<vmem_shared>> -> memref<80x64xf32, #tpu.memory_space<vmem_shared>>
      %dma_start3A_193 = arith.constant 0 : i32
      %dma_start3A_194 = arith.constant 0 : i32
      %dma_start3A_195 = tpu.memref_slice %arg9[%dma_start3A_193, %dma_start3A_194] : memref<80x64xf32, #tpu.memory_space<vmem>> -> memref<80x64xf32, #tpu.memory_space<vmem>>
      tpu.enqueue_dma source(%dma_start3A_195 : memref<80x64xf32, #tpu.memory_space<vmem>>) target(%dma_start3A_192 : memref<80x64xf32, #tpu.memory_space<vmem_shared>>) target_semaphore(%run_scoped3A_186 : memref<!tpu.dma_semaphore, #tpu.memory_space<semaphore_mem>>)
      %dma_wait3A_196 = arith.constant 0 : i32
      %dma_wait3A_197 = arith.constant 0 : i32
      %dma_wait3A_198 = tpu.memref_slice %arg9[%dma_wait3A_196, %dma_wait3A_197] : memref<80x64xf32, #tpu.memory_space<vmem>> -> memref<80x64xf32, #tpu.memory_space<vmem>>
      %dma_wait3A_199 = arith.constant 0 : i32
      %dma_wait3A_200 = tpu.memref_slice %arg27[%add3A_84, %dma_wait3A_199] : memref<10240x64xf32, #tpu.memory_space<vmem_shared>> -> memref<80x64xf32, #tpu.memory_space<vmem_shared>>
      %dma_wait3A_201 = arith.constant 0 : i32
      %dma_wait3A_202 = tpu.memref_slice %arg27[%add3A_84, %dma_wait3A_201] : memref<10240x64xf32, #tpu.memory_space<vmem_shared>> -> memref<80x64xf32, #tpu.memory_space<vmem_shared>>
      %dma_wait3A_203 = arith.constant 0 : i32
      %dma_wait3A_204 = arith.constant 0 : i32
      %dma_wait3A_205 = tpu.memref_slice %arg9[%dma_wait3A_203, %dma_wait3A_204] : memref<80x64xf32, #tpu.memory_space<vmem>> -> memref<80x64xf32, #tpu.memory_space<vmem>>
      tpu.wait_dma2 semaphore(%run_scoped3A_186 : memref<!tpu.dma_semaphore, #tpu.memory_space<semaphore_mem>>) src(%dma_wait3A_205 : memref<80x64xf32, #tpu.memory_space<vmem>>) dst(%dma_wait3A_202 : memref<80x64xf32, #tpu.memory_space<vmem_shared>>)
      tpu.yield
    }) : () -> ()
    %mul3A_85 = arith.constant 640 : i32
    %mul3A_86 = arith.muli %arg1, %mul3A_85 : i32
    %add3A_87 = arith.constant 560 : i32
    %add3A_88 = arith.addi %mul3A_86, %add3A_87 : i32
    "tpu.region"() ({
      %run_scoped3A_186 = tpu.sem_alloc : memref<!tpu.dma_semaphore, #tpu.memory_space<semaphore_mem>>
      %dma_start3A = arith.constant 0 : i32
      %dma_start3A_187 = tpu.memref_slice %arg28[%add3A_88, %dma_start3A] : memref<10240x16xf32, #tpu.memory_space<vmem_shared>> -> memref<80x16xf32, #tpu.memory_space<vmem_shared>>
      %dma_start3A_188 = arith.constant 0 : i32
      %dma_start3A_189 = tpu.memref_slice %arg28[%add3A_88, %dma_start3A_188] : memref<10240x16xf32, #tpu.memory_space<vmem_shared>> -> memref<80x16xf32, #tpu.memory_space<vmem_shared>>
      tpu.enqueue_dma source(%arg15 : memref<80x16xf32, #tpu.memory_space<vmem>>) target(%dma_start3A_189 : memref<80x16xf32, #tpu.memory_space<vmem_shared>>) target_semaphore(%run_scoped3A_186 : memref<!tpu.dma_semaphore, #tpu.memory_space<semaphore_mem>>)
      %dma_wait3A_190 = arith.constant 0 : i32
      %dma_wait3A_191 = tpu.memref_slice %arg28[%add3A_88, %dma_wait3A_190] : memref<10240x16xf32, #tpu.memory_space<vmem_shared>> -> memref<80x16xf32, #tpu.memory_space<vmem_shared>>
      %dma_wait3A_192 = arith.constant 0 : i32
      %dma_wait3A_193 = tpu.memref_slice %arg28[%add3A_88, %dma_wait3A_192] : memref<10240x16xf32, #tpu.memory_space<vmem_shared>> -> memref<80x16xf32, #tpu.memory_space<vmem_shared>>
      tpu.wait_dma2 semaphore(%run_scoped3A_186 : memref<!tpu.dma_semaphore, #tpu.memory_space<semaphore_mem>>) src(%arg15 : memref<80x16xf32, #tpu.memory_space<vmem>>) dst(%dma_wait3A_193 : memref<80x16xf32, #tpu.memory_space<vmem_shared>>)
      tpu.yield
    }) : () -> ()
    %barrier3A = arith.constant 0 : index
    tpu.barrier barrier_id(%barrier3A)
    %eq3A = arith.constant 0 : i32
    %eq3A_89 = arith.cmpi eq, %arg0, %eq3A : i32
    %convert_element_type3A = arith.extui %eq3A_89 : i1 to i32
    %cond3A = arith.constant 0 : i32
    %cond3A_90 = arith.cmpi ne, %convert_element_type3A, %cond3A : i32
    scf.if %cond3A_90 {
      %multiple_of3A = arith.constant 0 : i32
      %multiple_of3A_186 = tpu.assume_multiple %multiple_of3A, 16 : i32
      %get3A = arith.index_cast %multiple_of3A_186 : i32 to index
      %get3A_187 = tpu.vector_load %arg7[%get3A] {strides = array<i32>} : memref<20000xi32, #tpu.memory_space<vmem>>, vector<16xi32>,
      %get3A_188 = vector.shape_cast %get3A_187 : vector<16xi32> to vector<16xi32>
      %mul3A_189 = arith.constant 2 : i32
      %mul3A_190 = vector.broadcast %mul3A_189 : i32 to vector<16xi32>
      %mul3A_191 = arith.muli %get3A_188, %mul3A_190 : vector<16xi32>
      %add3A_192 = vector.broadcast %arg0 : i32 to vector<16xi32>
      %add3A_193 = arith.addi %mul3A_191, %add3A_192 : vector<16xi32>
      %swap3A = arith.index_cast %multiple_of3A_186 : i32 to index
      %swap3A_194 = tpu.vector_load %arg7[%swap3A] {strides = array<i32>} : memref<20000xi32, #tpu.memory_space<vmem>>, vector<16xi32>,
      %swap3A_195 = vector.shape_cast %swap3A_194 : vector<16xi32> to vector<16xi32>
      %swap3A_196 = vector.shape_cast %add3A_193 : vector<16xi32> to vector<16xi32>
      tpu.vector_store %arg7[%swap3A], %swap3A_196 {strides = array<i32>} : memref<20000xi32, #tpu.memory_space<vmem>>, vector<16xi32>,
      %multiple_of3A_197 = arith.constant 16 : i32
      %multiple_of3A_198 = tpu.assume_multiple %multiple_of3A_197, 16 : i32
      %get3A_199 = arith.index_cast %multiple_of3A_198 : i32 to index
      %get3A_200 = tpu.vector_load %arg7[%get3A_199] {strides = array<i32>} : memref<20000xi32, #tpu.memory_space<vmem>>, vector<16xi32>,
      %get3A_201 = vector.shape_cast %get3A_200 : vector<16xi32> to vector<16xi32>
      %mul3A_202 = arith.constant 2 : i32
      %mul3A_203 = vector.broadcast %mul3A_202 : i32 to vector<16xi32>
      %mul3A_204 = arith.muli %get3A_201, %mul3A_203 : vector<16xi32>
      %add3A_205 = vector.broadcast %arg0 : i32 to vector<16xi32>
      %add3A_206 = arith.addi %mul3A_204, %add3A_205 : vector<16xi32>
      %swap3A_207 = arith.index_cast %multiple_of3A_198 : i32 to index
      %swap3A_208 = tpu.vector_load %arg7[%swap3A_207] {strides = array<i32>} : memref<20000xi32, #tpu.memory_space<vmem>>, vector<16xi32>,
      %swap3A_209 = vector.shape_cast %swap3A_208 : vector<16xi32> to vector<16xi32>
      %swap3A_210 = vector.shape_cast %add3A_206 : vector<16xi32> to vector<16xi32>
      tpu.vector_store %arg7[%swap3A_207], %swap3A_210 {strides = array<i32>} : memref<20000xi32, #tpu.memory_space<vmem>>, vector<16xi32>,
      %multiple_of3A_211 = arith.constant 32 : i32
      %multiple_of3A_212 = tpu.assume_multiple %multiple_of3A_211, 16 : i32
      %get3A_213 = arith.index_cast %multiple_of3A_212 : i32 to index
      %get3A_214 = tpu.vector_load %arg7[%get3A_213] {strides = array<i32>} : memref<20000xi32, #tpu.memory_space<vmem>>, vector<16xi32>,
      %get3A_215 = vector.shape_cast %get3A_214 : vector<16xi32> to vector<16xi32>
      %mul3A_216 = arith.constant 2 : i32
      %mul3A_217 = vector.broadcast %mul3A_216 : i32 to vector<16xi32>
      %mul3A_218 = arith.muli %get3A_215, %mul3A_217 : vector<16xi32>
      %add3A_219 = vector.broadcast %arg0 : i32 to vector<16xi32>
      %add3A_220 = arith.addi %mul3A_218, %add3A_219 : vector<16xi32>
      %swap3A_221 = arith.index_cast %multiple_of3A_212 : i32 to index
      %swap3A_222 = tpu.vector_load %arg7[%swap3A_221] {strides = array<i32>} : memref<20000xi32, #tpu.memory_space<vmem>>, vector<16xi32>,
      %swap3A_223 = vector.shape_cast %swap3A_222 : vector<16xi32> to vector<16xi32>
      %swap3A_224 = vector.shape_cast %add3A_220 : vector<16xi32> to vector<16xi32>
      tpu.vector_store %arg7[%swap3A_221], %swap3A_224 {strides = array<i32>} : memref<20000xi32, #tpu.memory_space<vmem>>, vector<16xi32>,
      %multiple_of3A_225 = arith.constant 48 : i32
      %multiple_of3A_226 = tpu.assume_multiple %multiple_of3A_225, 16 : i32
      %get3A_227 = arith.index_cast %multiple_of3A_226 : i32 to index
      %get3A_228 = tpu.vector_load %arg7[%get3A_227] {strides = array<i32>} : memref<20000xi32, #tpu.memory_space<vmem>>, vector<16xi32>,
      %get3A_229 = vector.shape_cast %get3A_228 : vector<16xi32> to vector<16xi32>
      %mul3A_230 = arith.constant 2 : i32
      %mul3A_231 = vector.broadcast %mul3A_230 : i32 to vector<16xi32>
      %mul3A_232 = arith.muli %get3A_229, %mul3A_231 : vector<16xi32>
      %add3A_233 = vector.broadcast %arg0 : i32 to vector<16xi32>
      %add3A_234 = arith.addi %mul3A_232, %add3A_233 : vector<16xi32>
      %swap3A_235 = arith.index_cast %multiple_of3A_226 : i32 to index
      %swap3A_236 = tpu.vector_load %arg7[%swap3A_235] {strides = array<i32>} : memref<20000xi32, #tpu.memory_space<vmem>>, vector<16xi32>,
      %swap3A_237 = vector.shape_cast %swap3A_236 : vector<16xi32> to vector<16xi32>
      %swap3A_238 = vector.shape_cast %add3A_234 : vector<16xi32> to vector<16xi32>
      tpu.vector_store %arg7[%swap3A_235], %swap3A_238 {strides = array<i32>} : memref<20000xi32, #tpu.memory_space<vmem>>, vector<16xi32>,
      %multiple_of3A_239 = arith.constant 64 : i32
      %multiple_of3A_240 = tpu.assume_multiple %multiple_of3A_239, 16 : i32
      %get3A_241 = arith.index_cast %multiple_of3A_240 : i32 to index
      %get3A_242 = tpu.vector_load %arg7[%get3A_241] {strides = array<i32>} : memref<20000xi32, #tpu.memory_space<vmem>>, vector<16xi32>,
      %get3A_243 = vector.shape_cast %get3A_242 : vector<16xi32> to vector<16xi32>
      %mul3A_244 = arith.constant 2 : i32
      %mul3A_245 = vector.broadcast %mul3A_244 : i32 to vector<16xi32>
      %mul3A_246 = arith.muli %get3A_243, %mul3A_245 : vector<16xi32>
      %add3A_247 = vector.broadcast %arg0 : i32 to vector<16xi32>
      %add3A_248 = arith.addi %mul3A_246, %add3A_247 : vector<16xi32>
      %swap3A_249 = arith.index_cast %multiple_of3A_240 : i32 to index
      %swap3A_250 = tpu.vector_load %arg7[%swap3A_249] {strides = array<i32>} : memref<20000xi32, #tpu.memory_space<vmem>>, vector<16xi32>,
      %swap3A_251 = vector.shape_cast %swap3A_250 : vector<16xi32> to vector<16xi32>
      %swap3A_252 = vector.shape_cast %add3A_248 : vector<16xi32> to vector<16xi32>
      tpu.vector_store %arg7[%swap3A_249], %swap3A_252 {strides = array<i32>} : memref<20000xi32, #tpu.memory_space<vmem>>, vector<16xi32>,
      %dma_start3A = arith.constant 0 : i32
      %dma_start3A_253 = tpu.memref_slice %arg7[%dma_start3A] : memref<20000xi32, #tpu.memory_space<vmem>> -> memref<80xi32, #tpu.memory_space<vmem>>
      %dma_start3A_254 = arith.constant 0 : i32
      %dma_start3A_255 = arith.constant 0 : i32
      %dma_start3A_256 = tpu.memref_slice %arg4[%dma_start3A_254, %dma_start3A_255] : memref<20000x64xf32, #tpu.memory_space<hbm>> -> memref<20000x64xf32, #tpu.memory_space<hbm>>
      tpu.enqueue_indirect_dma source(%dma_start3A_256 : memref<20000x64xf32, #tpu.memory_space<hbm>>) target(%arg9 : memref<80x64xf32, #tpu.memory_space<vmem>>) offsets(%dma_start3A_253 : memref<80xi32, #tpu.memory_space<vmem>>) semaphore(%arg16 : memref<!tpu.dma_semaphore, #tpu.memory_space<semaphore_mem>>)
      %multiple_of3A_257 = arith.constant 80 : i32
      %multiple_of3A_258 = tpu.assume_multiple %multiple_of3A_257, 16 : i32
      %get3A_259 = arith.index_cast %multiple_of3A_258 : i32 to index
      %get3A_260 = tpu.vector_load %arg7[%get3A_259] {strides = array<i32>} : memref<20000xi32, #tpu.memory_space<vmem>>, vector<16xi32>,
      %get3A_261 = vector.shape_cast %get3A_260 : vector<16xi32> to vector<16xi32>
      %mul3A_262 = arith.constant 2 : i32
      %mul3A_263 = vector.broadcast %mul3A_262 : i32 to vector<16xi32>
      %mul3A_264 = arith.muli %get3A_261, %mul3A_263 : vector<16xi32>
      %add3A_265 = vector.broadcast %arg0 : i32 to vector<16xi32>
      %add3A_266 = arith.addi %mul3A_264, %add3A_265 : vector<16xi32>
      %swap3A_267 = arith.index_cast %multiple_of3A_258 : i32 to index
      %swap3A_268 = tpu.vector_load %arg7[%swap3A_267] {strides = array<i32>} : memref<20000xi32, #tpu.memory_space<vmem>>, vector<16xi32>,
      %swap3A_269 = vector.shape_cast %swap3A_268 : vector<16xi32> to vector<16xi32>
      %swap3A_270 = vector.shape_cast %add3A_266 : vector<16xi32> to vector<16xi32>
      tpu.vector_store %arg7[%swap3A_267], %swap3A_270 {strides = array<i32>} : memref<20000xi32, #tpu.memory_space<vmem>>, vector<16xi32>,
      %multiple_of3A_271 = arith.constant 96 : i32
      %multiple_of3A_272 = tpu.assume_multiple %multiple_of3A_271, 16 : i32
      %get3A_273 = arith.index_cast %multiple_of3A_272 : i32 to index
      %get3A_274 = tpu.vector_load %arg7[%get3A_273] {strides = array<i32>} : memref<20000xi32, #tpu.memory_space<vmem>>, vector<16xi32>,
      %get3A_275 = vector.shape_cast %get3A_274 : vector<16xi32> to vector<16xi32>
      %mul3A_276 = arith.constant 2 : i32
      %mul3A_277 = vector.broadcast %mul3A_276 : i32 to vector<16xi32>
      %mul3A_278 = arith.muli %get3A_275, %mul3A_277 : vector<16xi32>
      %add3A_279 = vector.broadcast %arg0 : i32 to vector<16xi32>
      %add3A_280 = arith.addi %mul3A_278, %add3A_279 : vector<16xi32>
      %swap3A_281 = arith.index_cast %multiple_of3A_272 : i32 to index
      %swap3A_282 = tpu.vector_load %arg7[%swap3A_281] {strides = array<i32>} : memref<20000xi32, #tpu.memory_space<vmem>>, vector<16xi32>,
      %swap3A_283 = vector.shape_cast %swap3A_282 : vector<16xi32> to vector<16xi32>
      %swap3A_284 = vector.shape_cast %add3A_280 : vector<16xi32> to vector<16xi32>
      tpu.vector_store %arg7[%swap3A_281], %swap3A_284 {strides = array<i32>} : memref<20000xi32, #tpu.memory_space<vmem>>, vector<16xi32>,
      %multiple_of3A_285 = arith.constant 112 : i32
      %multiple_of3A_286 = tpu.assume_multiple %multiple_of3A_285, 16 : i32
      %get3A_287 = arith.index_cast %multiple_of3A_286 : i32 to index
      %get3A_288 = tpu.vector_load %arg7[%get3A_287] {strides = array<i32>} : memref<20000xi32, #tpu.memory_space<vmem>>, vector<16xi32>,
      %get3A_289 = vector.shape_cast %get3A_288 : vector<16xi32> to vector<16xi32>
      %mul3A_290 = arith.constant 2 : i32
      %mul3A_291 = vector.broadcast %mul3A_290 : i32 to vector<16xi32>
      %mul3A_292 = arith.muli %get3A_289, %mul3A_291 : vector<16xi32>
      %add3A_293 = vector.broadcast %arg0 : i32 to vector<16xi32>
      %add3A_294 = arith.addi %mul3A_292, %add3A_293 : vector<16xi32>
      %swap3A_295 = arith.index_cast %multiple_of3A_286 : i32 to index
      %swap3A_296 = tpu.vector_load %arg7[%swap3A_295] {strides = array<i32>} : memref<20000xi32, #tpu.memory_space<vmem>>, vector<16xi32>,
      %swap3A_297 = vector.shape_cast %swap3A_296 : vector<16xi32> to vector<16xi32>
      %swap3A_298 = vector.shape_cast %add3A_294 : vector<16xi32> to vector<16xi32>
      tpu.vector_store %arg7[%swap3A_295], %swap3A_298 {strides = array<i32>} : memref<20000xi32, #tpu.memory_space<vmem>>, vector<16xi32>,
      %multiple_of3A_299 = arith.constant 128 : i32
      %multiple_of3A_300 = tpu.assume_multiple %multiple_of3A_299, 16 : i32
      %get3A_301 = arith.index_cast %multiple_of3A_300 : i32 to index
      %get3A_302 = tpu.vector_load %arg7[%get3A_301] {strides = array<i32>} : memref<20000xi32, #tpu.memory_space<vmem>>, vector<16xi32>,
      %get3A_303 = vector.shape_cast %get3A_302 : vector<16xi32> to vector<16xi32>
      %mul3A_304 = arith.constant 2 : i32
      %mul3A_305 = vector.broadcast %mul3A_304 : i32 to vector<16xi32>
      %mul3A_306 = arith.muli %get3A_303, %mul3A_305 : vector<16xi32>
      %add3A_307 = vector.broadcast %arg0 : i32 to vector<16xi32>
      %add3A_308 = arith.addi %mul3A_306, %add3A_307 : vector<16xi32>
      %swap3A_309 = arith.index_cast %multiple_of3A_300 : i32 to index
      %swap3A_310 = tpu.vector_load %arg7[%swap3A_309] {strides = array<i32>} : memref<20000xi32, #tpu.memory_space<vmem>>, vector<16xi32>,
      %swap3A_311 = vector.shape_cast %swap3A_310 : vector<16xi32> to vector<16xi32>
      %swap3A_312 = vector.shape_cast %add3A_308 : vector<16xi32> to vector<16xi32>
      tpu.vector_store %arg7[%swap3A_309], %swap3A_312 {strides = array<i32>} : memref<20000xi32, #tpu.memory_space<vmem>>, vector<16xi32>,
      %multiple_of3A_313 = arith.constant 144 : i32
      %multiple_of3A_314 = tpu.assume_multiple %multiple_of3A_313, 16 : i32
      %get3A_315 = arith.index_cast %multiple_of3A_314 : i32 to index
      %get3A_316 = tpu.vector_load %arg7[%get3A_315] {strides = array<i32>} : memref<20000xi32, #tpu.memory_space<vmem>>, vector<16xi32>,
      %get3A_317 = vector.shape_cast %get3A_316 : vector<16xi32> to vector<16xi32>
      %mul3A_318 = arith.constant 2 : i32
      %mul3A_319 = vector.broadcast %mul3A_318 : i32 to vector<16xi32>
      %mul3A_320 = arith.muli %get3A_317, %mul3A_319 : vector<16xi32>
      %add3A_321 = vector.broadcast %arg0 : i32 to vector<16xi32>
      %add3A_322 = arith.addi %mul3A_320, %add3A_321 : vector<16xi32>
      %swap3A_323 = arith.index_cast %multiple_of3A_314 : i32 to index
      %swap3A_324 = tpu.vector_load %arg7[%swap3A_323] {strides = array<i32>} : memref<20000xi32, #tpu.memory_space<vmem>>, vector<16xi32>,
      %swap3A_325 = vector.shape_cast %swap3A_324 : vector<16xi32> to vector<16xi32>
      %swap3A_326 = vector.shape_cast %add3A_322 : vector<16xi32> to vector<16xi32>
      tpu.vector_store %arg7[%swap3A_323], %swap3A_326 {strides = array<i32>} : memref<20000xi32, #tpu.memory_space<vmem>>, vector<16xi32>,
      %dma_start3A_327 = arith.constant 80 : i32
      %dma_start3A_328 = tpu.memref_slice %arg7[%dma_start3A_327] : memref<20000xi32, #tpu.memory_space<vmem>> -> memref<80xi32, #tpu.memory_space<vmem>>
      %dma_start3A_329 = arith.constant 0 : i32
      %dma_start3A_330 = arith.constant 0 : i32
      %dma_start3A_331 = tpu.memref_slice %arg4[%dma_start3A_329, %dma_start3A_330] : memref<20000x64xf32, #tpu.memory_space<hbm>> -> memref<20000x64xf32, #tpu.memory_space<hbm>>
      tpu.enqueue_indirect_dma source(%dma_start3A_331 : memref<20000x64xf32, #tpu.memory_space<hbm>>) target(%arg10 : memref<80x64xf32, #tpu.memory_space<vmem>>) offsets(%dma_start3A_328 : memref<80xi32, #tpu.memory_space<vmem>>) semaphore(%arg17 : memref<!tpu.dma_semaphore, #tpu.memory_space<semaphore_mem>>)
      %multiple_of3A_332 = arith.constant 160 : i32
      %multiple_of3A_333 = tpu.assume_multiple %multiple_of3A_332, 16 : i32
      %get3A_334 = arith.index_cast %multiple_of3A_333 : i32 to index
      %get3A_335 = tpu.vector_load %arg7[%get3A_334] {strides = array<i32>} : memref<20000xi32, #tpu.memory_space<vmem>>, vector<16xi32>,
      %get3A_336 = vector.shape_cast %get3A_335 : vector<16xi32> to vector<16xi32>
      %mul3A_337 = arith.constant 2 : i32
      %mul3A_338 = vector.broadcast %mul3A_337 : i32 to vector<16xi32>
      %mul3A_339 = arith.muli %get3A_336, %mul3A_338 : vector<16xi32>
      %add3A_340 = vector.broadcast %arg0 : i32 to vector<16xi32>
      %add3A_341 = arith.addi %mul3A_339, %add3A_340 : vector<16xi32>
      %swap3A_342 = arith.index_cast %multiple_of3A_333 : i32 to index
      %swap3A_343 = tpu.vector_load %arg7[%swap3A_342] {strides = array<i32>} : memref<20000xi32, #tpu.memory_space<vmem>>, vector<16xi32>,
      %swap3A_344 = vector.shape_cast %swap3A_343 : vector<16xi32> to vector<16xi32>
      %swap3A_345 = vector.shape_cast %add3A_341 : vector<16xi32> to vector<16xi32>
      tpu.vector_store %arg7[%swap3A_342], %swap3A_345 {strides = array<i32>} : memref<20000xi32, #tpu.memory_space<vmem>>, vector<16xi32>,
      %multiple_of3A_346 = arith.constant 176 : i32
      %multiple_of3A_347 = tpu.assume_multiple %multiple_of3A_346, 16 : i32
      %get3A_348 = arith.index_cast %multiple_of3A_347 : i32 to index
      %get3A_349 = tpu.vector_load %arg7[%get3A_348] {strides = array<i32>} : memref<20000xi32, #tpu.memory_space<vmem>>, vector<16xi32>,
      %get3A_350 = vector.shape_cast %get3A_349 : vector<16xi32> to vector<16xi32>
      %mul3A_351 = arith.constant 2 : i32
      %mul3A_352 = vector.broadcast %mul3A_351 : i32 to vector<16xi32>
      %mul3A_353 = arith.muli %get3A_350, %mul3A_352 : vector<16xi32>
      %add3A_354 = vector.broadcast %arg0 : i32 to vector<16xi32>
      %add3A_355 = arith.addi %mul3A_353, %add3A_354 : vector<16xi32>
      %swap3A_356 = arith.index_cast %multiple_of3A_347 : i32 to index
      %swap3A_357 = tpu.vector_load %arg7[%swap3A_356] {strides = array<i32>} : memref<20000xi32, #tpu.memory_space<vmem>>, vector<16xi32>,
      %swap3A_358 = vector.shape_cast %swap3A_357 : vector<16xi32> to vector<16xi32>
      %swap3A_359 = vector.shape_cast %add3A_355 : vector<16xi32> to vector<16xi32>
      tpu.vector_store %arg7[%swap3A_356], %swap3A_359 {strides = array<i32>} : memref<20000xi32, #tpu.memory_space<vmem>>, vector<16xi32>,
      %multiple_of3A_360 = arith.constant 192 : i32
      %multiple_of3A_361 = tpu.assume_multiple %multiple_of3A_360, 16 : i32
      %get3A_362 = arith.index_cast %multiple_of3A_361 : i32 to index
      %get3A_363 = tpu.vector_load %arg7[%get3A_362] {strides = array<i32>} : memref<20000xi32, #tpu.memory_space<vmem>>, vector<16xi32>,
      %get3A_364 = vector.shape_cast %get3A_363 : vector<16xi32> to vector<16xi32>
      %mul3A_365 = arith.constant 2 : i32
      %mul3A_366 = vector.broadcast %mul3A_365 : i32 to vector<16xi32>
      %mul3A_367 = arith.muli %get3A_364, %mul3A_366 : vector<16xi32>
      %add3A_368 = vector.broadcast %arg0 : i32 to vector<16xi32>
      %add3A_369 = arith.addi %mul3A_367, %add3A_368 : vector<16xi32>
      %swap3A_370 = arith.index_cast %multiple_of3A_361 : i32 to index
      %swap3A_371 = tpu.vector_load %arg7[%swap3A_370] {strides = array<i32>} : memref<20000xi32, #tpu.memory_space<vmem>>, vector<16xi32>,
      %swap3A_372 = vector.shape_cast %swap3A_371 : vector<16xi32> to vector<16xi32>
      %swap3A_373 = vector.shape_cast %add3A_369 : vector<16xi32> to vector<16xi32>
      tpu.vector_store %arg7[%swap3A_370], %swap3A_373 {strides = array<i32>} : memref<20000xi32, #tpu.memory_space<vmem>>, vector<16xi32>,
      %multiple_of3A_374 = arith.constant 208 : i32
      %multiple_of3A_375 = tpu.assume_multiple %multiple_of3A_374, 16 : i32
      %get3A_376 = arith.index_cast %multiple_of3A_375 : i32 to index
      %get3A_377 = tpu.vector_load %arg7[%get3A_376] {strides = array<i32>} : memref<20000xi32, #tpu.memory_space<vmem>>, vector<16xi32>,
      %get3A_378 = vector.shape_cast %get3A_377 : vector<16xi32> to vector<16xi32>
      %mul3A_379 = arith.constant 2 : i32
      %mul3A_380 = vector.broadcast %mul3A_379 : i32 to vector<16xi32>
      %mul3A_381 = arith.muli %get3A_378, %mul3A_380 : vector<16xi32>
      %add3A_382 = vector.broadcast %arg0 : i32 to vector<16xi32>
      %add3A_383 = arith.addi %mul3A_381, %add3A_382 : vector<16xi32>
      %swap3A_384 = arith.index_cast %multiple_of3A_375 : i32 to index
      %swap3A_385 = tpu.vector_load %arg7[%swap3A_384] {strides = array<i32>} : memref<20000xi32, #tpu.memory_space<vmem>>, vector<16xi32>,
      %swap3A_386 = vector.shape_cast %swap3A_385 : vector<16xi32> to vector<16xi32>
      %swap3A_387 = vector.shape_cast %add3A_383 : vector<16xi32> to vector<16xi32>
      tpu.vector_store %arg7[%swap3A_384], %swap3A_387 {strides = array<i32>} : memref<20000xi32, #tpu.memory_space<vmem>>, vector<16xi32>,
      %multiple_of3A_388 = arith.constant 224 : i32
      %multiple_of3A_389 = tpu.assume_multiple %multiple_of3A_388, 16 : i32
      %get3A_390 = arith.index_cast %multiple_of3A_389 : i32 to index
      %get3A_391 = tpu.vector_load %arg7[%get3A_390] {strides = array<i32>} : memref<20000xi32, #tpu.memory_space<vmem>>, vector<16xi32>,
      %get3A_392 = vector.shape_cast %get3A_391 : vector<16xi32> to vector<16xi32>
      %mul3A_393 = arith.constant 2 : i32
      %mul3A_394 = vector.broadcast %mul3A_393 : i32 to vector<16xi32>
      %mul3A_395 = arith.muli %get3A_392, %mul3A_394 : vector<16xi32>
      %add3A_396 = vector.broadcast %arg0 : i32 to vector<16xi32>
      %add3A_397 = arith.addi %mul3A_395, %add3A_396 : vector<16xi32>
      %swap3A_398 = arith.index_cast %multiple_of3A_389 : i32 to index
      %swap3A_399 = tpu.vector_load %arg7[%swap3A_398] {strides = array<i32>} : memref<20000xi32, #tpu.memory_space<vmem>>, vector<16xi32>,
      %swap3A_400 = vector.shape_cast %swap3A_399 : vector<16xi32> to vector<16xi32>
      %swap3A_401 = vector.shape_cast %add3A_397 : vector<16xi32> to vector<16xi32>
      tpu.vector_store %arg7[%swap3A_398], %swap3A_401 {strides = array<i32>} : memref<20000xi32, #tpu.memory_space<vmem>>, vector<16xi32>,
      %dma_start3A_402 = arith.constant 160 : i32
      %dma_start3A_403 = tpu.memref_slice %arg7[%dma_start3A_402] : memref<20000xi32, #tpu.memory_space<vmem>> -> memref<80xi32, #tpu.memory_space<vmem>>
      %dma_start3A_404 = arith.constant 0 : i32
      %dma_start3A_405 = arith.constant 0 : i32
      %dma_start3A_406 = tpu.memref_slice %arg4[%dma_start3A_404, %dma_start3A_405] : memref<20000x64xf32, #tpu.memory_space<hbm>> -> memref<20000x64xf32, #tpu.memory_space<hbm>>
      tpu.enqueue_indirect_dma source(%dma_start3A_406 : memref<20000x64xf32, #tpu.memory_space<hbm>>) target(%arg11 : memref<80x64xf32, #tpu.memory_space<vmem>>) offsets(%dma_start3A_403 : memref<80xi32, #tpu.memory_space<vmem>>) semaphore(%arg18 : memref<!tpu.dma_semaphore, #tpu.memory_space<semaphore_mem>>)
      %multiple_of3A_407 = arith.constant 240 : i32
      %multiple_of3A_408 = tpu.assume_multiple %multiple_of3A_407, 16 : i32
      %get3A_409 = arith.index_cast %multiple_of3A_408 : i32 to index
      %get3A_410 = tpu.vector_load %arg7[%get3A_409] {strides = array<i32>} : memref<20000xi32, #tpu.memory_space<vmem>>, vector<16xi32>,
      %get3A_411 = vector.shape_cast %get3A_410 : vector<16xi32> to vector<16xi32>
      %mul3A_412 = arith.constant 2 : i32
      %mul3A_413 = vector.broadcast %mul3A_412 : i32 to vector<16xi32>
      %mul3A_414 = arith.muli %get3A_411, %mul3A_413 : vector<16xi32>
      %add3A_415 = vector.broadcast %arg0 : i32 to vector<16xi32>
      %add3A_416 = arith.addi %mul3A_414, %add3A_415 : vector<16xi32>
      %swap3A_417 = arith.index_cast %multiple_of3A_408 : i32 to index
      %swap3A_418 = tpu.vector_load %arg7[%swap3A_417] {strides = array<i32>} : memref<20000xi32, #tpu.memory_space<vmem>>, vector<16xi32>,
      %swap3A_419 = vector.shape_cast %swap3A_418 : vector<16xi32> to vector<16xi32>
      %swap3A_420 = vector.shape_cast %add3A_416 : vector<16xi32> to vector<16xi32>
      tpu.vector_store %arg7[%swap3A_417], %swap3A_420 {strides = array<i32>} : memref<20000xi32, #tpu.memory_space<vmem>>, vector<16xi32>,
      %multiple_of3A_421 = arith.constant 256 : i32
      %multiple_of3A_422 = tpu.assume_multiple %multiple_of3A_421, 16 : i32
      %get3A_423 = arith.index_cast %multiple_of3A_422 : i32 to index
      %get3A_424 = tpu.vector_load %arg7[%get3A_423] {strides = array<i32>} : memref<20000xi32, #tpu.memory_space<vmem>>, vector<16xi32>,
      %get3A_425 = vector.shape_cast %get3A_424 : vector<16xi32> to vector<16xi32>
      %mul3A_426 = arith.constant 2 : i32
      %mul3A_427 = vector.broadcast %mul3A_426 : i32 to vector<16xi32>
      %mul3A_428 = arith.muli %get3A_425, %mul3A_427 : vector<16xi32>
      %add3A_429 = vector.broadcast %arg0 : i32 to vector<16xi32>
      %add3A_430 = arith.addi %mul3A_428, %add3A_429 : vector<16xi32>
      %swap3A_431 = arith.index_cast %multiple_of3A_422 : i32 to index
      %swap3A_432 = tpu.vector_load %arg7[%swap3A_431] {strides = array<i32>} : memref<20000xi32, #tpu.memory_space<vmem>>, vector<16xi32>,
      %swap3A_433 = vector.shape_cast %swap3A_432 : vector<16xi32> to vector<16xi32>
      %swap3A_434 = vector.shape_cast %add3A_430 : vector<16xi32> to vector<16xi32>
      tpu.vector_store %arg7[%swap3A_431], %swap3A_434 {strides = array<i32>} : memref<20000xi32, #tpu.memory_space<vmem>>, vector<16xi32>,
      %multiple_of3A_435 = arith.constant 272 : i32
      %multiple_of3A_436 = tpu.assume_multiple %multiple_of3A_435, 16 : i32
      %get3A_437 = arith.index_cast %multiple_of3A_436 : i32 to index
      %get3A_438 = tpu.vector_load %arg7[%get3A_437] {strides = array<i32>} : memref<20000xi32, #tpu.memory_space<vmem>>, vector<16xi32>,
      %get3A_439 = vector.shape_cast %get3A_438 : vector<16xi32> to vector<16xi32>
      %mul3A_440 = arith.constant 2 : i32
      %mul3A_441 = vector.broadcast %mul3A_440 : i32 to vector<16xi32>
      %mul3A_442 = arith.muli %get3A_439, %mul3A_441 : vector<16xi32>
      %add3A_443 = vector.broadcast %arg0 : i32 to vector<16xi32>
      %add3A_444 = arith.addi %mul3A_442, %add3A_443 : vector<16xi32>
      %swap3A_445 = arith.index_cast %multiple_of3A_436 : i32 to index
      %swap3A_446 = tpu.vector_load %arg7[%swap3A_445] {strides = array<i32>} : memref<20000xi32, #tpu.memory_space<vmem>>, vector<16xi32>,
      %swap3A_447 = vector.shape_cast %swap3A_446 : vector<16xi32> to vector<16xi32>
      %swap3A_448 = vector.shape_cast %add3A_444 : vector<16xi32> to vector<16xi32>
      tpu.vector_store %arg7[%swap3A_445], %swap3A_448 {strides = array<i32>} : memref<20000xi32, #tpu.memory_space<vmem>>, vector<16xi32>,
      %multiple_of3A_449 = arith.constant 288 : i32
      %multiple_of3A_450 = tpu.assume_multiple %multiple_of3A_449, 16 : i32
      %get3A_451 = arith.index_cast %multiple_of3A_450 : i32 to index
      %get3A_452 = tpu.vector_load %arg7[%get3A_451] {strides = array<i32>} : memref<20000xi32, #tpu.memory_space<vmem>>, vector<16xi32>,
      %get3A_453 = vector.shape_cast %get3A_452 : vector<16xi32> to vector<16xi32>
      %mul3A_454 = arith.constant 2 : i32
      %mul3A_455 = vector.broadcast %mul3A_454 : i32 to vector<16xi32>
      %mul3A_456 = arith.muli %get3A_453, %mul3A_455 : vector<16xi32>
      %add3A_457 = vector.broadcast %arg0 : i32 to vector<16xi32>
      %add3A_458 = arith.addi %mul3A_456, %add3A_457 : vector<16xi32>
      %swap3A_459 = arith.index_cast %multiple_of3A_450 : i32 to index
      %swap3A_460 = tpu.vector_load %arg7[%swap3A_459] {strides = array<i32>} : memref<20000xi32, #tpu.memory_space<vmem>>, vector<16xi32>,
      %swap3A_461 = vector.shape_cast %swap3A_460 : vector<16xi32> to vector<16xi32>
      %swap3A_462 = vector.shape_cast %add3A_458 : vector<16xi32> to vector<16xi32>
      tpu.vector_store %arg7[%swap3A_459], %swap3A_462 {strides = array<i32>} : memref<20000xi32, #tpu.memory_space<vmem>>, vector<16xi32>,
      %multiple_of3A_463 = arith.constant 304 : i32
      %multiple_of3A_464 = tpu.assume_multiple %multiple_of3A_463, 16 : i32
      %get3A_465 = arith.index_cast %multiple_of3A_464 : i32 to index
      %get3A_466 = tpu.vector_load %arg7[%get3A_465] {strides = array<i32>} : memref<20000xi32, #tpu.memory_space<vmem>>, vector<16xi32>,
      %get3A_467 = vector.shape_cast %get3A_466 : vector<16xi32> to vector<16xi32>
      %mul3A_468 = arith.constant 2 : i32
      %mul3A_469 = vector.broadcast %mul3A_468 : i32 to vector<16xi32>
      %mul3A_470 = arith.muli %get3A_467, %mul3A_469 : vector<16xi32>
      %add3A_471 = vector.broadcast %arg0 : i32 to vector<16xi32>
      %add3A_472 = arith.addi %mul3A_470, %add3A_471 : vector<16xi32>
      %swap3A_473 = arith.index_cast %multiple_of3A_464 : i32 to index
      %swap3A_474 = tpu.vector_load %arg7[%swap3A_473] {strides = array<i32>} : memref<20000xi32, #tpu.memory_space<vmem>>, vector<16xi32>,
      %swap3A_475 = vector.shape_cast %swap3A_474 : vector<16xi32> to vector<16xi32>
      %swap3A_476 = vector.shape_cast %add3A_472 : vector<16xi32> to vector<16xi32>
      tpu.vector_store %arg7[%swap3A_473], %swap3A_476 {strides = array<i32>} : memref<20000xi32, #tpu.memory_space<vmem>>, vector<16xi32>,
      %dma_start3A_477 = arith.constant 240 : i32
      %dma_start3A_478 = tpu.memref_slice %arg7[%dma_start3A_477] : memref<20000xi32, #tpu.memory_space<vmem>> -> memref<80xi32, #tpu.memory_space<vmem>>
      %dma_start3A_479 = arith.constant 0 : i32
      %dma_start3A_480 = arith.constant 0 : i32
      %dma_start3A_481 = tpu.memref_slice %arg4[%dma_start3A_479, %dma_start3A_480] : memref<20000x64xf32, #tpu.memory_space<hbm>> -> memref<20000x64xf32, #tpu.memory_space<hbm>>
      tpu.enqueue_indirect_dma source(%dma_start3A_481 : memref<20000x64xf32, #tpu.memory_space<hbm>>) target(%arg12 : memref<80x64xf32, #tpu.memory_space<vmem>>) offsets(%dma_start3A_478 : memref<80xi32, #tpu.memory_space<vmem>>) semaphore(%arg19 : memref<!tpu.dma_semaphore, #tpu.memory_space<semaphore_mem>>)
      %scan3A_482 = arith.constant 0 : i32
      %scan3A_483 = arith.constant 0 : i32
      %scan3A_484 = arith.constant 50 : i32
      %scan3A_485 = arith.addi %scan3A_483, %scan3A_484 : i32
      %scan3A_486 = arith.constant 1 : i32
      scf.for %scan3A_488 = %scan3A_483 to %scan3A_485 step %scan3A_486  : i32 {
        %mul3A_489 = arith.constant 5 : i32
        %mul3A_490 = arith.muli %mul3A_489, %scan3A_488 : i32
        %add3A_491 = arith.constant 0 : i32
        %add3A_492 = arith.addi %mul3A_490, %add3A_491 : i32
        %mul3A_493 = arith.constant 80 : i32
        %mul3A_494 = arith.muli %add3A_492, %mul3A_493 : i32
        %dma_wait3A_495 = tpu.memref_slice %arg7[%mul3A_494] : memref<20000xi32, #tpu.memory_space<vmem>> -> memref<80xi32, #tpu.memory_space<vmem>>
        %dma_wait3A_496 = arith.constant 0 : i32
        %dma_wait3A_497 = arith.constant 0 : i32
        %dma_wait3A_498 = tpu.memref_slice %arg4[%dma_wait3A_496, %dma_wait3A_497] : memref<20000x64xf32, #tpu.memory_space<hbm>> -> memref<20000x64xf32, #tpu.memory_space<hbm>>
        tpu.wait_indirect_dma semaphore(%arg16 : memref<!tpu.dma_semaphore, #tpu.memory_space<semaphore_mem>>) src(%dma_wait3A_498 : memref<20000x64xf32, #tpu.memory_space<hbm>>) dst(%arg9 : memref<80x64xf32, #tpu.memory_space<vmem>>)
        %mul3A_499 = arith.constant 80 : i32
        %mul3A_500 = arith.muli %add3A_492, %mul3A_499 : i32
        %dma_start3A_501 = tpu.memref_slice %arg8[%mul3A_500] : memref<20000xi32, #tpu.memory_space<vmem>> -> memref<80xi32, #tpu.memory_space<vmem>>
        %dma_start3A_502 = arith.constant 0 : i32
        %dma_start3A_503 = arith.constant 0 : i32
        %dma_start3A_504 = tpu.memref_slice %arg27[%dma_start3A_502, %dma_start3A_503] : memref<10240x64xf32, #tpu.memory_space<vmem_shared>> -> memref<10240x64xf32, #tpu.memory_space<vmem_shared>>
        tpu.enqueue_indirect_dma source(%arg9 : memref<80x64xf32, #tpu.memory_space<vmem>>) target(%dma_start3A_504 : memref<10240x64xf32, #tpu.memory_space<vmem_shared>>) offsets(%dma_start3A_501 : memref<80xi32, #tpu.memory_space<vmem>>) semaphore(%arg21 : memref<!tpu.dma_semaphore, #tpu.memory_space<semaphore_mem>>) {add = true}
        %ge3A = arith.constant 0 : i32
        %ge3A_505 = arith.cmpi sge, %add3A_492, %ge3A : i32
        %lt3A = arith.constant 125 : i32
        %lt3A_506 = arith.cmpi slt, %add3A_492, %lt3A : i32
        %and3A = arith.andi %ge3A_505, %lt3A_506 : i1
        %convert_element_type3A_507 = arith.extui %and3A : i1 to i32
        %cond3A_508 = arith.constant 0 : i32
        %cond3A_509 = arith.cmpi ne, %convert_element_type3A_507, %cond3A_508 : i32
        scf.if %cond3A_509 {
          %mul3A_666 = arith.constant 80 : i32
          %mul3A_667 = arith.muli %add3A_492, %mul3A_666 : i32
          %dma_start3A_668 = tpu.memref_slice %arg8[%mul3A_667] : memref<20000xi32, #tpu.memory_space<vmem>> -> memref<80xi32, #tpu.memory_space<vmem>>
          %dma_start3A_669 = arith.constant 0 : i32
          %dma_start3A_670 = arith.constant 0 : i32
          %dma_start3A_671 = tpu.memref_slice %arg28[%dma_start3A_669, %dma_start3A_670] : memref<10240x16xf32, #tpu.memory_space<vmem_shared>> -> memref<10240x16xf32, #tpu.memory_space<vmem_shared>>
          tpu.enqueue_indirect_dma source(%arg14 : memref<80x16xf32, #tpu.memory_space<vmem>>) target(%dma_start3A_671 : memref<10240x16xf32, #tpu.memory_space<vmem_shared>>) offsets(%dma_start3A_668 : memref<80xi32, #tpu.memory_space<vmem>>) semaphore(%arg26 : memref<!tpu.dma_semaphore, #tpu.memory_space<semaphore_mem>>) {add = true}
        } else {
        }
        %ge3A_510 = arith.constant 1 : i32
        %ge3A_511 = arith.cmpi sge, %add3A_492, %ge3A_510 : i32
        %convert_element_type3A_512 = arith.extui %ge3A_511 : i1 to i32
        %cond3A_513 = arith.constant 0 : i32
        %cond3A_514 = arith.cmpi ne, %convert_element_type3A_512, %cond3A_513 : i32
        scf.if %cond3A_514 {
          %dma_wait3A_666 = arith.constant 0 : i32
          %dma_wait3A_667 = tpu.memref_slice %arg8[%dma_wait3A_666] : memref<20000xi32, #tpu.memory_space<vmem>> -> memref<80xi32, #tpu.memory_space<vmem>>
          %dma_wait3A_668 = arith.constant 0 : i32
          %dma_wait3A_669 = arith.constant 0 : i32
          %dma_wait3A_670 = tpu.memref_slice %arg27[%dma_wait3A_668, %dma_wait3A_669] : memref<10240x64xf32, #tpu.memory_space<vmem_shared>> -> memref<10240x64xf32, #tpu.memory_space<vmem_shared>>
          tpu.wait_indirect_dma semaphore(%arg25 : memref<!tpu.dma_semaphore, #tpu.memory_space<semaphore_mem>>) src(%arg13 : memref<80x64xf32, #tpu.memory_space<vmem>>) dst(%dma_wait3A_670 : memref<10240x64xf32, #tpu.memory_space<vmem_shared>>)
        } else {
        }
        %add3A_515 = arith.constant 4 : i32
        %add3A_516 = arith.addi %add3A_492, %add3A_515 : i32
        %lt3A_517 = arith.constant 250 : i32
        %lt3A_518 = arith.cmpi slt, %add3A_516, %lt3A_517 : i32
        %convert_element_type3A_519 = arith.extui %lt3A_518 : i1 to i32
        %cond3A_520 = arith.constant 0 : i32
        %cond3A_521 = arith.cmpi ne, %convert_element_type3A_519, %cond3A_520 : i32
        scf.if %cond3A_521 {
          %add3A_666 = arith.constant 4 : i32
          %add3A_667 = arith.addi %add3A_492, %add3A_666 : i32
          %mul3A_668 = arith.constant 80 : i32
          %mul3A_669 = arith.muli %add3A_667, %mul3A_668 : i32
          %add3A_670 = arith.constant 0 : i32
          %add3A_671 = arith.addi %mul3A_669, %add3A_670 : i32
          %multiple_of3A_672 = tpu.assume_multiple %add3A_671, 16 : i32
          %get3A_673 = arith.index_cast %multiple_of3A_672 : i32 to index
          %get3A_674 = tpu.vector_load %arg7[%get3A_673] {strides = array<i32>} : memref<20000xi32, #tpu.memory_space<vmem>>, vector<16xi32>,
          %get3A_675 = vector.shape_cast %get3A_674 : vector<16xi32> to vector<16xi32>
          %mul3A_676 = arith.constant 2 : i32
          %mul3A_677 = vector.broadcast %mul3A_676 : i32 to vector<16xi32>
          %mul3A_678 = arith.muli %get3A_675, %mul3A_677 : vector<16xi32>
          %add3A_679 = vector.broadcast %arg0 : i32 to vector<16xi32>
          %add3A_680 = arith.addi %mul3A_678, %add3A_679 : vector<16xi32>
          %swap3A_681 = arith.index_cast %multiple_of3A_672 : i32 to index
          %swap3A_682 = tpu.vector_load %arg7[%swap3A_681] {strides = array<i32>} : memref<20000xi32, #tpu.memory_space<vmem>>, vector<16xi32>,
          %swap3A_683 = vector.shape_cast %swap3A_682 : vector<16xi32> to vector<16xi32>
          %swap3A_684 = vector.shape_cast %add3A_680 : vector<16xi32> to vector<16xi32>
          tpu.vector_store %arg7[%swap3A_681], %swap3A_684 {strides = array<i32>} : memref<20000xi32, #tpu.memory_space<vmem>>, vector<16xi32>,
          %mul3A_685 = arith.constant 80 : i32
          %mul3A_686 = arith.muli %add3A_667, %mul3A_685 : i32
          %add3A_687 = arith.constant 16 : i32
          %add3A_688 = arith.addi %mul3A_686, %add3A_687 : i32
          %multiple_of3A_689 = tpu.assume_multiple %add3A_688, 16 : i32
          %get3A_690 = arith.index_cast %multiple_of3A_689 : i32 to index
          %get3A_691 = tpu.vector_load %arg7[%get3A_690] {strides = array<i32>} : memref<20000xi32, #tpu.memory_space<vmem>>, vector<16xi32>,
          %get3A_692 = vector.shape_cast %get3A_691 : vector<16xi32> to vector<16xi32>
          %mul3A_693 = arith.constant 2 : i32
          %mul3A_694 = vector.broadcast %mul3A_693 : i32 to vector<16xi32>
          %mul3A_695 = arith.muli %get3A_692, %mul3A_694 : vector<16xi32>
          %add3A_696 = vector.broadcast %arg0 : i32 to vector<16xi32>
          %add3A_697 = arith.addi %mul3A_695, %add3A_696 : vector<16xi32>
          %swap3A_698 = arith.index_cast %multiple_of3A_689 : i32 to index
          %swap3A_699 = tpu.vector_load %arg7[%swap3A_698] {strides = array<i32>} : memref<20000xi32, #tpu.memory_space<vmem>>, vector<16xi32>,
          %swap3A_700 = vector.shape_cast %swap3A_699 : vector<16xi32> to vector<16xi32>
          %swap3A_701 = vector.shape_cast %add3A_697 : vector<16xi32> to vector<16xi32>
          tpu.vector_store %arg7[%swap3A_698], %swap3A_701 {strides = array<i32>} : memref<20000xi32, #tpu.memory_space<vmem>>, vector<16xi32>,
          %mul3A_702 = arith.constant 80 : i32
          %mul3A_703 = arith.muli %add3A_667, %mul3A_702 : i32
          %add3A_704 = arith.constant 32 : i32
          %add3A_705 = arith.addi %mul3A_703, %add3A_704 : i32
          %multiple_of3A_706 = tpu.assume_multiple %add3A_705, 16 : i32
          %get3A_707 = arith.index_cast %multiple_of3A_706 : i32 to index
          %get3A_708 = tpu.vector_load %arg7[%get3A_707] {strides = array<i32>} : memref<20000xi32, #tpu.memory_space<vmem>>, vector<16xi32>,
          %get3A_709 = vector.shape_cast %get3A_708 : vector<16xi32> to vector<16xi32>
          %mul3A_710 = arith.constant 2 : i32
          %mul3A_711 = vector.broadcast %mul3A_710 : i32 to vector<16xi32>
          %mul3A_712 = arith.muli %get3A_709, %mul3A_711 : vector<16xi32>
          %add3A_713 = vector.broadcast %arg0 : i32 to vector<16xi32>
          %add3A_714 = arith.addi %mul3A_712, %add3A_713 : vector<16xi32>
          %swap3A_715 = arith.index_cast %multiple_of3A_706 : i32 to index
          %swap3A_716 = tpu.vector_load %arg7[%swap3A_715] {strides = array<i32>} : memref<20000xi32, #tpu.memory_space<vmem>>, vector<16xi32>,
          %swap3A_717 = vector.shape_cast %swap3A_716 : vector<16xi32> to vector<16xi32>
          %swap3A_718 = vector.shape_cast %add3A_714 : vector<16xi32> to vector<16xi32>
          tpu.vector_store %arg7[%swap3A_715], %swap3A_718 {strides = array<i32>} : memref<20000xi32, #tpu.memory_space<vmem>>, vector<16xi32>,
          %mul3A_719 = arith.constant 80 : i32
          %mul3A_720 = arith.muli %add3A_667, %mul3A_719 : i32
          %add3A_721 = arith.constant 48 : i32
          %add3A_722 = arith.addi %mul3A_720, %add3A_721 : i32
          %multiple_of3A_723 = tpu.assume_multiple %add3A_722, 16 : i32
          %get3A_724 = arith.index_cast %multiple_of3A_723 : i32 to index
          %get3A_725 = tpu.vector_load %arg7[%get3A_724] {strides = array<i32>} : memref<20000xi32, #tpu.memory_space<vmem>>, vector<16xi32>,
          %get3A_726 = vector.shape_cast %get3A_725 : vector<16xi32> to vector<16xi32>
          %mul3A_727 = arith.constant 2 : i32
          %mul3A_728 = vector.broadcast %mul3A_727 : i32 to vector<16xi32>
          %mul3A_729 = arith.muli %get3A_726, %mul3A_728 : vector<16xi32>
          %add3A_730 = vector.broadcast %arg0 : i32 to vector<16xi32>
          %add3A_731 = arith.addi %mul3A_729, %add3A_730 : vector<16xi32>
          %swap3A_732 = arith.index_cast %multiple_of3A_723 : i32 to index
          %swap3A_733 = tpu.vector_load %arg7[%swap3A_732] {strides = array<i32>} : memref<20000xi32, #tpu.memory_space<vmem>>, vector<16xi32>,
          %swap3A_734 = vector.shape_cast %swap3A_733 : vector<16xi32> to vector<16xi32>
          %swap3A_735 = vector.shape_cast %add3A_731 : vector<16xi32> to vector<16xi32>
          tpu.vector_store %arg7[%swap3A_732], %swap3A_735 {strides = array<i32>} : memref<20000xi32, #tpu.memory_space<vmem>>, vector<16xi32>,
          %mul3A_736 = arith.constant 80 : i32
          %mul3A_737 = arith.muli %add3A_667, %mul3A_736 : i32
          %add3A_738 = arith.constant 64 : i32
          %add3A_739 = arith.addi %mul3A_737, %add3A_738 : i32
          %multiple_of3A_740 = tpu.assume_multiple %add3A_739, 16 : i32
          %get3A_741 = arith.index_cast %multiple_of3A_740 : i32 to index
          %get3A_742 = tpu.vector_load %arg7[%get3A_741] {strides = array<i32>} : memref<20000xi32, #tpu.memory_space<vmem>>, vector<16xi32>,
          %get3A_743 = vector.shape_cast %get3A_742 : vector<16xi32> to vector<16xi32>
          %mul3A_744 = arith.constant 2 : i32
          %mul3A_745 = vector.broadcast %mul3A_744 : i32 to vector<16xi32>
          %mul3A_746 = arith.muli %get3A_743, %mul3A_745 : vector<16xi32>
          %add3A_747 = vector.broadcast %arg0 : i32 to vector<16xi32>
          %add3A_748 = arith.addi %mul3A_746, %add3A_747 : vector<16xi32>
          %swap3A_749 = arith.index_cast %multiple_of3A_740 : i32 to index
          %swap3A_750 = tpu.vector_load %arg7[%swap3A_749] {strides = array<i32>} : memref<20000xi32, #tpu.memory_space<vmem>>, vector<16xi32>,
          %swap3A_751 = vector.shape_cast %swap3A_750 : vector<16xi32> to vector<16xi32>
          %swap3A_752 = vector.shape_cast %add3A_748 : vector<16xi32> to vector<16xi32>
          tpu.vector_store %arg7[%swap3A_749], %swap3A_752 {strides = array<i32>} : memref<20000xi32, #tpu.memory_space<vmem>>, vector<16xi32>,
          %add3A_753 = arith.constant 4 : i32
          %add3A_754 = arith.addi %add3A_492, %add3A_753 : i32
          %mul3A_755 = arith.constant 80 : i32
          %mul3A_756 = arith.muli %add3A_754, %mul3A_755 : i32
          %dma_start3A_757 = tpu.memref_slice %arg7[%mul3A_756] : memref<20000xi32, #tpu.memory_space<vmem>> -> memref<80xi32, #tpu.memory_space<vmem>>
          %dma_start3A_758 = arith.constant 0 : i32
          %dma_start3A_759 = arith.constant 0 : i32
          %dma_start3A_760 = tpu.memref_slice %arg4[%dma_start3A_758, %dma_start3A_759] : memref<20000x64xf32, #tpu.memory_space<hbm>> -> memref<20000x64xf32, #tpu.memory_space<hbm>>
          tpu.enqueue_indirect_dma source(%dma_start3A_760 : memref<20000x64xf32, #tpu.memory_space<hbm>>) target(%arg13 : memref<80x64xf32, #tpu.memory_space<vmem>>) offsets(%dma_start3A_757 : memref<80xi32, #tpu.memory_space<vmem>>) semaphore(%arg20 : memref<!tpu.dma_semaphore, #tpu.memory_space<semaphore_mem>>)
        } else {
        }
        %mul3A_522 = arith.constant 5 : i32
        %mul3A_523 = arith.muli %mul3A_522, %scan3A_488 : i32
        %add3A_524 = arith.constant 1 : i32
        %add3A_525 = arith.addi %mul3A_523, %add3A_524 : i32
        %mul3A_526 = arith.constant 80 : i32
        %mul3A_527 = arith.muli %add3A_525, %mul3A_526 : i32
        %dma_wait3A_528 = tpu.memref_slice %arg7[%mul3A_527] : memref<20000xi32, #tpu.memory_space<vmem>> -> memref<80xi32, #tpu.memory_space<vmem>>
        %dma_wait3A_529 = arith.constant 0 : i32
        %dma_wait3A_530 = arith.constant 0 : i32
        %dma_wait3A_531 = tpu.memref_slice %arg4[%dma_wait3A_529, %dma_wait3A_530] : memref<20000x64xf32, #tpu.memory_space<hbm>> -> memref<20000x64xf32, #tpu.memory_space<hbm>>
        tpu.wait_indirect_dma semaphore(%arg17 : memref<!tpu.dma_semaphore, #tpu.memory_space<semaphore_mem>>) src(%dma_wait3A_531 : memref<20000x64xf32, #tpu.memory_space<hbm>>) dst(%arg10 : memref<80x64xf32, #tpu.memory_space<vmem>>)
        %mul3A_532 = arith.constant 80 : i32
        %mul3A_533 = arith.muli %add3A_525, %mul3A_532 : i32
        %dma_start3A_534 = tpu.memref_slice %arg8[%mul3A_533] : memref<20000xi32, #tpu.memory_space<vmem>> -> memref<80xi32, #tpu.memory_space<vmem>>
        %dma_start3A_535 = arith.constant 0 : i32
        %dma_start3A_536 = arith.constant 0 : i32
        %dma_start3A_537 = tpu.memref_slice %arg27[%dma_start3A_535, %dma_start3A_536] : memref<10240x64xf32, #tpu.memory_space<vmem_shared>> -> memref<10240x64xf32, #tpu.memory_space<vmem_shared>>
        tpu.enqueue_indirect_dma source(%arg10 : memref<80x64xf32, #tpu.memory_space<vmem>>) target(%dma_start3A_537 : memref<10240x64xf32, #tpu.memory_space<vmem_shared>>) offsets(%dma_start3A_534 : memref<80xi32, #tpu.memory_space<vmem>>) semaphore(%arg22 : memref<!tpu.dma_semaphore, #tpu.memory_space<semaphore_mem>>) {add = true}
        %ge3A_538 = arith.constant 0 : i32
        %ge3A_539 = arith.cmpi sge, %add3A_525, %ge3A_538 : i32
        %lt3A_540 = arith.constant 125 : i32
        %lt3A_541 = arith.cmpi slt, %add3A_525, %lt3A_540 : i32
        %and3A_542 = arith.andi %ge3A_539, %lt3A_541 : i1
        %convert_element_type3A_543 = arith.extui %and3A_542 : i1 to i32
        %cond3A_544 = arith.constant 0 : i32
        %cond3A_545 = arith.cmpi ne, %convert_element_type3A_543, %cond3A_544 : i32
        scf.if %cond3A_545 {
          %mul3A_666 = arith.constant 80 : i32
          %mul3A_667 = arith.muli %add3A_525, %mul3A_666 : i32
          %dma_start3A_668 = tpu.memref_slice %arg8[%mul3A_667] : memref<20000xi32, #tpu.memory_space<vmem>> -> memref<80xi32, #tpu.memory_space<vmem>>
          %dma_start3A_669 = arith.constant 0 : i32
          %dma_start3A_670 = arith.constant 0 : i32
          %dma_start3A_671 = tpu.memref_slice %arg28[%dma_start3A_669, %dma_start3A_670] : memref<10240x16xf32, #tpu.memory_space<vmem_shared>> -> memref<10240x16xf32, #tpu.memory_space<vmem_shared>>
          tpu.enqueue_indirect_dma source(%arg14 : memref<80x16xf32, #tpu.memory_space<vmem>>) target(%dma_start3A_671 : memref<10240x16xf32, #tpu.memory_space<vmem_shared>>) offsets(%dma_start3A_668 : memref<80xi32, #tpu.memory_space<vmem>>) semaphore(%arg26 : memref<!tpu.dma_semaphore, #tpu.memory_space<semaphore_mem>>) {add = true}
        } else {
        }
        %ge3A_546 = arith.constant 1 : i32
        %ge3A_547 = arith.cmpi sge, %add3A_525, %ge3A_546 : i32
        %convert_element_type3A_548 = arith.extui %ge3A_547 : i1 to i32
        %cond3A_549 = arith.constant 0 : i32
        %cond3A_550 = arith.cmpi ne, %convert_element_type3A_548, %cond3A_549 : i32
        scf.if %cond3A_550 {
          %dma_wait3A_666 = arith.constant 0 : i32
          %dma_wait3A_667 = tpu.memref_slice %arg8[%dma_wait3A_666] : memref<20000xi32, #tpu.memory_space<vmem>> -> memref<80xi32, #tpu.memory_space<vmem>>
          %dma_wait3A_668 = arith.constant 0 : i32
          %dma_wait3A_669 = arith.constant 0 : i32
          %dma_wait3A_670 = tpu.memref_slice %arg27[%dma_wait3A_668, %dma_wait3A_669] : memref<10240x64xf32, #tpu.memory_space<vmem_shared>> -> memref<10240x64xf32, #tpu.memory_space<vmem_shared>>
          tpu.wait_indirect_dma semaphore(%arg21 : memref<!tpu.dma_semaphore, #tpu.memory_space<semaphore_mem>>) src(%arg9 : memref<80x64xf32, #tpu.memory_space<vmem>>) dst(%dma_wait3A_670 : memref<10240x64xf32, #tpu.memory_space<vmem_shared>>)
        } else {
        }
        %add3A_551 = arith.constant 4 : i32
        %add3A_552 = arith.addi %add3A_525, %add3A_551 : i32
        %lt3A_553 = arith.constant 250 : i32
        %lt3A_554 = arith.cmpi slt, %add3A_552, %lt3A_553 : i32
        %convert_element_type3A_555 = arith.extui %lt3A_554 : i1 to i32
        %cond3A_556 = arith.constant 0 : i32
        %cond3A_557 = arith.cmpi ne, %convert_element_type3A_555, %cond3A_556 : i32
        scf.if %cond3A_557 {
          %add3A_666 = arith.constant 4 : i32
          %add3A_667 = arith.addi %add3A_525, %add3A_666 : i32
          %mul3A_668 = arith.constant 80 : i32
          %mul3A_669 = arith.muli %add3A_667, %mul3A_668 : i32
          %add3A_670 = arith.constant 0 : i32
          %add3A_671 = arith.addi %mul3A_669, %add3A_670 : i32
          %multiple_of3A_672 = tpu.assume_multiple %add3A_671, 16 : i32
          %get3A_673 = arith.index_cast %multiple_of3A_672 : i32 to index
          %get3A_674 = tpu.vector_load %arg7[%get3A_673] {strides = array<i32>} : memref<20000xi32, #tpu.memory_space<vmem>>, vector<16xi32>,
          %get3A_675 = vector.shape_cast %get3A_674 : vector<16xi32> to vector<16xi32>
          %mul3A_676 = arith.constant 2 : i32
          %mul3A_677 = vector.broadcast %mul3A_676 : i32 to vector<16xi32>
          %mul3A_678 = arith.muli %get3A_675, %mul3A_677 : vector<16xi32>
          %add3A_679 = vector.broadcast %arg0 : i32 to vector<16xi32>
          %add3A_680 = arith.addi %mul3A_678, %add3A_679 : vector<16xi32>
          %swap3A_681 = arith.index_cast %multiple_of3A_672 : i32 to index
          %swap3A_682 = tpu.vector_load %arg7[%swap3A_681] {strides = array<i32>} : memref<20000xi32, #tpu.memory_space<vmem>>, vector<16xi32>,
          %swap3A_683 = vector.shape_cast %swap3A_682 : vector<16xi32> to vector<16xi32>
          %swap3A_684 = vector.shape_cast %add3A_680 : vector<16xi32> to vector<16xi32>
          tpu.vector_store %arg7[%swap3A_681], %swap3A_684 {strides = array<i32>} : memref<20000xi32, #tpu.memory_space<vmem>>, vector<16xi32>,
          %mul3A_685 = arith.constant 80 : i32
          %mul3A_686 = arith.muli %add3A_667, %mul3A_685 : i32
          %add3A_687 = arith.constant 16 : i32
          %add3A_688 = arith.addi %mul3A_686, %add3A_687 : i32
          %multiple_of3A_689 = tpu.assume_multiple %add3A_688, 16 : i32
          %get3A_690 = arith.index_cast %multiple_of3A_689 : i32 to index
          %get3A_691 = tpu.vector_load %arg7[%get3A_690] {strides = array<i32>} : memref<20000xi32, #tpu.memory_space<vmem>>, vector<16xi32>,
          %get3A_692 = vector.shape_cast %get3A_691 : vector<16xi32> to vector<16xi32>
          %mul3A_693 = arith.constant 2 : i32
          %mul3A_694 = vector.broadcast %mul3A_693 : i32 to vector<16xi32>
          %mul3A_695 = arith.muli %get3A_692, %mul3A_694 : vector<16xi32>
          %add3A_696 = vector.broadcast %arg0 : i32 to vector<16xi32>
          %add3A_697 = arith.addi %mul3A_695, %add3A_696 : vector<16xi32>
          %swap3A_698 = arith.index_cast %multiple_of3A_689 : i32 to index
          %swap3A_699 = tpu.vector_load %arg7[%swap3A_698] {strides = array<i32>} : memref<20000xi32, #tpu.memory_space<vmem>>, vector<16xi32>,
          %swap3A_700 = vector.shape_cast %swap3A_699 : vector<16xi32> to vector<16xi32>
          %swap3A_701 = vector.shape_cast %add3A_697 : vector<16xi32> to vector<16xi32>
          tpu.vector_store %arg7[%swap3A_698], %swap3A_701 {strides = array<i32>} : memref<20000xi32, #tpu.memory_space<vmem>>, vector<16xi32>,
          %mul3A_702 = arith.constant 80 : i32
          %mul3A_703 = arith.muli %add3A_667, %mul3A_702 : i32
          %add3A_704 = arith.constant 32 : i32
          %add3A_705 = arith.addi %mul3A_703, %add3A_704 : i32
          %multiple_of3A_706 = tpu.assume_multiple %add3A_705, 16 : i32
          %get3A_707 = arith.index_cast %multiple_of3A_706 : i32 to index
          %get3A_708 = tpu.vector_load %arg7[%get3A_707] {strides = array<i32>} : memref<20000xi32, #tpu.memory_space<vmem>>, vector<16xi32>,
          %get3A_709 = vector.shape_cast %get3A_708 : vector<16xi32> to vector<16xi32>
          %mul3A_710 = arith.constant 2 : i32
          %mul3A_711 = vector.broadcast %mul3A_710 : i32 to vector<16xi32>
          %mul3A_712 = arith.muli %get3A_709, %mul3A_711 : vector<16xi32>
          %add3A_713 = vector.broadcast %arg0 : i32 to vector<16xi32>
          %add3A_714 = arith.addi %mul3A_712, %add3A_713 : vector<16xi32>
          %swap3A_715 = arith.index_cast %multiple_of3A_706 : i32 to index
          %swap3A_716 = tpu.vector_load %arg7[%swap3A_715] {strides = array<i32>} : memref<20000xi32, #tpu.memory_space<vmem>>, vector<16xi32>,
          %swap3A_717 = vector.shape_cast %swap3A_716 : vector<16xi32> to vector<16xi32>
          %swap3A_718 = vector.shape_cast %add3A_714 : vector<16xi32> to vector<16xi32>
          tpu.vector_store %arg7[%swap3A_715], %swap3A_718 {strides = array<i32>} : memref<20000xi32, #tpu.memory_space<vmem>>, vector<16xi32>,
          %mul3A_719 = arith.constant 80 : i32
          %mul3A_720 = arith.muli %add3A_667, %mul3A_719 : i32
          %add3A_721 = arith.constant 48 : i32
          %add3A_722 = arith.addi %mul3A_720, %add3A_721 : i32
          %multiple_of3A_723 = tpu.assume_multiple %add3A_722, 16 : i32
          %get3A_724 = arith.index_cast %multiple_of3A_723 : i32 to index
          %get3A_725 = tpu.vector_load %arg7[%get3A_724] {strides = array<i32>} : memref<20000xi32, #tpu.memory_space<vmem>>, vector<16xi32>,
          %get3A_726 = vector.shape_cast %get3A_725 : vector<16xi32> to vector<16xi32>
          %mul3A_727 = arith.constant 2 : i32
          %mul3A_728 = vector.broadcast %mul3A_727 : i32 to vector<16xi32>
          %mul3A_729 = arith.muli %get3A_726, %mul3A_728 : vector<16xi32>
          %add3A_730 = vector.broadcast %arg0 : i32 to vector<16xi32>
          %add3A_731 = arith.addi %mul3A_729, %add3A_730 : vector<16xi32>
          %swap3A_732 = arith.index_cast %multiple_of3A_723 : i32 to index
          %swap3A_733 = tpu.vector_load %arg7[%swap3A_732] {strides = array<i32>} : memref<20000xi32, #tpu.memory_space<vmem>>, vector<16xi32>,
          %swap3A_734 = vector.shape_cast %swap3A_733 : vector<16xi32> to vector<16xi32>
          %swap3A_735 = vector.shape_cast %add3A_731 : vector<16xi32> to vector<16xi32>
          tpu.vector_store %arg7[%swap3A_732], %swap3A_735 {strides = array<i32>} : memref<20000xi32, #tpu.memory_space<vmem>>, vector<16xi32>,
          %mul3A_736 = arith.constant 80 : i32
          %mul3A_737 = arith.muli %add3A_667, %mul3A_736 : i32
          %add3A_738 = arith.constant 64 : i32
          %add3A_739 = arith.addi %mul3A_737, %add3A_738 : i32
          %multiple_of3A_740 = tpu.assume_multiple %add3A_739, 16 : i32
          %get3A_741 = arith.index_cast %multiple_of3A_740 : i32 to index
          %get3A_742 = tpu.vector_load %arg7[%get3A_741] {strides = array<i32>} : memref<20000xi32, #tpu.memory_space<vmem>>, vector<16xi32>,
          %get3A_743 = vector.shape_cast %get3A_742 : vector<16xi32> to vector<16xi32>
          %mul3A_744 = arith.constant 2 : i32
          %mul3A_745 = vector.broadcast %mul3A_744 : i32 to vector<16xi32>
          %mul3A_746 = arith.muli %get3A_743, %mul3A_745 : vector<16xi32>
          %add3A_747 = vector.broadcast %arg0 : i32 to vector<16xi32>
          %add3A_748 = arith.addi %mul3A_746, %add3A_747 : vector<16xi32>
          %swap3A_749 = arith.index_cast %multiple_of3A_740 : i32 to index
          %swap3A_750 = tpu.vector_load %arg7[%swap3A_749] {strides = array<i32>} : memref<20000xi32, #tpu.memory_space<vmem>>, vector<16xi32>,
          %swap3A_751 = vector.shape_cast %swap3A_750 : vector<16xi32> to vector<16xi32>
          %swap3A_752 = vector.shape_cast %add3A_748 : vector<16xi32> to vector<16xi32>
          tpu.vector_store %arg7[%swap3A_749], %swap3A_752 {strides = array<i32>} : memref<20000xi32, #tpu.memory_space<vmem>>, vector<16xi32>,
          %add3A_753 = arith.constant 4 : i32
          %add3A_754 = arith.addi %add3A_525, %add3A_753 : i32
          %mul3A_755 = arith.constant 80 : i32
          %mul3A_756 = arith.muli %add3A_754, %mul3A_755 : i32
          %dma_start3A_757 = tpu.memref_slice %arg7[%mul3A_756] : memref<20000xi32, #tpu.memory_space<vmem>> -> memref<80xi32, #tpu.memory_space<vmem>>
          %dma_start3A_758 = arith.constant 0 : i32
          %dma_start3A_759 = arith.constant 0 : i32
          %dma_start3A_760 = tpu.memref_slice %arg4[%dma_start3A_758, %dma_start3A_759] : memref<20000x64xf32, #tpu.memory_space<hbm>> -> memref<20000x64xf32, #tpu.memory_space<hbm>>
          tpu.enqueue_indirect_dma source(%dma_start3A_760 : memref<20000x64xf32, #tpu.memory_space<hbm>>) target(%arg9 : memref<80x64xf32, #tpu.memory_space<vmem>>) offsets(%dma_start3A_757 : memref<80xi32, #tpu.memory_space<vmem>>) semaphore(%arg16 : memref<!tpu.dma_semaphore, #tpu.memory_space<semaphore_mem>>)
        } else {
        }
        %mul3A_558 = arith.constant 5 : i32
        %mul3A_559 = arith.muli %mul3A_558, %scan3A_488 : i32
        %add3A_560 = arith.constant 2 : i32
        %add3A_561 = arith.addi %mul3A_559, %add3A_560 : i32
        %mul3A_562 = arith.constant 80 : i32
        %mul3A_563 = arith.muli %add3A_561, %mul3A_562 : i32
        %dma_wait3A_564 = tpu.memref_slice %arg7[%mul3A_563] : memref<20000xi32, #tpu.memory_space<vmem>> -> memref<80xi32, #tpu.memory_space<vmem>>
        %dma_wait3A_565 = arith.constant 0 : i32
        %dma_wait3A_566 = arith.constant 0 : i32
        %dma_wait3A_567 = tpu.memref_slice %arg4[%dma_wait3A_565, %dma_wait3A_566] : memref<20000x64xf32, #tpu.memory_space<hbm>> -> memref<20000x64xf32, #tpu.memory_space<hbm>>
        tpu.wait_indirect_dma semaphore(%arg18 : memref<!tpu.dma_semaphore, #tpu.memory_space<semaphore_mem>>) src(%dma_wait3A_567 : memref<20000x64xf32, #tpu.memory_space<hbm>>) dst(%arg11 : memref<80x64xf32, #tpu.memory_space<vmem>>)
        %mul3A_568 = arith.constant 80 : i32
        %mul3A_569 = arith.muli %add3A_561, %mul3A_568 : i32
        %dma_start3A_570 = tpu.memref_slice %arg8[%mul3A_569] : memref<20000xi32, #tpu.memory_space<vmem>> -> memref<80xi32, #tpu.memory_space<vmem>>
        %dma_start3A_571 = arith.constant 0 : i32
        %dma_start3A_572 = arith.constant 0 : i32
        %dma_start3A_573 = tpu.memref_slice %arg27[%dma_start3A_571, %dma_start3A_572] : memref<10240x64xf32, #tpu.memory_space<vmem_shared>> -> memref<10240x64xf32, #tpu.memory_space<vmem_shared>>
        tpu.enqueue_indirect_dma source(%arg11 : memref<80x64xf32, #tpu.memory_space<vmem>>) target(%dma_start3A_573 : memref<10240x64xf32, #tpu.memory_space<vmem_shared>>) offsets(%dma_start3A_570 : memref<80xi32, #tpu.memory_space<vmem>>) semaphore(%arg23 : memref<!tpu.dma_semaphore, #tpu.memory_space<semaphore_mem>>) {add = true}
        %ge3A_574 = arith.constant 0 : i32
        %ge3A_575 = arith.cmpi sge, %add3A_561, %ge3A_574 : i32
        %lt3A_576 = arith.constant 125 : i32
        %lt3A_577 = arith.cmpi slt, %add3A_561, %lt3A_576 : i32
        %and3A_578 = arith.andi %ge3A_575, %lt3A_577 : i1
        %convert_element_type3A_579 = arith.extui %and3A_578 : i1 to i32
        %cond3A_580 = arith.constant 0 : i32
        %cond3A_581 = arith.cmpi ne, %convert_element_type3A_579, %cond3A_580 : i32
        scf.if %cond3A_581 {
          %mul3A_666 = arith.constant 80 : i32
          %mul3A_667 = arith.muli %add3A_561, %mul3A_666 : i32
          %dma_start3A_668 = tpu.memref_slice %arg8[%mul3A_667] : memref<20000xi32, #tpu.memory_space<vmem>> -> memref<80xi32, #tpu.memory_space<vmem>>
          %dma_start3A_669 = arith.constant 0 : i32
          %dma_start3A_670 = arith.constant 0 : i32
          %dma_start3A_671 = tpu.memref_slice %arg28[%dma_start3A_669, %dma_start3A_670] : memref<10240x16xf32, #tpu.memory_space<vmem_shared>> -> memref<10240x16xf32, #tpu.memory_space<vmem_shared>>
          tpu.enqueue_indirect_dma source(%arg14 : memref<80x16xf32, #tpu.memory_space<vmem>>) target(%dma_start3A_671 : memref<10240x16xf32, #tpu.memory_space<vmem_shared>>) offsets(%dma_start3A_668 : memref<80xi32, #tpu.memory_space<vmem>>) semaphore(%arg26 : memref<!tpu.dma_semaphore, #tpu.memory_space<semaphore_mem>>) {add = true}
        } else {
        }
        %ge3A_582 = arith.constant 1 : i32
        %ge3A_583 = arith.cmpi sge, %add3A_561, %ge3A_582 : i32
        %convert_element_type3A_584 = arith.extui %ge3A_583 : i1 to i32
        %cond3A_585 = arith.constant 0 : i32
        %cond3A_586 = arith.cmpi ne, %convert_element_type3A_584, %cond3A_585 : i32
        scf.if %cond3A_586 {
          %dma_wait3A_666 = arith.constant 0 : i32
          %dma_wait3A_667 = tpu.memref_slice %arg8[%dma_wait3A_666] : memref<20000xi32, #tpu.memory_space<vmem>> -> memref<80xi32, #tpu.memory_space<vmem>>
          %dma_wait3A_668 = arith.constant 0 : i32
          %dma_wait3A_669 = arith.constant 0 : i32
          %dma_wait3A_670 = tpu.memref_slice %arg27[%dma_wait3A_668, %dma_wait3A_669] : memref<10240x64xf32, #tpu.memory_space<vmem_shared>> -> memref<10240x64xf32, #tpu.memory_space<vmem_shared>>
          tpu.wait_indirect_dma semaphore(%arg22 : memref<!tpu.dma_semaphore, #tpu.memory_space<semaphore_mem>>) src(%arg10 : memref<80x64xf32, #tpu.memory_space<vmem>>) dst(%dma_wait3A_670 : memref<10240x64xf32, #tpu.memory_space<vmem_shared>>)
        } else {
        }
        %add3A_587 = arith.constant 4 : i32
        %add3A_588 = arith.addi %add3A_561, %add3A_587 : i32
        %lt3A_589 = arith.constant 250 : i32
        %lt3A_590 = arith.cmpi slt, %add3A_588, %lt3A_589 : i32
        %convert_element_type3A_591 = arith.extui %lt3A_590 : i1 to i32
        %cond3A_592 = arith.constant 0 : i32
        %cond3A_593 = arith.cmpi ne, %convert_element_type3A_591, %cond3A_592 : i32
        scf.if %cond3A_593 {
          %add3A_666 = arith.constant 4 : i32
          %add3A_667 = arith.addi %add3A_561, %add3A_666 : i32
          %mul3A_668 = arith.constant 80 : i32
          %mul3A_669 = arith.muli %add3A_667, %mul3A_668 : i32
          %add3A_670 = arith.constant 0 : i32
          %add3A_671 = arith.addi %mul3A_669, %add3A_670 : i32
          %multiple_of3A_672 = tpu.assume_multiple %add3A_671, 16 : i32
          %get3A_673 = arith.index_cast %multiple_of3A_672 : i32 to index
          %get3A_674 = tpu.vector_load %arg7[%get3A_673] {strides = array<i32>} : memref<20000xi32, #tpu.memory_space<vmem>>, vector<16xi32>,
          %get3A_675 = vector.shape_cast %get3A_674 : vector<16xi32> to vector<16xi32>
          %mul3A_676 = arith.constant 2 : i32
          %mul3A_677 = vector.broadcast %mul3A_676 : i32 to vector<16xi32>
          %mul3A_678 = arith.muli %get3A_675, %mul3A_677 : vector<16xi32>
          %add3A_679 = vector.broadcast %arg0 : i32 to vector<16xi32>
          %add3A_680 = arith.addi %mul3A_678, %add3A_679 : vector<16xi32>
          %swap3A_681 = arith.index_cast %multiple_of3A_672 : i32 to index
          %swap3A_682 = tpu.vector_load %arg7[%swap3A_681] {strides = array<i32>} : memref<20000xi32, #tpu.memory_space<vmem>>, vector<16xi32>,
          %swap3A_683 = vector.shape_cast %swap3A_682 : vector<16xi32> to vector<16xi32>
          %swap3A_684 = vector.shape_cast %add3A_680 : vector<16xi32> to vector<16xi32>
          tpu.vector_store %arg7[%swap3A_681], %swap3A_684 {strides = array<i32>} : memref<20000xi32, #tpu.memory_space<vmem>>, vector<16xi32>,
          %mul3A_685 = arith.constant 80 : i32
          %mul3A_686 = arith.muli %add3A_667, %mul3A_685 : i32
          %add3A_687 = arith.constant 16 : i32
          %add3A_688 = arith.addi %mul3A_686, %add3A_687 : i32
          %multiple_of3A_689 = tpu.assume_multiple %add3A_688, 16 : i32
          %get3A_690 = arith.index_cast %multiple_of3A_689 : i32 to index
          %get3A_691 = tpu.vector_load %arg7[%get3A_690] {strides = array<i32>} : memref<20000xi32, #tpu.memory_space<vmem>>, vector<16xi32>,
          %get3A_692 = vector.shape_cast %get3A_691 : vector<16xi32> to vector<16xi32>
          %mul3A_693 = arith.constant 2 : i32
          %mul3A_694 = vector.broadcast %mul3A_693 : i32 to vector<16xi32>
          %mul3A_695 = arith.muli %get3A_692, %mul3A_694 : vector<16xi32>
          %add3A_696 = vector.broadcast %arg0 : i32 to vector<16xi32>
          %add3A_697 = arith.addi %mul3A_695, %add3A_696 : vector<16xi32>
          %swap3A_698 = arith.index_cast %multiple_of3A_689 : i32 to index
          %swap3A_699 = tpu.vector_load %arg7[%swap3A_698] {strides = array<i32>} : memref<20000xi32, #tpu.memory_space<vmem>>, vector<16xi32>,
          %swap3A_700 = vector.shape_cast %swap3A_699 : vector<16xi32> to vector<16xi32>
          %swap3A_701 = vector.shape_cast %add3A_697 : vector<16xi32> to vector<16xi32>
          tpu.vector_store %arg7[%swap3A_698], %swap3A_701 {strides = array<i32>} : memref<20000xi32, #tpu.memory_space<vmem>>, vector<16xi32>,
          %mul3A_702 = arith.constant 80 : i32
          %mul3A_703 = arith.muli %add3A_667, %mul3A_702 : i32
          %add3A_704 = arith.constant 32 : i32
          %add3A_705 = arith.addi %mul3A_703, %add3A_704 : i32
          %multiple_of3A_706 = tpu.assume_multiple %add3A_705, 16 : i32
          %get3A_707 = arith.index_cast %multiple_of3A_706 : i32 to index
          %get3A_708 = tpu.vector_load %arg7[%get3A_707] {strides = array<i32>} : memref<20000xi32, #tpu.memory_space<vmem>>, vector<16xi32>,
          %get3A_709 = vector.shape_cast %get3A_708 : vector<16xi32> to vector<16xi32>
          %mul3A_710 = arith.constant 2 : i32
          %mul3A_711 = vector.broadcast %mul3A_710 : i32 to vector<16xi32>
          %mul3A_712 = arith.muli %get3A_709, %mul3A_711 : vector<16xi32>
          %add3A_713 = vector.broadcast %arg0 : i32 to vector<16xi32>
          %add3A_714 = arith.addi %mul3A_712, %add3A_713 : vector<16xi32>
          %swap3A_715 = arith.index_cast %multiple_of3A_706 : i32 to index
          %swap3A_716 = tpu.vector_load %arg7[%swap3A_715] {strides = array<i32>} : memref<20000xi32, #tpu.memory_space<vmem>>, vector<16xi32>,
          %swap3A_717 = vector.shape_cast %swap3A_716 : vector<16xi32> to vector<16xi32>
          %swap3A_718 = vector.shape_cast %add3A_714 : vector<16xi32> to vector<16xi32>
          tpu.vector_store %arg7[%swap3A_715], %swap3A_718 {strides = array<i32>} : memref<20000xi32, #tpu.memory_space<vmem>>, vector<16xi32>,
          %mul3A_719 = arith.constant 80 : i32
          %mul3A_720 = arith.muli %add3A_667, %mul3A_719 : i32
          %add3A_721 = arith.constant 48 : i32
          %add3A_722 = arith.addi %mul3A_720, %add3A_721 : i32
          %multiple_of3A_723 = tpu.assume_multiple %add3A_722, 16 : i32
          %get3A_724 = arith.index_cast %multiple_of3A_723 : i32 to index
          %get3A_725 = tpu.vector_load %arg7[%get3A_724] {strides = array<i32>} : memref<20000xi32, #tpu.memory_space<vmem>>, vector<16xi32>,
          %get3A_726 = vector.shape_cast %get3A_725 : vector<16xi32> to vector<16xi32>
          %mul3A_727 = arith.constant 2 : i32
          %mul3A_728 = vector.broadcast %mul3A_727 : i32 to vector<16xi32>
          %mul3A_729 = arith.muli %get3A_726, %mul3A_728 : vector<16xi32>
          %add3A_730 = vector.broadcast %arg0 : i32 to vector<16xi32>
          %add3A_731 = arith.addi %mul3A_729, %add3A_730 : vector<16xi32>
          %swap3A_732 = arith.index_cast %multiple_of3A_723 : i32 to index
          %swap3A_733 = tpu.vector_load %arg7[%swap3A_732] {strides = array<i32>} : memref<20000xi32, #tpu.memory_space<vmem>>, vector<16xi32>,
          %swap3A_734 = vector.shape_cast %swap3A_733 : vector<16xi32> to vector<16xi32>
          %swap3A_735 = vector.shape_cast %add3A_731 : vector<16xi32> to vector<16xi32>
          tpu.vector_store %arg7[%swap3A_732], %swap3A_735 {strides = array<i32>} : memref<20000xi32, #tpu.memory_space<vmem>>, vector<16xi32>,
          %mul3A_736 = arith.constant 80 : i32
          %mul3A_737 = arith.muli %add3A_667, %mul3A_736 : i32
          %add3A_738 = arith.constant 64 : i32
          %add3A_739 = arith.addi %mul3A_737, %add3A_738 : i32
          %multiple_of3A_740 = tpu.assume_multiple %add3A_739, 16 : i32
          %get3A_741 = arith.index_cast %multiple_of3A_740 : i32 to index
          %get3A_742 = tpu.vector_load %arg7[%get3A_741] {strides = array<i32>} : memref<20000xi32, #tpu.memory_space<vmem>>, vector<16xi32>,
          %get3A_743 = vector.shape_cast %get3A_742 : vector<16xi32> to vector<16xi32>
          %mul3A_744 = arith.constant 2 : i32
          %mul3A_745 = vector.broadcast %mul3A_744 : i32 to vector<16xi32>
          %mul3A_746 = arith.muli %get3A_743, %mul3A_745 : vector<16xi32>
          %add3A_747 = vector.broadcast %arg0 : i32 to vector<16xi32>
          %add3A_748 = arith.addi %mul3A_746, %add3A_747 : vector<16xi32>
          %swap3A_749 = arith.index_cast %multiple_of3A_740 : i32 to index
          %swap3A_750 = tpu.vector_load %arg7[%swap3A_749] {strides = array<i32>} : memref<20000xi32, #tpu.memory_space<vmem>>, vector<16xi32>,
          %swap3A_751 = vector.shape_cast %swap3A_750 : vector<16xi32> to vector<16xi32>
          %swap3A_752 = vector.shape_cast %add3A_748 : vector<16xi32> to vector<16xi32>
          tpu.vector_store %arg7[%swap3A_749], %swap3A_752 {strides = array<i32>} : memref<20000xi32, #tpu.memory_space<vmem>>, vector<16xi32>,
          %add3A_753 = arith.constant 4 : i32
          %add3A_754 = arith.addi %add3A_561, %add3A_753 : i32
          %mul3A_755 = arith.constant 80 : i32
          %mul3A_756 = arith.muli %add3A_754, %mul3A_755 : i32
          %dma_start3A_757 = tpu.memref_slice %arg7[%mul3A_756] : memref<20000xi32, #tpu.memory_space<vmem>> -> memref<80xi32, #tpu.memory_space<vmem>>
          %dma_start3A_758 = arith.constant 0 : i32
          %dma_start3A_759 = arith.constant 0 : i32
          %dma_start3A_760 = tpu.memref_slice %arg4[%dma_start3A_758, %dma_start3A_759] : memref<20000x64xf32, #tpu.memory_space<hbm>> -> memref<20000x64xf32, #tpu.memory_space<hbm>>
          tpu.enqueue_indirect_dma source(%dma_start3A_760 : memref<20000x64xf32, #tpu.memory_space<hbm>>) target(%arg10 : memref<80x64xf32, #tpu.memory_space<vmem>>) offsets(%dma_start3A_757 : memref<80xi32, #tpu.memory_space<vmem>>) semaphore(%arg17 : memref<!tpu.dma_semaphore, #tpu.memory_space<semaphore_mem>>)
        } else {
        }
        %mul3A_594 = arith.constant 5 : i32
        %mul3A_595 = arith.muli %mul3A_594, %scan3A_488 : i32
        %add3A_596 = arith.constant 3 : i32
        %add3A_597 = arith.addi %mul3A_595, %add3A_596 : i32
        %mul3A_598 = arith.constant 80 : i32
        %mul3A_599 = arith.muli %add3A_597, %mul3A_598 : i32
        %dma_wait3A_600 = tpu.memref_slice %arg7[%mul3A_599] : memref<20000xi32, #tpu.memory_space<vmem>> -> memref<80xi32, #tpu.memory_space<vmem>>
        %dma_wait3A_601 = arith.constant 0 : i32
        %dma_wait3A_602 = arith.constant 0 : i32
        %dma_wait3A_603 = tpu.memref_slice %arg4[%dma_wait3A_601, %dma_wait3A_602] : memref<20000x64xf32, #tpu.memory_space<hbm>> -> memref<20000x64xf32, #tpu.memory_space<hbm>>
        tpu.wait_indirect_dma semaphore(%arg19 : memref<!tpu.dma_semaphore, #tpu.memory_space<semaphore_mem>>) src(%dma_wait3A_603 : memref<20000x64xf32, #tpu.memory_space<hbm>>) dst(%arg12 : memref<80x64xf32, #tpu.memory_space<vmem>>)
        %mul3A_604 = arith.constant 80 : i32
        %mul3A_605 = arith.muli %add3A_597, %mul3A_604 : i32
        %dma_start3A_606 = tpu.memref_slice %arg8[%mul3A_605] : memref<20000xi32, #tpu.memory_space<vmem>> -> memref<80xi32, #tpu.memory_space<vmem>>
        %dma_start3A_607 = arith.constant 0 : i32
        %dma_start3A_608 = arith.constant 0 : i32
        %dma_start3A_609 = tpu.memref_slice %arg27[%dma_start3A_607, %dma_start3A_608] : memref<10240x64xf32, #tpu.memory_space<vmem_shared>> -> memref<10240x64xf32, #tpu.memory_space<vmem_shared>>
        tpu.enqueue_indirect_dma source(%arg12 : memref<80x64xf32, #tpu.memory_space<vmem>>) target(%dma_start3A_609 : memref<10240x64xf32, #tpu.memory_space<vmem_shared>>) offsets(%dma_start3A_606 : memref<80xi32, #tpu.memory_space<vmem>>) semaphore(%arg24 : memref<!tpu.dma_semaphore, #tpu.memory_space<semaphore_mem>>) {add = true}
        %ge3A_610 = arith.constant 0 : i32
        %ge3A_611 = arith.cmpi sge, %add3A_597, %ge3A_610 : i32
        %lt3A_612 = arith.constant 125 : i32
        %lt3A_613 = arith.cmpi slt, %add3A_597, %lt3A_612 : i32
        %and3A_614 = arith.andi %ge3A_611, %lt3A_613 : i1
        %convert_element_type3A_615 = arith.extui %and3A_614 : i1 to i32
        %cond3A_616 = arith.constant 0 : i32
        %cond3A_617 = arith.cmpi ne, %convert_element_type3A_615, %cond3A_616 : i32
        scf.if %cond3A_617 {
          %mul3A_666 = arith.constant 80 : i32
          %mul3A_667 = arith.muli %add3A_597, %mul3A_666 : i32
          %dma_start3A_668 = tpu.memref_slice %arg8[%mul3A_667] : memref<20000xi32, #tpu.memory_space<vmem>> -> memref<80xi32, #tpu.memory_space<vmem>>
          %dma_start3A_669 = arith.constant 0 : i32
          %dma_start3A_670 = arith.constant 0 : i32
          %dma_start3A_671 = tpu.memref_slice %arg28[%dma_start3A_669, %dma_start3A_670] : memref<10240x16xf32, #tpu.memory_space<vmem_shared>> -> memref<10240x16xf32, #tpu.memory_space<vmem_shared>>
          tpu.enqueue_indirect_dma source(%arg14 : memref<80x16xf32, #tpu.memory_space<vmem>>) target(%dma_start3A_671 : memref<10240x16xf32, #tpu.memory_space<vmem_shared>>) offsets(%dma_start3A_668 : memref<80xi32, #tpu.memory_space<vmem>>) semaphore(%arg26 : memref<!tpu.dma_semaphore, #tpu.memory_space<semaphore_mem>>) {add = true}
        } else {
        }
        %ge3A_618 = arith.constant 1 : i32
        %ge3A_619 = arith.cmpi sge, %add3A_597, %ge3A_618 : i32
        %convert_element_type3A_620 = arith.extui %ge3A_619 : i1 to i32
        %cond3A_621 = arith.constant 0 : i32
        %cond3A_622 = arith.cmpi ne, %convert_element_type3A_620, %cond3A_621 : i32
        scf.if %cond3A_622 {
          %dma_wait3A_666 = arith.constant 0 : i32
          %dma_wait3A_667 = tpu.memref_slice %arg8[%dma_wait3A_666] : memref<20000xi32, #tpu.memory_space<vmem>> -> memref<80xi32, #tpu.memory_space<vmem>>
          %dma_wait3A_668 = arith.constant 0 : i32
          %dma_wait3A_669 = arith.constant 0 : i32
          %dma_wait3A_670 = tpu.memref_slice %arg27[%dma_wait3A_668, %dma_wait3A_669] : memref<10240x64xf32, #tpu.memory_space<vmem_shared>> -> memref<10240x64xf32, #tpu.memory_space<vmem_shared>>
          tpu.wait_indirect_dma semaphore(%arg23 : memref<!tpu.dma_semaphore, #tpu.memory_space<semaphore_mem>>) src(%arg11 : memref<80x64xf32, #tpu.memory_space<vmem>>) dst(%dma_wait3A_670 : memref<10240x64xf32, #tpu.memory_space<vmem_shared>>)
        } else {
        }
        %add3A_623 = arith.constant 4 : i32
        %add3A_624 = arith.addi %add3A_597, %add3A_623 : i32
        %lt3A_625 = arith.constant 250 : i32
        %lt3A_626 = arith.cmpi slt, %add3A_624, %lt3A_625 : i32
        %convert_element_type3A_627 = arith.extui %lt3A_626 : i1 to i32
        %cond3A_628 = arith.constant 0 : i32
        %cond3A_629 = arith.cmpi ne, %convert_element_type3A_627, %cond3A_628 : i32
        scf.if %cond3A_629 {
          %add3A_666 = arith.constant 4 : i32
          %add3A_667 = arith.addi %add3A_597, %add3A_666 : i32
          %mul3A_668 = arith.constant 80 : i32
          %mul3A_669 = arith.muli %add3A_667, %mul3A_668 : i32
          %add3A_670 = arith.constant 0 : i32
          %add3A_671 = arith.addi %mul3A_669, %add3A_670 : i32
          %multiple_of3A_672 = tpu.assume_multiple %add3A_671, 16 : i32
          %get3A_673 = arith.index_cast %multiple_of3A_672 : i32 to index
          %get3A_674 = tpu.vector_load %arg7[%get3A_673] {strides = array<i32>} : memref<20000xi32, #tpu.memory_space<vmem>>, vector<16xi32>,
          %get3A_675 = vector.shape_cast %get3A_674 : vector<16xi32> to vector<16xi32>
          %mul3A_676 = arith.constant 2 : i32
          %mul3A_677 = vector.broadcast %mul3A_676 : i32 to vector<16xi32>
          %mul3A_678 = arith.muli %get3A_675, %mul3A_677 : vector<16xi32>
          %add3A_679 = vector.broadcast %arg0 : i32 to vector<16xi32>
          %add3A_680 = arith.addi %mul3A_678, %add3A_679 : vector<16xi32>
          %swap3A_681 = arith.index_cast %multiple_of3A_672 : i32 to index
          %swap3A_682 = tpu.vector_load %arg7[%swap3A_681] {strides = array<i32>} : memref<20000xi32, #tpu.memory_space<vmem>>, vector<16xi32>,
          %swap3A_683 = vector.shape_cast %swap3A_682 : vector<16xi32> to vector<16xi32>
          %swap3A_684 = vector.shape_cast %add3A_680 : vector<16xi32> to vector<16xi32>
          tpu.vector_store %arg7[%swap3A_681], %swap3A_684 {strides = array<i32>} : memref<20000xi32, #tpu.memory_space<vmem>>, vector<16xi32>,
          %mul3A_685 = arith.constant 80 : i32
          %mul3A_686 = arith.muli %add3A_667, %mul3A_685 : i32
          %add3A_687 = arith.constant 16 : i32
          %add3A_688 = arith.addi %mul3A_686, %add3A_687 : i32
          %multiple_of3A_689 = tpu.assume_multiple %add3A_688, 16 : i32
          %get3A_690 = arith.index_cast %multiple_of3A_689 : i32 to index
          %get3A_691 = tpu.vector_load %arg7[%get3A_690] {strides = array<i32>} : memref<20000xi32, #tpu.memory_space<vmem>>, vector<16xi32>,
          %get3A_692 = vector.shape_cast %get3A_691 : vector<16xi32> to vector<16xi32>
          %mul3A_693 = arith.constant 2 : i32
          %mul3A_694 = vector.broadcast %mul3A_693 : i32 to vector<16xi32>
          %mul3A_695 = arith.muli %get3A_692, %mul3A_694 : vector<16xi32>
          %add3A_696 = vector.broadcast %arg0 : i32 to vector<16xi32>
          %add3A_697 = arith.addi %mul3A_695, %add3A_696 : vector<16xi32>
          %swap3A_698 = arith.index_cast %multiple_of3A_689 : i32 to index
          %swap3A_699 = tpu.vector_load %arg7[%swap3A_698] {strides = array<i32>} : memref<20000xi32, #tpu.memory_space<vmem>>, vector<16xi32>,
          %swap3A_700 = vector.shape_cast %swap3A_699 : vector<16xi32> to vector<16xi32>
          %swap3A_701 = vector.shape_cast %add3A_697 : vector<16xi32> to vector<16xi32>
          tpu.vector_store %arg7[%swap3A_698], %swap3A_701 {strides = array<i32>} : memref<20000xi32, #tpu.memory_space<vmem>>, vector<16xi32>,
          %mul3A_702 = arith.constant 80 : i32
          %mul3A_703 = arith.muli %add3A_667, %mul3A_702 : i32
          %add3A_704 = arith.constant 32 : i32
          %add3A_705 = arith.addi %mul3A_703, %add3A_704 : i32
          %multiple_of3A_706 = tpu.assume_multiple %add3A_705, 16 : i32
          %get3A_707 = arith.index_cast %multiple_of3A_706 : i32 to index
          %get3A_708 = tpu.vector_load %arg7[%get3A_707] {strides = array<i32>} : memref<20000xi32, #tpu.memory_space<vmem>>, vector<16xi32>,
          %get3A_709 = vector.shape_cast %get3A_708 : vector<16xi32> to vector<16xi32>
          %mul3A_710 = arith.constant 2 : i32
          %mul3A_711 = vector.broadcast %mul3A_710 : i32 to vector<16xi32>
          %mul3A_712 = arith.muli %get3A_709, %mul3A_711 : vector<16xi32>
          %add3A_713 = vector.broadcast %arg0 : i32 to vector<16xi32>
          %add3A_714 = arith.addi %mul3A_712, %add3A_713 : vector<16xi32>
          %swap3A_715 = arith.index_cast %multiple_of3A_706 : i32 to index
          %swap3A_716 = tpu.vector_load %arg7[%swap3A_715] {strides = array<i32>} : memref<20000xi32, #tpu.memory_space<vmem>>, vector<16xi32>,
          %swap3A_717 = vector.shape_cast %swap3A_716 : vector<16xi32> to vector<16xi32>
          %swap3A_718 = vector.shape_cast %add3A_714 : vector<16xi32> to vector<16xi32>
          tpu.vector_store %arg7[%swap3A_715], %swap3A_718 {strides = array<i32>} : memref<20000xi32, #tpu.memory_space<vmem>>, vector<16xi32>,
          %mul3A_719 = arith.constant 80 : i32
          %mul3A_720 = arith.muli %add3A_667, %mul3A_719 : i32
          %add3A_721 = arith.constant 48 : i32
          %add3A_722 = arith.addi %mul3A_720, %add3A_721 : i32
          %multiple_of3A_723 = tpu.assume_multiple %add3A_722, 16 : i32
          %get3A_724 = arith.index_cast %multiple_of3A_723 : i32 to index
          %get3A_725 = tpu.vector_load %arg7[%get3A_724] {strides = array<i32>} : memref<20000xi32, #tpu.memory_space<vmem>>, vector<16xi32>,
          %get3A_726 = vector.shape_cast %get3A_725 : vector<16xi32> to vector<16xi32>
          %mul3A_727 = arith.constant 2 : i32
          %mul3A_728 = vector.broadcast %mul3A_727 : i32 to vector<16xi32>
          %mul3A_729 = arith.muli %get3A_726, %mul3A_728 : vector<16xi32>
          %add3A_730 = vector.broadcast %arg0 : i32 to vector<16xi32>
          %add3A_731 = arith.addi %mul3A_729, %add3A_730 : vector<16xi32>
          %swap3A_732 = arith.index_cast %multiple_of3A_723 : i32 to index
          %swap3A_733 = tpu.vector_load %arg7[%swap3A_732] {strides = array<i32>} : memref<20000xi32, #tpu.memory_space<vmem>>, vector<16xi32>,
          %swap3A_734 = vector.shape_cast %swap3A_733 : vector<16xi32> to vector<16xi32>
          %swap3A_735 = vector.shape_cast %add3A_731 : vector<16xi32> to vector<16xi32>
          tpu.vector_store %arg7[%swap3A_732], %swap3A_735 {strides = array<i32>} : memref<20000xi32, #tpu.memory_space<vmem>>, vector<16xi32>,
          %mul3A_736 = arith.constant 80 : i32
          %mul3A_737 = arith.muli %add3A_667, %mul3A_736 : i32
          %add3A_738 = arith.constant 64 : i32
          %add3A_739 = arith.addi %mul3A_737, %add3A_738 : i32
          %multiple_of3A_740 = tpu.assume_multiple %add3A_739, 16 : i32
          %get3A_741 = arith.index_cast %multiple_of3A_740 : i32 to index
          %get3A_742 = tpu.vector_load %arg7[%get3A_741] {strides = array<i32>} : memref<20000xi32, #tpu.memory_space<vmem>>, vector<16xi32>,
          %get3A_743 = vector.shape_cast %get3A_742 : vector<16xi32> to vector<16xi32>
          %mul3A_744 = arith.constant 2 : i32
          %mul3A_745 = vector.broadcast %mul3A_744 : i32 to vector<16xi32>
          %mul3A_746 = arith.muli %get3A_743, %mul3A_745 : vector<16xi32>
          %add3A_747 = vector.broadcast %arg0 : i32 to vector<16xi32>
          %add3A_748 = arith.addi %mul3A_746, %add3A_747 : vector<16xi32>
          %swap3A_749 = arith.index_cast %multiple_of3A_740 : i32 to index
          %swap3A_750 = tpu.vector_load %arg7[%swap3A_749] {strides = array<i32>} : memref<20000xi32, #tpu.memory_space<vmem>>, vector<16xi32>,
          %swap3A_751 = vector.shape_cast %swap3A_750 : vector<16xi32> to vector<16xi32>
          %swap3A_752 = vector.shape_cast %add3A_748 : vector<16xi32> to vector<16xi32>
          tpu.vector_store %arg7[%swap3A_749], %swap3A_752 {strides = array<i32>} : memref<20000xi32, #tpu.memory_space<vmem>>, vector<16xi32>,
          %add3A_753 = arith.constant 4 : i32
          %add3A_754 = arith.addi %add3A_597, %add3A_753 : i32
          %mul3A_755 = arith.constant 80 : i32
          %mul3A_756 = arith.muli %add3A_754, %mul3A_755 : i32
          %dma_start3A_757 = tpu.memref_slice %arg7[%mul3A_756] : memref<20000xi32, #tpu.memory_space<vmem>> -> memref<80xi32, #tpu.memory_space<vmem>>
          %dma_start3A_758 = arith.constant 0 : i32
          %dma_start3A_759 = arith.constant 0 : i32
          %dma_start3A_760 = tpu.memref_slice %arg4[%dma_start3A_758, %dma_start3A_759] : memref<20000x64xf32, #tpu.memory_space<hbm>> -> memref<20000x64xf32, #tpu.memory_space<hbm>>
          tpu.enqueue_indirect_dma source(%dma_start3A_760 : memref<20000x64xf32, #tpu.memory_space<hbm>>) target(%arg11 : memref<80x64xf32, #tpu.memory_space<vmem>>) offsets(%dma_start3A_757 : memref<80xi32, #tpu.memory_space<vmem>>) semaphore(%arg18 : memref<!tpu.dma_semaphore, #tpu.memory_space<semaphore_mem>>)
        } else {
        }
        %mul3A_630 = arith.constant 5 : i32
        %mul3A_631 = arith.muli %mul3A_630, %scan3A_488 : i32
        %add3A_632 = arith.constant 4 : i32
        %add3A_633 = arith.addi %mul3A_631, %add3A_632 : i32
        %mul3A_634 = arith.constant 80 : i32
        %mul3A_635 = arith.muli %add3A_633, %mul3A_634 : i32
        %dma_wait3A_636 = tpu.memref_slice %arg7[%mul3A_635] : memref<20000xi32, #tpu.memory_space<vmem>> -> memref<80xi32, #tpu.memory_space<vmem>>
        %dma_wait3A_637 = arith.constant 0 : i32
        %dma_wait3A_638 = arith.constant 0 : i32
        %dma_wait3A_639 = tpu.memref_slice %arg4[%dma_wait3A_637, %dma_wait3A_638] : memref<20000x64xf32, #tpu.memory_space<hbm>> -> memref<20000x64xf32, #tpu.memory_space<hbm>>
        tpu.wait_indirect_dma semaphore(%arg20 : memref<!tpu.dma_semaphore, #tpu.memory_space<semaphore_mem>>) src(%dma_wait3A_639 : memref<20000x64xf32, #tpu.memory_space<hbm>>) dst(%arg13 : memref<80x64xf32, #tpu.memory_space<vmem>>)
        %mul3A_640 = arith.constant 80 : i32
        %mul3A_641 = arith.muli %add3A_633, %mul3A_640 : i32
        %dma_start3A_642 = tpu.memref_slice %arg8[%mul3A_641] : memref<20000xi32, #tpu.memory_space<vmem>> -> memref<80xi32, #tpu.memory_space<vmem>>
        %dma_start3A_643 = arith.constant 0 : i32
        %dma_start3A_644 = arith.constant 0 : i32
        %dma_start3A_645 = tpu.memref_slice %arg27[%dma_start3A_643, %dma_start3A_644] : memref<10240x64xf32, #tpu.memory_space<vmem_shared>> -> memref<10240x64xf32, #tpu.memory_space<vmem_shared>>
        tpu.enqueue_indirect_dma source(%arg13 : memref<80x64xf32, #tpu.memory_space<vmem>>) target(%dma_start3A_645 : memref<10240x64xf32, #tpu.memory_space<vmem_shared>>) offsets(%dma_start3A_642 : memref<80xi32, #tpu.memory_space<vmem>>) semaphore(%arg25 : memref<!tpu.dma_semaphore, #tpu.memory_space<semaphore_mem>>) {add = true}
        %ge3A_646 = arith.constant 0 : i32
        %ge3A_647 = arith.cmpi sge, %add3A_633, %ge3A_646 : i32
        %lt3A_648 = arith.constant 125 : i32
        %lt3A_649 = arith.cmpi slt, %add3A_633, %lt3A_648 : i32
        %and3A_650 = arith.andi %ge3A_647, %lt3A_649 : i1
        %convert_element_type3A_651 = arith.extui %and3A_650 : i1 to i32
        %cond3A_652 = arith.constant 0 : i32
        %cond3A_653 = arith.cmpi ne, %convert_element_type3A_651, %cond3A_652 : i32
        scf.if %cond3A_653 {
          %mul3A_666 = arith.constant 80 : i32
          %mul3A_667 = arith.muli %add3A_633, %mul3A_666 : i32
          %dma_start3A_668 = tpu.memref_slice %arg8[%mul3A_667] : memref<20000xi32, #tpu.memory_space<vmem>> -> memref<80xi32, #tpu.memory_space<vmem>>
          %dma_start3A_669 = arith.constant 0 : i32
          %dma_start3A_670 = arith.constant 0 : i32
          %dma_start3A_671 = tpu.memref_slice %arg28[%dma_start3A_669, %dma_start3A_670] : memref<10240x16xf32, #tpu.memory_space<vmem_shared>> -> memref<10240x16xf32, #tpu.memory_space<vmem_shared>>
          tpu.enqueue_indirect_dma source(%arg14 : memref<80x16xf32, #tpu.memory_space<vmem>>) target(%dma_start3A_671 : memref<10240x16xf32, #tpu.memory_space<vmem_shared>>) offsets(%dma_start3A_668 : memref<80xi32, #tpu.memory_space<vmem>>) semaphore(%arg26 : memref<!tpu.dma_semaphore, #tpu.memory_space<semaphore_mem>>) {add = true}
        } else {
        }
        %ge3A_654 = arith.constant 1 : i32
        %ge3A_655 = arith.cmpi sge, %add3A_633, %ge3A_654 : i32
        %convert_element_type3A_656 = arith.extui %ge3A_655 : i1 to i32
        %cond3A_657 = arith.constant 0 : i32
        %cond3A_658 = arith.cmpi ne, %convert_element_type3A_656, %cond3A_657 : i32
        scf.if %cond3A_658 {
          %dma_wait3A_666 = arith.constant 0 : i32
          %dma_wait3A_667 = tpu.memref_slice %arg8[%dma_wait3A_666] : memref<20000xi32, #tpu.memory_space<vmem>> -> memref<80xi32, #tpu.memory_space<vmem>>
          %dma_wait3A_668 = arith.constant 0 : i32
          %dma_wait3A_669 = arith.constant 0 : i32
          %dma_wait3A_670 = tpu.memref_slice %arg27[%dma_wait3A_668, %dma_wait3A_669] : memref<10240x64xf32, #tpu.memory_space<vmem_shared>> -> memref<10240x64xf32, #tpu.memory_space<vmem_shared>>
          tpu.wait_indirect_dma semaphore(%arg24 : memref<!tpu.dma_semaphore, #tpu.memory_space<semaphore_mem>>) src(%arg12 : memref<80x64xf32, #tpu.memory_space<vmem>>) dst(%dma_wait3A_670 : memref<10240x64xf32, #tpu.memory_space<vmem_shared>>)
        } else {
        }
        %add3A_659 = arith.constant 4 : i32
        %add3A_660 = arith.addi %add3A_633, %add3A_659 : i32
        %lt3A_661 = arith.constant 250 : i32
        %lt3A_662 = arith.cmpi slt, %add3A_660, %lt3A_661 : i32
        %convert_element_type3A_663 = arith.extui %lt3A_662 : i1 to i32
        %cond3A_664 = arith.constant 0 : i32
        %cond3A_665 = arith.cmpi ne, %convert_element_type3A_663, %cond3A_664 : i32
        scf.if %cond3A_665 {
          %add3A_666 = arith.constant 4 : i32
          %add3A_667 = arith.addi %add3A_633, %add3A_666 : i32
          %mul3A_668 = arith.constant 80 : i32
          %mul3A_669 = arith.muli %add3A_667, %mul3A_668 : i32
          %add3A_670 = arith.constant 0 : i32
          %add3A_671 = arith.addi %mul3A_669, %add3A_670 : i32
          %multiple_of3A_672 = tpu.assume_multiple %add3A_671, 16 : i32
          %get3A_673 = arith.index_cast %multiple_of3A_672 : i32 to index
          %get3A_674 = tpu.vector_load %arg7[%get3A_673] {strides = array<i32>} : memref<20000xi32, #tpu.memory_space<vmem>>, vector<16xi32>,
          %get3A_675 = vector.shape_cast %get3A_674 : vector<16xi32> to vector<16xi32>
          %mul3A_676 = arith.constant 2 : i32
          %mul3A_677 = vector.broadcast %mul3A_676 : i32 to vector<16xi32>
          %mul3A_678 = arith.muli %get3A_675, %mul3A_677 : vector<16xi32>
          %add3A_679 = vector.broadcast %arg0 : i32 to vector<16xi32>
          %add3A_680 = arith.addi %mul3A_678, %add3A_679 : vector<16xi32>
          %swap3A_681 = arith.index_cast %multiple_of3A_672 : i32 to index
          %swap3A_682 = tpu.vector_load %arg7[%swap3A_681] {strides = array<i32>} : memref<20000xi32, #tpu.memory_space<vmem>>, vector<16xi32>,
          %swap3A_683 = vector.shape_cast %swap3A_682 : vector<16xi32> to vector<16xi32>
          %swap3A_684 = vector.shape_cast %add3A_680 : vector<16xi32> to vector<16xi32>
          tpu.vector_store %arg7[%swap3A_681], %swap3A_684 {strides = array<i32>} : memref<20000xi32, #tpu.memory_space<vmem>>, vector<16xi32>,
          %mul3A_685 = arith.constant 80 : i32
          %mul3A_686 = arith.muli %add3A_667, %mul3A_685 : i32
          %add3A_687 = arith.constant 16 : i32
          %add3A_688 = arith.addi %mul3A_686, %add3A_687 : i32
          %multiple_of3A_689 = tpu.assume_multiple %add3A_688, 16 : i32
          %get3A_690 = arith.index_cast %multiple_of3A_689 : i32 to index
          %get3A_691 = tpu.vector_load %arg7[%get3A_690] {strides = array<i32>} : memref<20000xi32, #tpu.memory_space<vmem>>, vector<16xi32>,
          %get3A_692 = vector.shape_cast %get3A_691 : vector<16xi32> to vector<16xi32>
          %mul3A_693 = arith.constant 2 : i32
          %mul3A_694 = vector.broadcast %mul3A_693 : i32 to vector<16xi32>
          %mul3A_695 = arith.muli %get3A_692, %mul3A_694 : vector<16xi32>
          %add3A_696 = vector.broadcast %arg0 : i32 to vector<16xi32>
          %add3A_697 = arith.addi %mul3A_695, %add3A_696 : vector<16xi32>
          %swap3A_698 = arith.index_cast %multiple_of3A_689 : i32 to index
          %swap3A_699 = tpu.vector_load %arg7[%swap3A_698] {strides = array<i32>} : memref<20000xi32, #tpu.memory_space<vmem>>, vector<16xi32>,
          %swap3A_700 = vector.shape_cast %swap3A_699 : vector<16xi32> to vector<16xi32>
          %swap3A_701 = vector.shape_cast %add3A_697 : vector<16xi32> to vector<16xi32>
          tpu.vector_store %arg7[%swap3A_698], %swap3A_701 {strides = array<i32>} : memref<20000xi32, #tpu.memory_space<vmem>>, vector<16xi32>,
          %mul3A_702 = arith.constant 80 : i32
          %mul3A_703 = arith.muli %add3A_667, %mul3A_702 : i32
          %add3A_704 = arith.constant 32 : i32
          %add3A_705 = arith.addi %mul3A_703, %add3A_704 : i32
          %multiple_of3A_706 = tpu.assume_multiple %add3A_705, 16 : i32
          %get3A_707 = arith.index_cast %multiple_of3A_706 : i32 to index
          %get3A_708 = tpu.vector_load %arg7[%get3A_707] {strides = array<i32>} : memref<20000xi32, #tpu.memory_space<vmem>>, vector<16xi32>,
          %get3A_709 = vector.shape_cast %get3A_708 : vector<16xi32> to vector<16xi32>
          %mul3A_710 = arith.constant 2 : i32
          %mul3A_711 = vector.broadcast %mul3A_710 : i32 to vector<16xi32>
          %mul3A_712 = arith.muli %get3A_709, %mul3A_711 : vector<16xi32>
          %add3A_713 = vector.broadcast %arg0 : i32 to vector<16xi32>
          %add3A_714 = arith.addi %mul3A_712, %add3A_713 : vector<16xi32>
          %swap3A_715 = arith.index_cast %multiple_of3A_706 : i32 to index
          %swap3A_716 = tpu.vector_load %arg7[%swap3A_715] {strides = array<i32>} : memref<20000xi32, #tpu.memory_space<vmem>>, vector<16xi32>,
          %swap3A_717 = vector.shape_cast %swap3A_716 : vector<16xi32> to vector<16xi32>
          %swap3A_718 = vector.shape_cast %add3A_714 : vector<16xi32> to vector<16xi32>
          tpu.vector_store %arg7[%swap3A_715], %swap3A_718 {strides = array<i32>} : memref<20000xi32, #tpu.memory_space<vmem>>, vector<16xi32>,
          %mul3A_719 = arith.constant 80 : i32
          %mul3A_720 = arith.muli %add3A_667, %mul3A_719 : i32
          %add3A_721 = arith.constant 48 : i32
          %add3A_722 = arith.addi %mul3A_720, %add3A_721 : i32
          %multiple_of3A_723 = tpu.assume_multiple %add3A_722, 16 : i32
          %get3A_724 = arith.index_cast %multiple_of3A_723 : i32 to index
          %get3A_725 = tpu.vector_load %arg7[%get3A_724] {strides = array<i32>} : memref<20000xi32, #tpu.memory_space<vmem>>, vector<16xi32>,
          %get3A_726 = vector.shape_cast %get3A_725 : vector<16xi32> to vector<16xi32>
          %mul3A_727 = arith.constant 2 : i32
          %mul3A_728 = vector.broadcast %mul3A_727 : i32 to vector<16xi32>
          %mul3A_729 = arith.muli %get3A_726, %mul3A_728 : vector<16xi32>
          %add3A_730 = vector.broadcast %arg0 : i32 to vector<16xi32>
          %add3A_731 = arith.addi %mul3A_729, %add3A_730 : vector<16xi32>
          %swap3A_732 = arith.index_cast %multiple_of3A_723 : i32 to index
          %swap3A_733 = tpu.vector_load %arg7[%swap3A_732] {strides = array<i32>} : memref<20000xi32, #tpu.memory_space<vmem>>, vector<16xi32>,
          %swap3A_734 = vector.shape_cast %swap3A_733 : vector<16xi32> to vector<16xi32>
          %swap3A_735 = vector.shape_cast %add3A_731 : vector<16xi32> to vector<16xi32>
          tpu.vector_store %arg7[%swap3A_732], %swap3A_735 {strides = array<i32>} : memref<20000xi32, #tpu.memory_space<vmem>>, vector<16xi32>,
          %mul3A_736 = arith.constant 80 : i32
          %mul3A_737 = arith.muli %add3A_667, %mul3A_736 : i32
          %add3A_738 = arith.constant 64 : i32
          %add3A_739 = arith.addi %mul3A_737, %add3A_738 : i32
          %multiple_of3A_740 = tpu.assume_multiple %add3A_739, 16 : i32
          %get3A_741 = arith.index_cast %multiple_of3A_740 : i32 to index
          %get3A_742 = tpu.vector_load %arg7[%get3A_741] {strides = array<i32>} : memref<20000xi32, #tpu.memory_space<vmem>>, vector<16xi32>,
          %get3A_743 = vector.shape_cast %get3A_742 : vector<16xi32> to vector<16xi32>
          %mul3A_744 = arith.constant 2 : i32
          %mul3A_745 = vector.broadcast %mul3A_744 : i32 to vector<16xi32>
          %mul3A_746 = arith.muli %get3A_743, %mul3A_745 : vector<16xi32>
          %add3A_747 = vector.broadcast %arg0 : i32 to vector<16xi32>
          %add3A_748 = arith.addi %mul3A_746, %add3A_747 : vector<16xi32>
          %swap3A_749 = arith.index_cast %multiple_of3A_740 : i32 to index
          %swap3A_750 = tpu.vector_load %arg7[%swap3A_749] {strides = array<i32>} : memref<20000xi32, #tpu.memory_space<vmem>>, vector<16xi32>,
          %swap3A_751 = vector.shape_cast %swap3A_750 : vector<16xi32> to vector<16xi32>
          %swap3A_752 = vector.shape_cast %add3A_748 : vector<16xi32> to vector<16xi32>
          tpu.vector_store %arg7[%swap3A_749], %swap3A_752 {strides = array<i32>} : memref<20000xi32, #tpu.memory_space<vmem>>, vector<16xi32>,
          %add3A_753 = arith.constant 4 : i32
          %add3A_754 = arith.addi %add3A_633, %add3A_753 : i32
          %mul3A_755 = arith.constant 80 : i32
          %mul3A_756 = arith.muli %add3A_754, %mul3A_755 : i32
          %dma_start3A_757 = tpu.memref_slice %arg7[%mul3A_756] : memref<20000xi32, #tpu.memory_space<vmem>> -> memref<80xi32, #tpu.memory_space<vmem>>
          %dma_start3A_758 = arith.constant 0 : i32
          %dma_start3A_759 = arith.constant 0 : i32
          %dma_start3A_760 = tpu.memref_slice %arg4[%dma_start3A_758, %dma_start3A_759] : memref<20000x64xf32, #tpu.memory_space<hbm>> -> memref<20000x64xf32, #tpu.memory_space<hbm>>
          tpu.enqueue_indirect_dma source(%dma_start3A_760 : memref<20000x64xf32, #tpu.memory_space<hbm>>) target(%arg12 : memref<80x64xf32, #tpu.memory_space<vmem>>) offsets(%dma_start3A_757 : memref<80xi32, #tpu.memory_space<vmem>>) semaphore(%arg19 : memref<!tpu.dma_semaphore, #tpu.memory_space<semaphore_mem>>)
        } else {
        }
      }
      %scan3A_487 = arith.constant 50 : i32
    } else {
    }
    %eq3A_91 = arith.constant 1 : i32
    %eq3A_92 = arith.cmpi eq, %arg0, %eq3A_91 : i32
    %convert_element_type3A_93 = arith.extui %eq3A_92 : i1 to i32
    %cond3A_94 = arith.constant 0 : i32
    %cond3A_95 = arith.cmpi ne, %convert_element_type3A_93, %cond3A_94 : i32
    scf.if %cond3A_95 {
      %multiple_of3A = arith.constant 0 : i32
      %multiple_of3A_186 = tpu.assume_multiple %multiple_of3A, 16 : i32
      %get3A = arith.index_cast %multiple_of3A_186 : i32 to index
      %get3A_187 = tpu.vector_load %arg7[%get3A] {strides = array<i32>} : memref<20000xi32, #tpu.memory_space<vmem>>, vector<16xi32>,
      %get3A_188 = vector.shape_cast %get3A_187 : vector<16xi32> to vector<16xi32>
      %mul3A_189 = arith.constant 2 : i32
      %mul3A_190 = vector.broadcast %mul3A_189 : i32 to vector<16xi32>
      %mul3A_191 = arith.muli %get3A_188, %mul3A_190 : vector<16xi32>
      %add3A_192 = vector.broadcast %arg0 : i32 to vector<16xi32>
      %add3A_193 = arith.addi %mul3A_191, %add3A_192 : vector<16xi32>
      %swap3A = arith.index_cast %multiple_of3A_186 : i32 to index
      %swap3A_194 = tpu.vector_load %arg7[%swap3A] {strides = array<i32>} : memref<20000xi32, #tpu.memory_space<vmem>>, vector<16xi32>,
      %swap3A_195 = vector.shape_cast %swap3A_194 : vector<16xi32> to vector<16xi32>
      %swap3A_196 = vector.shape_cast %add3A_193 : vector<16xi32> to vector<16xi32>
      tpu.vector_store %arg7[%swap3A], %swap3A_196 {strides = array<i32>} : memref<20000xi32, #tpu.memory_space<vmem>>, vector<16xi32>,
      %multiple_of3A_197 = arith.constant 16 : i32
      %multiple_of3A_198 = tpu.assume_multiple %multiple_of3A_197, 16 : i32
      %get3A_199 = arith.index_cast %multiple_of3A_198 : i32 to index
      %get3A_200 = tpu.vector_load %arg7[%get3A_199] {strides = array<i32>} : memref<20000xi32, #tpu.memory_space<vmem>>, vector<16xi32>,
      %get3A_201 = vector.shape_cast %get3A_200 : vector<16xi32> to vector<16xi32>
      %mul3A_202 = arith.constant 2 : i32
      %mul3A_203 = vector.broadcast %mul3A_202 : i32 to vector<16xi32>
      %mul3A_204 = arith.muli %get3A_201, %mul3A_203 : vector<16xi32>
      %add3A_205 = vector.broadcast %arg0 : i32 to vector<16xi32>
      %add3A_206 = arith.addi %mul3A_204, %add3A_205 : vector<16xi32>
      %swap3A_207 = arith.index_cast %multiple_of3A_198 : i32 to index
      %swap3A_208 = tpu.vector_load %arg7[%swap3A_207] {strides = array<i32>} : memref<20000xi32, #tpu.memory_space<vmem>>, vector<16xi32>,
      %swap3A_209 = vector.shape_cast %swap3A_208 : vector<16xi32> to vector<16xi32>
      %swap3A_210 = vector.shape_cast %add3A_206 : vector<16xi32> to vector<16xi32>
      tpu.vector_store %arg7[%swap3A_207], %swap3A_210 {strides = array<i32>} : memref<20000xi32, #tpu.memory_space<vmem>>, vector<16xi32>,
      %multiple_of3A_211 = arith.constant 32 : i32
      %multiple_of3A_212 = tpu.assume_multiple %multiple_of3A_211, 16 : i32
      %get3A_213 = arith.index_cast %multiple_of3A_212 : i32 to index
      %get3A_214 = tpu.vector_load %arg7[%get3A_213] {strides = array<i32>} : memref<20000xi32, #tpu.memory_space<vmem>>, vector<16xi32>,
      %get3A_215 = vector.shape_cast %get3A_214 : vector<16xi32> to vector<16xi32>
      %mul3A_216 = arith.constant 2 : i32
      %mul3A_217 = vector.broadcast %mul3A_216 : i32 to vector<16xi32>
      %mul3A_218 = arith.muli %get3A_215, %mul3A_217 : vector<16xi32>
      %add3A_219 = vector.broadcast %arg0 : i32 to vector<16xi32>
      %add3A_220 = arith.addi %mul3A_218, %add3A_219 : vector<16xi32>
      %swap3A_221 = arith.index_cast %multiple_of3A_212 : i32 to index
      %swap3A_222 = tpu.vector_load %arg7[%swap3A_221] {strides = array<i32>} : memref<20000xi32, #tpu.memory_space<vmem>>, vector<16xi32>,
      %swap3A_223 = vector.shape_cast %swap3A_222 : vector<16xi32> to vector<16xi32>
      %swap3A_224 = vector.shape_cast %add3A_220 : vector<16xi32> to vector<16xi32>
      tpu.vector_store %arg7[%swap3A_221], %swap3A_224 {strides = array<i32>} : memref<20000xi32, #tpu.memory_space<vmem>>, vector<16xi32>,
      %multiple_of3A_225 = arith.constant 48 : i32
      %multiple_of3A_226 = tpu.assume_multiple %multiple_of3A_225, 16 : i32
      %get3A_227 = arith.index_cast %multiple_of3A_226 : i32 to index
      %get3A_228 = tpu.vector_load %arg7[%get3A_227] {strides = array<i32>} : memref<20000xi32, #tpu.memory_space<vmem>>, vector<16xi32>,
      %get3A_229 = vector.shape_cast %get3A_228 : vector<16xi32> to vector<16xi32>
      %mul3A_230 = arith.constant 2 : i32
      %mul3A_231 = vector.broadcast %mul3A_230 : i32 to vector<16xi32>
      %mul3A_232 = arith.muli %get3A_229, %mul3A_231 : vector<16xi32>
      %add3A_233 = vector.broadcast %arg0 : i32 to vector<16xi32>
      %add3A_234 = arith.addi %mul3A_232, %add3A_233 : vector<16xi32>
      %swap3A_235 = arith.index_cast %multiple_of3A_226 : i32 to index
      %swap3A_236 = tpu.vector_load %arg7[%swap3A_235] {strides = array<i32>} : memref<20000xi32, #tpu.memory_space<vmem>>, vector<16xi32>,
      %swap3A_237 = vector.shape_cast %swap3A_236 : vector<16xi32> to vector<16xi32>
      %swap3A_238 = vector.shape_cast %add3A_234 : vector<16xi32> to vector<16xi32>
      tpu.vector_store %arg7[%swap3A_235], %swap3A_238 {strides = array<i32>} : memref<20000xi32, #tpu.memory_space<vmem>>, vector<16xi32>,
      %multiple_of3A_239 = arith.constant 64 : i32
      %multiple_of3A_240 = tpu.assume_multiple %multiple_of3A_239, 16 : i32
      %get3A_241 = arith.index_cast %multiple_of3A_240 : i32 to index
      %get3A_242 = tpu.vector_load %arg7[%get3A_241] {strides = array<i32>} : memref<20000xi32, #tpu.memory_space<vmem>>, vector<16xi32>,
      %get3A_243 = vector.shape_cast %get3A_242 : vector<16xi32> to vector<16xi32>
      %mul3A_244 = arith.constant 2 : i32
      %mul3A_245 = vector.broadcast %mul3A_244 : i32 to vector<16xi32>
      %mul3A_246 = arith.muli %get3A_243, %mul3A_245 : vector<16xi32>
      %add3A_247 = vector.broadcast %arg0 : i32 to vector<16xi32>
      %add3A_248 = arith.addi %mul3A_246, %add3A_247 : vector<16xi32>
      %swap3A_249 = arith.index_cast %multiple_of3A_240 : i32 to index
      %swap3A_250 = tpu.vector_load %arg7[%swap3A_249] {strides = array<i32>} : memref<20000xi32, #tpu.memory_space<vmem>>, vector<16xi32>,
      %swap3A_251 = vector.shape_cast %swap3A_250 : vector<16xi32> to vector<16xi32>
      %swap3A_252 = vector.shape_cast %add3A_248 : vector<16xi32> to vector<16xi32>
      tpu.vector_store %arg7[%swap3A_249], %swap3A_252 {strides = array<i32>} : memref<20000xi32, #tpu.memory_space<vmem>>, vector<16xi32>,
      %dma_start3A = arith.constant 0 : i32
      %dma_start3A_253 = tpu.memref_slice %arg7[%dma_start3A] : memref<20000xi32, #tpu.memory_space<vmem>> -> memref<80xi32, #tpu.memory_space<vmem>>
      %dma_start3A_254 = arith.constant 0 : i32
      %dma_start3A_255 = arith.constant 0 : i32
      %dma_start3A_256 = tpu.memref_slice %arg4[%dma_start3A_254, %dma_start3A_255] : memref<20000x64xf32, #tpu.memory_space<hbm>> -> memref<20000x64xf32, #tpu.memory_space<hbm>>
      tpu.enqueue_indirect_dma source(%dma_start3A_256 : memref<20000x64xf32, #tpu.memory_space<hbm>>) target(%arg9 : memref<80x64xf32, #tpu.memory_space<vmem>>) offsets(%dma_start3A_253 : memref<80xi32, #tpu.memory_space<vmem>>) semaphore(%arg16 : memref<!tpu.dma_semaphore, #tpu.memory_space<semaphore_mem>>)
      %multiple_of3A_257 = arith.constant 80 : i32
      %multiple_of3A_258 = tpu.assume_multiple %multiple_of3A_257, 16 : i32
      %get3A_259 = arith.index_cast %multiple_of3A_258 : i32 to index
      %get3A_260 = tpu.vector_load %arg7[%get3A_259] {strides = array<i32>} : memref<20000xi32, #tpu.memory_space<vmem>>, vector<16xi32>,
      %get3A_261 = vector.shape_cast %get3A_260 : vector<16xi32> to vector<16xi32>
      %mul3A_262 = arith.constant 2 : i32
      %mul3A_263 = vector.broadcast %mul3A_262 : i32 to vector<16xi32>
      %mul3A_264 = arith.muli %get3A_261, %mul3A_263 : vector<16xi32>
      %add3A_265 = vector.broadcast %arg0 : i32 to vector<16xi32>
      %add3A_266 = arith.addi %mul3A_264, %add3A_265 : vector<16xi32>
      %swap3A_267 = arith.index_cast %multiple_of3A_258 : i32 to index
      %swap3A_268 = tpu.vector_load %arg7[%swap3A_267] {strides = array<i32>} : memref<20000xi32, #tpu.memory_space<vmem>>, vector<16xi32>,
      %swap3A_269 = vector.shape_cast %swap3A_268 : vector<16xi32> to vector<16xi32>
      %swap3A_270 = vector.shape_cast %add3A_266 : vector<16xi32> to vector<16xi32>
      tpu.vector_store %arg7[%swap3A_267], %swap3A_270 {strides = array<i32>} : memref<20000xi32, #tpu.memory_space<vmem>>, vector<16xi32>,
      %multiple_of3A_271 = arith.constant 96 : i32
      %multiple_of3A_272 = tpu.assume_multiple %multiple_of3A_271, 16 : i32
      %get3A_273 = arith.index_cast %multiple_of3A_272 : i32 to index
      %get3A_274 = tpu.vector_load %arg7[%get3A_273] {strides = array<i32>} : memref<20000xi32, #tpu.memory_space<vmem>>, vector<16xi32>,
      %get3A_275 = vector.shape_cast %get3A_274 : vector<16xi32> to vector<16xi32>
      %mul3A_276 = arith.constant 2 : i32
      %mul3A_277 = vector.broadcast %mul3A_276 : i32 to vector<16xi32>
      %mul3A_278 = arith.muli %get3A_275, %mul3A_277 : vector<16xi32>
      %add3A_279 = vector.broadcast %arg0 : i32 to vector<16xi32>
      %add3A_280 = arith.addi %mul3A_278, %add3A_279 : vector<16xi32>
      %swap3A_281 = arith.index_cast %multiple_of3A_272 : i32 to index
      %swap3A_282 = tpu.vector_load %arg7[%swap3A_281] {strides = array<i32>} : memref<20000xi32, #tpu.memory_space<vmem>>, vector<16xi32>,
      %swap3A_283 = vector.shape_cast %swap3A_282 : vector<16xi32> to vector<16xi32>
      %swap3A_284 = vector.shape_cast %add3A_280 : vector<16xi32> to vector<16xi32>
      tpu.vector_store %arg7[%swap3A_281], %swap3A_284 {strides = array<i32>} : memref<20000xi32, #tpu.memory_space<vmem>>, vector<16xi32>,
      %multiple_of3A_285 = arith.constant 112 : i32
      %multiple_of3A_286 = tpu.assume_multiple %multiple_of3A_285, 16 : i32
      %get3A_287 = arith.index_cast %multiple_of3A_286 : i32 to index
      %get3A_288 = tpu.vector_load %arg7[%get3A_287] {strides = array<i32>} : memref<20000xi32, #tpu.memory_space<vmem>>, vector<16xi32>,
      %get3A_289 = vector.shape_cast %get3A_288 : vector<16xi32> to vector<16xi32>
      %mul3A_290 = arith.constant 2 : i32
      %mul3A_291 = vector.broadcast %mul3A_290 : i32 to vector<16xi32>
      %mul3A_292 = arith.muli %get3A_289, %mul3A_291 : vector<16xi32>
      %add3A_293 = vector.broadcast %arg0 : i32 to vector<16xi32>
      %add3A_294 = arith.addi %mul3A_292, %add3A_293 : vector<16xi32>
      %swap3A_295 = arith.index_cast %multiple_of3A_286 : i32 to index
      %swap3A_296 = tpu.vector_load %arg7[%swap3A_295] {strides = array<i32>} : memref<20000xi32, #tpu.memory_space<vmem>>, vector<16xi32>,
      %swap3A_297 = vector.shape_cast %swap3A_296 : vector<16xi32> to vector<16xi32>
      %swap3A_298 = vector.shape_cast %add3A_294 : vector<16xi32> to vector<16xi32>
      tpu.vector_store %arg7[%swap3A_295], %swap3A_298 {strides = array<i32>} : memref<20000xi32, #tpu.memory_space<vmem>>, vector<16xi32>,
      %multiple_of3A_299 = arith.constant 128 : i32
      %multiple_of3A_300 = tpu.assume_multiple %multiple_of3A_299, 16 : i32
      %get3A_301 = arith.index_cast %multiple_of3A_300 : i32 to index
      %get3A_302 = tpu.vector_load %arg7[%get3A_301] {strides = array<i32>} : memref<20000xi32, #tpu.memory_space<vmem>>, vector<16xi32>,
      %get3A_303 = vector.shape_cast %get3A_302 : vector<16xi32> to vector<16xi32>
      %mul3A_304 = arith.constant 2 : i32
      %mul3A_305 = vector.broadcast %mul3A_304 : i32 to vector<16xi32>
      %mul3A_306 = arith.muli %get3A_303, %mul3A_305 : vector<16xi32>
      %add3A_307 = vector.broadcast %arg0 : i32 to vector<16xi32>
      %add3A_308 = arith.addi %mul3A_306, %add3A_307 : vector<16xi32>
      %swap3A_309 = arith.index_cast %multiple_of3A_300 : i32 to index
      %swap3A_310 = tpu.vector_load %arg7[%swap3A_309] {strides = array<i32>} : memref<20000xi32, #tpu.memory_space<vmem>>, vector<16xi32>,
      %swap3A_311 = vector.shape_cast %swap3A_310 : vector<16xi32> to vector<16xi32>
      %swap3A_312 = vector.shape_cast %add3A_308 : vector<16xi32> to vector<16xi32>
      tpu.vector_store %arg7[%swap3A_309], %swap3A_312 {strides = array<i32>} : memref<20000xi32, #tpu.memory_space<vmem>>, vector<16xi32>,
      %multiple_of3A_313 = arith.constant 144 : i32
      %multiple_of3A_314 = tpu.assume_multiple %multiple_of3A_313, 16 : i32
      %get3A_315 = arith.index_cast %multiple_of3A_314 : i32 to index
      %get3A_316 = tpu.vector_load %arg7[%get3A_315] {strides = array<i32>} : memref<20000xi32, #tpu.memory_space<vmem>>, vector<16xi32>,
      %get3A_317 = vector.shape_cast %get3A_316 : vector<16xi32> to vector<16xi32>
      %mul3A_318 = arith.constant 2 : i32
      %mul3A_319 = vector.broadcast %mul3A_318 : i32 to vector<16xi32>
      %mul3A_320 = arith.muli %get3A_317, %mul3A_319 : vector<16xi32>
      %add3A_321 = vector.broadcast %arg0 : i32 to vector<16xi32>
      %add3A_322 = arith.addi %mul3A_320, %add3A_321 : vector<16xi32>
      %swap3A_323 = arith.index_cast %multiple_of3A_314 : i32 to index
      %swap3A_324 = tpu.vector_load %arg7[%swap3A_323] {strides = array<i32>} : memref<20000xi32, #tpu.memory_space<vmem>>, vector<16xi32>,
      %swap3A_325 = vector.shape_cast %swap3A_324 : vector<16xi32> to vector<16xi32>
      %swap3A_326 = vector.shape_cast %add3A_322 : vector<16xi32> to vector<16xi32>
      tpu.vector_store %arg7[%swap3A_323], %swap3A_326 {strides = array<i32>} : memref<20000xi32, #tpu.memory_space<vmem>>, vector<16xi32>,
      %dma_start3A_327 = arith.constant 80 : i32
      %dma_start3A_328 = tpu.memref_slice %arg7[%dma_start3A_327] : memref<20000xi32, #tpu.memory_space<vmem>> -> memref<80xi32, #tpu.memory_space<vmem>>
      %dma_start3A_329 = arith.constant 0 : i32
      %dma_start3A_330 = arith.constant 0 : i32
      %dma_start3A_331 = tpu.memref_slice %arg4[%dma_start3A_329, %dma_start3A_330] : memref<20000x64xf32, #tpu.memory_space<hbm>> -> memref<20000x64xf32, #tpu.memory_space<hbm>>
      tpu.enqueue_indirect_dma source(%dma_start3A_331 : memref<20000x64xf32, #tpu.memory_space<hbm>>) target(%arg10 : memref<80x64xf32, #tpu.memory_space<vmem>>) offsets(%dma_start3A_328 : memref<80xi32, #tpu.memory_space<vmem>>) semaphore(%arg17 : memref<!tpu.dma_semaphore, #tpu.memory_space<semaphore_mem>>)
      %multiple_of3A_332 = arith.constant 160 : i32
      %multiple_of3A_333 = tpu.assume_multiple %multiple_of3A_332, 16 : i32
      %get3A_334 = arith.index_cast %multiple_of3A_333 : i32 to index
      %get3A_335 = tpu.vector_load %arg7[%get3A_334] {strides = array<i32>} : memref<20000xi32, #tpu.memory_space<vmem>>, vector<16xi32>,
      %get3A_336 = vector.shape_cast %get3A_335 : vector<16xi32> to vector<16xi32>
      %mul3A_337 = arith.constant 2 : i32
      %mul3A_338 = vector.broadcast %mul3A_337 : i32 to vector<16xi32>
      %mul3A_339 = arith.muli %get3A_336, %mul3A_338 : vector<16xi32>
      %add3A_340 = vector.broadcast %arg0 : i32 to vector<16xi32>
      %add3A_341 = arith.addi %mul3A_339, %add3A_340 : vector<16xi32>
      %swap3A_342 = arith.index_cast %multiple_of3A_333 : i32 to index
      %swap3A_343 = tpu.vector_load %arg7[%swap3A_342] {strides = array<i32>} : memref<20000xi32, #tpu.memory_space<vmem>>, vector<16xi32>,
      %swap3A_344 = vector.shape_cast %swap3A_343 : vector<16xi32> to vector<16xi32>
      %swap3A_345 = vector.shape_cast %add3A_341 : vector<16xi32> to vector<16xi32>
      tpu.vector_store %arg7[%swap3A_342], %swap3A_345 {strides = array<i32>} : memref<20000xi32, #tpu.memory_space<vmem>>, vector<16xi32>,
      %multiple_of3A_346 = arith.constant 176 : i32
      %multiple_of3A_347 = tpu.assume_multiple %multiple_of3A_346, 16 : i32
      %get3A_348 = arith.index_cast %multiple_of3A_347 : i32 to index
      %get3A_349 = tpu.vector_load %arg7[%get3A_348] {strides = array<i32>} : memref<20000xi32, #tpu.memory_space<vmem>>, vector<16xi32>,
      %get3A_350 = vector.shape_cast %get3A_349 : vector<16xi32> to vector<16xi32>
      %mul3A_351 = arith.constant 2 : i32
      %mul3A_352 = vector.broadcast %mul3A_351 : i32 to vector<16xi32>
      %mul3A_353 = arith.muli %get3A_350, %mul3A_352 : vector<16xi32>
      %add3A_354 = vector.broadcast %arg0 : i32 to vector<16xi32>
      %add3A_355 = arith.addi %mul3A_353, %add3A_354 : vector<16xi32>
      %swap3A_356 = arith.index_cast %multiple_of3A_347 : i32 to index
      %swap3A_357 = tpu.vector_load %arg7[%swap3A_356] {strides = array<i32>} : memref<20000xi32, #tpu.memory_space<vmem>>, vector<16xi32>,
      %swap3A_358 = vector.shape_cast %swap3A_357 : vector<16xi32> to vector<16xi32>
      %swap3A_359 = vector.shape_cast %add3A_355 : vector<16xi32> to vector<16xi32>
      tpu.vector_store %arg7[%swap3A_356], %swap3A_359 {strides = array<i32>} : memref<20000xi32, #tpu.memory_space<vmem>>, vector<16xi32>,
      %multiple_of3A_360 = arith.constant 192 : i32
      %multiple_of3A_361 = tpu.assume_multiple %multiple_of3A_360, 16 : i32
      %get3A_362 = arith.index_cast %multiple_of3A_361 : i32 to index
      %get3A_363 = tpu.vector_load %arg7[%get3A_362] {strides = array<i32>} : memref<20000xi32, #tpu.memory_space<vmem>>, vector<16xi32>,
      %get3A_364 = vector.shape_cast %get3A_363 : vector<16xi32> to vector<16xi32>
      %mul3A_365 = arith.constant 2 : i32
      %mul3A_366 = vector.broadcast %mul3A_365 : i32 to vector<16xi32>
      %mul3A_367 = arith.muli %get3A_364, %mul3A_366 : vector<16xi32>
      %add3A_368 = vector.broadcast %arg0 : i32 to vector<16xi32>
      %add3A_369 = arith.addi %mul3A_367, %add3A_368 : vector<16xi32>
      %swap3A_370 = arith.index_cast %multiple_of3A_361 : i32 to index
      %swap3A_371 = tpu.vector_load %arg7[%swap3A_370] {strides = array<i32>} : memref<20000xi32, #tpu.memory_space<vmem>>, vector<16xi32>,
      %swap3A_372 = vector.shape_cast %swap3A_371 : vector<16xi32> to vector<16xi32>
      %swap3A_373 = vector.shape_cast %add3A_369 : vector<16xi32> to vector<16xi32>
      tpu.vector_store %arg7[%swap3A_370], %swap3A_373 {strides = array<i32>} : memref<20000xi32, #tpu.memory_space<vmem>>, vector<16xi32>,
      %multiple_of3A_374 = arith.constant 208 : i32
      %multiple_of3A_375 = tpu.assume_multiple %multiple_of3A_374, 16 : i32
      %get3A_376 = arith.index_cast %multiple_of3A_375 : i32 to index
      %get3A_377 = tpu.vector_load %arg7[%get3A_376] {strides = array<i32>} : memref<20000xi32, #tpu.memory_space<vmem>>, vector<16xi32>,
      %get3A_378 = vector.shape_cast %get3A_377 : vector<16xi32> to vector<16xi32>
      %mul3A_379 = arith.constant 2 : i32
      %mul3A_380 = vector.broadcast %mul3A_379 : i32 to vector<16xi32>
      %mul3A_381 = arith.muli %get3A_378, %mul3A_380 : vector<16xi32>
      %add3A_382 = vector.broadcast %arg0 : i32 to vector<16xi32>
      %add3A_383 = arith.addi %mul3A_381, %add3A_382 : vector<16xi32>
      %swap3A_384 = arith.index_cast %multiple_of3A_375 : i32 to index
      %swap3A_385 = tpu.vector_load %arg7[%swap3A_384] {strides = array<i32>} : memref<20000xi32, #tpu.memory_space<vmem>>, vector<16xi32>,
      %swap3A_386 = vector.shape_cast %swap3A_385 : vector<16xi32> to vector<16xi32>
      %swap3A_387 = vector.shape_cast %add3A_383 : vector<16xi32> to vector<16xi32>
      tpu.vector_store %arg7[%swap3A_384], %swap3A_387 {strides = array<i32>} : memref<20000xi32, #tpu.memory_space<vmem>>, vector<16xi32>,
      %multiple_of3A_388 = arith.constant 224 : i32
      %multiple_of3A_389 = tpu.assume_multiple %multiple_of3A_388, 16 : i32
      %get3A_390 = arith.index_cast %multiple_of3A_389 : i32 to index
      %get3A_391 = tpu.vector_load %arg7[%get3A_390] {strides = array<i32>} : memref<20000xi32, #tpu.memory_space<vmem>>, vector<16xi32>,
      %get3A_392 = vector.shape_cast %get3A_391 : vector<16xi32> to vector<16xi32>
      %mul3A_393 = arith.constant 2 : i32
      %mul3A_394 = vector.broadcast %mul3A_393 : i32 to vector<16xi32>
      %mul3A_395 = arith.muli %get3A_392, %mul3A_394 : vector<16xi32>
      %add3A_396 = vector.broadcast %arg0 : i32 to vector<16xi32>
      %add3A_397 = arith.addi %mul3A_395, %add3A_396 : vector<16xi32>
      %swap3A_398 = arith.index_cast %multiple_of3A_389 : i32 to index
      %swap3A_399 = tpu.vector_load %arg7[%swap3A_398] {strides = array<i32>} : memref<20000xi32, #tpu.memory_space<vmem>>, vector<16xi32>,
      %swap3A_400 = vector.shape_cast %swap3A_399 : vector<16xi32> to vector<16xi32>
      %swap3A_401 = vector.shape_cast %add3A_397 : vector<16xi32> to vector<16xi32>
      tpu.vector_store %arg7[%swap3A_398], %swap3A_401 {strides = array<i32>} : memref<20000xi32, #tpu.memory_space<vmem>>, vector<16xi32>,
      %dma_start3A_402 = arith.constant 160 : i32
      %dma_start3A_403 = tpu.memref_slice %arg7[%dma_start3A_402] : memref<20000xi32, #tpu.memory_space<vmem>> -> memref<80xi32, #tpu.memory_space<vmem>>
      %dma_start3A_404 = arith.constant 0 : i32
      %dma_start3A_405 = arith.constant 0 : i32
      %dma_start3A_406 = tpu.memref_slice %arg4[%dma_start3A_404, %dma_start3A_405] : memref<20000x64xf32, #tpu.memory_space<hbm>> -> memref<20000x64xf32, #tpu.memory_space<hbm>>
      tpu.enqueue_indirect_dma source(%dma_start3A_406 : memref<20000x64xf32, #tpu.memory_space<hbm>>) target(%arg11 : memref<80x64xf32, #tpu.memory_space<vmem>>) offsets(%dma_start3A_403 : memref<80xi32, #tpu.memory_space<vmem>>) semaphore(%arg18 : memref<!tpu.dma_semaphore, #tpu.memory_space<semaphore_mem>>)
      %multiple_of3A_407 = arith.constant 240 : i32
      %multiple_of3A_408 = tpu.assume_multiple %multiple_of3A_407, 16 : i32
      %get3A_409 = arith.index_cast %multiple_of3A_408 : i32 to index
      %get3A_410 = tpu.vector_load %arg7[%get3A_409] {strides = array<i32>} : memref<20000xi32, #tpu.memory_space<vmem>>, vector<16xi32>,
      %get3A_411 = vector.shape_cast %get3A_410 : vector<16xi32> to vector<16xi32>
      %mul3A_412 = arith.constant 2 : i32
      %mul3A_413 = vector.broadcast %mul3A_412 : i32 to vector<16xi32>
      %mul3A_414 = arith.muli %get3A_411, %mul3A_413 : vector<16xi32>
      %add3A_415 = vector.broadcast %arg0 : i32 to vector<16xi32>
      %add3A_416 = arith.addi %mul3A_414, %add3A_415 : vector<16xi32>
      %swap3A_417 = arith.index_cast %multiple_of3A_408 : i32 to index
      %swap3A_418 = tpu.vector_load %arg7[%swap3A_417] {strides = array<i32>} : memref<20000xi32, #tpu.memory_space<vmem>>, vector<16xi32>,
      %swap3A_419 = vector.shape_cast %swap3A_418 : vector<16xi32> to vector<16xi32>
      %swap3A_420 = vector.shape_cast %add3A_416 : vector<16xi32> to vector<16xi32>
      tpu.vector_store %arg7[%swap3A_417], %swap3A_420 {strides = array<i32>} : memref<20000xi32, #tpu.memory_space<vmem>>, vector<16xi32>,
      %multiple_of3A_421 = arith.constant 256 : i32
      %multiple_of3A_422 = tpu.assume_multiple %multiple_of3A_421, 16 : i32
      %get3A_423 = arith.index_cast %multiple_of3A_422 : i32 to index
      %get3A_424 = tpu.vector_load %arg7[%get3A_423] {strides = array<i32>} : memref<20000xi32, #tpu.memory_space<vmem>>, vector<16xi32>,
      %get3A_425 = vector.shape_cast %get3A_424 : vector<16xi32> to vector<16xi32>
      %mul3A_426 = arith.constant 2 : i32
      %mul3A_427 = vector.broadcast %mul3A_426 : i32 to vector<16xi32>
      %mul3A_428 = arith.muli %get3A_425, %mul3A_427 : vector<16xi32>
      %add3A_429 = vector.broadcast %arg0 : i32 to vector<16xi32>
      %add3A_430 = arith.addi %mul3A_428, %add3A_429 : vector<16xi32>
      %swap3A_431 = arith.index_cast %multiple_of3A_422 : i32 to index
      %swap3A_432 = tpu.vector_load %arg7[%swap3A_431] {strides = array<i32>} : memref<20000xi32, #tpu.memory_space<vmem>>, vector<16xi32>,
      %swap3A_433 = vector.shape_cast %swap3A_432 : vector<16xi32> to vector<16xi32>
      %swap3A_434 = vector.shape_cast %add3A_430 : vector<16xi32> to vector<16xi32>
      tpu.vector_store %arg7[%swap3A_431], %swap3A_434 {strides = array<i32>} : memref<20000xi32, #tpu.memory_space<vmem>>, vector<16xi32>,
      %multiple_of3A_435 = arith.constant 272 : i32
      %multiple_of3A_436 = tpu.assume_multiple %multiple_of3A_435, 16 : i32
      %get3A_437 = arith.index_cast %multiple_of3A_436 : i32 to index
      %get3A_438 = tpu.vector_load %arg7[%get3A_437] {strides = array<i32>} : memref<20000xi32, #tpu.memory_space<vmem>>, vector<16xi32>,
      %get3A_439 = vector.shape_cast %get3A_438 : vector<16xi32> to vector<16xi32>
      %mul3A_440 = arith.constant 2 : i32
      %mul3A_441 = vector.broadcast %mul3A_440 : i32 to vector<16xi32>
      %mul3A_442 = arith.muli %get3A_439, %mul3A_441 : vector<16xi32>
      %add3A_443 = vector.broadcast %arg0 : i32 to vector<16xi32>
      %add3A_444 = arith.addi %mul3A_442, %add3A_443 : vector<16xi32>
      %swap3A_445 = arith.index_cast %multiple_of3A_436 : i32 to index
      %swap3A_446 = tpu.vector_load %arg7[%swap3A_445] {strides = array<i32>} : memref<20000xi32, #tpu.memory_space<vmem>>, vector<16xi32>,
      %swap3A_447 = vector.shape_cast %swap3A_446 : vector<16xi32> to vector<16xi32>
      %swap3A_448 = vector.shape_cast %add3A_444 : vector<16xi32> to vector<16xi32>
      tpu.vector_store %arg7[%swap3A_445], %swap3A_448 {strides = array<i32>} : memref<20000xi32, #tpu.memory_space<vmem>>, vector<16xi32>,
      %multiple_of3A_449 = arith.constant 288 : i32
      %multiple_of3A_450 = tpu.assume_multiple %multiple_of3A_449, 16 : i32
      %get3A_451 = arith.index_cast %multiple_of3A_450 : i32 to index
      %get3A_452 = tpu.vector_load %arg7[%get3A_451] {strides = array<i32>} : memref<20000xi32, #tpu.memory_space<vmem>>, vector<16xi32>,
      %get3A_453 = vector.shape_cast %get3A_452 : vector<16xi32> to vector<16xi32>
      %mul3A_454 = arith.constant 2 : i32
      %mul3A_455 = vector.broadcast %mul3A_454 : i32 to vector<16xi32>
      %mul3A_456 = arith.muli %get3A_453, %mul3A_455 : vector<16xi32>
      %add3A_457 = vector.broadcast %arg0 : i32 to vector<16xi32>
      %add3A_458 = arith.addi %mul3A_456, %add3A_457 : vector<16xi32>
      %swap3A_459 = arith.index_cast %multiple_of3A_450 : i32 to index
      %swap3A_460 = tpu.vector_load %arg7[%swap3A_459] {strides = array<i32>} : memref<20000xi32, #tpu.memory_space<vmem>>, vector<16xi32>,
      %swap3A_461 = vector.shape_cast %swap3A_460 : vector<16xi32> to vector<16xi32>
      %swap3A_462 = vector.shape_cast %add3A_458 : vector<16xi32> to vector<16xi32>
      tpu.vector_store %arg7[%swap3A_459], %swap3A_462 {strides = array<i32>} : memref<20000xi32, #tpu.memory_space<vmem>>, vector<16xi32>,
      %multiple_of3A_463 = arith.constant 304 : i32
      %multiple_of3A_464 = tpu.assume_multiple %multiple_of3A_463, 16 : i32
      %get3A_465 = arith.index_cast %multiple_of3A_464 : i32 to index
      %get3A_466 = tpu.vector_load %arg7[%get3A_465] {strides = array<i32>} : memref<20000xi32, #tpu.memory_space<vmem>>, vector<16xi32>,
      %get3A_467 = vector.shape_cast %get3A_466 : vector<16xi32> to vector<16xi32>
      %mul3A_468 = arith.constant 2 : i32
      %mul3A_469 = vector.broadcast %mul3A_468 : i32 to vector<16xi32>
      %mul3A_470 = arith.muli %get3A_467, %mul3A_469 : vector<16xi32>
      %add3A_471 = vector.broadcast %arg0 : i32 to vector<16xi32>
      %add3A_472 = arith.addi %mul3A_470, %add3A_471 : vector<16xi32>
      %swap3A_473 = arith.index_cast %multiple_of3A_464 : i32 to index
      %swap3A_474 = tpu.vector_load %arg7[%swap3A_473] {strides = array<i32>} : memref<20000xi32, #tpu.memory_space<vmem>>, vector<16xi32>,
      %swap3A_475 = vector.shape_cast %swap3A_474 : vector<16xi32> to vector<16xi32>
      %swap3A_476 = vector.shape_cast %add3A_472 : vector<16xi32> to vector<16xi32>
      tpu.vector_store %arg7[%swap3A_473], %swap3A_476 {strides = array<i32>} : memref<20000xi32, #tpu.memory_space<vmem>>, vector<16xi32>,
      %dma_start3A_477 = arith.constant 240 : i32
      %dma_start3A_478 = tpu.memref_slice %arg7[%dma_start3A_477] : memref<20000xi32, #tpu.memory_space<vmem>> -> memref<80xi32, #tpu.memory_space<vmem>>
      %dma_start3A_479 = arith.constant 0 : i32
      %dma_start3A_480 = arith.constant 0 : i32
      %dma_start3A_481 = tpu.memref_slice %arg4[%dma_start3A_479, %dma_start3A_480] : memref<20000x64xf32, #tpu.memory_space<hbm>> -> memref<20000x64xf32, #tpu.memory_space<hbm>>
      tpu.enqueue_indirect_dma source(%dma_start3A_481 : memref<20000x64xf32, #tpu.memory_space<hbm>>) target(%arg12 : memref<80x64xf32, #tpu.memory_space<vmem>>) offsets(%dma_start3A_478 : memref<80xi32, #tpu.memory_space<vmem>>) semaphore(%arg19 : memref<!tpu.dma_semaphore, #tpu.memory_space<semaphore_mem>>)
      %scan3A_482 = arith.constant 0 : i32
      %scan3A_483 = arith.constant 0 : i32
      %scan3A_484 = arith.constant 50 : i32
      %scan3A_485 = arith.addi %scan3A_483, %scan3A_484 : i32
      %scan3A_486 = arith.constant 1 : i32
      scf.for %scan3A_488 = %scan3A_483 to %scan3A_485 step %scan3A_486  : i32 {
        %mul3A_489 = arith.constant 5 : i32
        %mul3A_490 = arith.muli %mul3A_489, %scan3A_488 : i32
        %add3A_491 = arith.constant 0 : i32
        %add3A_492 = arith.addi %mul3A_490, %add3A_491 : i32
        %mul3A_493 = arith.constant 80 : i32
        %mul3A_494 = arith.muli %add3A_492, %mul3A_493 : i32
        %dma_wait3A_495 = tpu.memref_slice %arg7[%mul3A_494] : memref<20000xi32, #tpu.memory_space<vmem>> -> memref<80xi32, #tpu.memory_space<vmem>>
        %dma_wait3A_496 = arith.constant 0 : i32
        %dma_wait3A_497 = arith.constant 0 : i32
        %dma_wait3A_498 = tpu.memref_slice %arg4[%dma_wait3A_496, %dma_wait3A_497] : memref<20000x64xf32, #tpu.memory_space<hbm>> -> memref<20000x64xf32, #tpu.memory_space<hbm>>
        tpu.wait_indirect_dma semaphore(%arg16 : memref<!tpu.dma_semaphore, #tpu.memory_space<semaphore_mem>>) src(%dma_wait3A_498 : memref<20000x64xf32, #tpu.memory_space<hbm>>) dst(%arg9 : memref<80x64xf32, #tpu.memory_space<vmem>>)
        %mul3A_499 = arith.constant 80 : i32
        %mul3A_500 = arith.muli %add3A_492, %mul3A_499 : i32
        %dma_start3A_501 = tpu.memref_slice %arg8[%mul3A_500] : memref<20000xi32, #tpu.memory_space<vmem>> -> memref<80xi32, #tpu.memory_space<vmem>>
        %dma_start3A_502 = arith.constant 0 : i32
        %dma_start3A_503 = arith.constant 0 : i32
        %dma_start3A_504 = tpu.memref_slice %arg27[%dma_start3A_502, %dma_start3A_503] : memref<10240x64xf32, #tpu.memory_space<vmem_shared>> -> memref<10240x64xf32, #tpu.memory_space<vmem_shared>>
        tpu.enqueue_indirect_dma source(%arg9 : memref<80x64xf32, #tpu.memory_space<vmem>>) target(%dma_start3A_504 : memref<10240x64xf32, #tpu.memory_space<vmem_shared>>) offsets(%dma_start3A_501 : memref<80xi32, #tpu.memory_space<vmem>>) semaphore(%arg21 : memref<!tpu.dma_semaphore, #tpu.memory_space<semaphore_mem>>) {add = true}
        %ge3A = arith.constant 125 : i32
        %ge3A_505 = arith.cmpi sge, %add3A_492, %ge3A : i32
        %lt3A = arith.constant 250 : i32
        %lt3A_506 = arith.cmpi slt, %add3A_492, %lt3A : i32
        %and3A = arith.andi %ge3A_505, %lt3A_506 : i1
        %convert_element_type3A_507 = arith.extui %and3A : i1 to i32
        %cond3A_508 = arith.constant 0 : i32
        %cond3A_509 = arith.cmpi ne, %convert_element_type3A_507, %cond3A_508 : i32
        scf.if %cond3A_509 {
          %mul3A_666 = arith.constant 80 : i32
          %mul3A_667 = arith.muli %add3A_492, %mul3A_666 : i32
          %dma_start3A_668 = tpu.memref_slice %arg8[%mul3A_667] : memref<20000xi32, #tpu.memory_space<vmem>> -> memref<80xi32, #tpu.memory_space<vmem>>
          %dma_start3A_669 = arith.constant 0 : i32
          %dma_start3A_670 = arith.constant 0 : i32
          %dma_start3A_671 = tpu.memref_slice %arg28[%dma_start3A_669, %dma_start3A_670] : memref<10240x16xf32, #tpu.memory_space<vmem_shared>> -> memref<10240x16xf32, #tpu.memory_space<vmem_shared>>
          tpu.enqueue_indirect_dma source(%arg14 : memref<80x16xf32, #tpu.memory_space<vmem>>) target(%dma_start3A_671 : memref<10240x16xf32, #tpu.memory_space<vmem_shared>>) offsets(%dma_start3A_668 : memref<80xi32, #tpu.memory_space<vmem>>) semaphore(%arg26 : memref<!tpu.dma_semaphore, #tpu.memory_space<semaphore_mem>>) {add = true}
        } else {
        }
        %ge3A_510 = arith.constant 1 : i32
        %ge3A_511 = arith.cmpi sge, %add3A_492, %ge3A_510 : i32
        %convert_element_type3A_512 = arith.extui %ge3A_511 : i1 to i32
        %cond3A_513 = arith.constant 0 : i32
        %cond3A_514 = arith.cmpi ne, %convert_element_type3A_512, %cond3A_513 : i32
        scf.if %cond3A_514 {
          %dma_wait3A_666 = arith.constant 0 : i32
          %dma_wait3A_667 = tpu.memref_slice %arg8[%dma_wait3A_666] : memref<20000xi32, #tpu.memory_space<vmem>> -> memref<80xi32, #tpu.memory_space<vmem>>
          %dma_wait3A_668 = arith.constant 0 : i32
          %dma_wait3A_669 = arith.constant 0 : i32
          %dma_wait3A_670 = tpu.memref_slice %arg27[%dma_wait3A_668, %dma_wait3A_669] : memref<10240x64xf32, #tpu.memory_space<vmem_shared>> -> memref<10240x64xf32, #tpu.memory_space<vmem_shared>>
          tpu.wait_indirect_dma semaphore(%arg25 : memref<!tpu.dma_semaphore, #tpu.memory_space<semaphore_mem>>) src(%arg13 : memref<80x64xf32, #tpu.memory_space<vmem>>) dst(%dma_wait3A_670 : memref<10240x64xf32, #tpu.memory_space<vmem_shared>>)
        } else {
        }
        %add3A_515 = arith.constant 4 : i32
        %add3A_516 = arith.addi %add3A_492, %add3A_515 : i32
        %lt3A_517 = arith.constant 250 : i32
        %lt3A_518 = arith.cmpi slt, %add3A_516, %lt3A_517 : i32
        %convert_element_type3A_519 = arith.extui %lt3A_518 : i1 to i32
        %cond3A_520 = arith.constant 0 : i32
        %cond3A_521 = arith.cmpi ne, %convert_element_type3A_519, %cond3A_520 : i32
        scf.if %cond3A_521 {
          %add3A_666 = arith.constant 4 : i32
          %add3A_667 = arith.addi %add3A_492, %add3A_666 : i32
          %mul3A_668 = arith.constant 80 : i32
          %mul3A_669 = arith.muli %add3A_667, %mul3A_668 : i32
          %add3A_670 = arith.constant 0 : i32
          %add3A_671 = arith.addi %mul3A_669, %add3A_670 : i32
          %multiple_of3A_672 = tpu.assume_multiple %add3A_671, 16 : i32
          %get3A_673 = arith.index_cast %multiple_of3A_672 : i32 to index
          %get3A_674 = tpu.vector_load %arg7[%get3A_673] {strides = array<i32>} : memref<20000xi32, #tpu.memory_space<vmem>>, vector<16xi32>,
          %get3A_675 = vector.shape_cast %get3A_674 : vector<16xi32> to vector<16xi32>
          %mul3A_676 = arith.constant 2 : i32
          %mul3A_677 = vector.broadcast %mul3A_676 : i32 to vector<16xi32>
          %mul3A_678 = arith.muli %get3A_675, %mul3A_677 : vector<16xi32>
          %add3A_679 = vector.broadcast %arg0 : i32 to vector<16xi32>
          %add3A_680 = arith.addi %mul3A_678, %add3A_679 : vector<16xi32>
          %swap3A_681 = arith.index_cast %multiple_of3A_672 : i32 to index
          %swap3A_682 = tpu.vector_load %arg7[%swap3A_681] {strides = array<i32>} : memref<20000xi32, #tpu.memory_space<vmem>>, vector<16xi32>,
          %swap3A_683 = vector.shape_cast %swap3A_682 : vector<16xi32> to vector<16xi32>
          %swap3A_684 = vector.shape_cast %add3A_680 : vector<16xi32> to vector<16xi32>
          tpu.vector_store %arg7[%swap3A_681], %swap3A_684 {strides = array<i32>} : memref<20000xi32, #tpu.memory_space<vmem>>, vector<16xi32>,
          %mul3A_685 = arith.constant 80 : i32
          %mul3A_686 = arith.muli %add3A_667, %mul3A_685 : i32
          %add3A_687 = arith.constant 16 : i32
          %add3A_688 = arith.addi %mul3A_686, %add3A_687 : i32
          %multiple_of3A_689 = tpu.assume_multiple %add3A_688, 16 : i32
          %get3A_690 = arith.index_cast %multiple_of3A_689 : i32 to index
          %get3A_691 = tpu.vector_load %arg7[%get3A_690] {strides = array<i32>} : memref<20000xi32, #tpu.memory_space<vmem>>, vector<16xi32>,
          %get3A_692 = vector.shape_cast %get3A_691 : vector<16xi32> to vector<16xi32>
          %mul3A_693 = arith.constant 2 : i32
          %mul3A_694 = vector.broadcast %mul3A_693 : i32 to vector<16xi32>
          %mul3A_695 = arith.muli %get3A_692, %mul3A_694 : vector<16xi32>
          %add3A_696 = vector.broadcast %arg0 : i32 to vector<16xi32>
          %add3A_697 = arith.addi %mul3A_695, %add3A_696 : vector<16xi32>
          %swap3A_698 = arith.index_cast %multiple_of3A_689 : i32 to index
          %swap3A_699 = tpu.vector_load %arg7[%swap3A_698] {strides = array<i32>} : memref<20000xi32, #tpu.memory_space<vmem>>, vector<16xi32>,
          %swap3A_700 = vector.shape_cast %swap3A_699 : vector<16xi32> to vector<16xi32>
          %swap3A_701 = vector.shape_cast %add3A_697 : vector<16xi32> to vector<16xi32>
          tpu.vector_store %arg7[%swap3A_698], %swap3A_701 {strides = array<i32>} : memref<20000xi32, #tpu.memory_space<vmem>>, vector<16xi32>,
          %mul3A_702 = arith.constant 80 : i32
          %mul3A_703 = arith.muli %add3A_667, %mul3A_702 : i32
          %add3A_704 = arith.constant 32 : i32
          %add3A_705 = arith.addi %mul3A_703, %add3A_704 : i32
          %multiple_of3A_706 = tpu.assume_multiple %add3A_705, 16 : i32
          %get3A_707 = arith.index_cast %multiple_of3A_706 : i32 to index
          %get3A_708 = tpu.vector_load %arg7[%get3A_707] {strides = array<i32>} : memref<20000xi32, #tpu.memory_space<vmem>>, vector<16xi32>,
          %get3A_709 = vector.shape_cast %get3A_708 : vector<16xi32> to vector<16xi32>
          %mul3A_710 = arith.constant 2 : i32
          %mul3A_711 = vector.broadcast %mul3A_710 : i32 to vector<16xi32>
          %mul3A_712 = arith.muli %get3A_709, %mul3A_711 : vector<16xi32>
          %add3A_713 = vector.broadcast %arg0 : i32 to vector<16xi32>
          %add3A_714 = arith.addi %mul3A_712, %add3A_713 : vector<16xi32>
          %swap3A_715 = arith.index_cast %multiple_of3A_706 : i32 to index
          %swap3A_716 = tpu.vector_load %arg7[%swap3A_715] {strides = array<i32>} : memref<20000xi32, #tpu.memory_space<vmem>>, vector<16xi32>,
          %swap3A_717 = vector.shape_cast %swap3A_716 : vector<16xi32> to vector<16xi32>
          %swap3A_718 = vector.shape_cast %add3A_714 : vector<16xi32> to vector<16xi32>
          tpu.vector_store %arg7[%swap3A_715], %swap3A_718 {strides = array<i32>} : memref<20000xi32, #tpu.memory_space<vmem>>, vector<16xi32>,
          %mul3A_719 = arith.constant 80 : i32
          %mul3A_720 = arith.muli %add3A_667, %mul3A_719 : i32
          %add3A_721 = arith.constant 48 : i32
          %add3A_722 = arith.addi %mul3A_720, %add3A_721 : i32
          %multiple_of3A_723 = tpu.assume_multiple %add3A_722, 16 : i32
          %get3A_724 = arith.index_cast %multiple_of3A_723 : i32 to index
          %get3A_725 = tpu.vector_load %arg7[%get3A_724] {strides = array<i32>} : memref<20000xi32, #tpu.memory_space<vmem>>, vector<16xi32>,
          %get3A_726 = vector.shape_cast %get3A_725 : vector<16xi32> to vector<16xi32>
          %mul3A_727 = arith.constant 2 : i32
          %mul3A_728 = vector.broadcast %mul3A_727 : i32 to vector<16xi32>
          %mul3A_729 = arith.muli %get3A_726, %mul3A_728 : vector<16xi32>
          %add3A_730 = vector.broadcast %arg0 : i32 to vector<16xi32>
          %add3A_731 = arith.addi %mul3A_729, %add3A_730 : vector<16xi32>
          %swap3A_732 = arith.index_cast %multiple_of3A_723 : i32 to index
          %swap3A_733 = tpu.vector_load %arg7[%swap3A_732] {strides = array<i32>} : memref<20000xi32, #tpu.memory_space<vmem>>, vector<16xi32>,
          %swap3A_734 = vector.shape_cast %swap3A_733 : vector<16xi32> to vector<16xi32>
          %swap3A_735 = vector.shape_cast %add3A_731 : vector<16xi32> to vector<16xi32>
          tpu.vector_store %arg7[%swap3A_732], %swap3A_735 {strides = array<i32>} : memref<20000xi32, #tpu.memory_space<vmem>>, vector<16xi32>,
          %mul3A_736 = arith.constant 80 : i32
          %mul3A_737 = arith.muli %add3A_667, %mul3A_736 : i32
          %add3A_738 = arith.constant 64 : i32
          %add3A_739 = arith.addi %mul3A_737, %add3A_738 : i32
          %multiple_of3A_740 = tpu.assume_multiple %add3A_739, 16 : i32
          %get3A_741 = arith.index_cast %multiple_of3A_740 : i32 to index
          %get3A_742 = tpu.vector_load %arg7[%get3A_741] {strides = array<i32>} : memref<20000xi32, #tpu.memory_space<vmem>>, vector<16xi32>,
          %get3A_743 = vector.shape_cast %get3A_742 : vector<16xi32> to vector<16xi32>
          %mul3A_744 = arith.constant 2 : i32
          %mul3A_745 = vector.broadcast %mul3A_744 : i32 to vector<16xi32>
          %mul3A_746 = arith.muli %get3A_743, %mul3A_745 : vector<16xi32>
          %add3A_747 = vector.broadcast %arg0 : i32 to vector<16xi32>
          %add3A_748 = arith.addi %mul3A_746, %add3A_747 : vector<16xi32>
          %swap3A_749 = arith.index_cast %multiple_of3A_740 : i32 to index
          %swap3A_750 = tpu.vector_load %arg7[%swap3A_749] {strides = array<i32>} : memref<20000xi32, #tpu.memory_space<vmem>>, vector<16xi32>,
          %swap3A_751 = vector.shape_cast %swap3A_750 : vector<16xi32> to vector<16xi32>
          %swap3A_752 = vector.shape_cast %add3A_748 : vector<16xi32> to vector<16xi32>
          tpu.vector_store %arg7[%swap3A_749], %swap3A_752 {strides = array<i32>} : memref<20000xi32, #tpu.memory_space<vmem>>, vector<16xi32>,
          %add3A_753 = arith.constant 4 : i32
          %add3A_754 = arith.addi %add3A_492, %add3A_753 : i32
          %mul3A_755 = arith.constant 80 : i32
          %mul3A_756 = arith.muli %add3A_754, %mul3A_755 : i32
          %dma_start3A_757 = tpu.memref_slice %arg7[%mul3A_756] : memref<20000xi32, #tpu.memory_space<vmem>> -> memref<80xi32, #tpu.memory_space<vmem>>
          %dma_start3A_758 = arith.constant 0 : i32
          %dma_start3A_759 = arith.constant 0 : i32
          %dma_start3A_760 = tpu.memref_slice %arg4[%dma_start3A_758, %dma_start3A_759] : memref<20000x64xf32, #tpu.memory_space<hbm>> -> memref<20000x64xf32, #tpu.memory_space<hbm>>
          tpu.enqueue_indirect_dma source(%dma_start3A_760 : memref<20000x64xf32, #tpu.memory_space<hbm>>) target(%arg13 : memref<80x64xf32, #tpu.memory_space<vmem>>) offsets(%dma_start3A_757 : memref<80xi32, #tpu.memory_space<vmem>>) semaphore(%arg20 : memref<!tpu.dma_semaphore, #tpu.memory_space<semaphore_mem>>)
        } else {
        }
        %mul3A_522 = arith.constant 5 : i32
        %mul3A_523 = arith.muli %mul3A_522, %scan3A_488 : i32
        %add3A_524 = arith.constant 1 : i32
        %add3A_525 = arith.addi %mul3A_523, %add3A_524 : i32
        %mul3A_526 = arith.constant 80 : i32
        %mul3A_527 = arith.muli %add3A_525, %mul3A_526 : i32
        %dma_wait3A_528 = tpu.memref_slice %arg7[%mul3A_527] : memref<20000xi32, #tpu.memory_space<vmem>> -> memref<80xi32, #tpu.memory_space<vmem>>
        %dma_wait3A_529 = arith.constant 0 : i32
        %dma_wait3A_530 = arith.constant 0 : i32
        %dma_wait3A_531 = tpu.memref_slice %arg4[%dma_wait3A_529, %dma_wait3A_530] : memref<20000x64xf32, #tpu.memory_space<hbm>> -> memref<20000x64xf32, #tpu.memory_space<hbm>>
        tpu.wait_indirect_dma semaphore(%arg17 : memref<!tpu.dma_semaphore, #tpu.memory_space<semaphore_mem>>) src(%dma_wait3A_531 : memref<20000x64xf32, #tpu.memory_space<hbm>>) dst(%arg10 : memref<80x64xf32, #tpu.memory_space<vmem>>)
        %mul3A_532 = arith.constant 80 : i32
        %mul3A_533 = arith.muli %add3A_525, %mul3A_532 : i32
        %dma_start3A_534 = tpu.memref_slice %arg8[%mul3A_533] : memref<20000xi32, #tpu.memory_space<vmem>> -> memref<80xi32, #tpu.memory_space<vmem>>
        %dma_start3A_535 = arith.constant 0 : i32
        %dma_start3A_536 = arith.constant 0 : i32
        %dma_start3A_537 = tpu.memref_slice %arg27[%dma_start3A_535, %dma_start3A_536] : memref<10240x64xf32, #tpu.memory_space<vmem_shared>> -> memref<10240x64xf32, #tpu.memory_space<vmem_shared>>
        tpu.enqueue_indirect_dma source(%arg10 : memref<80x64xf32, #tpu.memory_space<vmem>>) target(%dma_start3A_537 : memref<10240x64xf32, #tpu.memory_space<vmem_shared>>) offsets(%dma_start3A_534 : memref<80xi32, #tpu.memory_space<vmem>>) semaphore(%arg22 : memref<!tpu.dma_semaphore, #tpu.memory_space<semaphore_mem>>) {add = true}
        %ge3A_538 = arith.constant 125 : i32
        %ge3A_539 = arith.cmpi sge, %add3A_525, %ge3A_538 : i32
        %lt3A_540 = arith.constant 250 : i32
        %lt3A_541 = arith.cmpi slt, %add3A_525, %lt3A_540 : i32
        %and3A_542 = arith.andi %ge3A_539, %lt3A_541 : i1
        %convert_element_type3A_543 = arith.extui %and3A_542 : i1 to i32
        %cond3A_544 = arith.constant 0 : i32
        %cond3A_545 = arith.cmpi ne, %convert_element_type3A_543, %cond3A_544 : i32
        scf.if %cond3A_545 {
          %mul3A_666 = arith.constant 80 : i32
          %mul3A_667 = arith.muli %add3A_525, %mul3A_666 : i32
          %dma_start3A_668 = tpu.memref_slice %arg8[%mul3A_667] : memref<20000xi32, #tpu.memory_space<vmem>> -> memref<80xi32, #tpu.memory_space<vmem>>
          %dma_start3A_669 = arith.constant 0 : i32
          %dma_start3A_670 = arith.constant 0 : i32
          %dma_start3A_671 = tpu.memref_slice %arg28[%dma_start3A_669, %dma_start3A_670] : memref<10240x16xf32, #tpu.memory_space<vmem_shared>> -> memref<10240x16xf32, #tpu.memory_space<vmem_shared>>
          tpu.enqueue_indirect_dma source(%arg14 : memref<80x16xf32, #tpu.memory_space<vmem>>) target(%dma_start3A_671 : memref<10240x16xf32, #tpu.memory_space<vmem_shared>>) offsets(%dma_start3A_668 : memref<80xi32, #tpu.memory_space<vmem>>) semaphore(%arg26 : memref<!tpu.dma_semaphore, #tpu.memory_space<semaphore_mem>>) {add = true}
        } else {
        }
        %ge3A_546 = arith.constant 1 : i32
        %ge3A_547 = arith.cmpi sge, %add3A_525, %ge3A_546 : i32
        %convert_element_type3A_548 = arith.extui %ge3A_547 : i1 to i32
        %cond3A_549 = arith.constant 0 : i32
        %cond3A_550 = arith.cmpi ne, %convert_element_type3A_548, %cond3A_549 : i32
        scf.if %cond3A_550 {
          %dma_wait3A_666 = arith.constant 0 : i32
          %dma_wait3A_667 = tpu.memref_slice %arg8[%dma_wait3A_666] : memref<20000xi32, #tpu.memory_space<vmem>> -> memref<80xi32, #tpu.memory_space<vmem>>
          %dma_wait3A_668 = arith.constant 0 : i32
          %dma_wait3A_669 = arith.constant 0 : i32
          %dma_wait3A_670 = tpu.memref_slice %arg27[%dma_wait3A_668, %dma_wait3A_669] : memref<10240x64xf32, #tpu.memory_space<vmem_shared>> -> memref<10240x64xf32, #tpu.memory_space<vmem_shared>>
          tpu.wait_indirect_dma semaphore(%arg21 : memref<!tpu.dma_semaphore, #tpu.memory_space<semaphore_mem>>) src(%arg9 : memref<80x64xf32, #tpu.memory_space<vmem>>) dst(%dma_wait3A_670 : memref<10240x64xf32, #tpu.memory_space<vmem_shared>>)
        } else {
        }
        %add3A_551 = arith.constant 4 : i32
        %add3A_552 = arith.addi %add3A_525, %add3A_551 : i32
        %lt3A_553 = arith.constant 250 : i32
        %lt3A_554 = arith.cmpi slt, %add3A_552, %lt3A_553 : i32
        %convert_element_type3A_555 = arith.extui %lt3A_554 : i1 to i32
        %cond3A_556 = arith.constant 0 : i32
        %cond3A_557 = arith.cmpi ne, %convert_element_type3A_555, %cond3A_556 : i32
        scf.if %cond3A_557 {
          %add3A_666 = arith.constant 4 : i32
          %add3A_667 = arith.addi %add3A_525, %add3A_666 : i32
          %mul3A_668 = arith.constant 80 : i32
          %mul3A_669 = arith.muli %add3A_667, %mul3A_668 : i32
          %add3A_670 = arith.constant 0 : i32
          %add3A_671 = arith.addi %mul3A_669, %add3A_670 : i32
          %multiple_of3A_672 = tpu.assume_multiple %add3A_671, 16 : i32
          %get3A_673 = arith.index_cast %multiple_of3A_672 : i32 to index
          %get3A_674 = tpu.vector_load %arg7[%get3A_673] {strides = array<i32>} : memref<20000xi32, #tpu.memory_space<vmem>>, vector<16xi32>,
          %get3A_675 = vector.shape_cast %get3A_674 : vector<16xi32> to vector<16xi32>
          %mul3A_676 = arith.constant 2 : i32
          %mul3A_677 = vector.broadcast %mul3A_676 : i32 to vector<16xi32>
          %mul3A_678 = arith.muli %get3A_675, %mul3A_677 : vector<16xi32>
          %add3A_679 = vector.broadcast %arg0 : i32 to vector<16xi32>
          %add3A_680 = arith.addi %mul3A_678, %add3A_679 : vector<16xi32>
          %swap3A_681 = arith.index_cast %multiple_of3A_672 : i32 to index
          %swap3A_682 = tpu.vector_load %arg7[%swap3A_681] {strides = array<i32>} : memref<20000xi32, #tpu.memory_space<vmem>>, vector<16xi32>,
          %swap3A_683 = vector.shape_cast %swap3A_682 : vector<16xi32> to vector<16xi32>
          %swap3A_684 = vector.shape_cast %add3A_680 : vector<16xi32> to vector<16xi32>
          tpu.vector_store %arg7[%swap3A_681], %swap3A_684 {strides = array<i32>} : memref<20000xi32, #tpu.memory_space<vmem>>, vector<16xi32>,
          %mul3A_685 = arith.constant 80 : i32
          %mul3A_686 = arith.muli %add3A_667, %mul3A_685 : i32
          %add3A_687 = arith.constant 16 : i32
          %add3A_688 = arith.addi %mul3A_686, %add3A_687 : i32
          %multiple_of3A_689 = tpu.assume_multiple %add3A_688, 16 : i32
          %get3A_690 = arith.index_cast %multiple_of3A_689 : i32 to index
          %get3A_691 = tpu.vector_load %arg7[%get3A_690] {strides = array<i32>} : memref<20000xi32, #tpu.memory_space<vmem>>, vector<16xi32>,
          %get3A_692 = vector.shape_cast %get3A_691 : vector<16xi32> to vector<16xi32>
          %mul3A_693 = arith.constant 2 : i32
          %mul3A_694 = vector.broadcast %mul3A_693 : i32 to vector<16xi32>
          %mul3A_695 = arith.muli %get3A_692, %mul3A_694 : vector<16xi32>
          %add3A_696 = vector.broadcast %arg0 : i32 to vector<16xi32>
          %add3A_697 = arith.addi %mul3A_695, %add3A_696 : vector<16xi32>
          %swap3A_698 = arith.index_cast %multiple_of3A_689 : i32 to index
          %swap3A_699 = tpu.vector_load %arg7[%swap3A_698] {strides = array<i32>} : memref<20000xi32, #tpu.memory_space<vmem>>, vector<16xi32>,
          %swap3A_700 = vector.shape_cast %swap3A_699 : vector<16xi32> to vector<16xi32>
          %swap3A_701 = vector.shape_cast %add3A_697 : vector<16xi32> to vector<16xi32>
          tpu.vector_store %arg7[%swap3A_698], %swap3A_701 {strides = array<i32>} : memref<20000xi32, #tpu.memory_space<vmem>>, vector<16xi32>,
          %mul3A_702 = arith.constant 80 : i32
          %mul3A_703 = arith.muli %add3A_667, %mul3A_702 : i32
          %add3A_704 = arith.constant 32 : i32
          %add3A_705 = arith.addi %mul3A_703, %add3A_704 : i32
          %multiple_of3A_706 = tpu.assume_multiple %add3A_705, 16 : i32
          %get3A_707 = arith.index_cast %multiple_of3A_706 : i32 to index
          %get3A_708 = tpu.vector_load %arg7[%get3A_707] {strides = array<i32>} : memref<20000xi32, #tpu.memory_space<vmem>>, vector<16xi32>,
          %get3A_709 = vector.shape_cast %get3A_708 : vector<16xi32> to vector<16xi32>
          %mul3A_710 = arith.constant 2 : i32
          %mul3A_711 = vector.broadcast %mul3A_710 : i32 to vector<16xi32>
          %mul3A_712 = arith.muli %get3A_709, %mul3A_711 : vector<16xi32>
          %add3A_713 = vector.broadcast %arg0 : i32 to vector<16xi32>
          %add3A_714 = arith.addi %mul3A_712, %add3A_713 : vector<16xi32>
          %swap3A_715 = arith.index_cast %multiple_of3A_706 : i32 to index
          %swap3A_716 = tpu.vector_load %arg7[%swap3A_715] {strides = array<i32>} : memref<20000xi32, #tpu.memory_space<vmem>>, vector<16xi32>,
          %swap3A_717 = vector.shape_cast %swap3A_716 : vector<16xi32> to vector<16xi32>
          %swap3A_718 = vector.shape_cast %add3A_714 : vector<16xi32> to vector<16xi32>
          tpu.vector_store %arg7[%swap3A_715], %swap3A_718 {strides = array<i32>} : memref<20000xi32, #tpu.memory_space<vmem>>, vector<16xi32>,
          %mul3A_719 = arith.constant 80 : i32
          %mul3A_720 = arith.muli %add3A_667, %mul3A_719 : i32
          %add3A_721 = arith.constant 48 : i32
          %add3A_722 = arith.addi %mul3A_720, %add3A_721 : i32
          %multiple_of3A_723 = tpu.assume_multiple %add3A_722, 16 : i32
          %get3A_724 = arith.index_cast %multiple_of3A_723 : i32 to index
          %get3A_725 = tpu.vector_load %arg7[%get3A_724] {strides = array<i32>} : memref<20000xi32, #tpu.memory_space<vmem>>, vector<16xi32>,
          %get3A_726 = vector.shape_cast %get3A_725 : vector<16xi32> to vector<16xi32>
          %mul3A_727 = arith.constant 2 : i32
          %mul3A_728 = vector.broadcast %mul3A_727 : i32 to vector<16xi32>
          %mul3A_729 = arith.muli %get3A_726, %mul3A_728 : vector<16xi32>
          %add3A_730 = vector.broadcast %arg0 : i32 to vector<16xi32>
          %add3A_731 = arith.addi %mul3A_729, %add3A_730 : vector<16xi32>
          %swap3A_732 = arith.index_cast %multiple_of3A_723 : i32 to index
          %swap3A_733 = tpu.vector_load %arg7[%swap3A_732] {strides = array<i32>} : memref<20000xi32, #tpu.memory_space<vmem>>, vector<16xi32>,
          %swap3A_734 = vector.shape_cast %swap3A_733 : vector<16xi32> to vector<16xi32>
          %swap3A_735 = vector.shape_cast %add3A_731 : vector<16xi32> to vector<16xi32>
          tpu.vector_store %arg7[%swap3A_732], %swap3A_735 {strides = array<i32>} : memref<20000xi32, #tpu.memory_space<vmem>>, vector<16xi32>,
          %mul3A_736 = arith.constant 80 : i32
          %mul3A_737 = arith.muli %add3A_667, %mul3A_736 : i32
          %add3A_738 = arith.constant 64 : i32
          %add3A_739 = arith.addi %mul3A_737, %add3A_738 : i32
          %multiple_of3A_740 = tpu.assume_multiple %add3A_739, 16 : i32
          %get3A_741 = arith.index_cast %multiple_of3A_740 : i32 to index
          %get3A_742 = tpu.vector_load %arg7[%get3A_741] {strides = array<i32>} : memref<20000xi32, #tpu.memory_space<vmem>>, vector<16xi32>,
          %get3A_743 = vector.shape_cast %get3A_742 : vector<16xi32> to vector<16xi32>
          %mul3A_744 = arith.constant 2 : i32
          %mul3A_745 = vector.broadcast %mul3A_744 : i32 to vector<16xi32>
          %mul3A_746 = arith.muli %get3A_743, %mul3A_745 : vector<16xi32>
          %add3A_747 = vector.broadcast %arg0 : i32 to vector<16xi32>
          %add3A_748 = arith.addi %mul3A_746, %add3A_747 : vector<16xi32>
          %swap3A_749 = arith.index_cast %multiple_of3A_740 : i32 to index
          %swap3A_750 = tpu.vector_load %arg7[%swap3A_749] {strides = array<i32>} : memref<20000xi32, #tpu.memory_space<vmem>>, vector<16xi32>,
          %swap3A_751 = vector.shape_cast %swap3A_750 : vector<16xi32> to vector<16xi32>
          %swap3A_752 = vector.shape_cast %add3A_748 : vector<16xi32> to vector<16xi32>
          tpu.vector_store %arg7[%swap3A_749], %swap3A_752 {strides = array<i32>} : memref<20000xi32, #tpu.memory_space<vmem>>, vector<16xi32>,
          %add3A_753 = arith.constant 4 : i32
          %add3A_754 = arith.addi %add3A_525, %add3A_753 : i32
          %mul3A_755 = arith.constant 80 : i32
          %mul3A_756 = arith.muli %add3A_754, %mul3A_755 : i32
          %dma_start3A_757 = tpu.memref_slice %arg7[%mul3A_756] : memref<20000xi32, #tpu.memory_space<vmem>> -> memref<80xi32, #tpu.memory_space<vmem>>
          %dma_start3A_758 = arith.constant 0 : i32
          %dma_start3A_759 = arith.constant 0 : i32
          %dma_start3A_760 = tpu.memref_slice %arg4[%dma_start3A_758, %dma_start3A_759] : memref<20000x64xf32, #tpu.memory_space<hbm>> -> memref<20000x64xf32, #tpu.memory_space<hbm>>
          tpu.enqueue_indirect_dma source(%dma_start3A_760 : memref<20000x64xf32, #tpu.memory_space<hbm>>) target(%arg9 : memref<80x64xf32, #tpu.memory_space<vmem>>) offsets(%dma_start3A_757 : memref<80xi32, #tpu.memory_space<vmem>>) semaphore(%arg16 : memref<!tpu.dma_semaphore, #tpu.memory_space<semaphore_mem>>)
        } else {
        }
        %mul3A_558 = arith.constant 5 : i32
        %mul3A_559 = arith.muli %mul3A_558, %scan3A_488 : i32
        %add3A_560 = arith.constant 2 : i32
        %add3A_561 = arith.addi %mul3A_559, %add3A_560 : i32
        %mul3A_562 = arith.constant 80 : i32
        %mul3A_563 = arith.muli %add3A_561, %mul3A_562 : i32
        %dma_wait3A_564 = tpu.memref_slice %arg7[%mul3A_563] : memref<20000xi32, #tpu.memory_space<vmem>> -> memref<80xi32, #tpu.memory_space<vmem>>
        %dma_wait3A_565 = arith.constant 0 : i32
        %dma_wait3A_566 = arith.constant 0 : i32
        %dma_wait3A_567 = tpu.memref_slice %arg4[%dma_wait3A_565, %dma_wait3A_566] : memref<20000x64xf32, #tpu.memory_space<hbm>> -> memref<20000x64xf32, #tpu.memory_space<hbm>>
        tpu.wait_indirect_dma semaphore(%arg18 : memref<!tpu.dma_semaphore, #tpu.memory_space<semaphore_mem>>) src(%dma_wait3A_567 : memref<20000x64xf32, #tpu.memory_space<hbm>>) dst(%arg11 : memref<80x64xf32, #tpu.memory_space<vmem>>)
        %mul3A_568 = arith.constant 80 : i32
        %mul3A_569 = arith.muli %add3A_561, %mul3A_568 : i32
        %dma_start3A_570 = tpu.memref_slice %arg8[%mul3A_569] : memref<20000xi32, #tpu.memory_space<vmem>> -> memref<80xi32, #tpu.memory_space<vmem>>
        %dma_start3A_571 = arith.constant 0 : i32
        %dma_start3A_572 = arith.constant 0 : i32
        %dma_start3A_573 = tpu.memref_slice %arg27[%dma_start3A_571, %dma_start3A_572] : memref<10240x64xf32, #tpu.memory_space<vmem_shared>> -> memref<10240x64xf32, #tpu.memory_space<vmem_shared>>
        tpu.enqueue_indirect_dma source(%arg11 : memref<80x64xf32, #tpu.memory_space<vmem>>) target(%dma_start3A_573 : memref<10240x64xf32, #tpu.memory_space<vmem_shared>>) offsets(%dma_start3A_570 : memref<80xi32, #tpu.memory_space<vmem>>) semaphore(%arg23 : memref<!tpu.dma_semaphore, #tpu.memory_space<semaphore_mem>>) {add = true}
        %ge3A_574 = arith.constant 125 : i32
        %ge3A_575 = arith.cmpi sge, %add3A_561, %ge3A_574 : i32
        %lt3A_576 = arith.constant 250 : i32
        %lt3A_577 = arith.cmpi slt, %add3A_561, %lt3A_576 : i32
        %and3A_578 = arith.andi %ge3A_575, %lt3A_577 : i1
        %convert_element_type3A_579 = arith.extui %and3A_578 : i1 to i32
        %cond3A_580 = arith.constant 0 : i32
        %cond3A_581 = arith.cmpi ne, %convert_element_type3A_579, %cond3A_580 : i32
        scf.if %cond3A_581 {
          %mul3A_666 = arith.constant 80 : i32
          %mul3A_667 = arith.muli %add3A_561, %mul3A_666 : i32
          %dma_start3A_668 = tpu.memref_slice %arg8[%mul3A_667] : memref<20000xi32, #tpu.memory_space<vmem>> -> memref<80xi32, #tpu.memory_space<vmem>>
          %dma_start3A_669 = arith.constant 0 : i32
          %dma_start3A_670 = arith.constant 0 : i32
          %dma_start3A_671 = tpu.memref_slice %arg28[%dma_start3A_669, %dma_start3A_670] : memref<10240x16xf32, #tpu.memory_space<vmem_shared>> -> memref<10240x16xf32, #tpu.memory_space<vmem_shared>>
          tpu.enqueue_indirect_dma source(%arg14 : memref<80x16xf32, #tpu.memory_space<vmem>>) target(%dma_start3A_671 : memref<10240x16xf32, #tpu.memory_space<vmem_shared>>) offsets(%dma_start3A_668 : memref<80xi32, #tpu.memory_space<vmem>>) semaphore(%arg26 : memref<!tpu.dma_semaphore, #tpu.memory_space<semaphore_mem>>) {add = true}
        } else {
        }
        %ge3A_582 = arith.constant 1 : i32
        %ge3A_583 = arith.cmpi sge, %add3A_561, %ge3A_582 : i32
        %convert_element_type3A_584 = arith.extui %ge3A_583 : i1 to i32
        %cond3A_585 = arith.constant 0 : i32
        %cond3A_586 = arith.cmpi ne, %convert_element_type3A_584, %cond3A_585 : i32
        scf.if %cond3A_586 {
          %dma_wait3A_666 = arith.constant 0 : i32
          %dma_wait3A_667 = tpu.memref_slice %arg8[%dma_wait3A_666] : memref<20000xi32, #tpu.memory_space<vmem>> -> memref<80xi32, #tpu.memory_space<vmem>>
          %dma_wait3A_668 = arith.constant 0 : i32
          %dma_wait3A_669 = arith.constant 0 : i32
          %dma_wait3A_670 = tpu.memref_slice %arg27[%dma_wait3A_668, %dma_wait3A_669] : memref<10240x64xf32, #tpu.memory_space<vmem_shared>> -> memref<10240x64xf32, #tpu.memory_space<vmem_shared>>
          tpu.wait_indirect_dma semaphore(%arg22 : memref<!tpu.dma_semaphore, #tpu.memory_space<semaphore_mem>>) src(%arg10 : memref<80x64xf32, #tpu.memory_space<vmem>>) dst(%dma_wait3A_670 : memref<10240x64xf32, #tpu.memory_space<vmem_shared>>)
        } else {
        }
        %add3A_587 = arith.constant 4 : i32
        %add3A_588 = arith.addi %add3A_561, %add3A_587 : i32
        %lt3A_589 = arith.constant 250 : i32
        %lt3A_590 = arith.cmpi slt, %add3A_588, %lt3A_589 : i32
        %convert_element_type3A_591 = arith.extui %lt3A_590 : i1 to i32
        %cond3A_592 = arith.constant 0 : i32
        %cond3A_593 = arith.cmpi ne, %convert_element_type3A_591, %cond3A_592 : i32
        scf.if %cond3A_593 {
          %add3A_666 = arith.constant 4 : i32
          %add3A_667 = arith.addi %add3A_561, %add3A_666 : i32
          %mul3A_668 = arith.constant 80 : i32
          %mul3A_669 = arith.muli %add3A_667, %mul3A_668 : i32
          %add3A_670 = arith.constant 0 : i32
          %add3A_671 = arith.addi %mul3A_669, %add3A_670 : i32
          %multiple_of3A_672 = tpu.assume_multiple %add3A_671, 16 : i32
          %get3A_673 = arith.index_cast %multiple_of3A_672 : i32 to index
          %get3A_674 = tpu.vector_load %arg7[%get3A_673] {strides = array<i32>} : memref<20000xi32, #tpu.memory_space<vmem>>, vector<16xi32>,
          %get3A_675 = vector.shape_cast %get3A_674 : vector<16xi32> to vector<16xi32>
          %mul3A_676 = arith.constant 2 : i32
          %mul3A_677 = vector.broadcast %mul3A_676 : i32 to vector<16xi32>
          %mul3A_678 = arith.muli %get3A_675, %mul3A_677 : vector<16xi32>
          %add3A_679 = vector.broadcast %arg0 : i32 to vector<16xi32>
          %add3A_680 = arith.addi %mul3A_678, %add3A_679 : vector<16xi32>
          %swap3A_681 = arith.index_cast %multiple_of3A_672 : i32 to index
          %swap3A_682 = tpu.vector_load %arg7[%swap3A_681] {strides = array<i32>} : memref<20000xi32, #tpu.memory_space<vmem>>, vector<16xi32>,
          %swap3A_683 = vector.shape_cast %swap3A_682 : vector<16xi32> to vector<16xi32>
          %swap3A_684 = vector.shape_cast %add3A_680 : vector<16xi32> to vector<16xi32>
          tpu.vector_store %arg7[%swap3A_681], %swap3A_684 {strides = array<i32>} : memref<20000xi32, #tpu.memory_space<vmem>>, vector<16xi32>,
          %mul3A_685 = arith.constant 80 : i32
          %mul3A_686 = arith.muli %add3A_667, %mul3A_685 : i32
          %add3A_687 = arith.constant 16 : i32
          %add3A_688 = arith.addi %mul3A_686, %add3A_687 : i32
          %multiple_of3A_689 = tpu.assume_multiple %add3A_688, 16 : i32
          %get3A_690 = arith.index_cast %multiple_of3A_689 : i32 to index
          %get3A_691 = tpu.vector_load %arg7[%get3A_690] {strides = array<i32>} : memref<20000xi32, #tpu.memory_space<vmem>>, vector<16xi32>,
          %get3A_692 = vector.shape_cast %get3A_691 : vector<16xi32> to vector<16xi32>
          %mul3A_693 = arith.constant 2 : i32
          %mul3A_694 = vector.broadcast %mul3A_693 : i32 to vector<16xi32>
          %mul3A_695 = arith.muli %get3A_692, %mul3A_694 : vector<16xi32>
          %add3A_696 = vector.broadcast %arg0 : i32 to vector<16xi32>
          %add3A_697 = arith.addi %mul3A_695, %add3A_696 : vector<16xi32>
          %swap3A_698 = arith.index_cast %multiple_of3A_689 : i32 to index
          %swap3A_699 = tpu.vector_load %arg7[%swap3A_698] {strides = array<i32>} : memref<20000xi32, #tpu.memory_space<vmem>>, vector<16xi32>,
          %swap3A_700 = vector.shape_cast %swap3A_699 : vector<16xi32> to vector<16xi32>
          %swap3A_701 = vector.shape_cast %add3A_697 : vector<16xi32> to vector<16xi32>
          tpu.vector_store %arg7[%swap3A_698], %swap3A_701 {strides = array<i32>} : memref<20000xi32, #tpu.memory_space<vmem>>, vector<16xi32>,
          %mul3A_702 = arith.constant 80 : i32
          %mul3A_703 = arith.muli %add3A_667, %mul3A_702 : i32
          %add3A_704 = arith.constant 32 : i32
          %add3A_705 = arith.addi %mul3A_703, %add3A_704 : i32
          %multiple_of3A_706 = tpu.assume_multiple %add3A_705, 16 : i32
          %get3A_707 = arith.index_cast %multiple_of3A_706 : i32 to index
          %get3A_708 = tpu.vector_load %arg7[%get3A_707] {strides = array<i32>} : memref<20000xi32, #tpu.memory_space<vmem>>, vector<16xi32>,
          %get3A_709 = vector.shape_cast %get3A_708 : vector<16xi32> to vector<16xi32>
          %mul3A_710 = arith.constant 2 : i32
          %mul3A_711 = vector.broadcast %mul3A_710 : i32 to vector<16xi32>
          %mul3A_712 = arith.muli %get3A_709, %mul3A_711 : vector<16xi32>
          %add3A_713 = vector.broadcast %arg0 : i32 to vector<16xi32>
          %add3A_714 = arith.addi %mul3A_712, %add3A_713 : vector<16xi32>
          %swap3A_715 = arith.index_cast %multiple_of3A_706 : i32 to index
          %swap3A_716 = tpu.vector_load %arg7[%swap3A_715] {strides = array<i32>} : memref<20000xi32, #tpu.memory_space<vmem>>, vector<16xi32>,
          %swap3A_717 = vector.shape_cast %swap3A_716 : vector<16xi32> to vector<16xi32>
          %swap3A_718 = vector.shape_cast %add3A_714 : vector<16xi32> to vector<16xi32>
          tpu.vector_store %arg7[%swap3A_715], %swap3A_718 {strides = array<i32>} : memref<20000xi32, #tpu.memory_space<vmem>>, vector<16xi32>,
          %mul3A_719 = arith.constant 80 : i32
          %mul3A_720 = arith.muli %add3A_667, %mul3A_719 : i32
          %add3A_721 = arith.constant 48 : i32
          %add3A_722 = arith.addi %mul3A_720, %add3A_721 : i32
          %multiple_of3A_723 = tpu.assume_multiple %add3A_722, 16 : i32
          %get3A_724 = arith.index_cast %multiple_of3A_723 : i32 to index
          %get3A_725 = tpu.vector_load %arg7[%get3A_724] {strides = array<i32>} : memref<20000xi32, #tpu.memory_space<vmem>>, vector<16xi32>,
          %get3A_726 = vector.shape_cast %get3A_725 : vector<16xi32> to vector<16xi32>
          %mul3A_727 = arith.constant 2 : i32
          %mul3A_728 = vector.broadcast %mul3A_727 : i32 to vector<16xi32>
          %mul3A_729 = arith.muli %get3A_726, %mul3A_728 : vector<16xi32>
          %add3A_730 = vector.broadcast %arg0 : i32 to vector<16xi32>
          %add3A_731 = arith.addi %mul3A_729, %add3A_730 : vector<16xi32>
          %swap3A_732 = arith.index_cast %multiple_of3A_723 : i32 to index
          %swap3A_733 = tpu.vector_load %arg7[%swap3A_732] {strides = array<i32>} : memref<20000xi32, #tpu.memory_space<vmem>>, vector<16xi32>,
          %swap3A_734 = vector.shape_cast %swap3A_733 : vector<16xi32> to vector<16xi32>
          %swap3A_735 = vector.shape_cast %add3A_731 : vector<16xi32> to vector<16xi32>
          tpu.vector_store %arg7[%swap3A_732], %swap3A_735 {strides = array<i32>} : memref<20000xi32, #tpu.memory_space<vmem>>, vector<16xi32>,
          %mul3A_736 = arith.constant 80 : i32
          %mul3A_737 = arith.muli %add3A_667, %mul3A_736 : i32
          %add3A_738 = arith.constant 64 : i32
          %add3A_739 = arith.addi %mul3A_737, %add3A_738 : i32
          %multiple_of3A_740 = tpu.assume_multiple %add3A_739, 16 : i32
          %get3A_741 = arith.index_cast %multiple_of3A_740 : i32 to index
          %get3A_742 = tpu.vector_load %arg7[%get3A_741] {strides = array<i32>} : memref<20000xi32, #tpu.memory_space<vmem>>, vector<16xi32>,
          %get3A_743 = vector.shape_cast %get3A_742 : vector<16xi32> to vector<16xi32>
          %mul3A_744 = arith.constant 2 : i32
          %mul3A_745 = vector.broadcast %mul3A_744 : i32 to vector<16xi32>
          %mul3A_746 = arith.muli %get3A_743, %mul3A_745 : vector<16xi32>
          %add3A_747 = vector.broadcast %arg0 : i32 to vector<16xi32>
          %add3A_748 = arith.addi %mul3A_746, %add3A_747 : vector<16xi32>
          %swap3A_749 = arith.index_cast %multiple_of3A_740 : i32 to index
          %swap3A_750 = tpu.vector_load %arg7[%swap3A_749] {strides = array<i32>} : memref<20000xi32, #tpu.memory_space<vmem>>, vector<16xi32>,
          %swap3A_751 = vector.shape_cast %swap3A_750 : vector<16xi32> to vector<16xi32>
          %swap3A_752 = vector.shape_cast %add3A_748 : vector<16xi32> to vector<16xi32>
          tpu.vector_store %arg7[%swap3A_749], %swap3A_752 {strides = array<i32>} : memref<20000xi32, #tpu.memory_space<vmem>>, vector<16xi32>,
          %add3A_753 = arith.constant 4 : i32
          %add3A_754 = arith.addi %add3A_561, %add3A_753 : i32
          %mul3A_755 = arith.constant 80 : i32
          %mul3A_756 = arith.muli %add3A_754, %mul3A_755 : i32
          %dma_start3A_757 = tpu.memref_slice %arg7[%mul3A_756] : memref<20000xi32, #tpu.memory_space<vmem>> -> memref<80xi32, #tpu.memory_space<vmem>>
          %dma_start3A_758 = arith.constant 0 : i32
          %dma_start3A_759 = arith.constant 0 : i32
          %dma_start3A_760 = tpu.memref_slice %arg4[%dma_start3A_758, %dma_start3A_759] : memref<20000x64xf32, #tpu.memory_space<hbm>> -> memref<20000x64xf32, #tpu.memory_space<hbm>>
          tpu.enqueue_indirect_dma source(%dma_start3A_760 : memref<20000x64xf32, #tpu.memory_space<hbm>>) target(%arg10 : memref<80x64xf32, #tpu.memory_space<vmem>>) offsets(%dma_start3A_757 : memref<80xi32, #tpu.memory_space<vmem>>) semaphore(%arg17 : memref<!tpu.dma_semaphore, #tpu.memory_space<semaphore_mem>>)
        } else {
        }
        %mul3A_594 = arith.constant 5 : i32
        %mul3A_595 = arith.muli %mul3A_594, %scan3A_488 : i32
        %add3A_596 = arith.constant 3 : i32
        %add3A_597 = arith.addi %mul3A_595, %add3A_596 : i32
        %mul3A_598 = arith.constant 80 : i32
        %mul3A_599 = arith.muli %add3A_597, %mul3A_598 : i32
        %dma_wait3A_600 = tpu.memref_slice %arg7[%mul3A_599] : memref<20000xi32, #tpu.memory_space<vmem>> -> memref<80xi32, #tpu.memory_space<vmem>>
        %dma_wait3A_601 = arith.constant 0 : i32
        %dma_wait3A_602 = arith.constant 0 : i32
        %dma_wait3A_603 = tpu.memref_slice %arg4[%dma_wait3A_601, %dma_wait3A_602] : memref<20000x64xf32, #tpu.memory_space<hbm>> -> memref<20000x64xf32, #tpu.memory_space<hbm>>
        tpu.wait_indirect_dma semaphore(%arg19 : memref<!tpu.dma_semaphore, #tpu.memory_space<semaphore_mem>>) src(%dma_wait3A_603 : memref<20000x64xf32, #tpu.memory_space<hbm>>) dst(%arg12 : memref<80x64xf32, #tpu.memory_space<vmem>>)
        %mul3A_604 = arith.constant 80 : i32
        %mul3A_605 = arith.muli %add3A_597, %mul3A_604 : i32
        %dma_start3A_606 = tpu.memref_slice %arg8[%mul3A_605] : memref<20000xi32, #tpu.memory_space<vmem>> -> memref<80xi32, #tpu.memory_space<vmem>>
        %dma_start3A_607 = arith.constant 0 : i32
        %dma_start3A_608 = arith.constant 0 : i32
        %dma_start3A_609 = tpu.memref_slice %arg27[%dma_start3A_607, %dma_start3A_608] : memref<10240x64xf32, #tpu.memory_space<vmem_shared>> -> memref<10240x64xf32, #tpu.memory_space<vmem_shared>>
        tpu.enqueue_indirect_dma source(%arg12 : memref<80x64xf32, #tpu.memory_space<vmem>>) target(%dma_start3A_609 : memref<10240x64xf32, #tpu.memory_space<vmem_shared>>) offsets(%dma_start3A_606 : memref<80xi32, #tpu.memory_space<vmem>>) semaphore(%arg24 : memref<!tpu.dma_semaphore, #tpu.memory_space<semaphore_mem>>) {add = true}
        %ge3A_610 = arith.constant 125 : i32
        %ge3A_611 = arith.cmpi sge, %add3A_597, %ge3A_610 : i32
        %lt3A_612 = arith.constant 250 : i32
        %lt3A_613 = arith.cmpi slt, %add3A_597, %lt3A_612 : i32
        %and3A_614 = arith.andi %ge3A_611, %lt3A_613 : i1
        %convert_element_type3A_615 = arith.extui %and3A_614 : i1 to i32
        %cond3A_616 = arith.constant 0 : i32
        %cond3A_617 = arith.cmpi ne, %convert_element_type3A_615, %cond3A_616 : i32
        scf.if %cond3A_617 {
          %mul3A_666 = arith.constant 80 : i32
          %mul3A_667 = arith.muli %add3A_597, %mul3A_666 : i32
          %dma_start3A_668 = tpu.memref_slice %arg8[%mul3A_667] : memref<20000xi32, #tpu.memory_space<vmem>> -> memref<80xi32, #tpu.memory_space<vmem>>
          %dma_start3A_669 = arith.constant 0 : i32
          %dma_start3A_670 = arith.constant 0 : i32
          %dma_start3A_671 = tpu.memref_slice %arg28[%dma_start3A_669, %dma_start3A_670] : memref<10240x16xf32, #tpu.memory_space<vmem_shared>> -> memref<10240x16xf32, #tpu.memory_space<vmem_shared>>
          tpu.enqueue_indirect_dma source(%arg14 : memref<80x16xf32, #tpu.memory_space<vmem>>) target(%dma_start3A_671 : memref<10240x16xf32, #tpu.memory_space<vmem_shared>>) offsets(%dma_start3A_668 : memref<80xi32, #tpu.memory_space<vmem>>) semaphore(%arg26 : memref<!tpu.dma_semaphore, #tpu.memory_space<semaphore_mem>>) {add = true}
        } else {
        }
        %ge3A_618 = arith.constant 1 : i32
        %ge3A_619 = arith.cmpi sge, %add3A_597, %ge3A_618 : i32
        %convert_element_type3A_620 = arith.extui %ge3A_619 : i1 to i32
        %cond3A_621 = arith.constant 0 : i32
        %cond3A_622 = arith.cmpi ne, %convert_element_type3A_620, %cond3A_621 : i32
        scf.if %cond3A_622 {
          %dma_wait3A_666 = arith.constant 0 : i32
          %dma_wait3A_667 = tpu.memref_slice %arg8[%dma_wait3A_666] : memref<20000xi32, #tpu.memory_space<vmem>> -> memref<80xi32, #tpu.memory_space<vmem>>
          %dma_wait3A_668 = arith.constant 0 : i32
          %dma_wait3A_669 = arith.constant 0 : i32
          %dma_wait3A_670 = tpu.memref_slice %arg27[%dma_wait3A_668, %dma_wait3A_669] : memref<10240x64xf32, #tpu.memory_space<vmem_shared>> -> memref<10240x64xf32, #tpu.memory_space<vmem_shared>>
          tpu.wait_indirect_dma semaphore(%arg23 : memref<!tpu.dma_semaphore, #tpu.memory_space<semaphore_mem>>) src(%arg11 : memref<80x64xf32, #tpu.memory_space<vmem>>) dst(%dma_wait3A_670 : memref<10240x64xf32, #tpu.memory_space<vmem_shared>>)
        } else {
        }
        %add3A_623 = arith.constant 4 : i32
        %add3A_624 = arith.addi %add3A_597, %add3A_623 : i32
        %lt3A_625 = arith.constant 250 : i32
        %lt3A_626 = arith.cmpi slt, %add3A_624, %lt3A_625 : i32
        %convert_element_type3A_627 = arith.extui %lt3A_626 : i1 to i32
        %cond3A_628 = arith.constant 0 : i32
        %cond3A_629 = arith.cmpi ne, %convert_element_type3A_627, %cond3A_628 : i32
        scf.if %cond3A_629 {
          %add3A_666 = arith.constant 4 : i32
          %add3A_667 = arith.addi %add3A_597, %add3A_666 : i32
          %mul3A_668 = arith.constant 80 : i32
          %mul3A_669 = arith.muli %add3A_667, %mul3A_668 : i32
          %add3A_670 = arith.constant 0 : i32
          %add3A_671 = arith.addi %mul3A_669, %add3A_670 : i32
          %multiple_of3A_672 = tpu.assume_multiple %add3A_671, 16 : i32
          %get3A_673 = arith.index_cast %multiple_of3A_672 : i32 to index
          %get3A_674 = tpu.vector_load %arg7[%get3A_673] {strides = array<i32>} : memref<20000xi32, #tpu.memory_space<vmem>>, vector<16xi32>,
          %get3A_675 = vector.shape_cast %get3A_674 : vector<16xi32> to vector<16xi32>
          %mul3A_676 = arith.constant 2 : i32
          %mul3A_677 = vector.broadcast %mul3A_676 : i32 to vector<16xi32>
          %mul3A_678 = arith.muli %get3A_675, %mul3A_677 : vector<16xi32>
          %add3A_679 = vector.broadcast %arg0 : i32 to vector<16xi32>
          %add3A_680 = arith.addi %mul3A_678, %add3A_679 : vector<16xi32>
          %swap3A_681 = arith.index_cast %multiple_of3A_672 : i32 to index
          %swap3A_682 = tpu.vector_load %arg7[%swap3A_681] {strides = array<i32>} : memref<20000xi32, #tpu.memory_space<vmem>>, vector<16xi32>,
          %swap3A_683 = vector.shape_cast %swap3A_682 : vector<16xi32> to vector<16xi32>
          %swap3A_684 = vector.shape_cast %add3A_680 : vector<16xi32> to vector<16xi32>
          tpu.vector_store %arg7[%swap3A_681], %swap3A_684 {strides = array<i32>} : memref<20000xi32, #tpu.memory_space<vmem>>, vector<16xi32>,
          %mul3A_685 = arith.constant 80 : i32
          %mul3A_686 = arith.muli %add3A_667, %mul3A_685 : i32
          %add3A_687 = arith.constant 16 : i32
          %add3A_688 = arith.addi %mul3A_686, %add3A_687 : i32
          %multiple_of3A_689 = tpu.assume_multiple %add3A_688, 16 : i32
          %get3A_690 = arith.index_cast %multiple_of3A_689 : i32 to index
          %get3A_691 = tpu.vector_load %arg7[%get3A_690] {strides = array<i32>} : memref<20000xi32, #tpu.memory_space<vmem>>, vector<16xi32>,
          %get3A_692 = vector.shape_cast %get3A_691 : vector<16xi32> to vector<16xi32>
          %mul3A_693 = arith.constant 2 : i32
          %mul3A_694 = vector.broadcast %mul3A_693 : i32 to vector<16xi32>
          %mul3A_695 = arith.muli %get3A_692, %mul3A_694 : vector<16xi32>
          %add3A_696 = vector.broadcast %arg0 : i32 to vector<16xi32>
          %add3A_697 = arith.addi %mul3A_695, %add3A_696 : vector<16xi32>
          %swap3A_698 = arith.index_cast %multiple_of3A_689 : i32 to index
          %swap3A_699 = tpu.vector_load %arg7[%swap3A_698] {strides = array<i32>} : memref<20000xi32, #tpu.memory_space<vmem>>, vector<16xi32>,
          %swap3A_700 = vector.shape_cast %swap3A_699 : vector<16xi32> to vector<16xi32>
          %swap3A_701 = vector.shape_cast %add3A_697 : vector<16xi32> to vector<16xi32>
          tpu.vector_store %arg7[%swap3A_698], %swap3A_701 {strides = array<i32>} : memref<20000xi32, #tpu.memory_space<vmem>>, vector<16xi32>,
          %mul3A_702 = arith.constant 80 : i32
          %mul3A_703 = arith.muli %add3A_667, %mul3A_702 : i32
          %add3A_704 = arith.constant 32 : i32
          %add3A_705 = arith.addi %mul3A_703, %add3A_704 : i32
          %multiple_of3A_706 = tpu.assume_multiple %add3A_705, 16 : i32
          %get3A_707 = arith.index_cast %multiple_of3A_706 : i32 to index
          %get3A_708 = tpu.vector_load %arg7[%get3A_707] {strides = array<i32>} : memref<20000xi32, #tpu.memory_space<vmem>>, vector<16xi32>,
          %get3A_709 = vector.shape_cast %get3A_708 : vector<16xi32> to vector<16xi32>
          %mul3A_710 = arith.constant 2 : i32
          %mul3A_711 = vector.broadcast %mul3A_710 : i32 to vector<16xi32>
          %mul3A_712 = arith.muli %get3A_709, %mul3A_711 : vector<16xi32>
          %add3A_713 = vector.broadcast %arg0 : i32 to vector<16xi32>
          %add3A_714 = arith.addi %mul3A_712, %add3A_713 : vector<16xi32>
          %swap3A_715 = arith.index_cast %multiple_of3A_706 : i32 to index
          %swap3A_716 = tpu.vector_load %arg7[%swap3A_715] {strides = array<i32>} : memref<20000xi32, #tpu.memory_space<vmem>>, vector<16xi32>,
          %swap3A_717 = vector.shape_cast %swap3A_716 : vector<16xi32> to vector<16xi32>
          %swap3A_718 = vector.shape_cast %add3A_714 : vector<16xi32> to vector<16xi32>
          tpu.vector_store %arg7[%swap3A_715], %swap3A_718 {strides = array<i32>} : memref<20000xi32, #tpu.memory_space<vmem>>, vector<16xi32>,
          %mul3A_719 = arith.constant 80 : i32
          %mul3A_720 = arith.muli %add3A_667, %mul3A_719 : i32
          %add3A_721 = arith.constant 48 : i32
          %add3A_722 = arith.addi %mul3A_720, %add3A_721 : i32
          %multiple_of3A_723 = tpu.assume_multiple %add3A_722, 16 : i32
          %get3A_724 = arith.index_cast %multiple_of3A_723 : i32 to index
          %get3A_725 = tpu.vector_load %arg7[%get3A_724] {strides = array<i32>} : memref<20000xi32, #tpu.memory_space<vmem>>, vector<16xi32>,
          %get3A_726 = vector.shape_cast %get3A_725 : vector<16xi32> to vector<16xi32>
          %mul3A_727 = arith.constant 2 : i32
          %mul3A_728 = vector.broadcast %mul3A_727 : i32 to vector<16xi32>
          %mul3A_729 = arith.muli %get3A_726, %mul3A_728 : vector<16xi32>
          %add3A_730 = vector.broadcast %arg0 : i32 to vector<16xi32>
          %add3A_731 = arith.addi %mul3A_729, %add3A_730 : vector<16xi32>
          %swap3A_732 = arith.index_cast %multiple_of3A_723 : i32 to index
          %swap3A_733 = tpu.vector_load %arg7[%swap3A_732] {strides = array<i32>} : memref<20000xi32, #tpu.memory_space<vmem>>, vector<16xi32>,
          %swap3A_734 = vector.shape_cast %swap3A_733 : vector<16xi32> to vector<16xi32>
          %swap3A_735 = vector.shape_cast %add3A_731 : vector<16xi32> to vector<16xi32>
          tpu.vector_store %arg7[%swap3A_732], %swap3A_735 {strides = array<i32>} : memref<20000xi32, #tpu.memory_space<vmem>>, vector<16xi32>,
          %mul3A_736 = arith.constant 80 : i32
          %mul3A_737 = arith.muli %add3A_667, %mul3A_736 : i32
          %add3A_738 = arith.constant 64 : i32
          %add3A_739 = arith.addi %mul3A_737, %add3A_738 : i32
          %multiple_of3A_740 = tpu.assume_multiple %add3A_739, 16 : i32
          %get3A_741 = arith.index_cast %multiple_of3A_740 : i32 to index
          %get3A_742 = tpu.vector_load %arg7[%get3A_741] {strides = array<i32>} : memref<20000xi32, #tpu.memory_space<vmem>>, vector<16xi32>,
          %get3A_743 = vector.shape_cast %get3A_742 : vector<16xi32> to vector<16xi32>
          %mul3A_744 = arith.constant 2 : i32
          %mul3A_745 = vector.broadcast %mul3A_744 : i32 to vector<16xi32>
          %mul3A_746 = arith.muli %get3A_743, %mul3A_745 : vector<16xi32>
          %add3A_747 = vector.broadcast %arg0 : i32 to vector<16xi32>
          %add3A_748 = arith.addi %mul3A_746, %add3A_747 : vector<16xi32>
          %swap3A_749 = arith.index_cast %multiple_of3A_740 : i32 to index
          %swap3A_750 = tpu.vector_load %arg7[%swap3A_749] {strides = array<i32>} : memref<20000xi32, #tpu.memory_space<vmem>>, vector<16xi32>,
          %swap3A_751 = vector.shape_cast %swap3A_750 : vector<16xi32> to vector<16xi32>
          %swap3A_752 = vector.shape_cast %add3A_748 : vector<16xi32> to vector<16xi32>
          tpu.vector_store %arg7[%swap3A_749], %swap3A_752 {strides = array<i32>} : memref<20000xi32, #tpu.memory_space<vmem>>, vector<16xi32>,
          %add3A_753 = arith.constant 4 : i32
          %add3A_754 = arith.addi %add3A_597, %add3A_753 : i32
          %mul3A_755 = arith.constant 80 : i32
          %mul3A_756 = arith.muli %add3A_754, %mul3A_755 : i32
          %dma_start3A_757 = tpu.memref_slice %arg7[%mul3A_756] : memref<20000xi32, #tpu.memory_space<vmem>> -> memref<80xi32, #tpu.memory_space<vmem>>
          %dma_start3A_758 = arith.constant 0 : i32
          %dma_start3A_759 = arith.constant 0 : i32
          %dma_start3A_760 = tpu.memref_slice %arg4[%dma_start3A_758, %dma_start3A_759] : memref<20000x64xf32, #tpu.memory_space<hbm>> -> memref<20000x64xf32, #tpu.memory_space<hbm>>
          tpu.enqueue_indirect_dma source(%dma_start3A_760 : memref<20000x64xf32, #tpu.memory_space<hbm>>) target(%arg11 : memref<80x64xf32, #tpu.memory_space<vmem>>) offsets(%dma_start3A_757 : memref<80xi32, #tpu.memory_space<vmem>>) semaphore(%arg18 : memref<!tpu.dma_semaphore, #tpu.memory_space<semaphore_mem>>)
        } else {
        }
        %mul3A_630 = arith.constant 5 : i32
        %mul3A_631 = arith.muli %mul3A_630, %scan3A_488 : i32
        %add3A_632 = arith.constant 4 : i32
        %add3A_633 = arith.addi %mul3A_631, %add3A_632 : i32
        %mul3A_634 = arith.constant 80 : i32
        %mul3A_635 = arith.muli %add3A_633, %mul3A_634 : i32
        %dma_wait3A_636 = tpu.memref_slice %arg7[%mul3A_635] : memref<20000xi32, #tpu.memory_space<vmem>> -> memref<80xi32, #tpu.memory_space<vmem>>
        %dma_wait3A_637 = arith.constant 0 : i32
        %dma_wait3A_638 = arith.constant 0 : i32
        %dma_wait3A_639 = tpu.memref_slice %arg4[%dma_wait3A_637, %dma_wait3A_638] : memref<20000x64xf32, #tpu.memory_space<hbm>> -> memref<20000x64xf32, #tpu.memory_space<hbm>>
        tpu.wait_indirect_dma semaphore(%arg20 : memref<!tpu.dma_semaphore, #tpu.memory_space<semaphore_mem>>) src(%dma_wait3A_639 : memref<20000x64xf32, #tpu.memory_space<hbm>>) dst(%arg13 : memref<80x64xf32, #tpu.memory_space<vmem>>)
        %mul3A_640 = arith.constant 80 : i32
        %mul3A_641 = arith.muli %add3A_633, %mul3A_640 : i32
        %dma_start3A_642 = tpu.memref_slice %arg8[%mul3A_641] : memref<20000xi32, #tpu.memory_space<vmem>> -> memref<80xi32, #tpu.memory_space<vmem>>
        %dma_start3A_643 = arith.constant 0 : i32
        %dma_start3A_644 = arith.constant 0 : i32
        %dma_start3A_645 = tpu.memref_slice %arg27[%dma_start3A_643, %dma_start3A_644] : memref<10240x64xf32, #tpu.memory_space<vmem_shared>> -> memref<10240x64xf32, #tpu.memory_space<vmem_shared>>
        tpu.enqueue_indirect_dma source(%arg13 : memref<80x64xf32, #tpu.memory_space<vmem>>) target(%dma_start3A_645 : memref<10240x64xf32, #tpu.memory_space<vmem_shared>>) offsets(%dma_start3A_642 : memref<80xi32, #tpu.memory_space<vmem>>) semaphore(%arg25 : memref<!tpu.dma_semaphore, #tpu.memory_space<semaphore_mem>>) {add = true}
        %ge3A_646 = arith.constant 125 : i32
        %ge3A_647 = arith.cmpi sge, %add3A_633, %ge3A_646 : i32
        %lt3A_648 = arith.constant 250 : i32
        %lt3A_649 = arith.cmpi slt, %add3A_633, %lt3A_648 : i32
        %and3A_650 = arith.andi %ge3A_647, %lt3A_649 : i1
        %convert_element_type3A_651 = arith.extui %and3A_650 : i1 to i32
        %cond3A_652 = arith.constant 0 : i32
        %cond3A_653 = arith.cmpi ne, %convert_element_type3A_651, %cond3A_652 : i32
        scf.if %cond3A_653 {
          %mul3A_666 = arith.constant 80 : i32
          %mul3A_667 = arith.muli %add3A_633, %mul3A_666 : i32
          %dma_start3A_668 = tpu.memref_slice %arg8[%mul3A_667] : memref<20000xi32, #tpu.memory_space<vmem>> -> memref<80xi32, #tpu.memory_space<vmem>>
          %dma_start3A_669 = arith.constant 0 : i32
          %dma_start3A_670 = arith.constant 0 : i32
          %dma_start3A_671 = tpu.memref_slice %arg28[%dma_start3A_669, %dma_start3A_670] : memref<10240x16xf32, #tpu.memory_space<vmem_shared>> -> memref<10240x16xf32, #tpu.memory_space<vmem_shared>>
          tpu.enqueue_indirect_dma source(%arg14 : memref<80x16xf32, #tpu.memory_space<vmem>>) target(%dma_start3A_671 : memref<10240x16xf32, #tpu.memory_space<vmem_shared>>) offsets(%dma_start3A_668 : memref<80xi32, #tpu.memory_space<vmem>>) semaphore(%arg26 : memref<!tpu.dma_semaphore, #tpu.memory_space<semaphore_mem>>) {add = true}
        } else {
        }
        %ge3A_654 = arith.constant 1 : i32
        %ge3A_655 = arith.cmpi sge, %add3A_633, %ge3A_654 : i32
        %convert_element_type3A_656 = arith.extui %ge3A_655 : i1 to i32
        %cond3A_657 = arith.constant 0 : i32
        %cond3A_658 = arith.cmpi ne, %convert_element_type3A_656, %cond3A_657 : i32
        scf.if %cond3A_658 {
          %dma_wait3A_666 = arith.constant 0 : i32
          %dma_wait3A_667 = tpu.memref_slice %arg8[%dma_wait3A_666] : memref<20000xi32, #tpu.memory_space<vmem>> -> memref<80xi32, #tpu.memory_space<vmem>>
          %dma_wait3A_668 = arith.constant 0 : i32
          %dma_wait3A_669 = arith.constant 0 : i32
          %dma_wait3A_670 = tpu.memref_slice %arg27[%dma_wait3A_668, %dma_wait3A_669] : memref<10240x64xf32, #tpu.memory_space<vmem_shared>> -> memref<10240x64xf32, #tpu.memory_space<vmem_shared>>
          tpu.wait_indirect_dma semaphore(%arg24 : memref<!tpu.dma_semaphore, #tpu.memory_space<semaphore_mem>>) src(%arg12 : memref<80x64xf32, #tpu.memory_space<vmem>>) dst(%dma_wait3A_670 : memref<10240x64xf32, #tpu.memory_space<vmem_shared>>)
        } else {
        }
        %add3A_659 = arith.constant 4 : i32
        %add3A_660 = arith.addi %add3A_633, %add3A_659 : i32
        %lt3A_661 = arith.constant 250 : i32
        %lt3A_662 = arith.cmpi slt, %add3A_660, %lt3A_661 : i32
        %convert_element_type3A_663 = arith.extui %lt3A_662 : i1 to i32
        %cond3A_664 = arith.constant 0 : i32
        %cond3A_665 = arith.cmpi ne, %convert_element_type3A_663, %cond3A_664 : i32
        scf.if %cond3A_665 {
          %add3A_666 = arith.constant 4 : i32
          %add3A_667 = arith.addi %add3A_633, %add3A_666 : i32
          %mul3A_668 = arith.constant 80 : i32
          %mul3A_669 = arith.muli %add3A_667, %mul3A_668 : i32
          %add3A_670 = arith.constant 0 : i32
          %add3A_671 = arith.addi %mul3A_669, %add3A_670 : i32
          %multiple_of3A_672 = tpu.assume_multiple %add3A_671, 16 : i32
          %get3A_673 = arith.index_cast %multiple_of3A_672 : i32 to index
          %get3A_674 = tpu.vector_load %arg7[%get3A_673] {strides = array<i32>} : memref<20000xi32, #tpu.memory_space<vmem>>, vector<16xi32>,
          %get3A_675 = vector.shape_cast %get3A_674 : vector<16xi32> to vector<16xi32>
          %mul3A_676 = arith.constant 2 : i32
          %mul3A_677 = vector.broadcast %mul3A_676 : i32 to vector<16xi32>
          %mul3A_678 = arith.muli %get3A_675, %mul3A_677 : vector<16xi32>
          %add3A_679 = vector.broadcast %arg0 : i32 to vector<16xi32>
          %add3A_680 = arith.addi %mul3A_678, %add3A_679 : vector<16xi32>
          %swap3A_681 = arith.index_cast %multiple_of3A_672 : i32 to index
          %swap3A_682 = tpu.vector_load %arg7[%swap3A_681] {strides = array<i32>} : memref<20000xi32, #tpu.memory_space<vmem>>, vector<16xi32>,
          %swap3A_683 = vector.shape_cast %swap3A_682 : vector<16xi32> to vector<16xi32>
          %swap3A_684 = vector.shape_cast %add3A_680 : vector<16xi32> to vector<16xi32>
          tpu.vector_store %arg7[%swap3A_681], %swap3A_684 {strides = array<i32>} : memref<20000xi32, #tpu.memory_space<vmem>>, vector<16xi32>,
          %mul3A_685 = arith.constant 80 : i32
          %mul3A_686 = arith.muli %add3A_667, %mul3A_685 : i32
          %add3A_687 = arith.constant 16 : i32
          %add3A_688 = arith.addi %mul3A_686, %add3A_687 : i32
          %multiple_of3A_689 = tpu.assume_multiple %add3A_688, 16 : i32
          %get3A_690 = arith.index_cast %multiple_of3A_689 : i32 to index
          %get3A_691 = tpu.vector_load %arg7[%get3A_690] {strides = array<i32>} : memref<20000xi32, #tpu.memory_space<vmem>>, vector<16xi32>,
          %get3A_692 = vector.shape_cast %get3A_691 : vector<16xi32> to vector<16xi32>
          %mul3A_693 = arith.constant 2 : i32
          %mul3A_694 = vector.broadcast %mul3A_693 : i32 to vector<16xi32>
          %mul3A_695 = arith.muli %get3A_692, %mul3A_694 : vector<16xi32>
          %add3A_696 = vector.broadcast %arg0 : i32 to vector<16xi32>
          %add3A_697 = arith.addi %mul3A_695, %add3A_696 : vector<16xi32>
          %swap3A_698 = arith.index_cast %multiple_of3A_689 : i32 to index
          %swap3A_699 = tpu.vector_load %arg7[%swap3A_698] {strides = array<i32>} : memref<20000xi32, #tpu.memory_space<vmem>>, vector<16xi32>,
          %swap3A_700 = vector.shape_cast %swap3A_699 : vector<16xi32> to vector<16xi32>
          %swap3A_701 = vector.shape_cast %add3A_697 : vector<16xi32> to vector<16xi32>
          tpu.vector_store %arg7[%swap3A_698], %swap3A_701 {strides = array<i32>} : memref<20000xi32, #tpu.memory_space<vmem>>, vector<16xi32>,
          %mul3A_702 = arith.constant 80 : i32
          %mul3A_703 = arith.muli %add3A_667, %mul3A_702 : i32
          %add3A_704 = arith.constant 32 : i32
          %add3A_705 = arith.addi %mul3A_703, %add3A_704 : i32
          %multiple_of3A_706 = tpu.assume_multiple %add3A_705, 16 : i32
          %get3A_707 = arith.index_cast %multiple_of3A_706 : i32 to index
          %get3A_708 = tpu.vector_load %arg7[%get3A_707] {strides = array<i32>} : memref<20000xi32, #tpu.memory_space<vmem>>, vector<16xi32>,
          %get3A_709 = vector.shape_cast %get3A_708 : vector<16xi32> to vector<16xi32>
          %mul3A_710 = arith.constant 2 : i32
          %mul3A_711 = vector.broadcast %mul3A_710 : i32 to vector<16xi32>
          %mul3A_712 = arith.muli %get3A_709, %mul3A_711 : vector<16xi32>
          %add3A_713 = vector.broadcast %arg0 : i32 to vector<16xi32>
          %add3A_714 = arith.addi %mul3A_712, %add3A_713 : vector<16xi32>
          %swap3A_715 = arith.index_cast %multiple_of3A_706 : i32 to index
          %swap3A_716 = tpu.vector_load %arg7[%swap3A_715] {strides = array<i32>} : memref<20000xi32, #tpu.memory_space<vmem>>, vector<16xi32>,
          %swap3A_717 = vector.shape_cast %swap3A_716 : vector<16xi32> to vector<16xi32>
          %swap3A_718 = vector.shape_cast %add3A_714 : vector<16xi32> to vector<16xi32>
          tpu.vector_store %arg7[%swap3A_715], %swap3A_718 {strides = array<i32>} : memref<20000xi32, #tpu.memory_space<vmem>>, vector<16xi32>,
          %mul3A_719 = arith.constant 80 : i32
          %mul3A_720 = arith.muli %add3A_667, %mul3A_719 : i32
          %add3A_721 = arith.constant 48 : i32
          %add3A_722 = arith.addi %mul3A_720, %add3A_721 : i32
          %multiple_of3A_723 = tpu.assume_multiple %add3A_722, 16 : i32
          %get3A_724 = arith.index_cast %multiple_of3A_723 : i32 to index
          %get3A_725 = tpu.vector_load %arg7[%get3A_724] {strides = array<i32>} : memref<20000xi32, #tpu.memory_space<vmem>>, vector<16xi32>,
          %get3A_726 = vector.shape_cast %get3A_725 : vector<16xi32> to vector<16xi32>
          %mul3A_727 = arith.constant 2 : i32
          %mul3A_728 = vector.broadcast %mul3A_727 : i32 to vector<16xi32>
          %mul3A_729 = arith.muli %get3A_726, %mul3A_728 : vector<16xi32>
          %add3A_730 = vector.broadcast %arg0 : i32 to vector<16xi32>
          %add3A_731 = arith.addi %mul3A_729, %add3A_730 : vector<16xi32>
          %swap3A_732 = arith.index_cast %multiple_of3A_723 : i32 to index
          %swap3A_733 = tpu.vector_load %arg7[%swap3A_732] {strides = array<i32>} : memref<20000xi32, #tpu.memory_space<vmem>>, vector<16xi32>,
          %swap3A_734 = vector.shape_cast %swap3A_733 : vector<16xi32> to vector<16xi32>
          %swap3A_735 = vector.shape_cast %add3A_731 : vector<16xi32> to vector<16xi32>
          tpu.vector_store %arg7[%swap3A_732], %swap3A_735 {strides = array<i32>} : memref<20000xi32, #tpu.memory_space<vmem>>, vector<16xi32>,
          %mul3A_736 = arith.constant 80 : i32
          %mul3A_737 = arith.muli %add3A_667, %mul3A_736 : i32
          %add3A_738 = arith.constant 64 : i32
          %add3A_739 = arith.addi %mul3A_737, %add3A_738 : i32
          %multiple_of3A_740 = tpu.assume_multiple %add3A_739, 16 : i32
          %get3A_741 = arith.index_cast %multiple_of3A_740 : i32 to index
          %get3A_742 = tpu.vector_load %arg7[%get3A_741] {strides = array<i32>} : memref<20000xi32, #tpu.memory_space<vmem>>, vector<16xi32>,
          %get3A_743 = vector.shape_cast %get3A_742 : vector<16xi32> to vector<16xi32>
          %mul3A_744 = arith.constant 2 : i32
          %mul3A_745 = vector.broadcast %mul3A_744 : i32 to vector<16xi32>
          %mul3A_746 = arith.muli %get3A_743, %mul3A_745 : vector<16xi32>
          %add3A_747 = vector.broadcast %arg0 : i32 to vector<16xi32>
          %add3A_748 = arith.addi %mul3A_746, %add3A_747 : vector<16xi32>
          %swap3A_749 = arith.index_cast %multiple_of3A_740 : i32 to index
          %swap3A_750 = tpu.vector_load %arg7[%swap3A_749] {strides = array<i32>} : memref<20000xi32, #tpu.memory_space<vmem>>, vector<16xi32>,
          %swap3A_751 = vector.shape_cast %swap3A_750 : vector<16xi32> to vector<16xi32>
          %swap3A_752 = vector.shape_cast %add3A_748 : vector<16xi32> to vector<16xi32>
          tpu.vector_store %arg7[%swap3A_749], %swap3A_752 {strides = array<i32>} : memref<20000xi32, #tpu.memory_space<vmem>>, vector<16xi32>,
          %add3A_753 = arith.constant 4 : i32
          %add3A_754 = arith.addi %add3A_633, %add3A_753 : i32
          %mul3A_755 = arith.constant 80 : i32
          %mul3A_756 = arith.muli %add3A_754, %mul3A_755 : i32
          %dma_start3A_757 = tpu.memref_slice %arg7[%mul3A_756] : memref<20000xi32, #tpu.memory_space<vmem>> -> memref<80xi32, #tpu.memory_space<vmem>>
          %dma_start3A_758 = arith.constant 0 : i32
          %dma_start3A_759 = arith.constant 0 : i32
          %dma_start3A_760 = tpu.memref_slice %arg4[%dma_start3A_758, %dma_start3A_759] : memref<20000x64xf32, #tpu.memory_space<hbm>> -> memref<20000x64xf32, #tpu.memory_space<hbm>>
          tpu.enqueue_indirect_dma source(%dma_start3A_760 : memref<20000x64xf32, #tpu.memory_space<hbm>>) target(%arg12 : memref<80x64xf32, #tpu.memory_space<vmem>>) offsets(%dma_start3A_757 : memref<80xi32, #tpu.memory_space<vmem>>) semaphore(%arg19 : memref<!tpu.dma_semaphore, #tpu.memory_space<semaphore_mem>>)
        } else {
        }
      }
      %scan3A_487 = arith.constant 50 : i32
    } else {
    }
    %dma_wait3A = arith.constant 0 : i32
    %dma_wait3A_96 = tpu.memref_slice %arg8[%dma_wait3A] : memref<20000xi32, #tpu.memory_space<vmem>> -> memref<80xi32, #tpu.memory_space<vmem>>
    %dma_wait3A_97 = arith.constant 0 : i32
    %dma_wait3A_98 = arith.constant 0 : i32
    %dma_wait3A_99 = tpu.memref_slice %arg27[%dma_wait3A_97, %dma_wait3A_98] : memref<10240x64xf32, #tpu.memory_space<vmem_shared>> -> memref<10240x64xf32, #tpu.memory_space<vmem_shared>>
    tpu.wait_indirect_dma semaphore(%arg25 : memref<!tpu.dma_semaphore, #tpu.memory_space<semaphore_mem>>) src(%arg13 : memref<80x64xf32, #tpu.memory_space<vmem>>) dst(%dma_wait3A_99 : memref<10240x64xf32, #tpu.memory_space<vmem_shared>>)
    %scan3A_100 = arith.constant 0 : i32
    %scan3A_101 = arith.constant 0 : i32
    %scan3A_102 = arith.constant 125 : i32
    %scan3A_103 = arith.addi %scan3A_101, %scan3A_102 : i32
    %scan3A_104 = arith.constant 1 : i32
    scf.for %scan3A_186 = %scan3A_101 to %scan3A_103 step %scan3A_104  : i32 {
      %dma_wait3A_187 = arith.constant 0 : i32
      %dma_wait3A_188 = tpu.memref_slice %arg8[%dma_wait3A_187] : memref<20000xi32, #tpu.memory_space<vmem>> -> memref<80xi32, #tpu.memory_space<vmem>>
      %dma_wait3A_189 = arith.constant 0 : i32
      %dma_wait3A_190 = arith.constant 0 : i32
      %dma_wait3A_191 = tpu.memref_slice %arg28[%dma_wait3A_189, %dma_wait3A_190] : memref<10240x16xf32, #tpu.memory_space<vmem_shared>> -> memref<10240x16xf32, #tpu.memory_space<vmem_shared>>
      tpu.wait_indirect_dma semaphore(%arg26 : memref<!tpu.dma_semaphore, #tpu.memory_space<semaphore_mem>>) src(%arg14 : memref<80x16xf32, #tpu.memory_space<vmem>>) dst(%dma_wait3A_191 : memref<10240x16xf32, #tpu.memory_space<vmem_shared>>)
    }
    %scan3A_105 = arith.constant 125 : i32
    %barrier3A_106 = arith.constant 0 : index
    tpu.barrier barrier_id(%barrier3A_106)
    %mul3A_107 = arith.constant 640 : i32
    %mul3A_108 = arith.muli %arg1, %mul3A_107 : i32
    %add3A_109 = arith.constant 0 : i32
    %add3A_110 = arith.addi %mul3A_108, %add3A_109 : i32
    "tpu.region"() ({
      %run_scoped3A_186 = tpu.sem_alloc : memref<!tpu.dma_semaphore, #tpu.memory_space<semaphore_mem>>
      %dma_start3A = arith.constant 0 : i32
      %dma_start3A_187 = arith.constant 0 : i32
      %dma_start3A_188 = tpu.memref_slice %arg9[%dma_start3A, %dma_start3A_187] : memref<80x64xf32, #tpu.memory_space<vmem>> -> memref<80x64xf32, #tpu.memory_space<vmem>>
      %dma_start3A_189 = arith.constant 0 : i32
      %dma_start3A_190 = tpu.memref_slice %arg27[%add3A_110, %dma_start3A_189] : memref<10240x64xf32, #tpu.memory_space<vmem_shared>> -> memref<80x64xf32, #tpu.memory_space<vmem_shared>>
      %dma_start3A_191 = arith.constant 0 : i32
      %dma_start3A_192 = arith.constant 0 : i32
      %dma_start3A_193 = tpu.memref_slice %arg9[%dma_start3A_191, %dma_start3A_192] : memref<80x64xf32, #tpu.memory_space<vmem>> -> memref<80x64xf32, #tpu.memory_space<vmem>>
      %dma_start3A_194 = arith.constant 0 : i32
      %dma_start3A_195 = tpu.memref_slice %arg27[%add3A_110, %dma_start3A_194] : memref<10240x64xf32, #tpu.memory_space<vmem_shared>> -> memref<80x64xf32, #tpu.memory_space<vmem_shared>>
      tpu.enqueue_dma source(%dma_start3A_195 : memref<80x64xf32, #tpu.memory_space<vmem_shared>>) target(%dma_start3A_193 : memref<80x64xf32, #tpu.memory_space<vmem>>) target_semaphore(%run_scoped3A_186 : memref<!tpu.dma_semaphore, #tpu.memory_space<semaphore_mem>>)
      %dma_wait3A_196 = arith.constant 0 : i32
      %dma_wait3A_197 = arith.constant 0 : i32
      %dma_wait3A_198 = tpu.memref_slice %arg9[%dma_wait3A_196, %dma_wait3A_197] : memref<80x64xf32, #tpu.memory_space<vmem>> -> memref<80x64xf32, #tpu.memory_space<vmem>>
      %dma_wait3A_199 = arith.constant 0 : i32
      %dma_wait3A_200 = tpu.memref_slice %arg27[%add3A_110, %dma_wait3A_199] : memref<10240x64xf32, #tpu.memory_space<vmem_shared>> -> memref<80x64xf32, #tpu.memory_space<vmem_shared>>
      %dma_wait3A_201 = arith.constant 0 : i32
      %dma_wait3A_202 = arith.constant 0 : i32
      %dma_wait3A_203 = tpu.memref_slice %arg9[%dma_wait3A_201, %dma_wait3A_202] : memref<80x64xf32, #tpu.memory_space<vmem>> -> memref<80x64xf32, #tpu.memory_space<vmem>>
      %dma_wait3A_204 = arith.constant 0 : i32
      %dma_wait3A_205 = tpu.memref_slice %arg27[%add3A_110, %dma_wait3A_204] : memref<10240x64xf32, #tpu.memory_space<vmem_shared>> -> memref<80x64xf32, #tpu.memory_space<vmem_shared>>
      tpu.wait_dma2 semaphore(%run_scoped3A_186 : memref<!tpu.dma_semaphore, #tpu.memory_space<semaphore_mem>>) src(%dma_wait3A_205 : memref<80x64xf32, #tpu.memory_space<vmem_shared>>) dst(%dma_wait3A_203 : memref<80x64xf32, #tpu.memory_space<vmem>>)
      tpu.yield
    }) : () -> ()
    %run_scoped3A = arith.constant 0 : i32
    "tpu.region"() ({
      %run_scoped3A_186 = tpu.sem_alloc : memref<!tpu.dma_semaphore, #tpu.memory_space<semaphore_mem>>
      %dma_start3A = arith.constant 0 : i32
      %dma_start3A_187 = arith.constant 0 : i32
      %dma_start3A_188 = tpu.memref_slice %arg9[%dma_start3A, %dma_start3A_187] : memref<80x64xf32, #tpu.memory_space<vmem>> -> memref<80x64xf32, #tpu.memory_space<vmem>>
      %dma_start3A_189 = arith.constant 0 : i32
      %dma_start3A_190 = arith.constant 0 : i32
      %dma_start3A_191 = tpu.memref_slice %arg5[%add3A, %run_scoped3A, %dma_start3A_189, %dma_start3A_190] : memref<32x8x80x64xf32, #tpu.memory_space<hbm>> -> memref<1x1x80x64xf32, #tpu.memory_space<hbm>>
      %dma_start3A_192 = tpu.memref_squeeze %dma_start3A_191 : memref<1x1x80x64xf32, #tpu.memory_space<hbm>> -> memref<80x64xf32, #tpu.memory_space<hbm>>
      %dma_start3A_193 = arith.constant 0 : i32
      %dma_start3A_194 = arith.constant 0 : i32
      %dma_start3A_195 = tpu.memref_slice %arg5[%add3A, %run_scoped3A, %dma_start3A_193, %dma_start3A_194] : memref<32x8x80x64xf32, #tpu.memory_space<hbm>> -> memref<1x1x80x64xf32, #tpu.memory_space<hbm>>
      %dma_start3A_196 = tpu.memref_squeeze %dma_start3A_195 : memref<1x1x80x64xf32, #tpu.memory_space<hbm>> -> memref<80x64xf32, #tpu.memory_space<hbm>>
      %dma_start3A_197 = arith.constant 0 : i32
      %dma_start3A_198 = arith.constant 0 : i32
      %dma_start3A_199 = tpu.memref_slice %arg9[%dma_start3A_197, %dma_start3A_198] : memref<80x64xf32, #tpu.memory_space<vmem>> -> memref<80x64xf32, #tpu.memory_space<vmem>>
      tpu.enqueue_dma source(%dma_start3A_199 : memref<80x64xf32, #tpu.memory_space<vmem>>) target(%dma_start3A_196 : memref<80x64xf32, #tpu.memory_space<hbm>>) target_semaphore(%run_scoped3A_186 : memref<!tpu.dma_semaphore, #tpu.memory_space<semaphore_mem>>)
      %dma_wait3A_200 = arith.constant 0 : i32
      %dma_wait3A_201 = arith.constant 0 : i32
      %dma_wait3A_202 = tpu.memref_slice %arg9[%dma_wait3A_200, %dma_wait3A_201] : memref<80x64xf32, #tpu.memory_space<vmem>> -> memref<80x64xf32, #tpu.memory_space<vmem>>
      %dma_wait3A_203 = arith.constant 0 : i32
      %dma_wait3A_204 = arith.constant 0 : i32
      %dma_wait3A_205 = tpu.memref_slice %arg5[%add3A, %run_scoped3A, %dma_wait3A_203, %dma_wait3A_204] : memref<32x8x80x64xf32, #tpu.memory_space<hbm>> -> memref<1x1x80x64xf32, #tpu.memory_space<hbm>>
      %dma_wait3A_206 = tpu.memref_squeeze %dma_wait3A_205 : memref<1x1x80x64xf32, #tpu.memory_space<hbm>> -> memref<80x64xf32, #tpu.memory_space<hbm>>
      %dma_wait3A_207 = arith.constant 0 : i32
      %dma_wait3A_208 = arith.constant 0 : i32
      %dma_wait3A_209 = tpu.memref_slice %arg5[%add3A, %run_scoped3A, %dma_wait3A_207, %dma_wait3A_208] : memref<32x8x80x64xf32, #tpu.memory_space<hbm>> -> memref<1x1x80x64xf32, #tpu.memory_space<hbm>>
      %dma_wait3A_210 = tpu.memref_squeeze %dma_wait3A_209 : memref<1x1x80x64xf32, #tpu.memory_space<hbm>> -> memref<80x64xf32, #tpu.memory_space<hbm>>
      %dma_wait3A_211 = arith.constant 0 : i32
      %dma_wait3A_212 = arith.constant 0 : i32
      %dma_wait3A_213 = tpu.memref_slice %arg9[%dma_wait3A_211, %dma_wait3A_212] : memref<80x64xf32, #tpu.memory_space<vmem>> -> memref<80x64xf32, #tpu.memory_space<vmem>>
      tpu.wait_dma2 semaphore(%run_scoped3A_186 : memref<!tpu.dma_semaphore, #tpu.memory_space<semaphore_mem>>) src(%dma_wait3A_213 : memref<80x64xf32, #tpu.memory_space<vmem>>) dst(%dma_wait3A_210 : memref<80x64xf32, #tpu.memory_space<hbm>>)
      tpu.yield
    }) : () -> ()
    %mul3A_111 = arith.constant 640 : i32
    %mul3A_112 = arith.muli %arg1, %mul3A_111 : i32
    %add3A_113 = arith.constant 0 : i32
    %add3A_114 = arith.addi %mul3A_112, %add3A_113 : i32
    "tpu.region"() ({
      %run_scoped3A_186 = tpu.sem_alloc : memref<!tpu.dma_semaphore, #tpu.memory_space<semaphore_mem>>
      %dma_start3A = arith.constant 0 : i32
      %dma_start3A_187 = tpu.memref_slice %arg28[%add3A_114, %dma_start3A] : memref<10240x16xf32, #tpu.memory_space<vmem_shared>> -> memref<80x16xf32, #tpu.memory_space<vmem_shared>>
      %dma_start3A_188 = arith.constant 0 : i32
      %dma_start3A_189 = tpu.memref_slice %arg28[%add3A_114, %dma_start3A_188] : memref<10240x16xf32, #tpu.memory_space<vmem_shared>> -> memref<80x16xf32, #tpu.memory_space<vmem_shared>>
      tpu.enqueue_dma source(%dma_start3A_189 : memref<80x16xf32, #tpu.memory_space<vmem_shared>>) target(%arg15 : memref<80x16xf32, #tpu.memory_space<vmem>>) target_semaphore(%run_scoped3A_186 : memref<!tpu.dma_semaphore, #tpu.memory_space<semaphore_mem>>)
      %dma_wait3A_190 = arith.constant 0 : i32
      %dma_wait3A_191 = tpu.memref_slice %arg28[%add3A_114, %dma_wait3A_190] : memref<10240x16xf32, #tpu.memory_space<vmem_shared>> -> memref<80x16xf32, #tpu.memory_space<vmem_shared>>
      %dma_wait3A_192 = arith.constant 0 : i32
      %dma_wait3A_193 = tpu.memref_slice %arg28[%add3A_114, %dma_wait3A_192] : memref<10240x16xf32, #tpu.memory_space<vmem_shared>> -> memref<80x16xf32, #tpu.memory_space<vmem_shared>>
      tpu.wait_dma2 semaphore(%run_scoped3A_186 : memref<!tpu.dma_semaphore, #tpu.memory_space<semaphore_mem>>) src(%dma_wait3A_193 : memref<80x16xf32, #tpu.memory_space<vmem_shared>>) dst(%arg15 : memref<80x16xf32, #tpu.memory_space<vmem>>)
      tpu.yield
    }) : () -> ()
    %run_scoped3A_115 = arith.constant 0 : i32
    "tpu.region"() ({
      %run_scoped3A_186 = tpu.sem_alloc : memref<!tpu.dma_semaphore, #tpu.memory_space<semaphore_mem>>
      %dma_start3A = arith.constant 0 : i32
      %dma_start3A_187 = arith.constant 0 : i32
      %dma_start3A_188 = tpu.memref_slice %arg6[%add3A, %run_scoped3A_115, %dma_start3A, %dma_start3A_187] : memref<32x8x80x16xf32, #tpu.memory_space<hbm>> -> memref<1x1x80x16xf32, #tpu.memory_space<hbm>>
      %dma_start3A_189 = tpu.memref_squeeze %dma_start3A_188 : memref<1x1x80x16xf32, #tpu.memory_space<hbm>> -> memref<80x16xf32, #tpu.memory_space<hbm>>
      %dma_start3A_190 = arith.constant 0 : i32
      %dma_start3A_191 = arith.constant 0 : i32
      %dma_start3A_192 = tpu.memref_slice %arg6[%add3A, %run_scoped3A_115, %dma_start3A_190, %dma_start3A_191] : memref<32x8x80x16xf32, #tpu.memory_space<hbm>> -> memref<1x1x80x16xf32, #tpu.memory_space<hbm>>
      %dma_start3A_193 = tpu.memref_squeeze %dma_start3A_192 : memref<1x1x80x16xf32, #tpu.memory_space<hbm>> -> memref<80x16xf32, #tpu.memory_space<hbm>>
      tpu.enqueue_dma source(%arg15 : memref<80x16xf32, #tpu.memory_space<vmem>>) target(%dma_start3A_193 : memref<80x16xf32, #tpu.memory_space<hbm>>) target_semaphore(%run_scoped3A_186 : memref<!tpu.dma_semaphore, #tpu.memory_space<semaphore_mem>>)
      %dma_wait3A_194 = arith.constant 0 : i32
      %dma_wait3A_195 = arith.constant 0 : i32
      %dma_wait3A_196 = tpu.memref_slice %arg6[%add3A, %run_scoped3A_115, %dma_wait3A_194, %dma_wait3A_195] : memref<32x8x80x16xf32, #tpu.memory_space<hbm>> -> memref<1x1x80x16xf32, #tpu.memory_space<hbm>>
      %dma_wait3A_197 = tpu.memref_squeeze %dma_wait3A_196 : memref<1x1x80x16xf32, #tpu.memory_space<hbm>> -> memref<80x16xf32, #tpu.memory_space<hbm>>
      %dma_wait3A_198 = arith.constant 0 : i32
      %dma_wait3A_199 = arith.constant 0 : i32
      %dma_wait3A_200 = tpu.memref_slice %arg6[%add3A, %run_scoped3A_115, %dma_wait3A_198, %dma_wait3A_199] : memref<32x8x80x16xf32, #tpu.memory_space<hbm>> -> memref<1x1x80x16xf32, #tpu.memory_space<hbm>>
      %dma_wait3A_201 = tpu.memref_squeeze %dma_wait3A_200 : memref<1x1x80x16xf32, #tpu.memory_space<hbm>> -> memref<80x16xf32, #tpu.memory_space<hbm>>
      tpu.wait_dma2 semaphore(%run_scoped3A_186 : memref<!tpu.dma_semaphore, #tpu.memory_space<semaphore_mem>>) src(%arg15 : memref<80x16xf32, #tpu.memory_space<vmem>>) dst(%dma_wait3A_201 : memref<80x16xf32, #tpu.memory_space<hbm>>)
      tpu.yield
    }) : () -> ()
    %mul3A_116 = arith.constant 640 : i32
    %mul3A_117 = arith.muli %arg1, %mul3A_116 : i32
    %add3A_118 = arith.constant 80 : i32
    %add3A_119 = arith.addi %mul3A_117, %add3A_118 : i32
    "tpu.region"() ({
      %run_scoped3A_186 = tpu.sem_alloc : memref<!tpu.dma_semaphore, #tpu.memory_space<semaphore_mem>>
      %dma_start3A = arith.constant 0 : i32
      %dma_start3A_187 = arith.constant 0 : i32
      %dma_start3A_188 = tpu.memref_slice %arg9[%dma_start3A, %dma_start3A_187] : memref<80x64xf32, #tpu.memory_space<vmem>> -> memref<80x64xf32, #tpu.memory_space<vmem>>
      %dma_start3A_189 = arith.constant 0 : i32
      %dma_start3A_190 = tpu.memref_slice %arg27[%add3A_119, %dma_start3A_189] : memref<10240x64xf32, #tpu.memory_space<vmem_shared>> -> memref<80x64xf32, #tpu.memory_space<vmem_shared>>
      %dma_start3A_191 = arith.constant 0 : i32
      %dma_start3A_192 = arith.constant 0 : i32
      %dma_start3A_193 = tpu.memref_slice %arg9[%dma_start3A_191, %dma_start3A_192] : memref<80x64xf32, #tpu.memory_space<vmem>> -> memref<80x64xf32, #tpu.memory_space<vmem>>
      %dma_start3A_194 = arith.constant 0 : i32
      %dma_start3A_195 = tpu.memref_slice %arg27[%add3A_119, %dma_start3A_194] : memref<10240x64xf32, #tpu.memory_space<vmem_shared>> -> memref<80x64xf32, #tpu.memory_space<vmem_shared>>
      tpu.enqueue_dma source(%dma_start3A_195 : memref<80x64xf32, #tpu.memory_space<vmem_shared>>) target(%dma_start3A_193 : memref<80x64xf32, #tpu.memory_space<vmem>>) target_semaphore(%run_scoped3A_186 : memref<!tpu.dma_semaphore, #tpu.memory_space<semaphore_mem>>)
      %dma_wait3A_196 = arith.constant 0 : i32
      %dma_wait3A_197 = arith.constant 0 : i32
      %dma_wait3A_198 = tpu.memref_slice %arg9[%dma_wait3A_196, %dma_wait3A_197] : memref<80x64xf32, #tpu.memory_space<vmem>> -> memref<80x64xf32, #tpu.memory_space<vmem>>
      %dma_wait3A_199 = arith.constant 0 : i32
      %dma_wait3A_200 = tpu.memref_slice %arg27[%add3A_119, %dma_wait3A_199] : memref<10240x64xf32, #tpu.memory_space<vmem_shared>> -> memref<80x64xf32, #tpu.memory_space<vmem_shared>>
      %dma_wait3A_201 = arith.constant 0 : i32
      %dma_wait3A_202 = arith.constant 0 : i32
      %dma_wait3A_203 = tpu.memref_slice %arg9[%dma_wait3A_201, %dma_wait3A_202] : memref<80x64xf32, #tpu.memory_space<vmem>> -> memref<80x64xf32, #tpu.memory_space<vmem>>
      %dma_wait3A_204 = arith.constant 0 : i32
      %dma_wait3A_205 = tpu.memref_slice %arg27[%add3A_119, %dma_wait3A_204] : memref<10240x64xf32, #tpu.memory_space<vmem_shared>> -> memref<80x64xf32, #tpu.memory_space<vmem_shared>>
      tpu.wait_dma2 semaphore(%run_scoped3A_186 : memref<!tpu.dma_semaphore, #tpu.memory_space<semaphore_mem>>) src(%dma_wait3A_205 : memref<80x64xf32, #tpu.memory_space<vmem_shared>>) dst(%dma_wait3A_203 : memref<80x64xf32, #tpu.memory_space<vmem>>)
      tpu.yield
    }) : () -> ()
    %run_scoped3A_120 = arith.constant 1 : i32
    "tpu.region"() ({
      %run_scoped3A_186 = tpu.sem_alloc : memref<!tpu.dma_semaphore, #tpu.memory_space<semaphore_mem>>
      %dma_start3A = arith.constant 0 : i32
      %dma_start3A_187 = arith.constant 0 : i32
      %dma_start3A_188 = tpu.memref_slice %arg9[%dma_start3A, %dma_start3A_187] : memref<80x64xf32, #tpu.memory_space<vmem>> -> memref<80x64xf32, #tpu.memory_space<vmem>>
      %dma_start3A_189 = arith.constant 0 : i32
      %dma_start3A_190 = arith.constant 0 : i32
      %dma_start3A_191 = tpu.memref_slice %arg5[%add3A, %run_scoped3A_120, %dma_start3A_189, %dma_start3A_190] : memref<32x8x80x64xf32, #tpu.memory_space<hbm>> -> memref<1x1x80x64xf32, #tpu.memory_space<hbm>>
      %dma_start3A_192 = tpu.memref_squeeze %dma_start3A_191 : memref<1x1x80x64xf32, #tpu.memory_space<hbm>> -> memref<80x64xf32, #tpu.memory_space<hbm>>
      %dma_start3A_193 = arith.constant 0 : i32
      %dma_start3A_194 = arith.constant 0 : i32
      %dma_start3A_195 = tpu.memref_slice %arg5[%add3A, %run_scoped3A_120, %dma_start3A_193, %dma_start3A_194] : memref<32x8x80x64xf32, #tpu.memory_space<hbm>> -> memref<1x1x80x64xf32, #tpu.memory_space<hbm>>
      %dma_start3A_196 = tpu.memref_squeeze %dma_start3A_195 : memref<1x1x80x64xf32, #tpu.memory_space<hbm>> -> memref<80x64xf32, #tpu.memory_space<hbm>>
      %dma_start3A_197 = arith.constant 0 : i32
      %dma_start3A_198 = arith.constant 0 : i32
      %dma_start3A_199 = tpu.memref_slice %arg9[%dma_start3A_197, %dma_start3A_198] : memref<80x64xf32, #tpu.memory_space<vmem>> -> memref<80x64xf32, #tpu.memory_space<vmem>>
      tpu.enqueue_dma source(%dma_start3A_199 : memref<80x64xf32, #tpu.memory_space<vmem>>) target(%dma_start3A_196 : memref<80x64xf32, #tpu.memory_space<hbm>>) target_semaphore(%run_scoped3A_186 : memref<!tpu.dma_semaphore, #tpu.memory_space<semaphore_mem>>)
      %dma_wait3A_200 = arith.constant 0 : i32
      %dma_wait3A_201 = arith.constant 0 : i32
      %dma_wait3A_202 = tpu.memref_slice %arg9[%dma_wait3A_200, %dma_wait3A_201] : memref<80x64xf32, #tpu.memory_space<vmem>> -> memref<80x64xf32, #tpu.memory_space<vmem>>
      %dma_wait3A_203 = arith.constant 0 : i32
      %dma_wait3A_204 = arith.constant 0 : i32
      %dma_wait3A_205 = tpu.memref_slice %arg5[%add3A, %run_scoped3A_120, %dma_wait3A_203, %dma_wait3A_204] : memref<32x8x80x64xf32, #tpu.memory_space<hbm>> -> memref<1x1x80x64xf32, #tpu.memory_space<hbm>>
      %dma_wait3A_206 = tpu.memref_squeeze %dma_wait3A_205 : memref<1x1x80x64xf32, #tpu.memory_space<hbm>> -> memref<80x64xf32, #tpu.memory_space<hbm>>
      %dma_wait3A_207 = arith.constant 0 : i32
      %dma_wait3A_208 = arith.constant 0 : i32
      %dma_wait3A_209 = tpu.memref_slice %arg5[%add3A, %run_scoped3A_120, %dma_wait3A_207, %dma_wait3A_208] : memref<32x8x80x64xf32, #tpu.memory_space<hbm>> -> memref<1x1x80x64xf32, #tpu.memory_space<hbm>>
      %dma_wait3A_210 = tpu.memref_squeeze %dma_wait3A_209 : memref<1x1x80x64xf32, #tpu.memory_space<hbm>> -> memref<80x64xf32, #tpu.memory_space<hbm>>
      %dma_wait3A_211 = arith.constant 0 : i32
      %dma_wait3A_212 = arith.constant 0 : i32
      %dma_wait3A_213 = tpu.memref_slice %arg9[%dma_wait3A_211, %dma_wait3A_212] : memref<80x64xf32, #tpu.memory_space<vmem>> -> memref<80x64xf32, #tpu.memory_space<vmem>>
      tpu.wait_dma2 semaphore(%run_scoped3A_186 : memref<!tpu.dma_semaphore, #tpu.memory_space<semaphore_mem>>) src(%dma_wait3A_213 : memref<80x64xf32, #tpu.memory_space<vmem>>) dst(%dma_wait3A_210 : memref<80x64xf32, #tpu.memory_space<hbm>>)
      tpu.yield
    }) : () -> ()
    %mul3A_121 = arith.constant 640 : i32
    %mul3A_122 = arith.muli %arg1, %mul3A_121 : i32
    %add3A_123 = arith.constant 80 : i32
    %add3A_124 = arith.addi %mul3A_122, %add3A_123 : i32
    "tpu.region"() ({
      %run_scoped3A_186 = tpu.sem_alloc : memref<!tpu.dma_semaphore, #tpu.memory_space<semaphore_mem>>
      %dma_start3A = arith.constant 0 : i32
      %dma_start3A_187 = tpu.memref_slice %arg28[%add3A_124, %dma_start3A] : memref<10240x16xf32, #tpu.memory_space<vmem_shared>> -> memref<80x16xf32, #tpu.memory_space<vmem_shared>>
      %dma_start3A_188 = arith.constant 0 : i32
      %dma_start3A_189 = tpu.memref_slice %arg28[%add3A_124, %dma_start3A_188] : memref<10240x16xf32, #tpu.memory_space<vmem_shared>> -> memref<80x16xf32, #tpu.memory_space<vmem_shared>>
      tpu.enqueue_dma source(%dma_start3A_189 : memref<80x16xf32, #tpu.memory_space<vmem_shared>>) target(%arg15 : memref<80x16xf32, #tpu.memory_space<vmem>>) target_semaphore(%run_scoped3A_186 : memref<!tpu.dma_semaphore, #tpu.memory_space<semaphore_mem>>)
      %dma_wait3A_190 = arith.constant 0 : i32
      %dma_wait3A_191 = tpu.memref_slice %arg28[%add3A_124, %dma_wait3A_190] : memref<10240x16xf32, #tpu.memory_space<vmem_shared>> -> memref<80x16xf32, #tpu.memory_space<vmem_shared>>
      %dma_wait3A_192 = arith.constant 0 : i32
      %dma_wait3A_193 = tpu.memref_slice %arg28[%add3A_124, %dma_wait3A_192] : memref<10240x16xf32, #tpu.memory_space<vmem_shared>> -> memref<80x16xf32, #tpu.memory_space<vmem_shared>>
      tpu.wait_dma2 semaphore(%run_scoped3A_186 : memref<!tpu.dma_semaphore, #tpu.memory_space<semaphore_mem>>) src(%dma_wait3A_193 : memref<80x16xf32, #tpu.memory_space<vmem_shared>>) dst(%arg15 : memref<80x16xf32, #tpu.memory_space<vmem>>)
      tpu.yield
    }) : () -> ()
    %run_scoped3A_125 = arith.constant 1 : i32
    "tpu.region"() ({
      %run_scoped3A_186 = tpu.sem_alloc : memref<!tpu.dma_semaphore, #tpu.memory_space<semaphore_mem>>
      %dma_start3A = arith.constant 0 : i32
      %dma_start3A_187 = arith.constant 0 : i32
      %dma_start3A_188 = tpu.memref_slice %arg6[%add3A, %run_scoped3A_125, %dma_start3A, %dma_start3A_187] : memref<32x8x80x16xf32, #tpu.memory_space<hbm>> -> memref<1x1x80x16xf32, #tpu.memory_space<hbm>>
      %dma_start3A_189 = tpu.memref_squeeze %dma_start3A_188 : memref<1x1x80x16xf32, #tpu.memory_space<hbm>> -> memref<80x16xf32, #tpu.memory_space<hbm>>
      %dma_start3A_190 = arith.constant 0 : i32
      %dma_start3A_191 = arith.constant 0 : i32
      %dma_start3A_192 = tpu.memref_slice %arg6[%add3A, %run_scoped3A_125, %dma_start3A_190, %dma_start3A_191] : memref<32x8x80x16xf32, #tpu.memory_space<hbm>> -> memref<1x1x80x16xf32, #tpu.memory_space<hbm>>
      %dma_start3A_193 = tpu.memref_squeeze %dma_start3A_192 : memref<1x1x80x16xf32, #tpu.memory_space<hbm>> -> memref<80x16xf32, #tpu.memory_space<hbm>>
      tpu.enqueue_dma source(%arg15 : memref<80x16xf32, #tpu.memory_space<vmem>>) target(%dma_start3A_193 : memref<80x16xf32, #tpu.memory_space<hbm>>) target_semaphore(%run_scoped3A_186 : memref<!tpu.dma_semaphore, #tpu.memory_space<semaphore_mem>>)
      %dma_wait3A_194 = arith.constant 0 : i32
      %dma_wait3A_195 = arith.constant 0 : i32
      %dma_wait3A_196 = tpu.memref_slice %arg6[%add3A, %run_scoped3A_125, %dma_wait3A_194, %dma_wait3A_195] : memref<32x8x80x16xf32, #tpu.memory_space<hbm>> -> memref<1x1x80x16xf32, #tpu.memory_space<hbm>>
      %dma_wait3A_197 = tpu.memref_squeeze %dma_wait3A_196 : memref<1x1x80x16xf32, #tpu.memory_space<hbm>> -> memref<80x16xf32, #tpu.memory_space<hbm>>
      %dma_wait3A_198 = arith.constant 0 : i32
      %dma_wait3A_199 = arith.constant 0 : i32
      %dma_wait3A_200 = tpu.memref_slice %arg6[%add3A, %run_scoped3A_125, %dma_wait3A_198, %dma_wait3A_199] : memref<32x8x80x16xf32, #tpu.memory_space<hbm>> -> memref<1x1x80x16xf32, #tpu.memory_space<hbm>>
      %dma_wait3A_201 = tpu.memref_squeeze %dma_wait3A_200 : memref<1x1x80x16xf32, #tpu.memory_space<hbm>> -> memref<80x16xf32, #tpu.memory_space<hbm>>
      tpu.wait_dma2 semaphore(%run_scoped3A_186 : memref<!tpu.dma_semaphore, #tpu.memory_space<semaphore_mem>>) src(%arg15 : memref<80x16xf32, #tpu.memory_space<vmem>>) dst(%dma_wait3A_201 : memref<80x16xf32, #tpu.memory_space<hbm>>)
      tpu.yield
    }) : () -> ()
    %mul3A_126 = arith.constant 640 : i32
    %mul3A_127 = arith.muli %arg1, %mul3A_126 : i32
    %add3A_128 = arith.constant 160 : i32
    %add3A_129 = arith.addi %mul3A_127, %add3A_128 : i32
    "tpu.region"() ({
      %run_scoped3A_186 = tpu.sem_alloc : memref<!tpu.dma_semaphore, #tpu.memory_space<semaphore_mem>>
      %dma_start3A = arith.constant 0 : i32
      %dma_start3A_187 = arith.constant 0 : i32
      %dma_start3A_188 = tpu.memref_slice %arg9[%dma_start3A, %dma_start3A_187] : memref<80x64xf32, #tpu.memory_space<vmem>> -> memref<80x64xf32, #tpu.memory_space<vmem>>
      %dma_start3A_189 = arith.constant 0 : i32
      %dma_start3A_190 = tpu.memref_slice %arg27[%add3A_129, %dma_start3A_189] : memref<10240x64xf32, #tpu.memory_space<vmem_shared>> -> memref<80x64xf32, #tpu.memory_space<vmem_shared>>
      %dma_start3A_191 = arith.constant 0 : i32
      %dma_start3A_192 = arith.constant 0 : i32
      %dma_start3A_193 = tpu.memref_slice %arg9[%dma_start3A_191, %dma_start3A_192] : memref<80x64xf32, #tpu.memory_space<vmem>> -> memref<80x64xf32, #tpu.memory_space<vmem>>
      %dma_start3A_194 = arith.constant 0 : i32
      %dma_start3A_195 = tpu.memref_slice %arg27[%add3A_129, %dma_start3A_194] : memref<10240x64xf32, #tpu.memory_space<vmem_shared>> -> memref<80x64xf32, #tpu.memory_space<vmem_shared>>
      tpu.enqueue_dma source(%dma_start3A_195 : memref<80x64xf32, #tpu.memory_space<vmem_shared>>) target(%dma_start3A_193 : memref<80x64xf32, #tpu.memory_space<vmem>>) target_semaphore(%run_scoped3A_186 : memref<!tpu.dma_semaphore, #tpu.memory_space<semaphore_mem>>)
      %dma_wait3A_196 = arith.constant 0 : i32
      %dma_wait3A_197 = arith.constant 0 : i32
      %dma_wait3A_198 = tpu.memref_slice %arg9[%dma_wait3A_196, %dma_wait3A_197] : memref<80x64xf32, #tpu.memory_space<vmem>> -> memref<80x64xf32, #tpu.memory_space<vmem>>
      %dma_wait3A_199 = arith.constant 0 : i32
      %dma_wait3A_200 = tpu.memref_slice %arg27[%add3A_129, %dma_wait3A_199] : memref<10240x64xf32, #tpu.memory_space<vmem_shared>> -> memref<80x64xf32, #tpu.memory_space<vmem_shared>>
      %dma_wait3A_201 = arith.constant 0 : i32
      %dma_wait3A_202 = arith.constant 0 : i32
      %dma_wait3A_203 = tpu.memref_slice %arg9[%dma_wait3A_201, %dma_wait3A_202] : memref<80x64xf32, #tpu.memory_space<vmem>> -> memref<80x64xf32, #tpu.memory_space<vmem>>
      %dma_wait3A_204 = arith.constant 0 : i32
      %dma_wait3A_205 = tpu.memref_slice %arg27[%add3A_129, %dma_wait3A_204] : memref<10240x64xf32, #tpu.memory_space<vmem_shared>> -> memref<80x64xf32, #tpu.memory_space<vmem_shared>>
      tpu.wait_dma2 semaphore(%run_scoped3A_186 : memref<!tpu.dma_semaphore, #tpu.memory_space<semaphore_mem>>) src(%dma_wait3A_205 : memref<80x64xf32, #tpu.memory_space<vmem_shared>>) dst(%dma_wait3A_203 : memref<80x64xf32, #tpu.memory_space<vmem>>)
      tpu.yield
    }) : () -> ()
    %run_scoped3A_130 = arith.constant 2 : i32
    "tpu.region"() ({
      %run_scoped3A_186 = tpu.sem_alloc : memref<!tpu.dma_semaphore, #tpu.memory_space<semaphore_mem>>
      %dma_start3A = arith.constant 0 : i32
      %dma_start3A_187 = arith.constant 0 : i32
      %dma_start3A_188 = tpu.memref_slice %arg9[%dma_start3A, %dma_start3A_187] : memref<80x64xf32, #tpu.memory_space<vmem>> -> memref<80x64xf32, #tpu.memory_space<vmem>>
      %dma_start3A_189 = arith.constant 0 : i32
      %dma_start3A_190 = arith.constant 0 : i32
      %dma_start3A_191 = tpu.memref_slice %arg5[%add3A, %run_scoped3A_130, %dma_start3A_189, %dma_start3A_190] : memref<32x8x80x64xf32, #tpu.memory_space<hbm>> -> memref<1x1x80x64xf32, #tpu.memory_space<hbm>>
      %dma_start3A_192 = tpu.memref_squeeze %dma_start3A_191 : memref<1x1x80x64xf32, #tpu.memory_space<hbm>> -> memref<80x64xf32, #tpu.memory_space<hbm>>
      %dma_start3A_193 = arith.constant 0 : i32
      %dma_start3A_194 = arith.constant 0 : i32
      %dma_start3A_195 = tpu.memref_slice %arg5[%add3A, %run_scoped3A_130, %dma_start3A_193, %dma_start3A_194] : memref<32x8x80x64xf32, #tpu.memory_space<hbm>> -> memref<1x1x80x64xf32, #tpu.memory_space<hbm>>
      %dma_start3A_196 = tpu.memref_squeeze %dma_start3A_195 : memref<1x1x80x64xf32, #tpu.memory_space<hbm>> -> memref<80x64xf32, #tpu.memory_space<hbm>>
      %dma_start3A_197 = arith.constant 0 : i32
      %dma_start3A_198 = arith.constant 0 : i32
      %dma_start3A_199 = tpu.memref_slice %arg9[%dma_start3A_197, %dma_start3A_198] : memref<80x64xf32, #tpu.memory_space<vmem>> -> memref<80x64xf32, #tpu.memory_space<vmem>>
      tpu.enqueue_dma source(%dma_start3A_199 : memref<80x64xf32, #tpu.memory_space<vmem>>) target(%dma_start3A_196 : memref<80x64xf32, #tpu.memory_space<hbm>>) target_semaphore(%run_scoped3A_186 : memref<!tpu.dma_semaphore, #tpu.memory_space<semaphore_mem>>)
      %dma_wait3A_200 = arith.constant 0 : i32
      %dma_wait3A_201 = arith.constant 0 : i32
      %dma_wait3A_202 = tpu.memref_slice %arg9[%dma_wait3A_200, %dma_wait3A_201] : memref<80x64xf32, #tpu.memory_space<vmem>> -> memref<80x64xf32, #tpu.memory_space<vmem>>
      %dma_wait3A_203 = arith.constant 0 : i32
      %dma_wait3A_204 = arith.constant 0 : i32
      %dma_wait3A_205 = tpu.memref_slice %arg5[%add3A, %run_scoped3A_130, %dma_wait3A_203, %dma_wait3A_204] : memref<32x8x80x64xf32, #tpu.memory_space<hbm>> -> memref<1x1x80x64xf32, #tpu.memory_space<hbm>>
      %dma_wait3A_206 = tpu.memref_squeeze %dma_wait3A_205 : memref<1x1x80x64xf32, #tpu.memory_space<hbm>> -> memref<80x64xf32, #tpu.memory_space<hbm>>
      %dma_wait3A_207 = arith.constant 0 : i32
      %dma_wait3A_208 = arith.constant 0 : i32
      %dma_wait3A_209 = tpu.memref_slice %arg5[%add3A, %run_scoped3A_130, %dma_wait3A_207, %dma_wait3A_208] : memref<32x8x80x64xf32, #tpu.memory_space<hbm>> -> memref<1x1x80x64xf32, #tpu.memory_space<hbm>>
      %dma_wait3A_210 = tpu.memref_squeeze %dma_wait3A_209 : memref<1x1x80x64xf32, #tpu.memory_space<hbm>> -> memref<80x64xf32, #tpu.memory_space<hbm>>
      %dma_wait3A_211 = arith.constant 0 : i32
      %dma_wait3A_212 = arith.constant 0 : i32
      %dma_wait3A_213 = tpu.memref_slice %arg9[%dma_wait3A_211, %dma_wait3A_212] : memref<80x64xf32, #tpu.memory_space<vmem>> -> memref<80x64xf32, #tpu.memory_space<vmem>>
      tpu.wait_dma2 semaphore(%run_scoped3A_186 : memref<!tpu.dma_semaphore, #tpu.memory_space<semaphore_mem>>) src(%dma_wait3A_213 : memref<80x64xf32, #tpu.memory_space<vmem>>) dst(%dma_wait3A_210 : memref<80x64xf32, #tpu.memory_space<hbm>>)
      tpu.yield
    }) : () -> ()
    %mul3A_131 = arith.constant 640 : i32
    %mul3A_132 = arith.muli %arg1, %mul3A_131 : i32
    %add3A_133 = arith.constant 160 : i32
    %add3A_134 = arith.addi %mul3A_132, %add3A_133 : i32
    "tpu.region"() ({
      %run_scoped3A_186 = tpu.sem_alloc : memref<!tpu.dma_semaphore, #tpu.memory_space<semaphore_mem>>
      %dma_start3A = arith.constant 0 : i32
      %dma_start3A_187 = tpu.memref_slice %arg28[%add3A_134, %dma_start3A] : memref<10240x16xf32, #tpu.memory_space<vmem_shared>> -> memref<80x16xf32, #tpu.memory_space<vmem_shared>>
      %dma_start3A_188 = arith.constant 0 : i32
      %dma_start3A_189 = tpu.memref_slice %arg28[%add3A_134, %dma_start3A_188] : memref<10240x16xf32, #tpu.memory_space<vmem_shared>> -> memref<80x16xf32, #tpu.memory_space<vmem_shared>>
      tpu.enqueue_dma source(%dma_start3A_189 : memref<80x16xf32, #tpu.memory_space<vmem_shared>>) target(%arg15 : memref<80x16xf32, #tpu.memory_space<vmem>>) target_semaphore(%run_scoped3A_186 : memref<!tpu.dma_semaphore, #tpu.memory_space<semaphore_mem>>)
      %dma_wait3A_190 = arith.constant 0 : i32
      %dma_wait3A_191 = tpu.memref_slice %arg28[%add3A_134, %dma_wait3A_190] : memref<10240x16xf32, #tpu.memory_space<vmem_shared>> -> memref<80x16xf32, #tpu.memory_space<vmem_shared>>
      %dma_wait3A_192 = arith.constant 0 : i32
      %dma_wait3A_193 = tpu.memref_slice %arg28[%add3A_134, %dma_wait3A_192] : memref<10240x16xf32, #tpu.memory_space<vmem_shared>> -> memref<80x16xf32, #tpu.memory_space<vmem_shared>>
      tpu.wait_dma2 semaphore(%run_scoped3A_186 : memref<!tpu.dma_semaphore, #tpu.memory_space<semaphore_mem>>) src(%dma_wait3A_193 : memref<80x16xf32, #tpu.memory_space<vmem_shared>>) dst(%arg15 : memref<80x16xf32, #tpu.memory_space<vmem>>)
      tpu.yield
    }) : () -> ()
    %run_scoped3A_135 = arith.constant 2 : i32
    "tpu.region"() ({
      %run_scoped3A_186 = tpu.sem_alloc : memref<!tpu.dma_semaphore, #tpu.memory_space<semaphore_mem>>
      %dma_start3A = arith.constant 0 : i32
      %dma_start3A_187 = arith.constant 0 : i32
      %dma_start3A_188 = tpu.memref_slice %arg6[%add3A, %run_scoped3A_135, %dma_start3A, %dma_start3A_187] : memref<32x8x80x16xf32, #tpu.memory_space<hbm>> -> memref<1x1x80x16xf32, #tpu.memory_space<hbm>>
      %dma_start3A_189 = tpu.memref_squeeze %dma_start3A_188 : memref<1x1x80x16xf32, #tpu.memory_space<hbm>> -> memref<80x16xf32, #tpu.memory_space<hbm>>
      %dma_start3A_190 = arith.constant 0 : i32
      %dma_start3A_191 = arith.constant 0 : i32
      %dma_start3A_192 = tpu.memref_slice %arg6[%add3A, %run_scoped3A_135, %dma_start3A_190, %dma_start3A_191] : memref<32x8x80x16xf32, #tpu.memory_space<hbm>> -> memref<1x1x80x16xf32, #tpu.memory_space<hbm>>
      %dma_start3A_193 = tpu.memref_squeeze %dma_start3A_192 : memref<1x1x80x16xf32, #tpu.memory_space<hbm>> -> memref<80x16xf32, #tpu.memory_space<hbm>>
      tpu.enqueue_dma source(%arg15 : memref<80x16xf32, #tpu.memory_space<vmem>>) target(%dma_start3A_193 : memref<80x16xf32, #tpu.memory_space<hbm>>) target_semaphore(%run_scoped3A_186 : memref<!tpu.dma_semaphore, #tpu.memory_space<semaphore_mem>>)
      %dma_wait3A_194 = arith.constant 0 : i32
      %dma_wait3A_195 = arith.constant 0 : i32
      %dma_wait3A_196 = tpu.memref_slice %arg6[%add3A, %run_scoped3A_135, %dma_wait3A_194, %dma_wait3A_195] : memref<32x8x80x16xf32, #tpu.memory_space<hbm>> -> memref<1x1x80x16xf32, #tpu.memory_space<hbm>>
      %dma_wait3A_197 = tpu.memref_squeeze %dma_wait3A_196 : memref<1x1x80x16xf32, #tpu.memory_space<hbm>> -> memref<80x16xf32, #tpu.memory_space<hbm>>
      %dma_wait3A_198 = arith.constant 0 : i32
      %dma_wait3A_199 = arith.constant 0 : i32
      %dma_wait3A_200 = tpu.memref_slice %arg6[%add3A, %run_scoped3A_135, %dma_wait3A_198, %dma_wait3A_199] : memref<32x8x80x16xf32, #tpu.memory_space<hbm>> -> memref<1x1x80x16xf32, #tpu.memory_space<hbm>>
      %dma_wait3A_201 = tpu.memref_squeeze %dma_wait3A_200 : memref<1x1x80x16xf32, #tpu.memory_space<hbm>> -> memref<80x16xf32, #tpu.memory_space<hbm>>
      tpu.wait_dma2 semaphore(%run_scoped3A_186 : memref<!tpu.dma_semaphore, #tpu.memory_space<semaphore_mem>>) src(%arg15 : memref<80x16xf32, #tpu.memory_space<vmem>>) dst(%dma_wait3A_201 : memref<80x16xf32, #tpu.memory_space<hbm>>)
      tpu.yield
    }) : () -> ()
    %mul3A_136 = arith.constant 640 : i32
    %mul3A_137 = arith.muli %arg1, %mul3A_136 : i32
    %add3A_138 = arith.constant 240 : i32
    %add3A_139 = arith.addi %mul3A_137, %add3A_138 : i32
    "tpu.region"() ({
      %run_scoped3A_186 = tpu.sem_alloc : memref<!tpu.dma_semaphore, #tpu.memory_space<semaphore_mem>>
      %dma_start3A = arith.constant 0 : i32
      %dma_start3A_187 = arith.constant 0 : i32
      %dma_start3A_188 = tpu.memref_slice %arg9[%dma_start3A, %dma_start3A_187] : memref<80x64xf32, #tpu.memory_space<vmem>> -> memref<80x64xf32, #tpu.memory_space<vmem>>
      %dma_start3A_189 = arith.constant 0 : i32
      %dma_start3A_190 = tpu.memref_slice %arg27[%add3A_139, %dma_start3A_189] : memref<10240x64xf32, #tpu.memory_space<vmem_shared>> -> memref<80x64xf32, #tpu.memory_space<vmem_shared>>
      %dma_start3A_191 = arith.constant 0 : i32
      %dma_start3A_192 = arith.constant 0 : i32
      %dma_start3A_193 = tpu.memref_slice %arg9[%dma_start3A_191, %dma_start3A_192] : memref<80x64xf32, #tpu.memory_space<vmem>> -> memref<80x64xf32, #tpu.memory_space<vmem>>
      %dma_start3A_194 = arith.constant 0 : i32
      %dma_start3A_195 = tpu.memref_slice %arg27[%add3A_139, %dma_start3A_194] : memref<10240x64xf32, #tpu.memory_space<vmem_shared>> -> memref<80x64xf32, #tpu.memory_space<vmem_shared>>
      tpu.enqueue_dma source(%dma_start3A_195 : memref<80x64xf32, #tpu.memory_space<vmem_shared>>) target(%dma_start3A_193 : memref<80x64xf32, #tpu.memory_space<vmem>>) target_semaphore(%run_scoped3A_186 : memref<!tpu.dma_semaphore, #tpu.memory_space<semaphore_mem>>)
      %dma_wait3A_196 = arith.constant 0 : i32
      %dma_wait3A_197 = arith.constant 0 : i32
      %dma_wait3A_198 = tpu.memref_slice %arg9[%dma_wait3A_196, %dma_wait3A_197] : memref<80x64xf32, #tpu.memory_space<vmem>> -> memref<80x64xf32, #tpu.memory_space<vmem>>
      %dma_wait3A_199 = arith.constant 0 : i32
      %dma_wait3A_200 = tpu.memref_slice %arg27[%add3A_139, %dma_wait3A_199] : memref<10240x64xf32, #tpu.memory_space<vmem_shared>> -> memref<80x64xf32, #tpu.memory_space<vmem_shared>>
      %dma_wait3A_201 = arith.constant 0 : i32
      %dma_wait3A_202 = arith.constant 0 : i32
      %dma_wait3A_203 = tpu.memref_slice %arg9[%dma_wait3A_201, %dma_wait3A_202] : memref<80x64xf32, #tpu.memory_space<vmem>> -> memref<80x64xf32, #tpu.memory_space<vmem>>
      %dma_wait3A_204 = arith.constant 0 : i32
      %dma_wait3A_205 = tpu.memref_slice %arg27[%add3A_139, %dma_wait3A_204] : memref<10240x64xf32, #tpu.memory_space<vmem_shared>> -> memref<80x64xf32, #tpu.memory_space<vmem_shared>>
      tpu.wait_dma2 semaphore(%run_scoped3A_186 : memref<!tpu.dma_semaphore, #tpu.memory_space<semaphore_mem>>) src(%dma_wait3A_205 : memref<80x64xf32, #tpu.memory_space<vmem_shared>>) dst(%dma_wait3A_203 : memref<80x64xf32, #tpu.memory_space<vmem>>)
      tpu.yield
    }) : () -> ()
    %run_scoped3A_140 = arith.constant 3 : i32
    "tpu.region"() ({
      %run_scoped3A_186 = tpu.sem_alloc : memref<!tpu.dma_semaphore, #tpu.memory_space<semaphore_mem>>
      %dma_start3A = arith.constant 0 : i32
      %dma_start3A_187 = arith.constant 0 : i32
      %dma_start3A_188 = tpu.memref_slice %arg9[%dma_start3A, %dma_start3A_187] : memref<80x64xf32, #tpu.memory_space<vmem>> -> memref<80x64xf32, #tpu.memory_space<vmem>>
      %dma_start3A_189 = arith.constant 0 : i32
      %dma_start3A_190 = arith.constant 0 : i32
      %dma_start3A_191 = tpu.memref_slice %arg5[%add3A, %run_scoped3A_140, %dma_start3A_189, %dma_start3A_190] : memref<32x8x80x64xf32, #tpu.memory_space<hbm>> -> memref<1x1x80x64xf32, #tpu.memory_space<hbm>>
      %dma_start3A_192 = tpu.memref_squeeze %dma_start3A_191 : memref<1x1x80x64xf32, #tpu.memory_space<hbm>> -> memref<80x64xf32, #tpu.memory_space<hbm>>
      %dma_start3A_193 = arith.constant 0 : i32
      %dma_start3A_194 = arith.constant 0 : i32
      %dma_start3A_195 = tpu.memref_slice %arg5[%add3A, %run_scoped3A_140, %dma_start3A_193, %dma_start3A_194] : memref<32x8x80x64xf32, #tpu.memory_space<hbm>> -> memref<1x1x80x64xf32, #tpu.memory_space<hbm>>
      %dma_start3A_196 = tpu.memref_squeeze %dma_start3A_195 : memref<1x1x80x64xf32, #tpu.memory_space<hbm>> -> memref<80x64xf32, #tpu.memory_space<hbm>>
      %dma_start3A_197 = arith.constant 0 : i32
      %dma_start3A_198 = arith.constant 0 : i32
      %dma_start3A_199 = tpu.memref_slice %arg9[%dma_start3A_197, %dma_start3A_198] : memref<80x64xf32, #tpu.memory_space<vmem>> -> memref<80x64xf32, #tpu.memory_space<vmem>>
      tpu.enqueue_dma source(%dma_start3A_199 : memref<80x64xf32, #tpu.memory_space<vmem>>) target(%dma_start3A_196 : memref<80x64xf32, #tpu.memory_space<hbm>>) target_semaphore(%run_scoped3A_186 : memref<!tpu.dma_semaphore, #tpu.memory_space<semaphore_mem>>)
      %dma_wait3A_200 = arith.constant 0 : i32
      %dma_wait3A_201 = arith.constant 0 : i32
      %dma_wait3A_202 = tpu.memref_slice %arg9[%dma_wait3A_200, %dma_wait3A_201] : memref<80x64xf32, #tpu.memory_space<vmem>> -> memref<80x64xf32, #tpu.memory_space<vmem>>
      %dma_wait3A_203 = arith.constant 0 : i32
      %dma_wait3A_204 = arith.constant 0 : i32
      %dma_wait3A_205 = tpu.memref_slice %arg5[%add3A, %run_scoped3A_140, %dma_wait3A_203, %dma_wait3A_204] : memref<32x8x80x64xf32, #tpu.memory_space<hbm>> -> memref<1x1x80x64xf32, #tpu.memory_space<hbm>>
      %dma_wait3A_206 = tpu.memref_squeeze %dma_wait3A_205 : memref<1x1x80x64xf32, #tpu.memory_space<hbm>> -> memref<80x64xf32, #tpu.memory_space<hbm>>
      %dma_wait3A_207 = arith.constant 0 : i32
      %dma_wait3A_208 = arith.constant 0 : i32
      %dma_wait3A_209 = tpu.memref_slice %arg5[%add3A, %run_scoped3A_140, %dma_wait3A_207, %dma_wait3A_208] : memref<32x8x80x64xf32, #tpu.memory_space<hbm>> -> memref<1x1x80x64xf32, #tpu.memory_space<hbm>>
      %dma_wait3A_210 = tpu.memref_squeeze %dma_wait3A_209 : memref<1x1x80x64xf32, #tpu.memory_space<hbm>> -> memref<80x64xf32, #tpu.memory_space<hbm>>
      %dma_wait3A_211 = arith.constant 0 : i32
      %dma_wait3A_212 = arith.constant 0 : i32
      %dma_wait3A_213 = tpu.memref_slice %arg9[%dma_wait3A_211, %dma_wait3A_212] : memref<80x64xf32, #tpu.memory_space<vmem>> -> memref<80x64xf32, #tpu.memory_space<vmem>>
      tpu.wait_dma2 semaphore(%run_scoped3A_186 : memref<!tpu.dma_semaphore, #tpu.memory_space<semaphore_mem>>) src(%dma_wait3A_213 : memref<80x64xf32, #tpu.memory_space<vmem>>) dst(%dma_wait3A_210 : memref<80x64xf32, #tpu.memory_space<hbm>>)
      tpu.yield
    }) : () -> ()
    %mul3A_141 = arith.constant 640 : i32
    %mul3A_142 = arith.muli %arg1, %mul3A_141 : i32
    %add3A_143 = arith.constant 240 : i32
    %add3A_144 = arith.addi %mul3A_142, %add3A_143 : i32
    "tpu.region"() ({
      %run_scoped3A_186 = tpu.sem_alloc : memref<!tpu.dma_semaphore, #tpu.memory_space<semaphore_mem>>
      %dma_start3A = arith.constant 0 : i32
      %dma_start3A_187 = tpu.memref_slice %arg28[%add3A_144, %dma_start3A] : memref<10240x16xf32, #tpu.memory_space<vmem_shared>> -> memref<80x16xf32, #tpu.memory_space<vmem_shared>>
      %dma_start3A_188 = arith.constant 0 : i32
      %dma_start3A_189 = tpu.memref_slice %arg28[%add3A_144, %dma_start3A_188] : memref<10240x16xf32, #tpu.memory_space<vmem_shared>> -> memref<80x16xf32, #tpu.memory_space<vmem_shared>>
      tpu.enqueue_dma source(%dma_start3A_189 : memref<80x16xf32, #tpu.memory_space<vmem_shared>>) target(%arg15 : memref<80x16xf32, #tpu.memory_space<vmem>>) target_semaphore(%run_scoped3A_186 : memref<!tpu.dma_semaphore, #tpu.memory_space<semaphore_mem>>)
      %dma_wait3A_190 = arith.constant 0 : i32
      %dma_wait3A_191 = tpu.memref_slice %arg28[%add3A_144, %dma_wait3A_190] : memref<10240x16xf32, #tpu.memory_space<vmem_shared>> -> memref<80x16xf32, #tpu.memory_space<vmem_shared>>
      %dma_wait3A_192 = arith.constant 0 : i32
      %dma_wait3A_193 = tpu.memref_slice %arg28[%add3A_144, %dma_wait3A_192] : memref<10240x16xf32, #tpu.memory_space<vmem_shared>> -> memref<80x16xf32, #tpu.memory_space<vmem_shared>>
      tpu.wait_dma2 semaphore(%run_scoped3A_186 : memref<!tpu.dma_semaphore, #tpu.memory_space<semaphore_mem>>) src(%dma_wait3A_193 : memref<80x16xf32, #tpu.memory_space<vmem_shared>>) dst(%arg15 : memref<80x16xf32, #tpu.memory_space<vmem>>)
      tpu.yield
    }) : () -> ()
    %run_scoped3A_145 = arith.constant 3 : i32
    "tpu.region"() ({
      %run_scoped3A_186 = tpu.sem_alloc : memref<!tpu.dma_semaphore, #tpu.memory_space<semaphore_mem>>
      %dma_start3A = arith.constant 0 : i32
      %dma_start3A_187 = arith.constant 0 : i32
      %dma_start3A_188 = tpu.memref_slice %arg6[%add3A, %run_scoped3A_145, %dma_start3A, %dma_start3A_187] : memref<32x8x80x16xf32, #tpu.memory_space<hbm>> -> memref<1x1x80x16xf32, #tpu.memory_space<hbm>>
      %dma_start3A_189 = tpu.memref_squeeze %dma_start3A_188 : memref<1x1x80x16xf32, #tpu.memory_space<hbm>> -> memref<80x16xf32, #tpu.memory_space<hbm>>
      %dma_start3A_190 = arith.constant 0 : i32
      %dma_start3A_191 = arith.constant 0 : i32
      %dma_start3A_192 = tpu.memref_slice %arg6[%add3A, %run_scoped3A_145, %dma_start3A_190, %dma_start3A_191] : memref<32x8x80x16xf32, #tpu.memory_space<hbm>> -> memref<1x1x80x16xf32, #tpu.memory_space<hbm>>
      %dma_start3A_193 = tpu.memref_squeeze %dma_start3A_192 : memref<1x1x80x16xf32, #tpu.memory_space<hbm>> -> memref<80x16xf32, #tpu.memory_space<hbm>>
      tpu.enqueue_dma source(%arg15 : memref<80x16xf32, #tpu.memory_space<vmem>>) target(%dma_start3A_193 : memref<80x16xf32, #tpu.memory_space<hbm>>) target_semaphore(%run_scoped3A_186 : memref<!tpu.dma_semaphore, #tpu.memory_space<semaphore_mem>>)
      %dma_wait3A_194 = arith.constant 0 : i32
      %dma_wait3A_195 = arith.constant 0 : i32
      %dma_wait3A_196 = tpu.memref_slice %arg6[%add3A, %run_scoped3A_145, %dma_wait3A_194, %dma_wait3A_195] : memref<32x8x80x16xf32, #tpu.memory_space<hbm>> -> memref<1x1x80x16xf32, #tpu.memory_space<hbm>>
      %dma_wait3A_197 = tpu.memref_squeeze %dma_wait3A_196 : memref<1x1x80x16xf32, #tpu.memory_space<hbm>> -> memref<80x16xf32, #tpu.memory_space<hbm>>
      %dma_wait3A_198 = arith.constant 0 : i32
      %dma_wait3A_199 = arith.constant 0 : i32
      %dma_wait3A_200 = tpu.memref_slice %arg6[%add3A, %run_scoped3A_145, %dma_wait3A_198, %dma_wait3A_199] : memref<32x8x80x16xf32, #tpu.memory_space<hbm>> -> memref<1x1x80x16xf32, #tpu.memory_space<hbm>>
      %dma_wait3A_201 = tpu.memref_squeeze %dma_wait3A_200 : memref<1x1x80x16xf32, #tpu.memory_space<hbm>> -> memref<80x16xf32, #tpu.memory_space<hbm>>
      tpu.wait_dma2 semaphore(%run_scoped3A_186 : memref<!tpu.dma_semaphore, #tpu.memory_space<semaphore_mem>>) src(%arg15 : memref<80x16xf32, #tpu.memory_space<vmem>>) dst(%dma_wait3A_201 : memref<80x16xf32, #tpu.memory_space<hbm>>)
      tpu.yield
    }) : () -> ()
    %mul3A_146 = arith.constant 640 : i32
    %mul3A_147 = arith.muli %arg1, %mul3A_146 : i32
    %add3A_148 = arith.constant 320 : i32
    %add3A_149 = arith.addi %mul3A_147, %add3A_148 : i32
    "tpu.region"() ({
      %run_scoped3A_186 = tpu.sem_alloc : memref<!tpu.dma_semaphore, #tpu.memory_space<semaphore_mem>>
      %dma_start3A = arith.constant 0 : i32
      %dma_start3A_187 = arith.constant 0 : i32
      %dma_start3A_188 = tpu.memref_slice %arg9[%dma_start3A, %dma_start3A_187] : memref<80x64xf32, #tpu.memory_space<vmem>> -> memref<80x64xf32, #tpu.memory_space<vmem>>
      %dma_start3A_189 = arith.constant 0 : i32
      %dma_start3A_190 = tpu.memref_slice %arg27[%add3A_149, %dma_start3A_189] : memref<10240x64xf32, #tpu.memory_space<vmem_shared>> -> memref<80x64xf32, #tpu.memory_space<vmem_shared>>
      %dma_start3A_191 = arith.constant 0 : i32
      %dma_start3A_192 = arith.constant 0 : i32
      %dma_start3A_193 = tpu.memref_slice %arg9[%dma_start3A_191, %dma_start3A_192] : memref<80x64xf32, #tpu.memory_space<vmem>> -> memref<80x64xf32, #tpu.memory_space<vmem>>
      %dma_start3A_194 = arith.constant 0 : i32
      %dma_start3A_195 = tpu.memref_slice %arg27[%add3A_149, %dma_start3A_194] : memref<10240x64xf32, #tpu.memory_space<vmem_shared>> -> memref<80x64xf32, #tpu.memory_space<vmem_shared>>
      tpu.enqueue_dma source(%dma_start3A_195 : memref<80x64xf32, #tpu.memory_space<vmem_shared>>) target(%dma_start3A_193 : memref<80x64xf32, #tpu.memory_space<vmem>>) target_semaphore(%run_scoped3A_186 : memref<!tpu.dma_semaphore, #tpu.memory_space<semaphore_mem>>)
      %dma_wait3A_196 = arith.constant 0 : i32
      %dma_wait3A_197 = arith.constant 0 : i32
      %dma_wait3A_198 = tpu.memref_slice %arg9[%dma_wait3A_196, %dma_wait3A_197] : memref<80x64xf32, #tpu.memory_space<vmem>> -> memref<80x64xf32, #tpu.memory_space<vmem>>
      %dma_wait3A_199 = arith.constant 0 : i32
      %dma_wait3A_200 = tpu.memref_slice %arg27[%add3A_149, %dma_wait3A_199] : memref<10240x64xf32, #tpu.memory_space<vmem_shared>> -> memref<80x64xf32, #tpu.memory_space<vmem_shared>>
      %dma_wait3A_201 = arith.constant 0 : i32
      %dma_wait3A_202 = arith.constant 0 : i32
      %dma_wait3A_203 = tpu.memref_slice %arg9[%dma_wait3A_201, %dma_wait3A_202] : memref<80x64xf32, #tpu.memory_space<vmem>> -> memref<80x64xf32, #tpu.memory_space<vmem>>
      %dma_wait3A_204 = arith.constant 0 : i32
      %dma_wait3A_205 = tpu.memref_slice %arg27[%add3A_149, %dma_wait3A_204] : memref<10240x64xf32, #tpu.memory_space<vmem_shared>> -> memref<80x64xf32, #tpu.memory_space<vmem_shared>>
      tpu.wait_dma2 semaphore(%run_scoped3A_186 : memref<!tpu.dma_semaphore, #tpu.memory_space<semaphore_mem>>) src(%dma_wait3A_205 : memref<80x64xf32, #tpu.memory_space<vmem_shared>>) dst(%dma_wait3A_203 : memref<80x64xf32, #tpu.memory_space<vmem>>)
      tpu.yield
    }) : () -> ()
    %run_scoped3A_150 = arith.constant 4 : i32
    "tpu.region"() ({
      %run_scoped3A_186 = tpu.sem_alloc : memref<!tpu.dma_semaphore, #tpu.memory_space<semaphore_mem>>
      %dma_start3A = arith.constant 0 : i32
      %dma_start3A_187 = arith.constant 0 : i32
      %dma_start3A_188 = tpu.memref_slice %arg9[%dma_start3A, %dma_start3A_187] : memref<80x64xf32, #tpu.memory_space<vmem>> -> memref<80x64xf32, #tpu.memory_space<vmem>>
      %dma_start3A_189 = arith.constant 0 : i32
      %dma_start3A_190 = arith.constant 0 : i32
      %dma_start3A_191 = tpu.memref_slice %arg5[%add3A, %run_scoped3A_150, %dma_start3A_189, %dma_start3A_190] : memref<32x8x80x64xf32, #tpu.memory_space<hbm>> -> memref<1x1x80x64xf32, #tpu.memory_space<hbm>>
      %dma_start3A_192 = tpu.memref_squeeze %dma_start3A_191 : memref<1x1x80x64xf32, #tpu.memory_space<hbm>> -> memref<80x64xf32, #tpu.memory_space<hbm>>
      %dma_start3A_193 = arith.constant 0 : i32
      %dma_start3A_194 = arith.constant 0 : i32
      %dma_start3A_195 = tpu.memref_slice %arg5[%add3A, %run_scoped3A_150, %dma_start3A_193, %dma_start3A_194] : memref<32x8x80x64xf32, #tpu.memory_space<hbm>> -> memref<1x1x80x64xf32, #tpu.memory_space<hbm>>
      %dma_start3A_196 = tpu.memref_squeeze %dma_start3A_195 : memref<1x1x80x64xf32, #tpu.memory_space<hbm>> -> memref<80x64xf32, #tpu.memory_space<hbm>>
      %dma_start3A_197 = arith.constant 0 : i32
      %dma_start3A_198 = arith.constant 0 : i32
      %dma_start3A_199 = tpu.memref_slice %arg9[%dma_start3A_197, %dma_start3A_198] : memref<80x64xf32, #tpu.memory_space<vmem>> -> memref<80x64xf32, #tpu.memory_space<vmem>>
      tpu.enqueue_dma source(%dma_start3A_199 : memref<80x64xf32, #tpu.memory_space<vmem>>) target(%dma_start3A_196 : memref<80x64xf32, #tpu.memory_space<hbm>>) target_semaphore(%run_scoped3A_186 : memref<!tpu.dma_semaphore, #tpu.memory_space<semaphore_mem>>)
      %dma_wait3A_200 = arith.constant 0 : i32
      %dma_wait3A_201 = arith.constant 0 : i32
      %dma_wait3A_202 = tpu.memref_slice %arg9[%dma_wait3A_200, %dma_wait3A_201] : memref<80x64xf32, #tpu.memory_space<vmem>> -> memref<80x64xf32, #tpu.memory_space<vmem>>
      %dma_wait3A_203 = arith.constant 0 : i32
      %dma_wait3A_204 = arith.constant 0 : i32
      %dma_wait3A_205 = tpu.memref_slice %arg5[%add3A, %run_scoped3A_150, %dma_wait3A_203, %dma_wait3A_204] : memref<32x8x80x64xf32, #tpu.memory_space<hbm>> -> memref<1x1x80x64xf32, #tpu.memory_space<hbm>>
      %dma_wait3A_206 = tpu.memref_squeeze %dma_wait3A_205 : memref<1x1x80x64xf32, #tpu.memory_space<hbm>> -> memref<80x64xf32, #tpu.memory_space<hbm>>
      %dma_wait3A_207 = arith.constant 0 : i32
      %dma_wait3A_208 = arith.constant 0 : i32
      %dma_wait3A_209 = tpu.memref_slice %arg5[%add3A, %run_scoped3A_150, %dma_wait3A_207, %dma_wait3A_208] : memref<32x8x80x64xf32, #tpu.memory_space<hbm>> -> memref<1x1x80x64xf32, #tpu.memory_space<hbm>>
      %dma_wait3A_210 = tpu.memref_squeeze %dma_wait3A_209 : memref<1x1x80x64xf32, #tpu.memory_space<hbm>> -> memref<80x64xf32, #tpu.memory_space<hbm>>
      %dma_wait3A_211 = arith.constant 0 : i32
      %dma_wait3A_212 = arith.constant 0 : i32
      %dma_wait3A_213 = tpu.memref_slice %arg9[%dma_wait3A_211, %dma_wait3A_212] : memref<80x64xf32, #tpu.memory_space<vmem>> -> memref<80x64xf32, #tpu.memory_space<vmem>>
      tpu.wait_dma2 semaphore(%run_scoped3A_186 : memref<!tpu.dma_semaphore, #tpu.memory_space<semaphore_mem>>) src(%dma_wait3A_213 : memref<80x64xf32, #tpu.memory_space<vmem>>) dst(%dma_wait3A_210 : memref<80x64xf32, #tpu.memory_space<hbm>>)
      tpu.yield
    }) : () -> ()
    %mul3A_151 = arith.constant 640 : i32
    %mul3A_152 = arith.muli %arg1, %mul3A_151 : i32
    %add3A_153 = arith.constant 320 : i32
    %add3A_154 = arith.addi %mul3A_152, %add3A_153 : i32
    "tpu.region"() ({
      %run_scoped3A_186 = tpu.sem_alloc : memref<!tpu.dma_semaphore, #tpu.memory_space<semaphore_mem>>
      %dma_start3A = arith.constant 0 : i32
      %dma_start3A_187 = tpu.memref_slice %arg28[%add3A_154, %dma_start3A] : memref<10240x16xf32, #tpu.memory_space<vmem_shared>> -> memref<80x16xf32, #tpu.memory_space<vmem_shared>>
      %dma_start3A_188 = arith.constant 0 : i32
      %dma_start3A_189 = tpu.memref_slice %arg28[%add3A_154, %dma_start3A_188] : memref<10240x16xf32, #tpu.memory_space<vmem_shared>> -> memref<80x16xf32, #tpu.memory_space<vmem_shared>>
      tpu.enqueue_dma source(%dma_start3A_189 : memref<80x16xf32, #tpu.memory_space<vmem_shared>>) target(%arg15 : memref<80x16xf32, #tpu.memory_space<vmem>>) target_semaphore(%run_scoped3A_186 : memref<!tpu.dma_semaphore, #tpu.memory_space<semaphore_mem>>)
      %dma_wait3A_190 = arith.constant 0 : i32
      %dma_wait3A_191 = tpu.memref_slice %arg28[%add3A_154, %dma_wait3A_190] : memref<10240x16xf32, #tpu.memory_space<vmem_shared>> -> memref<80x16xf32, #tpu.memory_space<vmem_shared>>
      %dma_wait3A_192 = arith.constant 0 : i32
      %dma_wait3A_193 = tpu.memref_slice %arg28[%add3A_154, %dma_wait3A_192] : memref<10240x16xf32, #tpu.memory_space<vmem_shared>> -> memref<80x16xf32, #tpu.memory_space<vmem_shared>>
      tpu.wait_dma2 semaphore(%run_scoped3A_186 : memref<!tpu.dma_semaphore, #tpu.memory_space<semaphore_mem>>) src(%dma_wait3A_193 : memref<80x16xf32, #tpu.memory_space<vmem_shared>>) dst(%arg15 : memref<80x16xf32, #tpu.memory_space<vmem>>)
      tpu.yield
    }) : () -> ()
    %run_scoped3A_155 = arith.constant 4 : i32
    "tpu.region"() ({
      %run_scoped3A_186 = tpu.sem_alloc : memref<!tpu.dma_semaphore, #tpu.memory_space<semaphore_mem>>
      %dma_start3A = arith.constant 0 : i32
      %dma_start3A_187 = arith.constant 0 : i32
      %dma_start3A_188 = tpu.memref_slice %arg6[%add3A, %run_scoped3A_155, %dma_start3A, %dma_start3A_187] : memref<32x8x80x16xf32, #tpu.memory_space<hbm>> -> memref<1x1x80x16xf32, #tpu.memory_space<hbm>>
      %dma_start3A_189 = tpu.memref_squeeze %dma_start3A_188 : memref<1x1x80x16xf32, #tpu.memory_space<hbm>> -> memref<80x16xf32, #tpu.memory_space<hbm>>
      %dma_start3A_190 = arith.constant 0 : i32
      %dma_start3A_191 = arith.constant 0 : i32
      %dma_start3A_192 = tpu.memref_slice %arg6[%add3A, %run_scoped3A_155, %dma_start3A_190, %dma_start3A_191] : memref<32x8x80x16xf32, #tpu.memory_space<hbm>> -> memref<1x1x80x16xf32, #tpu.memory_space<hbm>>
      %dma_start3A_193 = tpu.memref_squeeze %dma_start3A_192 : memref<1x1x80x16xf32, #tpu.memory_space<hbm>> -> memref<80x16xf32, #tpu.memory_space<hbm>>
      tpu.enqueue_dma source(%arg15 : memref<80x16xf32, #tpu.memory_space<vmem>>) target(%dma_start3A_193 : memref<80x16xf32, #tpu.memory_space<hbm>>) target_semaphore(%run_scoped3A_186 : memref<!tpu.dma_semaphore, #tpu.memory_space<semaphore_mem>>)
      %dma_wait3A_194 = arith.constant 0 : i32
      %dma_wait3A_195 = arith.constant 0 : i32
      %dma_wait3A_196 = tpu.memref_slice %arg6[%add3A, %run_scoped3A_155, %dma_wait3A_194, %dma_wait3A_195] : memref<32x8x80x16xf32, #tpu.memory_space<hbm>> -> memref<1x1x80x16xf32, #tpu.memory_space<hbm>>
      %dma_wait3A_197 = tpu.memref_squeeze %dma_wait3A_196 : memref<1x1x80x16xf32, #tpu.memory_space<hbm>> -> memref<80x16xf32, #tpu.memory_space<hbm>>
      %dma_wait3A_198 = arith.constant 0 : i32
      %dma_wait3A_199 = arith.constant 0 : i32
      %dma_wait3A_200 = tpu.memref_slice %arg6[%add3A, %run_scoped3A_155, %dma_wait3A_198, %dma_wait3A_199] : memref<32x8x80x16xf32, #tpu.memory_space<hbm>> -> memref<1x1x80x16xf32, #tpu.memory_space<hbm>>
      %dma_wait3A_201 = tpu.memref_squeeze %dma_wait3A_200 : memref<1x1x80x16xf32, #tpu.memory_space<hbm>> -> memref<80x16xf32, #tpu.memory_space<hbm>>
      tpu.wait_dma2 semaphore(%run_scoped3A_186 : memref<!tpu.dma_semaphore, #tpu.memory_space<semaphore_mem>>) src(%arg15 : memref<80x16xf32, #tpu.memory_space<vmem>>) dst(%dma_wait3A_201 : memref<80x16xf32, #tpu.memory_space<hbm>>)
      tpu.yield
    }) : () -> ()
    %mul3A_156 = arith.constant 640 : i32
    %mul3A_157 = arith.muli %arg1, %mul3A_156 : i32
    %add3A_158 = arith.constant 400 : i32
    %add3A_159 = arith.addi %mul3A_157, %add3A_158 : i32
    "tpu.region"() ({
      %run_scoped3A_186 = tpu.sem_alloc : memref<!tpu.dma_semaphore, #tpu.memory_space<semaphore_mem>>
      %dma_start3A = arith.constant 0 : i32
      %dma_start3A_187 = arith.constant 0 : i32
      %dma_start3A_188 = tpu.memref_slice %arg9[%dma_start3A, %dma_start3A_187] : memref<80x64xf32, #tpu.memory_space<vmem>> -> memref<80x64xf32, #tpu.memory_space<vmem>>
      %dma_start3A_189 = arith.constant 0 : i32
      %dma_start3A_190 = tpu.memref_slice %arg27[%add3A_159, %dma_start3A_189] : memref<10240x64xf32, #tpu.memory_space<vmem_shared>> -> memref<80x64xf32, #tpu.memory_space<vmem_shared>>
      %dma_start3A_191 = arith.constant 0 : i32
      %dma_start3A_192 = arith.constant 0 : i32
      %dma_start3A_193 = tpu.memref_slice %arg9[%dma_start3A_191, %dma_start3A_192] : memref<80x64xf32, #tpu.memory_space<vmem>> -> memref<80x64xf32, #tpu.memory_space<vmem>>
      %dma_start3A_194 = arith.constant 0 : i32
      %dma_start3A_195 = tpu.memref_slice %arg27[%add3A_159, %dma_start3A_194] : memref<10240x64xf32, #tpu.memory_space<vmem_shared>> -> memref<80x64xf32, #tpu.memory_space<vmem_shared>>
      tpu.enqueue_dma source(%dma_start3A_195 : memref<80x64xf32, #tpu.memory_space<vmem_shared>>) target(%dma_start3A_193 : memref<80x64xf32, #tpu.memory_space<vmem>>) target_semaphore(%run_scoped3A_186 : memref<!tpu.dma_semaphore, #tpu.memory_space<semaphore_mem>>)
      %dma_wait3A_196 = arith.constant 0 : i32
      %dma_wait3A_197 = arith.constant 0 : i32
      %dma_wait3A_198 = tpu.memref_slice %arg9[%dma_wait3A_196, %dma_wait3A_197] : memref<80x64xf32, #tpu.memory_space<vmem>> -> memref<80x64xf32, #tpu.memory_space<vmem>>
      %dma_wait3A_199 = arith.constant 0 : i32
      %dma_wait3A_200 = tpu.memref_slice %arg27[%add3A_159, %dma_wait3A_199] : memref<10240x64xf32, #tpu.memory_space<vmem_shared>> -> memref<80x64xf32, #tpu.memory_space<vmem_shared>>
      %dma_wait3A_201 = arith.constant 0 : i32
      %dma_wait3A_202 = arith.constant 0 : i32
      %dma_wait3A_203 = tpu.memref_slice %arg9[%dma_wait3A_201, %dma_wait3A_202] : memref<80x64xf32, #tpu.memory_space<vmem>> -> memref<80x64xf32, #tpu.memory_space<vmem>>
      %dma_wait3A_204 = arith.constant 0 : i32
      %dma_wait3A_205 = tpu.memref_slice %arg27[%add3A_159, %dma_wait3A_204] : memref<10240x64xf32, #tpu.memory_space<vmem_shared>> -> memref<80x64xf32, #tpu.memory_space<vmem_shared>>
      tpu.wait_dma2 semaphore(%run_scoped3A_186 : memref<!tpu.dma_semaphore, #tpu.memory_space<semaphore_mem>>) src(%dma_wait3A_205 : memref<80x64xf32, #tpu.memory_space<vmem_shared>>) dst(%dma_wait3A_203 : memref<80x64xf32, #tpu.memory_space<vmem>>)
      tpu.yield
    }) : () -> ()
    %run_scoped3A_160 = arith.constant 5 : i32
    "tpu.region"() ({
      %run_scoped3A_186 = tpu.sem_alloc : memref<!tpu.dma_semaphore, #tpu.memory_space<semaphore_mem>>
      %dma_start3A = arith.constant 0 : i32
      %dma_start3A_187 = arith.constant 0 : i32
      %dma_start3A_188 = tpu.memref_slice %arg9[%dma_start3A, %dma_start3A_187] : memref<80x64xf32, #tpu.memory_space<vmem>> -> memref<80x64xf32, #tpu.memory_space<vmem>>
      %dma_start3A_189 = arith.constant 0 : i32
      %dma_start3A_190 = arith.constant 0 : i32
      %dma_start3A_191 = tpu.memref_slice %arg5[%add3A, %run_scoped3A_160, %dma_start3A_189, %dma_start3A_190] : memref<32x8x80x64xf32, #tpu.memory_space<hbm>> -> memref<1x1x80x64xf32, #tpu.memory_space<hbm>>
      %dma_start3A_192 = tpu.memref_squeeze %dma_start3A_191 : memref<1x1x80x64xf32, #tpu.memory_space<hbm>> -> memref<80x64xf32, #tpu.memory_space<hbm>>
      %dma_start3A_193 = arith.constant 0 : i32
      %dma_start3A_194 = arith.constant 0 : i32
      %dma_start3A_195 = tpu.memref_slice %arg5[%add3A, %run_scoped3A_160, %dma_start3A_193, %dma_start3A_194] : memref<32x8x80x64xf32, #tpu.memory_space<hbm>> -> memref<1x1x80x64xf32, #tpu.memory_space<hbm>>
      %dma_start3A_196 = tpu.memref_squeeze %dma_start3A_195 : memref<1x1x80x64xf32, #tpu.memory_space<hbm>> -> memref<80x64xf32, #tpu.memory_space<hbm>>
      %dma_start3A_197 = arith.constant 0 : i32
      %dma_start3A_198 = arith.constant 0 : i32
      %dma_start3A_199 = tpu.memref_slice %arg9[%dma_start3A_197, %dma_start3A_198] : memref<80x64xf32, #tpu.memory_space<vmem>> -> memref<80x64xf32, #tpu.memory_space<vmem>>
      tpu.enqueue_dma source(%dma_start3A_199 : memref<80x64xf32, #tpu.memory_space<vmem>>) target(%dma_start3A_196 : memref<80x64xf32, #tpu.memory_space<hbm>>) target_semaphore(%run_scoped3A_186 : memref<!tpu.dma_semaphore, #tpu.memory_space<semaphore_mem>>)
      %dma_wait3A_200 = arith.constant 0 : i32
      %dma_wait3A_201 = arith.constant 0 : i32
      %dma_wait3A_202 = tpu.memref_slice %arg9[%dma_wait3A_200, %dma_wait3A_201] : memref<80x64xf32, #tpu.memory_space<vmem>> -> memref<80x64xf32, #tpu.memory_space<vmem>>
      %dma_wait3A_203 = arith.constant 0 : i32
      %dma_wait3A_204 = arith.constant 0 : i32
      %dma_wait3A_205 = tpu.memref_slice %arg5[%add3A, %run_scoped3A_160, %dma_wait3A_203, %dma_wait3A_204] : memref<32x8x80x64xf32, #tpu.memory_space<hbm>> -> memref<1x1x80x64xf32, #tpu.memory_space<hbm>>
      %dma_wait3A_206 = tpu.memref_squeeze %dma_wait3A_205 : memref<1x1x80x64xf32, #tpu.memory_space<hbm>> -> memref<80x64xf32, #tpu.memory_space<hbm>>
      %dma_wait3A_207 = arith.constant 0 : i32
      %dma_wait3A_208 = arith.constant 0 : i32
      %dma_wait3A_209 = tpu.memref_slice %arg5[%add3A, %run_scoped3A_160, %dma_wait3A_207, %dma_wait3A_208] : memref<32x8x80x64xf32, #tpu.memory_space<hbm>> -> memref<1x1x80x64xf32, #tpu.memory_space<hbm>>
      %dma_wait3A_210 = tpu.memref_squeeze %dma_wait3A_209 : memref<1x1x80x64xf32, #tpu.memory_space<hbm>> -> memref<80x64xf32, #tpu.memory_space<hbm>>
      %dma_wait3A_211 = arith.constant 0 : i32
      %dma_wait3A_212 = arith.constant 0 : i32
      %dma_wait3A_213 = tpu.memref_slice %arg9[%dma_wait3A_211, %dma_wait3A_212] : memref<80x64xf32, #tpu.memory_space<vmem>> -> memref<80x64xf32, #tpu.memory_space<vmem>>
      tpu.wait_dma2 semaphore(%run_scoped3A_186 : memref<!tpu.dma_semaphore, #tpu.memory_space<semaphore_mem>>) src(%dma_wait3A_213 : memref<80x64xf32, #tpu.memory_space<vmem>>) dst(%dma_wait3A_210 : memref<80x64xf32, #tpu.memory_space<hbm>>)
      tpu.yield
    }) : () -> ()
    %mul3A_161 = arith.constant 640 : i32
    %mul3A_162 = arith.muli %arg1, %mul3A_161 : i32
    %add3A_163 = arith.constant 400 : i32
    %add3A_164 = arith.addi %mul3A_162, %add3A_163 : i32
    "tpu.region"() ({
      %run_scoped3A_186 = tpu.sem_alloc : memref<!tpu.dma_semaphore, #tpu.memory_space<semaphore_mem>>
      %dma_start3A = arith.constant 0 : i32
      %dma_start3A_187 = tpu.memref_slice %arg28[%add3A_164, %dma_start3A] : memref<10240x16xf32, #tpu.memory_space<vmem_shared>> -> memref<80x16xf32, #tpu.memory_space<vmem_shared>>
      %dma_start3A_188 = arith.constant 0 : i32
      %dma_start3A_189 = tpu.memref_slice %arg28[%add3A_164, %dma_start3A_188] : memref<10240x16xf32, #tpu.memory_space<vmem_shared>> -> memref<80x16xf32, #tpu.memory_space<vmem_shared>>
      tpu.enqueue_dma source(%dma_start3A_189 : memref<80x16xf32, #tpu.memory_space<vmem_shared>>) target(%arg15 : memref<80x16xf32, #tpu.memory_space<vmem>>) target_semaphore(%run_scoped3A_186 : memref<!tpu.dma_semaphore, #tpu.memory_space<semaphore_mem>>)
      %dma_wait3A_190 = arith.constant 0 : i32
      %dma_wait3A_191 = tpu.memref_slice %arg28[%add3A_164, %dma_wait3A_190] : memref<10240x16xf32, #tpu.memory_space<vmem_shared>> -> memref<80x16xf32, #tpu.memory_space<vmem_shared>>
      %dma_wait3A_192 = arith.constant 0 : i32
      %dma_wait3A_193 = tpu.memref_slice %arg28[%add3A_164, %dma_wait3A_192] : memref<10240x16xf32, #tpu.memory_space<vmem_shared>> -> memref<80x16xf32, #tpu.memory_space<vmem_shared>>
      tpu.wait_dma2 semaphore(%run_scoped3A_186 : memref<!tpu.dma_semaphore, #tpu.memory_space<semaphore_mem>>) src(%dma_wait3A_193 : memref<80x16xf32, #tpu.memory_space<vmem_shared>>) dst(%arg15 : memref<80x16xf32, #tpu.memory_space<vmem>>)
      tpu.yield
    }) : () -> ()
    %run_scoped3A_165 = arith.constant 5 : i32
    "tpu.region"() ({
      %run_scoped3A_186 = tpu.sem_alloc : memref<!tpu.dma_semaphore, #tpu.memory_space<semaphore_mem>>
      %dma_start3A = arith.constant 0 : i32
      %dma_start3A_187 = arith.constant 0 : i32
      %dma_start3A_188 = tpu.memref_slice %arg6[%add3A, %run_scoped3A_165, %dma_start3A, %dma_start3A_187] : memref<32x8x80x16xf32, #tpu.memory_space<hbm>> -> memref<1x1x80x16xf32, #tpu.memory_space<hbm>>
      %dma_start3A_189 = tpu.memref_squeeze %dma_start3A_188 : memref<1x1x80x16xf32, #tpu.memory_space<hbm>> -> memref<80x16xf32, #tpu.memory_space<hbm>>
      %dma_start3A_190 = arith.constant 0 : i32
      %dma_start3A_191 = arith.constant 0 : i32
      %dma_start3A_192 = tpu.memref_slice %arg6[%add3A, %run_scoped3A_165, %dma_start3A_190, %dma_start3A_191] : memref<32x8x80x16xf32, #tpu.memory_space<hbm>> -> memref<1x1x80x16xf32, #tpu.memory_space<hbm>>
      %dma_start3A_193 = tpu.memref_squeeze %dma_start3A_192 : memref<1x1x80x16xf32, #tpu.memory_space<hbm>> -> memref<80x16xf32, #tpu.memory_space<hbm>>
      tpu.enqueue_dma source(%arg15 : memref<80x16xf32, #tpu.memory_space<vmem>>) target(%dma_start3A_193 : memref<80x16xf32, #tpu.memory_space<hbm>>) target_semaphore(%run_scoped3A_186 : memref<!tpu.dma_semaphore, #tpu.memory_space<semaphore_mem>>)
      %dma_wait3A_194 = arith.constant 0 : i32
      %dma_wait3A_195 = arith.constant 0 : i32
      %dma_wait3A_196 = tpu.memref_slice %arg6[%add3A, %run_scoped3A_165, %dma_wait3A_194, %dma_wait3A_195] : memref<32x8x80x16xf32, #tpu.memory_space<hbm>> -> memref<1x1x80x16xf32, #tpu.memory_space<hbm>>
      %dma_wait3A_197 = tpu.memref_squeeze %dma_wait3A_196 : memref<1x1x80x16xf32, #tpu.memory_space<hbm>> -> memref<80x16xf32, #tpu.memory_space<hbm>>
      %dma_wait3A_198 = arith.constant 0 : i32
      %dma_wait3A_199 = arith.constant 0 : i32
      %dma_wait3A_200 = tpu.memref_slice %arg6[%add3A, %run_scoped3A_165, %dma_wait3A_198, %dma_wait3A_199] : memref<32x8x80x16xf32, #tpu.memory_space<hbm>> -> memref<1x1x80x16xf32, #tpu.memory_space<hbm>>
      %dma_wait3A_201 = tpu.memref_squeeze %dma_wait3A_200 : memref<1x1x80x16xf32, #tpu.memory_space<hbm>> -> memref<80x16xf32, #tpu.memory_space<hbm>>
      tpu.wait_dma2 semaphore(%run_scoped3A_186 : memref<!tpu.dma_semaphore, #tpu.memory_space<semaphore_mem>>) src(%arg15 : memref<80x16xf32, #tpu.memory_space<vmem>>) dst(%dma_wait3A_201 : memref<80x16xf32, #tpu.memory_space<hbm>>)
      tpu.yield
    }) : () -> ()
    %mul3A_166 = arith.constant 640 : i32
    %mul3A_167 = arith.muli %arg1, %mul3A_166 : i32
    %add3A_168 = arith.constant 480 : i32
    %add3A_169 = arith.addi %mul3A_167, %add3A_168 : i32
    "tpu.region"() ({
      %run_scoped3A_186 = tpu.sem_alloc : memref<!tpu.dma_semaphore, #tpu.memory_space<semaphore_mem>>
      %dma_start3A = arith.constant 0 : i32
      %dma_start3A_187 = arith.constant 0 : i32
      %dma_start3A_188 = tpu.memref_slice %arg9[%dma_start3A, %dma_start3A_187] : memref<80x64xf32, #tpu.memory_space<vmem>> -> memref<80x64xf32, #tpu.memory_space<vmem>>
      %dma_start3A_189 = arith.constant 0 : i32
      %dma_start3A_190 = tpu.memref_slice %arg27[%add3A_169, %dma_start3A_189] : memref<10240x64xf32, #tpu.memory_space<vmem_shared>> -> memref<80x64xf32, #tpu.memory_space<vmem_shared>>
      %dma_start3A_191 = arith.constant 0 : i32
      %dma_start3A_192 = arith.constant 0 : i32
      %dma_start3A_193 = tpu.memref_slice %arg9[%dma_start3A_191, %dma_start3A_192] : memref<80x64xf32, #tpu.memory_space<vmem>> -> memref<80x64xf32, #tpu.memory_space<vmem>>
      %dma_start3A_194 = arith.constant 0 : i32
      %dma_start3A_195 = tpu.memref_slice %arg27[%add3A_169, %dma_start3A_194] : memref<10240x64xf32, #tpu.memory_space<vmem_shared>> -> memref<80x64xf32, #tpu.memory_space<vmem_shared>>
      tpu.enqueue_dma source(%dma_start3A_195 : memref<80x64xf32, #tpu.memory_space<vmem_shared>>) target(%dma_start3A_193 : memref<80x64xf32, #tpu.memory_space<vmem>>) target_semaphore(%run_scoped3A_186 : memref<!tpu.dma_semaphore, #tpu.memory_space<semaphore_mem>>)
      %dma_wait3A_196 = arith.constant 0 : i32
      %dma_wait3A_197 = arith.constant 0 : i32
      %dma_wait3A_198 = tpu.memref_slice %arg9[%dma_wait3A_196, %dma_wait3A_197] : memref<80x64xf32, #tpu.memory_space<vmem>> -> memref<80x64xf32, #tpu.memory_space<vmem>>
      %dma_wait3A_199 = arith.constant 0 : i32
      %dma_wait3A_200 = tpu.memref_slice %arg27[%add3A_169, %dma_wait3A_199] : memref<10240x64xf32, #tpu.memory_space<vmem_shared>> -> memref<80x64xf32, #tpu.memory_space<vmem_shared>>
      %dma_wait3A_201 = arith.constant 0 : i32
      %dma_wait3A_202 = arith.constant 0 : i32
      %dma_wait3A_203 = tpu.memref_slice %arg9[%dma_wait3A_201, %dma_wait3A_202] : memref<80x64xf32, #tpu.memory_space<vmem>> -> memref<80x64xf32, #tpu.memory_space<vmem>>
      %dma_wait3A_204 = arith.constant 0 : i32
      %dma_wait3A_205 = tpu.memref_slice %arg27[%add3A_169, %dma_wait3A_204] : memref<10240x64xf32, #tpu.memory_space<vmem_shared>> -> memref<80x64xf32, #tpu.memory_space<vmem_shared>>
      tpu.wait_dma2 semaphore(%run_scoped3A_186 : memref<!tpu.dma_semaphore, #tpu.memory_space<semaphore_mem>>) src(%dma_wait3A_205 : memref<80x64xf32, #tpu.memory_space<vmem_shared>>) dst(%dma_wait3A_203 : memref<80x64xf32, #tpu.memory_space<vmem>>)
      tpu.yield
    }) : () -> ()
    %run_scoped3A_170 = arith.constant 6 : i32
    "tpu.region"() ({
      %run_scoped3A_186 = tpu.sem_alloc : memref<!tpu.dma_semaphore, #tpu.memory_space<semaphore_mem>>
      %dma_start3A = arith.constant 0 : i32
      %dma_start3A_187 = arith.constant 0 : i32
      %dma_start3A_188 = tpu.memref_slice %arg9[%dma_start3A, %dma_start3A_187] : memref<80x64xf32, #tpu.memory_space<vmem>> -> memref<80x64xf32, #tpu.memory_space<vmem>>
      %dma_start3A_189 = arith.constant 0 : i32
      %dma_start3A_190 = arith.constant 0 : i32
      %dma_start3A_191 = tpu.memref_slice %arg5[%add3A, %run_scoped3A_170, %dma_start3A_189, %dma_start3A_190] : memref<32x8x80x64xf32, #tpu.memory_space<hbm>> -> memref<1x1x80x64xf32, #tpu.memory_space<hbm>>
      %dma_start3A_192 = tpu.memref_squeeze %dma_start3A_191 : memref<1x1x80x64xf32, #tpu.memory_space<hbm>> -> memref<80x64xf32, #tpu.memory_space<hbm>>
      %dma_start3A_193 = arith.constant 0 : i32
      %dma_start3A_194 = arith.constant 0 : i32
      %dma_start3A_195 = tpu.memref_slice %arg5[%add3A, %run_scoped3A_170, %dma_start3A_193, %dma_start3A_194] : memref<32x8x80x64xf32, #tpu.memory_space<hbm>> -> memref<1x1x80x64xf32, #tpu.memory_space<hbm>>
      %dma_start3A_196 = tpu.memref_squeeze %dma_start3A_195 : memref<1x1x80x64xf32, #tpu.memory_space<hbm>> -> memref<80x64xf32, #tpu.memory_space<hbm>>
      %dma_start3A_197 = arith.constant 0 : i32
      %dma_start3A_198 = arith.constant 0 : i32
      %dma_start3A_199 = tpu.memref_slice %arg9[%dma_start3A_197, %dma_start3A_198] : memref<80x64xf32, #tpu.memory_space<vmem>> -> memref<80x64xf32, #tpu.memory_space<vmem>>
      tpu.enqueue_dma source(%dma_start3A_199 : memref<80x64xf32, #tpu.memory_space<vmem>>) target(%dma_start3A_196 : memref<80x64xf32, #tpu.memory_space<hbm>>) target_semaphore(%run_scoped3A_186 : memref<!tpu.dma_semaphore, #tpu.memory_space<semaphore_mem>>)
      %dma_wait3A_200 = arith.constant 0 : i32
      %dma_wait3A_201 = arith.constant 0 : i32
      %dma_wait3A_202 = tpu.memref_slice %arg9[%dma_wait3A_200, %dma_wait3A_201] : memref<80x64xf32, #tpu.memory_space<vmem>> -> memref<80x64xf32, #tpu.memory_space<vmem>>
      %dma_wait3A_203 = arith.constant 0 : i32
      %dma_wait3A_204 = arith.constant 0 : i32
      %dma_wait3A_205 = tpu.memref_slice %arg5[%add3A, %run_scoped3A_170, %dma_wait3A_203, %dma_wait3A_204] : memref<32x8x80x64xf32, #tpu.memory_space<hbm>> -> memref<1x1x80x64xf32, #tpu.memory_space<hbm>>
      %dma_wait3A_206 = tpu.memref_squeeze %dma_wait3A_205 : memref<1x1x80x64xf32, #tpu.memory_space<hbm>> -> memref<80x64xf32, #tpu.memory_space<hbm>>
      %dma_wait3A_207 = arith.constant 0 : i32
      %dma_wait3A_208 = arith.constant 0 : i32
      %dma_wait3A_209 = tpu.memref_slice %arg5[%add3A, %run_scoped3A_170, %dma_wait3A_207, %dma_wait3A_208] : memref<32x8x80x64xf32, #tpu.memory_space<hbm>> -> memref<1x1x80x64xf32, #tpu.memory_space<hbm>>
      %dma_wait3A_210 = tpu.memref_squeeze %dma_wait3A_209 : memref<1x1x80x64xf32, #tpu.memory_space<hbm>> -> memref<80x64xf32, #tpu.memory_space<hbm>>
      %dma_wait3A_211 = arith.constant 0 : i32
      %dma_wait3A_212 = arith.constant 0 : i32
      %dma_wait3A_213 = tpu.memref_slice %arg9[%dma_wait3A_211, %dma_wait3A_212] : memref<80x64xf32, #tpu.memory_space<vmem>> -> memref<80x64xf32, #tpu.memory_space<vmem>>
      tpu.wait_dma2 semaphore(%run_scoped3A_186 : memref<!tpu.dma_semaphore, #tpu.memory_space<semaphore_mem>>) src(%dma_wait3A_213 : memref<80x64xf32, #tpu.memory_space<vmem>>) dst(%dma_wait3A_210 : memref<80x64xf32, #tpu.memory_space<hbm>>)
      tpu.yield
    }) : () -> ()
    %mul3A_171 = arith.constant 640 : i32
    %mul3A_172 = arith.muli %arg1, %mul3A_171 : i32
    %add3A_173 = arith.constant 480 : i32
    %add3A_174 = arith.addi %mul3A_172, %add3A_173 : i32
    "tpu.region"() ({
      %run_scoped3A_186 = tpu.sem_alloc : memref<!tpu.dma_semaphore, #tpu.memory_space<semaphore_mem>>
      %dma_start3A = arith.constant 0 : i32
      %dma_start3A_187 = tpu.memref_slice %arg28[%add3A_174, %dma_start3A] : memref<10240x16xf32, #tpu.memory_space<vmem_shared>> -> memref<80x16xf32, #tpu.memory_space<vmem_shared>>
      %dma_start3A_188 = arith.constant 0 : i32
      %dma_start3A_189 = tpu.memref_slice %arg28[%add3A_174, %dma_start3A_188] : memref<10240x16xf32, #tpu.memory_space<vmem_shared>> -> memref<80x16xf32, #tpu.memory_space<vmem_shared>>
      tpu.enqueue_dma source(%dma_start3A_189 : memref<80x16xf32, #tpu.memory_space<vmem_shared>>) target(%arg15 : memref<80x16xf32, #tpu.memory_space<vmem>>) target_semaphore(%run_scoped3A_186 : memref<!tpu.dma_semaphore, #tpu.memory_space<semaphore_mem>>)
      %dma_wait3A_190 = arith.constant 0 : i32
      %dma_wait3A_191 = tpu.memref_slice %arg28[%add3A_174, %dma_wait3A_190] : memref<10240x16xf32, #tpu.memory_space<vmem_shared>> -> memref<80x16xf32, #tpu.memory_space<vmem_shared>>
      %dma_wait3A_192 = arith.constant 0 : i32
      %dma_wait3A_193 = tpu.memref_slice %arg28[%add3A_174, %dma_wait3A_192] : memref<10240x16xf32, #tpu.memory_space<vmem_shared>> -> memref<80x16xf32, #tpu.memory_space<vmem_shared>>
      tpu.wait_dma2 semaphore(%run_scoped3A_186 : memref<!tpu.dma_semaphore, #tpu.memory_space<semaphore_mem>>) src(%dma_wait3A_193 : memref<80x16xf32, #tpu.memory_space<vmem_shared>>) dst(%arg15 : memref<80x16xf32, #tpu.memory_space<vmem>>)
      tpu.yield
    }) : () -> ()
    %run_scoped3A_175 = arith.constant 6 : i32
    "tpu.region"() ({
      %run_scoped3A_186 = tpu.sem_alloc : memref<!tpu.dma_semaphore, #tpu.memory_space<semaphore_mem>>
      %dma_start3A = arith.constant 0 : i32
      %dma_start3A_187 = arith.constant 0 : i32
      %dma_start3A_188 = tpu.memref_slice %arg6[%add3A, %run_scoped3A_175, %dma_start3A, %dma_start3A_187] : memref<32x8x80x16xf32, #tpu.memory_space<hbm>> -> memref<1x1x80x16xf32, #tpu.memory_space<hbm>>
      %dma_start3A_189 = tpu.memref_squeeze %dma_start3A_188 : memref<1x1x80x16xf32, #tpu.memory_space<hbm>> -> memref<80x16xf32, #tpu.memory_space<hbm>>
      %dma_start3A_190 = arith.constant 0 : i32
      %dma_start3A_191 = arith.constant 0 : i32
      %dma_start3A_192 = tpu.memref_slice %arg6[%add3A, %run_scoped3A_175, %dma_start3A_190, %dma_start3A_191] : memref<32x8x80x16xf32, #tpu.memory_space<hbm>> -> memref<1x1x80x16xf32, #tpu.memory_space<hbm>>
      %dma_start3A_193 = tpu.memref_squeeze %dma_start3A_192 : memref<1x1x80x16xf32, #tpu.memory_space<hbm>> -> memref<80x16xf32, #tpu.memory_space<hbm>>
      tpu.enqueue_dma source(%arg15 : memref<80x16xf32, #tpu.memory_space<vmem>>) target(%dma_start3A_193 : memref<80x16xf32, #tpu.memory_space<hbm>>) target_semaphore(%run_scoped3A_186 : memref<!tpu.dma_semaphore, #tpu.memory_space<semaphore_mem>>)
      %dma_wait3A_194 = arith.constant 0 : i32
      %dma_wait3A_195 = arith.constant 0 : i32
      %dma_wait3A_196 = tpu.memref_slice %arg6[%add3A, %run_scoped3A_175, %dma_wait3A_194, %dma_wait3A_195] : memref<32x8x80x16xf32, #tpu.memory_space<hbm>> -> memref<1x1x80x16xf32, #tpu.memory_space<hbm>>
      %dma_wait3A_197 = tpu.memref_squeeze %dma_wait3A_196 : memref<1x1x80x16xf32, #tpu.memory_space<hbm>> -> memref<80x16xf32, #tpu.memory_space<hbm>>
      %dma_wait3A_198 = arith.constant 0 : i32
      %dma_wait3A_199 = arith.constant 0 : i32
      %dma_wait3A_200 = tpu.memref_slice %arg6[%add3A, %run_scoped3A_175, %dma_wait3A_198, %dma_wait3A_199] : memref<32x8x80x16xf32, #tpu.memory_space<hbm>> -> memref<1x1x80x16xf32, #tpu.memory_space<hbm>>
      %dma_wait3A_201 = tpu.memref_squeeze %dma_wait3A_200 : memref<1x1x80x16xf32, #tpu.memory_space<hbm>> -> memref<80x16xf32, #tpu.memory_space<hbm>>
      tpu.wait_dma2 semaphore(%run_scoped3A_186 : memref<!tpu.dma_semaphore, #tpu.memory_space<semaphore_mem>>) src(%arg15 : memref<80x16xf32, #tpu.memory_space<vmem>>) dst(%dma_wait3A_201 : memref<80x16xf32, #tpu.memory_space<hbm>>)
      tpu.yield
    }) : () -> ()
    %mul3A_176 = arith.constant 640 : i32
    %mul3A_177 = arith.muli %arg1, %mul3A_176 : i32
    %add3A_178 = arith.constant 560 : i32
    %add3A_179 = arith.addi %mul3A_177, %add3A_178 : i32
    "tpu.region"() ({
      %run_scoped3A_186 = tpu.sem_alloc : memref<!tpu.dma_semaphore, #tpu.memory_space<semaphore_mem>>
      %dma_start3A = arith.constant 0 : i32
      %dma_start3A_187 = arith.constant 0 : i32
      %dma_start3A_188 = tpu.memref_slice %arg9[%dma_start3A, %dma_start3A_187] : memref<80x64xf32, #tpu.memory_space<vmem>> -> memref<80x64xf32, #tpu.memory_space<vmem>>
      %dma_start3A_189 = arith.constant 0 : i32
      %dma_start3A_190 = tpu.memref_slice %arg27[%add3A_179, %dma_start3A_189] : memref<10240x64xf32, #tpu.memory_space<vmem_shared>> -> memref<80x64xf32, #tpu.memory_space<vmem_shared>>
      %dma_start3A_191 = arith.constant 0 : i32
      %dma_start3A_192 = arith.constant 0 : i32
      %dma_start3A_193 = tpu.memref_slice %arg9[%dma_start3A_191, %dma_start3A_192] : memref<80x64xf32, #tpu.memory_space<vmem>> -> memref<80x64xf32, #tpu.memory_space<vmem>>
      %dma_start3A_194 = arith.constant 0 : i32
      %dma_start3A_195 = tpu.memref_slice %arg27[%add3A_179, %dma_start3A_194] : memref<10240x64xf32, #tpu.memory_space<vmem_shared>> -> memref<80x64xf32, #tpu.memory_space<vmem_shared>>
      tpu.enqueue_dma source(%dma_start3A_195 : memref<80x64xf32, #tpu.memory_space<vmem_shared>>) target(%dma_start3A_193 : memref<80x64xf32, #tpu.memory_space<vmem>>) target_semaphore(%run_scoped3A_186 : memref<!tpu.dma_semaphore, #tpu.memory_space<semaphore_mem>>)
      %dma_wait3A_196 = arith.constant 0 : i32
      %dma_wait3A_197 = arith.constant 0 : i32
      %dma_wait3A_198 = tpu.memref_slice %arg9[%dma_wait3A_196, %dma_wait3A_197] : memref<80x64xf32, #tpu.memory_space<vmem>> -> memref<80x64xf32, #tpu.memory_space<vmem>>
      %dma_wait3A_199 = arith.constant 0 : i32
      %dma_wait3A_200 = tpu.memref_slice %arg27[%add3A_179, %dma_wait3A_199] : memref<10240x64xf32, #tpu.memory_space<vmem_shared>> -> memref<80x64xf32, #tpu.memory_space<vmem_shared>>
      %dma_wait3A_201 = arith.constant 0 : i32
      %dma_wait3A_202 = arith.constant 0 : i32
      %dma_wait3A_203 = tpu.memref_slice %arg9[%dma_wait3A_201, %dma_wait3A_202] : memref<80x64xf32, #tpu.memory_space<vmem>> -> memref<80x64xf32, #tpu.memory_space<vmem>>
      %dma_wait3A_204 = arith.constant 0 : i32
      %dma_wait3A_205 = tpu.memref_slice %arg27[%add3A_179, %dma_wait3A_204] : memref<10240x64xf32, #tpu.memory_space<vmem_shared>> -> memref<80x64xf32, #tpu.memory_space<vmem_shared>>
      tpu.wait_dma2 semaphore(%run_scoped3A_186 : memref<!tpu.dma_semaphore, #tpu.memory_space<semaphore_mem>>) src(%dma_wait3A_205 : memref<80x64xf32, #tpu.memory_space<vmem_shared>>) dst(%dma_wait3A_203 : memref<80x64xf32, #tpu.memory_space<vmem>>)
      tpu.yield
    }) : () -> ()
    %run_scoped3A_180 = arith.constant 7 : i32
    "tpu.region"() ({
      %run_scoped3A_186 = tpu.sem_alloc : memref<!tpu.dma_semaphore, #tpu.memory_space<semaphore_mem>>
      %dma_start3A = arith.constant 0 : i32
      %dma_start3A_187 = arith.constant 0 : i32
      %dma_start3A_188 = tpu.memref_slice %arg9[%dma_start3A, %dma_start3A_187] : memref<80x64xf32, #tpu.memory_space<vmem>> -> memref<80x64xf32, #tpu.memory_space<vmem>>
      %dma_start3A_189 = arith.constant 0 : i32
      %dma_start3A_190 = arith.constant 0 : i32
      %dma_start3A_191 = tpu.memref_slice %arg5[%add3A, %run_scoped3A_180, %dma_start3A_189, %dma_start3A_190] : memref<32x8x80x64xf32, #tpu.memory_space<hbm>> -> memref<1x1x80x64xf32, #tpu.memory_space<hbm>>
      %dma_start3A_192 = tpu.memref_squeeze %dma_start3A_191 : memref<1x1x80x64xf32, #tpu.memory_space<hbm>> -> memref<80x64xf32, #tpu.memory_space<hbm>>
      %dma_start3A_193 = arith.constant 0 : i32
      %dma_start3A_194 = arith.constant 0 : i32
      %dma_start3A_195 = tpu.memref_slice %arg5[%add3A, %run_scoped3A_180, %dma_start3A_193, %dma_start3A_194] : memref<32x8x80x64xf32, #tpu.memory_space<hbm>> -> memref<1x1x80x64xf32, #tpu.memory_space<hbm>>
      %dma_start3A_196 = tpu.memref_squeeze %dma_start3A_195 : memref<1x1x80x64xf32, #tpu.memory_space<hbm>> -> memref<80x64xf32, #tpu.memory_space<hbm>>
      %dma_start3A_197 = arith.constant 0 : i32
      %dma_start3A_198 = arith.constant 0 : i32
      %dma_start3A_199 = tpu.memref_slice %arg9[%dma_start3A_197, %dma_start3A_198] : memref<80x64xf32, #tpu.memory_space<vmem>> -> memref<80x64xf32, #tpu.memory_space<vmem>>
      tpu.enqueue_dma source(%dma_start3A_199 : memref<80x64xf32, #tpu.memory_space<vmem>>) target(%dma_start3A_196 : memref<80x64xf32, #tpu.memory_space<hbm>>) target_semaphore(%run_scoped3A_186 : memref<!tpu.dma_semaphore, #tpu.memory_space<semaphore_mem>>)
      %dma_wait3A_200 = arith.constant 0 : i32
      %dma_wait3A_201 = arith.constant 0 : i32
      %dma_wait3A_202 = tpu.memref_slice %arg9[%dma_wait3A_200, %dma_wait3A_201] : memref<80x64xf32, #tpu.memory_space<vmem>> -> memref<80x64xf32, #tpu.memory_space<vmem>>
      %dma_wait3A_203 = arith.constant 0 : i32
      %dma_wait3A_204 = arith.constant 0 : i32
      %dma_wait3A_205 = tpu.memref_slice %arg5[%add3A, %run_scoped3A_180, %dma_wait3A_203, %dma_wait3A_204] : memref<32x8x80x64xf32, #tpu.memory_space<hbm>> -> memref<1x1x80x64xf32, #tpu.memory_space<hbm>>
      %dma_wait3A_206 = tpu.memref_squeeze %dma_wait3A_205 : memref<1x1x80x64xf32, #tpu.memory_space<hbm>> -> memref<80x64xf32, #tpu.memory_space<hbm>>
      %dma_wait3A_207 = arith.constant 0 : i32
      %dma_wait3A_208 = arith.constant 0 : i32
      %dma_wait3A_209 = tpu.memref_slice %arg5[%add3A, %run_scoped3A_180, %dma_wait3A_207, %dma_wait3A_208] : memref<32x8x80x64xf32, #tpu.memory_space<hbm>> -> memref<1x1x80x64xf32, #tpu.memory_space<hbm>>
      %dma_wait3A_210 = tpu.memref_squeeze %dma_wait3A_209 : memref<1x1x80x64xf32, #tpu.memory_space<hbm>> -> memref<80x64xf32, #tpu.memory_space<hbm>>
      %dma_wait3A_211 = arith.constant 0 : i32
      %dma_wait3A_212 = arith.constant 0 : i32
      %dma_wait3A_213 = tpu.memref_slice %arg9[%dma_wait3A_211, %dma_wait3A_212] : memref<80x64xf32, #tpu.memory_space<vmem>> -> memref<80x64xf32, #tpu.memory_space<vmem>>
      tpu.wait_dma2 semaphore(%run_scoped3A_186 : memref<!tpu.dma_semaphore, #tpu.memory_space<semaphore_mem>>) src(%dma_wait3A_213 : memref<80x64xf32, #tpu.memory_space<vmem>>) dst(%dma_wait3A_210 : memref<80x64xf32, #tpu.memory_space<hbm>>)
      tpu.yield
    }) : () -> ()
    %mul3A_181 = arith.constant 640 : i32
    %mul3A_182 = arith.muli %arg1, %mul3A_181 : i32
    %add3A_183 = arith.constant 560 : i32
    %add3A_184 = arith.addi %mul3A_182, %add3A_183 : i32
    "tpu.region"() ({
      %run_scoped3A_186 = tpu.sem_alloc : memref<!tpu.dma_semaphore, #tpu.memory_space<semaphore_mem>>
      %dma_start3A = arith.constant 0 : i32
      %dma_start3A_187 = tpu.memref_slice %arg28[%add3A_184, %dma_start3A] : memref<10240x16xf32, #tpu.memory_space<vmem_shared>> -> memref<80x16xf32, #tpu.memory_space<vmem_shared>>
      %dma_start3A_188 = arith.constant 0 : i32
      %dma_start3A_189 = tpu.memref_slice %arg28[%add3A_184, %dma_start3A_188] : memref<10240x16xf32, #tpu.memory_space<vmem_shared>> -> memref<80x16xf32, #tpu.memory_space<vmem_shared>>
      tpu.enqueue_dma source(%dma_start3A_189 : memref<80x16xf32, #tpu.memory_space<vmem_shared>>) target(%arg15 : memref<80x16xf32, #tpu.memory_space<vmem>>) target_semaphore(%run_scoped3A_186 : memref<!tpu.dma_semaphore, #tpu.memory_space<semaphore_mem>>)
      %dma_wait3A_190 = arith.constant 0 : i32
      %dma_wait3A_191 = tpu.memref_slice %arg28[%add3A_184, %dma_wait3A_190] : memref<10240x16xf32, #tpu.memory_space<vmem_shared>> -> memref<80x16xf32, #tpu.memory_space<vmem_shared>>
      %dma_wait3A_192 = arith.constant 0 : i32
      %dma_wait3A_193 = tpu.memref_slice %arg28[%add3A_184, %dma_wait3A_192] : memref<10240x16xf32, #tpu.memory_space<vmem_shared>> -> memref<80x16xf32, #tpu.memory_space<vmem_shared>>
      tpu.wait_dma2 semaphore(%run_scoped3A_186 : memref<!tpu.dma_semaphore, #tpu.memory_space<semaphore_mem>>) src(%dma_wait3A_193 : memref<80x16xf32, #tpu.memory_space<vmem_shared>>) dst(%arg15 : memref<80x16xf32, #tpu.memory_space<vmem>>)
      tpu.yield
    }) : () -> ()
    %run_scoped3A_185 = arith.constant 7 : i32
    "tpu.region"() ({
      %run_scoped3A_186 = tpu.sem_alloc : memref<!tpu.dma_semaphore, #tpu.memory_space<semaphore_mem>>
      %dma_start3A = arith.constant 0 : i32
      %dma_start3A_187 = arith.constant 0 : i32
      %dma_start3A_188 = tpu.memref_slice %arg6[%add3A, %run_scoped3A_185, %dma_start3A, %dma_start3A_187] : memref<32x8x80x16xf32, #tpu.memory_space<hbm>> -> memref<1x1x80x16xf32, #tpu.memory_space<hbm>>
      %dma_start3A_189 = tpu.memref_squeeze %dma_start3A_188 : memref<1x1x80x16xf32, #tpu.memory_space<hbm>> -> memref<80x16xf32, #tpu.memory_space<hbm>>
      %dma_start3A_190 = arith.constant 0 : i32
      %dma_start3A_191 = arith.constant 0 : i32
      %dma_start3A_192 = tpu.memref_slice %arg6[%add3A, %run_scoped3A_185, %dma_start3A_190, %dma_start3A_191] : memref<32x8x80x16xf32, #tpu.memory_space<hbm>> -> memref<1x1x80x16xf32, #tpu.memory_space<hbm>>
      %dma_start3A_193 = tpu.memref_squeeze %dma_start3A_192 : memref<1x1x80x16xf32, #tpu.memory_space<hbm>> -> memref<80x16xf32, #tpu.memory_space<hbm>>
      tpu.enqueue_dma source(%arg15 : memref<80x16xf32, #tpu.memory_space<vmem>>) target(%dma_start3A_193 : memref<80x16xf32, #tpu.memory_space<hbm>>) target_semaphore(%run_scoped3A_186 : memref<!tpu.dma_semaphore, #tpu.memory_space<semaphore_mem>>)
      %dma_wait3A_194 = arith.constant 0 : i32
      %dma_wait3A_195 = arith.constant 0 : i32
      %dma_wait3A_196 = tpu.memref_slice %arg6[%add3A, %run_scoped3A_185, %dma_wait3A_194, %dma_wait3A_195] : memref<32x8x80x16xf32, #tpu.memory_space<hbm>> -> memref<1x1x80x16xf32, #tpu.memory_space<hbm>>
      %dma_wait3A_197 = tpu.memref_squeeze %dma_wait3A_196 : memref<1x1x80x16xf32, #tpu.memory_space<hbm>> -> memref<80x16xf32, #tpu.memory_space<hbm>>
      %dma_wait3A_198 = arith.constant 0 : i32
      %dma_wait3A_199 = arith.constant 0 : i32
      %dma_wait3A_200 = tpu.memref_slice %arg6[%add3A, %run_scoped3A_185, %dma_wait3A_198, %dma_wait3A_199] : memref<32x8x80x16xf32, #tpu.memory_space<hbm>> -> memref<1x1x80x16xf32, #tpu.memory_space<hbm>>
      %dma_wait3A_201 = tpu.memref_squeeze %dma_wait3A_200 : memref<1x1x80x16xf32, #tpu.memory_space<hbm>> -> memref<80x16xf32, #tpu.memory_space<hbm>>
      tpu.wait_dma2 semaphore(%run_scoped3A_186 : memref<!tpu.dma_semaphore, #tpu.memory_space<semaphore_mem>>) src(%arg15 : memref<80x16xf32, #tpu.memory_space<vmem>>) dst(%dma_wait3A_201 : memref<80x16xf32, #tpu.memory_space<hbm>>)
      tpu.yield
    }) : () -> ()
    return
  }
}

module attributes {stable_mosaic.version = 14 : i64} {
  func.func @_finalize_body(%arg0: memref<10000x128xf32, #tpu.memory_space<vmem>>, %arg1: memref<32x8x80x64xf32, #tpu.memory_space<vmem>>, %arg2: memref<32x8x80x16xf32, #tpu.memory_space<vmem>>, %arg3: memref<128x128xf32, #tpu.memory_space<vmem>>, %arg4: memref<128x128xf32, #tpu.memory_space<vmem>>, %arg5: memref<1x128xf32, #tpu.memory_space<vmem>>, %arg6: memref<1x128xf32, #tpu.memory_space<vmem>>, %arg7: memref<1x128xf32, #tpu.memory_space<vmem>>, %arg8: memref<10000x128xf32, #tpu.memory_space<vmem>>) attributes {dimension_semantics = [], scalar_prefetch = 0 : i64, scratch_operands = 0 : i64, tpu.core_type = #tpu.core_type<tc>} {
    %get3A = arith.constant 0 : index
    %get3A_0 = arith.constant 0 : index
    %get3A_1 = arith.constant 0 : index
    %get3A_2 = arith.constant 0 : index
    %get3A_3 = vector.load %arg1[%get3A, %get3A_0, %get3A_1, %get3A_2] : memref<32x8x80x64xf32, #tpu.memory_space<vmem>>, vector<32x8x80x64xf32>
    %slice3A = vector.extract_strided_slice %get3A_3 {offsets = [0, 0, 0, 0], sizes = [16, 8, 80, 64], strides = [1, 1, 1, 1]} : vector<32x8x80x64xf32> to vector<16x8x80x64xf32>
    %reshape3A = vector.shape_cast %slice3A : vector<16x8x80x64xf32> to vector<10240x64xf32>
    %slice3A_4 = vector.extract_strided_slice %reshape3A {offsets = [0, 0], sizes = [10000, 64], strides = [1, 1]} : vector<10240x64xf32> to vector<10000x64xf32>
    %slice3A_5 = vector.extract_strided_slice %get3A_3 {offsets = [16, 0, 0, 0], sizes = [16, 8, 80, 64], strides = [1, 1, 1, 1]} : vector<32x8x80x64xf32> to vector<16x8x80x64xf32>
    %reshape3A_6 = vector.shape_cast %slice3A_5 : vector<16x8x80x64xf32> to vector<10240x64xf32>
    %slice3A_7 = vector.extract_strided_slice %reshape3A_6 {offsets = [0, 0], sizes = [10000, 64], strides = [1, 1]} : vector<10240x64xf32> to vector<10000x64xf32>
    %concatenate3A = tpu.concatenate %slice3A_4, %slice3A_7 in 1 : vector<10000x64xf32>, vector<10000x64xf32> -> vector<10000x128xf32>
    %get3A_8 = arith.constant 0 : index
    %get3A_9 = arith.constant 0 : index
    %get3A_10 = arith.constant 0 : index
    %get3A_11 = arith.constant 0 : index
    %get3A_12 = vector.load %arg2[%get3A_8, %get3A_9, %get3A_10, %get3A_11] : memref<32x8x80x16xf32, #tpu.memory_space<vmem>>, vector<32x8x80x16xf32>
    %slice3A_13 = vector.extract_strided_slice %get3A_12 {offsets = [0, 0, 0, 0], sizes = [16, 8, 80, 16], strides = [1, 1, 1, 1]} : vector<32x8x80x16xf32> to vector<16x8x80x16xf32>
    %reshape3A_14 = vector.shape_cast %slice3A_13 : vector<16x8x80x16xf32> to vector<10240x16xf32>
    %slice3A_15 = vector.extract_strided_slice %reshape3A_14 {offsets = [0, 0], sizes = [10000, 16], strides = [1, 1]} : vector<10240x16xf32> to vector<10000x16xf32>
    %slice3A_16 = vector.extract_strided_slice %get3A_12 {offsets = [16, 0, 0, 0], sizes = [16, 8, 80, 16], strides = [1, 1, 1, 1]} : vector<32x8x80x16xf32> to vector<16x8x80x16xf32>
    %reshape3A_17 = vector.shape_cast %slice3A_16 : vector<16x8x80x16xf32> to vector<10240x16xf32>
    %slice3A_18 = vector.extract_strided_slice %reshape3A_17 {offsets = [0, 0], sizes = [10000, 16], strides = [1, 1]} : vector<10240x16xf32> to vector<10000x16xf32>
    %slice3A_19 = vector.extract_strided_slice %slice3A_15 {offsets = [0, 0], sizes = [10000, 1], strides = [1, 1]} : vector<10000x16xf32> to vector<10000x1xf32>
    %slice3A_20 = vector.extract_strided_slice %slice3A_18 {offsets = [0, 0], sizes = [10000, 1], strides = [1, 1]} : vector<10000x16xf32> to vector<10000x1xf32>
    %add3A = arith.addf %slice3A_19, %slice3A_20 : vector<10000x1xf32>
    %get3A_21 = arith.constant 0 : index
    %get3A_22 = arith.constant 0 : index
    %get3A_23 = vector.load %arg0[%get3A_21, %get3A_22] : memref<10000x128xf32, #tpu.memory_space<vmem>>, vector<10000x128xf32>
    %get3A_24 = arith.constant 0 : index
    %get3A_25 = arith.constant 0 : index
    %get3A_26 = vector.load %arg3[%get3A_24, %get3A_25] : memref<128x128xf32, #tpu.memory_space<vmem>>, vector<128x128xf32>
    %dot_general3A = arith.constant dense<0.000000e+00> : vector<10000x128xf32>
    %dot_general3A_27 = tpu.matmul %get3A_23, %get3A_26, %dot_general3A {dimension_numbers = #tpu.dot_dimension_numbers<[1], [0], [0], [1], [0, 0, 1, 1], [], []>, transpose_lhs_hint = false} : vector<10000x128xf32>, vector<128x128xf32>, vector<10000x128xf32> -> vector<10000x128xf32>
    %get3A_28 = arith.constant 0 : index
    %get3A_29 = arith.constant 0 : index
    %get3A_30 = vector.load %arg5[%get3A_28, %get3A_29] : memref<1x128xf32, #tpu.memory_space<vmem>>, vector<1x128xf32>
    %add3A_31 = vector.broadcast %get3A_30 : vector<1x128xf32> to vector<10000x128xf32>
    %add3A_32 = arith.addf %dot_general3A_27, %add3A_31 : vector<10000x128xf32>
    %get3A_33 = arith.constant 0 : index
    %get3A_34 = arith.constant 0 : index
    %get3A_35 = vector.load %arg4[%get3A_33, %get3A_34] : memref<128x128xf32, #tpu.memory_space<vmem>>, vector<128x128xf32>
    %dot_general3A_36 = arith.constant dense<0.000000e+00> : vector<10000x128xf32>
    %dot_general3A_37 = tpu.matmul %concatenate3A, %get3A_35, %dot_general3A_36 {dimension_numbers = #tpu.dot_dimension_numbers<[1], [0], [0], [1], [0, 0, 1, 1], [], []>, transpose_lhs_hint = false} : vector<10000x128xf32>, vector<128x128xf32>, vector<10000x128xf32> -> vector<10000x128xf32>
    %mul3A = vector.broadcast %add3A : vector<10000x1xf32> to vector<10000x128xf32>
    %mul3A_38 = arith.mulf %mul3A, %add3A_32 : vector<10000x128xf32>
    %add3A_39 = arith.addf %mul3A_38, %dot_general3A_37 : vector<10000x128xf32>
    %reduce_sum3A = arith.constant dense<0.000000e+00> : vector<128xf32>
    %reduce_sum3A_40 = vector.multi_reduction <add>, %add3A_39, %reduce_sum3A [0] : vector<10000x128xf32> to vector<128xf32>
    %broadcast_in_dim3A = vector.shape_cast %reduce_sum3A_40 : vector<128xf32> to vector<1x128xf32>
    %div3A = arith.constant 1.000000e+04 : f32
    %div3A_41 = vector.broadcast %div3A : f32 to vector<1x128xf32>
    %div3A_42 = arith.divf %broadcast_in_dim3A, %div3A_41 : vector<1x128xf32>
    %sub3A = vector.broadcast %div3A_42 : vector<1x128xf32> to vector<10000x128xf32>
    %sub3A_43 = arith.subf %add3A_39, %sub3A : vector<10000x128xf32>
    %integer_pow3A = arith.mulf %sub3A_43, %sub3A_43 : vector<10000x128xf32>
    %reduce_sum3A_44 = arith.constant dense<0.000000e+00> : vector<128xf32>
    %reduce_sum3A_45 = vector.multi_reduction <add>, %integer_pow3A, %reduce_sum3A_44 [0] : vector<10000x128xf32> to vector<128xf32>
    %broadcast_in_dim3A_46 = vector.shape_cast %reduce_sum3A_45 : vector<128xf32> to vector<1x128xf32>
    %div3A_47 = arith.constant 1.000000e+04 : f32
    %div3A_48 = vector.broadcast %div3A_47 : f32 to vector<1x128xf32>
    %div3A_49 = arith.divf %broadcast_in_dim3A_46, %div3A_48 : vector<1x128xf32>
    %sub3A_50 = vector.broadcast %div3A_42 : vector<1x128xf32> to vector<10000x128xf32>
    %sub3A_51 = arith.subf %add3A_39, %sub3A_50 : vector<10000x128xf32>
    %add3A_52 = arith.constant 9.99999974E-6 : f32
    %add3A_53 = vector.broadcast %add3A_52 : f32 to vector<1x128xf32>
    %add3A_54 = arith.addf %div3A_49, %add3A_53 : vector<1x128xf32>
    %rsqrt3A = math.rsqrt %add3A_54 : vector<1x128xf32>
    %mul3A_55 = vector.broadcast %rsqrt3A : vector<1x128xf32> to vector<10000x128xf32>
    %mul3A_56 = arith.mulf %sub3A_51, %mul3A_55 : vector<10000x128xf32>
    %get3A_57 = arith.constant 0 : index
    %get3A_58 = arith.constant 0 : index
    %get3A_59 = vector.load %arg6[%get3A_57, %get3A_58] : memref<1x128xf32, #tpu.memory_space<vmem>>, vector<1x128xf32>
    %mul3A_60 = vector.broadcast %get3A_59 : vector<1x128xf32> to vector<10000x128xf32>
    %mul3A_61 = arith.mulf %mul3A_56, %mul3A_60 : vector<10000x128xf32>
    %get3A_62 = arith.constant 0 : index
    %get3A_63 = arith.constant 0 : index
    %get3A_64 = vector.load %arg7[%get3A_62, %get3A_63] : memref<1x128xf32, #tpu.memory_space<vmem>>, vector<1x128xf32>
    %add3A_65 = vector.broadcast %get3A_64 : vector<1x128xf32> to vector<10000x128xf32>
    %add3A_66 = arith.addf %mul3A_61, %add3A_65 : vector<10000x128xf32>
    %ge3A = arith.constant 0.000000e+00 : f32
    %ge3A_67 = vector.broadcast %ge3A : f32 to vector<10000x128xf32>
    %ge3A_68 = arith.cmpf oge, %add3A_66, %ge3A_67 : vector<10000x128xf32>
    %mul3A_69 = arith.constant 0.00999999977 : f32
    %mul3A_70 = vector.broadcast %mul3A_69 : f32 to vector<10000x128xf32>
    %mul3A_71 = arith.mulf %mul3A_70, %add3A_66 : vector<10000x128xf32>
    %select_n3A = arith.select %ge3A_68, %add3A_66, %mul3A_71 : vector<10000x128xi1>, vector<10000x128xf32>
    %swap3A = arith.constant 0 : index
    %swap3A_72 = arith.constant 0 : index
    %swap3A_73 = vector.load %arg8[%swap3A, %swap3A_72] : memref<10000x128xf32, #tpu.memory_space<vmem>>, vector<10000x128xf32>
    tpu.vector_store %arg8[%swap3A, %swap3A_72], %select_n3A {strides = array<i32>} : memref<10000x128xf32, #tpu.memory_space<vmem>>, vector<10000x128xf32>,
    return
  }
}

</mosaic_0001>

<sc_bundles>
// kernel: kernel.4.cloned.1.call-start
scs
__scs_entry_jumppad:
0x0: {  	(pc) =	sbr.rel $0x88, $3  }
0x1: {  	(tag) =	ssettag $0x0;
	lr =	simm.s32 $0x1  }
0x2: {  	[smem:$0x3F9B] =	sst lr;
	_ =	strace $0xD0000000  }
0x3: {  	_ = 	snop  }
0x4: {  	_ = 	snop  }
0x5: {  	_ = 	snop  }
0x6: {  	_ = 	snop  }
0x7: {  	_ = 	snop  }
__scs_overlays_trampoline_lowered:
0x8: {  	[smem:$0x3FAA] =	sst s0  }
0x9: {  	[smem:$0x3FAB] =	sst s1  }
0xa: {  	[smem:$0x3FAC] =	sst s2  }
0xb: {  	[smem:$0x3FAD] =	sst s3  }
0xc: {  	[smem:$0x3FAE] =	sst s4  }
0xd: {  	[smem:$0x3FAF] =	sst s5  }
0xe: {  	[smem:$0x3FB0] =	sst s6  }
0xf: {  	[smem:$0x3FB1] =	sst s7  }
0x10: {  	[smem:$0x3FB2] =	sst s8  }
0x11: {  	[smem:$0x3FB3] =	sst s9;
	s0 =	simm.s32 @!p0 $0x0  }
0x12: {  	s1 =	sld [smem:$0x3F99];
	s0 =	simm.s32 @p0 $0x1  }
0x13: {  	[smem:$0x3FB4] =	sst s0;
	s0 =	simm.s32 @!p1 $0x0  }
0x14: {  	s2 =	sld [smem:$0x3F98];
	s0 =	simm.s32 @p1 $0x1  }
0x15: {  	[smem:$0x3FB5] =	sst s0;
	s0 =	simm.s32 @!p2 $0x0  }
0x16: {  	s3 =	sld [smem:$0x3FDB];
	s0 =	simm.s32 @p2 $0x1  }
0x17: {  	s4 =	simm.s32 $0x1BF5;
	[smem:$0x3FB7] =	sst s0  }
0x18: {  	s0 =	sld [smem:$0x3F9A];
	_ =	swait.ge [sflag:s4], $0x0  }
0x19: {  	s7 =	sld [smem:$0x3F9B]  }
0x1a: {  	s8 =	sadd.s32 $0xFFFFE003, lr  }
0x1b: {  	s9 =	sadd.s32 $0xFFFFFEF7, lr;
	s5 =	simm.s32 $0xFFFFFFFF;
	p2 =	slt.u32 s8, $0xFFFFF086  }
0x1c: {  	p1 =	slt.u32 s9, $0xF7A;
	s5 =	simm.s32 @!p2 $0x0  }
0x1d: {  	s5 =	simm.s32 @p1 $0x1;
	p0 =	seq.s32 s7, s2  }
0x1e: {  	s7 =	smul.u32 @!p0 $0xF7A, s2;
	p2 =	seq.s32 @!p0 s5, $0x0  }
0x1f: {  	s9 =	smul.u32 $0xF7A, s1;
	s8 =	simm.s32 @!p0 $0x1BF5;
	p2 =	por !p2, p0  }
0x20: {  	[sflag:s8] =	ssyncset.s32 @!p0 $0xFFFFF086;
	s6 =	sadd.s32 @!p0 s3, s7;
	s7 =	simm.s32 @!p0 $0x108  }
0x21: {  	s3 =	sadd.s32 s3, s9;
	s6 =	sadd.s32 @!p0 $0x88, s6;
	s7 =	simm.s32 @p2 $0x1082  }
0x22: {  	[simem:s7], [sflag:s8] =	dma.local @!p0 [hbm:s6], $0xF7A  }
0x23: {  	s9 =	sor.u32 $0xD0000000, s2;
	s6 =	simm.s32 $0x108;
	_ =	swait.ge @!p0 [sflag:s8], $0x0  }
0x24: {  	s3 =	sadd.s32 $0x88, s3;
	s6 =	simm.s32 @!p1 $0x1082;
	[sflag:s4] =	ssyncset.s32 $0xFFFFF086  }
0x25: {  	[simem:s6], [sflag:s4] =	dma.local [hbm:s3], $0xF7A  }
0x26: {  	[smem:$0x3F9B] =	sst s1;
	(tag) =	ssettag s2;
	_ =	strace s9  }
0x27: {  	s1 =	sld [smem:$0x3FAB]  }
0x28: {  	s2 =	sld [smem:$0x3FAC]  }
0x29: {  	s4 =	sld [smem:$0x3FAE]  }
0x2a: {  	p0 =	seq.s32 s5, $0x0;
	s5 =	sld [smem:$0x3FAF]  }
0x2b: {  	s6 =	sld [smem:$0x3FB0]  }
0x2c: {  	s7 =	sld [smem:$0x3FB1]  }
0x2d: {  	s3 =	simm.s32 $0x108;
	s8 =	sld [smem:$0x3FB2]  }
0x2e: {  	s3 =	simm.s32 @!p0 $0x1082;
	s9 =	sld [smem:$0x3FB3]  }
0x2f: {  	lr =	sadd.s32 s0, s3;
	s0 =	sld [smem:$0x3FAA]  }
0x30: {  	s3 =	sld [smem:$0x3FAD]  }
0x31: {  	[smem:$0x3FB6] =	sst s10  }
0x32: {  	s10 =	sld [smem:$0x3FB4];
	_ =	sdelay $0x3  }
0x33: {  	p0 =	seq.s32 s10, $0x1;
	s10 =	sld [smem:$0x3FB6];
	_ =	sdelay $0x3  }
0x34: {  	[smem:$0x3FB6] =	sst s10  }
0x35: {  	s10 =	sld [smem:$0x3FB5];
	_ =	sdelay $0x3  }
0x36: {  	p1 =	seq.s32 s10, $0x1;
	s10 =	sld [smem:$0x3FB6];
	_ =	sdelay $0x3  }
0x37: {  	[smem:$0x3FB6] =	sst s10  }
0x38: {  	s10 =	sld [smem:$0x3FB7]  }
0x39: {  	_ = 	snop;
	(pc) =	sbr.ind lr, $3  }
0x3a: {  	_ = 	snop  }
0x3b: {  	_ = 	snop  }
0x3c: {  	p2 =	seq.s32 s10, $0x1;
	s10 =	sld [smem:$0x3FB6]  }
0x3d: {  	_ =	shalt  }
0x3e: {  	_ =	shalt  }
0x3f: {  	_ =	shalt  }
0x40: {  	_ =	shalt  }
0x41: {  	_ =	shalt  }
0x42: {  	_ =	shalt  }
0x43: {  	_ =	shalt  }
0x44: {  	_ =	shalt  }
0x45: {  	_ =	shalt  }
0x46: {  	_ =	shalt  }
0x47: {  	_ =	shalt  }
0x48: {  	_ =	shalt  }
0x49: {  	_ =	shalt  }
0x4a: {  	_ =	shalt  }
0x4b: {  	_ =	shalt  }
0x4c: {  	_ =	shalt  }
0x4d: {  	_ =	shalt  }
0x4e: {  	_ =	shalt  }
0x4f: {  	_ =	shalt  }
0x50: {  	_ =	shalt  }
0x51: {  	_ =	shalt  }
0x52: {  	_ =	shalt  }
0x53: {  	_ =	shalt  }
0x54: {  	_ =	shalt  }
0x55: {  	_ =	shalt  }
0x56: {  	_ =	shalt  }
0x57: {  	_ =	shalt  }
0x58: {  	_ =	shalt  }
0x59: {  	_ =	shalt  }
0x5a: {  	_ =	shalt  }
0x5b: {  	_ =	shalt  }
0x5c: {  	_ =	shalt  }
0x5d: {  	_ =	shalt  }
0x5e: {  	_ =	shalt  }
0x5f: {  	_ =	shalt  }
0x60: {  	_ =	shalt  }
0x61: {  	_ =	shalt  }
0x62: {  	_ =	shalt  }
0x63: {  	_ =	shalt  }
0x64: {  	_ =	shalt  }
0x65: {  	_ =	shalt  }
0x66: {  	_ =	shalt  }
0x67: {  	_ =	shalt  }
0x68: {  	_ =	shalt  }
0x69: {  	_ =	shalt  }
0x6a: {  	_ =	shalt  }
0x6b: {  	_ =	shalt  }
0x6c: {  	_ =	shalt  }
0x6d: {  	_ =	shalt  }
0x6e: {  	_ =	shalt  }
0x6f: {  	_ =	shalt  }
0x70: {  	_ =	shalt  }
0x71: {  	_ =	shalt  }
0x72: {  	_ =	shalt  }
0x73: {  	_ =	shalt  }
0x74: {  	_ =	shalt  }
0x75: {  	_ =	shalt  }
0x76: {  	_ =	shalt  }
0x77: {  	_ =	shalt  }
0x78: {  	_ =	shalt  }
0x79: {  	_ =	shalt  }
0x7a: {  	_ =	shalt  }
0x7b: {  	_ =	shalt  }
0x7c: {  	_ =	shalt  }
0x7d: {  	_ =	shalt  }
0x7e: {  	_ =	shalt  }
0x7f: {  	_ =	shalt  }
0x80: {  	_ =	shalt  }
0x81: {  	_ =	shalt  }
0x82: {  	_ =	shalt  }
0x83: {  	_ =	shalt  }
0x84: {  	_ =	shalt  }
0x85: {  	_ =	shalt  }
0x86: {  	_ =	shalt  }
0x87: {  	_ =	shalt  }
.Lfunc_end0:
.L_simem_size_0:
called_computation_lowered:
.L_overlay_start_0:
0x88: {  	s2 =	sld [smem:$0x3FD9]  }
0x89: {  	s3 =	sld [smem:$0x3FFE];
	_ =	sdelay $0x1  }
0x8a: {  	s1 =	srdreg.scid  }
0x8b: {  	s0 =	sand.u32 $0x1, s1  }
0x8c: {  	s17 =	sshll.u32 s0, $0xA;
	s2 =	sadd.s32 s3, s2  }
0x8d: {  	s2 =	sadd.s32 s2, s17  }
0x8e: {  	[smem:$0x3FC2] =	sst s2  }
0x8f: {  	_ = 	snop  }
0x90: {  	s2 =	sld [smem:$0x3FC9]  }
0x91: {  	s18 =	sld [smem:$0x3FD0];
	(tm) =	ssettm $0x1  }
0x92: {  	s4 =	sld [smem:$0x3FFB];
	_ =	sdelay $0x3  }
0x93: {  	_ =	strace s4  }
0x94: {  	s4 =	sld [smem:$0x3FFC];
	_ =	sdelay $0x3  }
0x95: {  	_ =	strace s4  }
0x96: {  	s4 =	sld [smem:$0x3FFD];
	_ =	sdelay $0x3  }
0x97: {  	_ =	strace s4  }
0x98: {  	_ =	strace $0x8FFFFFFF  }
0x99: {  	s19 =	sld [smem:$0x3FDB];
	_ =	sdelay $0x1  }
0x9a: {  	s5 =	simm.s32 $_scs_section_size  }
0x9b: {  	s6 =	simm.s32 $_size__tile_overlayer_lowered;
	s7 =	simm.s32 $_tile_overlayer_lowered  }
0x9c: {  	s22 =	simm.s32 $0x1BFF;
	s21 =	sshll.u32 s7, $0x1;
	s4 =	sadd.s32 s5, s19  }
0x9d: {  	s8 =	simm.s32 $0x0;
	s20 =	sshll.u32 s6, $0x1;
	s6 =	sadd.s32 s21, s4  }
0x9e: {  	[timem:s8], [sflag:s22] =	dma.local [hbm:s6], s20  }
0x9f: {  	_ =	swait.ge [sflag:s22], s20  }
0xa0: {  	s5 =	ssub.s32 $0x0, s20;
	[sflag:s22] =	ssyncset.done $0x0  }
0xa1: {  	[sflag:s22] =	ssyncadd.s32 s5;
	_ =	sdelay $0x1  }
0xa2: {  	s23 =	simm.s32 $0x1B8B  }
0xa3: {  	_ =	swait.ge [sflag:s23], $0x1  }
0xa4: {  	[sflag:s23] =	ssyncset.done $0x0  }
0xa5: {  	s25 =	simm.s32 $0x1B8E;
	s24 =	sld [smem:$0x3FFE];
	[sflag:s23] =	ssyncadd.s32 $0xFFFFFFFF  }
0xa6: {  	s26 =	simm.s32 $execute0_lowered;
	[smem:$0x3FD2] =	sst s25  }
0xa7: {  	s6 =	sshll.u32 s26, $0x1;
	_ =	strace $0x80000046;
	[dreg:$0x1] =	wrdreg $0xFFFFFFFF  }
0xa8: {  	s28 =	simm.s32 $_size_execute0_lowered;
	s4 =	sadd.s32 s4, s6;
	[dreg:$0x0] =	wrdreg $0x0  }
0xa9: {  	s6 =	sshll.u32 s28, $0x1;
	[dreg:$0x2] =	wrdreg s4  }
0xaa: {  	[dreg:$0x3] =	wrdreg s6  }
0xab: {  	[dreg:$0x4] =	wrdreg $0xC0  }
0xac: {  	_ =	task [dreg:s8], $0x5FFFF  }
0xad: {  	[dreg:$0x1] =	wrdreg $0xFFFFFFFF  }
0xae: {  	[dreg:$0x0] =	wrdreg $0x60  }
0xaf: {  	[dreg:$0x2] =	wrdreg s24  }
0xb0: {  	[dreg:$0x3] =	wrdreg s2  }
0xb1: {  	[dreg:$0x4] =	wrdreg s18  }
0xb2: {  	[dreg:$0x5] =	wrdreg $0x10A400  }
0xb3: {  	[dreg:$0x6] =	wrdreg $0x1AA400  }
0xb4: {  	[dreg:$0x7] =	wrdreg $0x9  }
0xb5: {  	_ =	task.clear_ibuf [dreg:s8], $0x8FFFF;
	_ =	strace $0x90000046  }
0xb6: {  	s29 =	simm.s32 $0x9;
	_ =	strace $0x80000048  }
0xb7: {  	_ =	swait.ge [sflag:s29], $0x1  }
0xb8: {  	[sflag:s29] =	ssyncadd.s32 $0xFFFFFFFF  }
0xb9: {  	_ =	strace $0x90000048  }
0xba: {  	_ =	sfence  }
0xbb: {  	s30 =	sld [smem:$0x0];
	_ =	sdelay $0x2  }
0xbc: {  	s31 =	sshll.u32 s1, $0xD;
	s1 =	sshrl.u32 s1, $0x2  }
0xbd: {  	s3 =	sand.u32 $0x4000, s31;
	s1 =	sadd.s32 s1, s30  }
0xbe: {  	s0 =	sor.u32 s3, s0;
	s1 =	sshll.u32 s1, $0x11  }
0xbf: {  	s0 =	sor.u32 s1, s0  }
0xc0: {  	s0 =	sadd.s32 $0x8F2B, s0  }
0xc1: {  	[sflag:s0] =	ssyncadd.remote.s32 $0x1  }
0xc2: {  	_ =	sfence.sel $0xFFFF  }
0xc3: {  	[dreg:$0x0] =	wrdreg $0xFFFFFFFF;
	(pc) =	sbr.abs _section_cstart, $3  }
0xc4: {  	[dreg:$0x1] =	wrdreg $0xFFFFFFFF  }
0xc5: {  	_ =	task.clear_ibuf [dreg:s8], $0x2FFFF;
	_ =	strace $0x9FFFFFFF  }
0xc6: {  	(tm) =	ssettm $0x7FFFFFFF  }
0xc7: {  	_ =	shalt  }
tec
execute0_lowered:
.L_overlay_start_1:
0x0: {  	(tag) =	ssettag $0x1  }
0x1: {  	s0 =	rddreg [dreg:$0x0]  }
0x2: {  	s1 =	rddreg [dreg:$0x1]  }
0x3: {  	s3 =	rddreg [dreg:$0x2]  }
0x4: {  	s2 =	rddreg [dreg:$0x3]  }
0x5: {  	s5 =	srdreg.scid;
	s4 =	rddreg [dreg:$0x4]  }
0x6: {  	s14 =	stileid.u32;
	s17 =	simm.s32 $0x0;
	s28 =	simm.s32 $0xD840  }
0x7: {  	s29 =	simm.s32 $0x1;
	s30 =	simm.s32 $0xEC40;
	s8 =	smul.u32 $0x9C4, s14  }
0x8: {  	s31 =	simm.s32 $0x2;
	s6 =	sand.u32 $0x1, s5;
	s11 =	smul.u32 $0x28000, s14  }
0x9: {  	[smem:$0x7FF] =	sst s17;
	s12 =	smul.u32 $0xA000, s14;
	s7 =	sshll.u32 s6, $0x4  }
0xa: {  	_ =	strace $0x80000047;
	s10 =	ssub.s32 $0x2, s6;
	p0 =	seq.s32 s6, $0x1  }
0xb: {  	s7 =	sor.u32 s14, s7;
	s8 =	sadd.s32 s8, s0;
	s15 =	sshrl.u32 s10, $0x1  }
0xc: {  	s19 =	sshrl.u32 s11, $0x2;
	s9 =	smul.u32 $0xA000, s7;
	s16 =	sadd.s32 $0xB200, s8  }
0xd: {  	s20 =	sshrl.u32 s12, $0x2;
	s18 =	sadd.s32 $0x1400, s8;
	[dreg:$0x6] =	wrdreg s16  }
0xe: {  	s22 =	sadd.s32 s19, s2;
	[dreg:$0x7] =	wrdreg s18;
	s9 =	sshrl.u32 s9, $0x3  }
0xf: {  	s0 =	sadd.s32 s9, s0;
	s9 =	ssub.s32 s10, s15;
	s10 =	smul.u32 $0x280, s14  }
0x10: {  	s23 =	sadd.s32 s20, s4;
	s7 =	smul.u32 $0x2800, s7;
	[dreg:$0x8] =	wrdreg s22  }
0x11: {  	[dreg:$0x9] =	wrdreg s23;
	s21 =	sor.u32 $0x50, s10;
	s25 =	sadd.s32 $0xA0, s10  }
0x12: {  	s13 =	sadd.s32 $0xF0, s10;
	s16 =	sadd.s32 $0x140, s10;
	s8 =	sshll.u32 s21, $0x4  }
0x13: {  	s24 =	sshll.u32 s21, $0x6;
	s5 =	sshll.u32 s25, $0x6;
	s26 =	sadd.s32 s8, s4  }
0x14: {  	s12 =	sshll.u32 s25, $0x4;
	s11 =	sadd.s32 s5, s2;
	[dreg:$0xb] =	wrdreg s26  }
0x15: {  	s15 =	sshll.u32 s13, $0x6;
	s14 =	sadd.s32 s12, s4;
	[dreg:$0xc] =	wrdreg s11  }
0x16: {  	s19 =	sshll.u32 s13, $0x4;
	s18 =	sadd.s32 s15, s2;
	[dreg:$0xd] =	wrdreg s14  }
0x17: {  	s20 =	sshll.u32 s16, $0x6;
	s21 =	sadd.s32 s19, s4;
	[dreg:$0xe] =	wrdreg s18  }
0x18: {  	s13 =	sshll.u32 s16, $0x4;
	s25 =	sadd.s32 s20, s2;
	[dreg:$0xf] =	wrdreg s21  }
0x19: {  	s7 =	sshrl.u32 s7, $0x3;
	s15 =	sadd.s32 s13, s4;
	[dreg:$0x10] =	wrdreg s25  }
0x1a: {  	s5 =	sadd.s32 s3, s7;
	s7 =	sadd.s32 $0x15000, s0;
	[dreg:$0x11] =	wrdreg s15  }
0x1b: {  	s24 =	sadd.s32 s24, s2;
	s12 =	sadd.s32 $0x15A00, s0;
	[dreg:$0x19] =	wrdreg s7  }
0x1c: {  	s13 =	sadd.s32 $0x15C80, s0;
	s26 =	sadd.s32 $0x190, s10;
	[dreg:$0x1d] =	wrdreg s12  }
0x1d: {  	s18 =	sadd.s32 $0x1E0, s10;
	s25 =	sadd.s32 $0x230, s10;
	[dreg:$0x1e] =	wrdreg s13  }
0x1e: {  	s10 =	sadd.s32 $0x15500, s0;
	s11 =	sadd.s32 $0x15780, s0;
	[dreg:$0x14] =	wrdreg s5  }
0x1f: {  	s15 =	smax.u32 s9, $0x1;
	s7 =	simm.s32 $0x50;
	[dreg:$0xa] =	wrdreg s24  }
0x20: {  	s14 =	sshll.u32 s26, $0x6;
	s8 =	sshll.u32 s26, $0x4;
	[dreg:$0x1b] =	wrdreg s10  }
0x21: {  	s20 =	sshll.u32 s18, $0x6;
	s21 =	sshll.u32 s18, $0x4;
	[dreg:$0x1c] =	wrdreg s11  }
0x22: {  	s26 =	sshll.u32 s25, $0x6;
	[smem:$0x7F6] =	sst s15;
	s18 =	sadd.s32 $0x140, s5  }
0x23: {  	s6 =	sshll.u32 s25, $0x4;
	s25 =	sadd.s32 $0x3C0, s5;
	[smem:$0x7F8] =	sst s18  }
0x24: {  	s9 =	simm.s32 $0x7;
	s16 =	sadd.s32 s14, s2;
	[smem:$0x7FC] =	sst s25  }
0x25: {  	s12 =	simm.s32 $0x5;
	s19 =	sadd.s32 s8, s4;
	[dreg:$0x12] =	wrdreg s16  }
0x26: {  	s13 =	simm.s32 $0x9;
	s3 =	sadd.s32 s20, s2;
	[dreg:$0x13] =	wrdreg s19  }
0x27: {  	s10 =	simm.s32 $0x4;
	s6 =	sadd.s32 s6, s4;
	[dreg:$0x15] =	wrdreg s3  }
0x28: {  	s11 =	simm.s32 $0x8;
	s8 =	sadd.s32 $0x15280, s0;
	[dreg:$0x18] =	wrdreg s6  }
0x29: {  	s15 =	simm.s32 $0xB;
	s14 =	sadd.s32 $0x15F00, s0;
	[dreg:$0x1a] =	wrdreg s8  }
0x2a: {  	s0 =	sadd.s32 $0x16180, s0;
	s20 =	sadd.s32 $0x280, s5;
	[dreg:$0x1f] =	wrdreg s14  }
0x2b: {  	s25 =	simm.s32 $0xB040;
	s18 =	simm.s32 $0x0;
	[smem:$0x7F5] =	sst s0  }
0x2c: {  	s3 =	sadd.s32 s21, s4;
	s16 =	sadd.s32 $0xA0, s5;
	[smem:$0x7FA] =	sst s20  }
0x2d: {  	s19 =	sadd.s32 $0x1E0, s5;
	s21 =	sadd.s32 $0x320, s5;
	[dreg:$0x16] =	wrdreg s3  }
0x2e: {  	s0 =	simm.s32 $0xC;
	s6 =	simm.s32 $0x10540;
	[smem:$0x7F7] =	sst s16  }
0x2f: {  	s20 =	simm.s32 $0x6;
	s8 =	simm.s32 $0x3;
	[smem:$0x7F9] =	sst s19  }
0x30: {  	s14 =	simm.s32 $0xA;
	s3 =	sadd.s32 s26, s2;
	[smem:$0x7FB] =	sst s21  }
0x31: {  	s26 =	sadd.s32 $0x460, s5;
	s16 =	simm.s32 $0x10040;
	[dreg:$0x17] =	wrdreg s3  }
0x32: {  	v0 =	vimm.f32 $0.0e+00;
	v1 =	vimm.f32 $1.000000000e+00;
	[smem:$0x7FD] =	sst s26;
	s3 =	simm.s32 $0x9C40;
	s26 =	simm.s32 $0xC440  }
.LBB2_1:
0x33: {  	[smem:$0x7F4] =	sst s18  }
0x34: {  	s5 =	rddreg [dreg:$0x6]  }
0x35: {  	[tilespmem:s17], [sflag:$0xC] =	stream.linear.gather [hbm4b:s5+s17], $0x4E20, $0x38;
	[tilespmem:$0x1D240] =	vst v63  }
0x36: {  	_ =	swait.ge [sflag:s0], $0x4E20  }
0x37: {  	[sflag:s0] =	ssyncset.done $0x0  }
0x38: {  	s21 =	simm.s32 $0x4E20;
	s19 =	rddreg [dreg:$0x7];
	[sflag:s0] =	ssyncadd.s32 $0xFFFFB1E0  }
0x39: {  	[tilespmem:s21], [sflag:$0xC] =	stream.linear.gather [hbm4b:s19+s17], $0x4E20, $0x38;
	[tilespmem:$0x1D240] =	vst v63  }
0x3a: {  	_ =	swait.ge [sflag:s0], $0x4E20  }
0x3b: {  	[sflag:s0] =	ssyncset.done $0x0  }
0x3c: {  	s18 =	simm.s32 $0x0;
	s19 =	simm.s32 $0x100;
	[sflag:s0] =	ssyncadd.s32 $0xFFFFB1E0  }
.LBB2_2:
0x3d: {  	p1 =	sne.s32 s19, $0x4F00;
	[tilespmem:s18+$0x9C70] =	vst v0;
	s21 =	smov.u32 s19;
	s19 =	sadd.s32 $0x100, s19  }
.Ltmp0:
0x3e: {  	[tilespmem:s18+$0x9C60] =	vst v0;
	(pc) =	sbr.rel @p1 .LBB2_2-.Ltmp0, $3  }
0x3f: {  	[tilespmem:s18+$0x9C40] =	vst v0  }
0x40: {  	[tilespmem:s18+$0x9C50] =	vst v0;
	_ =	sdelay $0x1  }
0x41: {  	s18 =	sshra.s32 s21, $0x2  }
0x42: {  	[tilespmem:s18+$0x9C70] =	vst v0  }
0x43: {  	[tilespmem:s18+$0x9C60] =	vst v0  }
0x44: {  	[tilespmem:s18+$0x9C40] =	vst v0  }
0x45: {  	[tilespmem:s18+$0x9C50] =	vst v0;
	s18 =	simm.s32 $0x40;
	s19 =	simm.s32 $0x0  }
.LBB2_4:
0x46: {  	p1 =	sne.s32 s18, $0x13C0;
	[tilespmem:s19+$0x10540] =	vst v0;
	s19 =	smov.u32 s18;
	s18 =	sadd.s32 $0x40, s18  }
.Ltmp1:
0x47: {  	(pc) =	sbr.rel @p1 .LBB2_4-.Ltmp1, $2  }
0x48: {  	_ =	sdelay $0x2  }
0x49: {  	s19 =	sshra.s32 s19, $0x2  }
0x4a: {  	[tilespmem:s19+$0x10540] =	vst v0;
	s18 =	simm.s32 $0x40;
	s19 =	simm.s32 $0x0  }
.LBB2_6:
0x4b: {  	p1 =	sne.s32 s18, $0x13C0;
	[tilespmem:s19+$0x10040] =	vst v1;
	s19 =	smov.u32 s18;
	s18 =	sadd.s32 $0x40, s18  }
.Ltmp2:
0x4c: {  	(pc) =	sbr.rel @p1 .LBB2_6-.Ltmp2, $2  }
0x4d: {  	_ =	sdelay $0x2  }
0x4e: {  	s19 =	sshra.s32 s19, $0x2  }
0x4f: {  	[tilespmem:s19+$0x10040] =	vst v1  }
0x50: {  	[spmem:s22] =	stream.linear.scatter [tilespmem:s3], [sflag:$0xC], $0x1400, $0x38;
	[tilespmem:$0x1D240] =	vst v63  }
0x51: {  	_ =	swait.ge [sflag:s0], $0x1400  }
0x52: {  	[sflag:s0] =	ssyncset.done $0x0  }
0x53: {  	[sflag:s0] =	ssyncadd.s32 $0xFFFFEC00  }
0x54: {  	[spmem:s23] =	stream.linear.scatter [tilespmem:s6], [sflag:$0xC], $0x500, $0x38;
	[tilespmem:$0x1D240] =	vst v63  }
0x55: {  	_ =	swait.ge [sflag:s0], $0x500  }
0x56: {  	[sflag:s0] =	ssyncset.done $0x0  }
0x57: {  	[sflag:s0] =	ssyncadd.s32 $0xFFFFFB00  }
0x58: {  	[spmem:s24] =	stream.linear.scatter [tilespmem:s3], [sflag:$0xC], $0x1400, $0x38;
	[tilespmem:$0x1D240] =	vst v63  }
0x59: {  	_ =	swait.ge [sflag:s0], $0x1400  }
0x5a: {  	[sflag:s0] =	ssyncset.done $0x0  }
0x5b: {  	s5 =	rddreg [dreg:$0xb];
	[sflag:s0] =	ssyncadd.s32 $0xFFFFEC00  }
0x5c: {  	[spmem:s5] =	stream.linear.scatter [tilespmem:s6], [sflag:$0xC], $0x500, $0x38;
	[tilespmem:$0x1D240] =	vst v63  }
0x5d: {  	_ =	swait.ge [sflag:s0], $0x500  }
0x5e: {  	[sflag:s0] =	ssyncset.done $0x0  }
0x5f: {  	s19 =	rddreg [dreg:$0xc];
	[sflag:s0] =	ssyncadd.s32 $0xFFFFFB00  }
0x60: {  	[spmem:s19] =	stream.linear.scatter [tilespmem:s3], [sflag:$0xC], $0x1400, $0x38;
	[tilespmem:$0x1D240] =	vst v63  }
0x61: {  	_ =	swait.ge [sflag:s0], $0x1400  }
0x62: {  	[sflag:s0] =	ssyncset.done $0x0  }
0x63: {  	s21 =	rddreg [dreg:$0xd];
	[sflag:s0] =	ssyncadd.s32 $0xFFFFEC00  }
0x64: {  	[spmem:s21] =	stream.linear.scatter [tilespmem:s6], [sflag:$0xC], $0x500, $0x38;
	[tilespmem:$0x1D240] =	vst v63  }
0x65: {  	_ =	swait.ge [sflag:s0], $0x500  }
0x66: {  	[sflag:s0] =	ssyncset.done $0x0  }
0x67: {  	s22 =	rddreg [dreg:$0xe];
	[sflag:s0] =	ssyncadd.s32 $0xFFFFFB00  }
0x68: {  	[spmem:s22] =	stream.linear.scatter [tilespmem:s3], [sflag:$0xC], $0x1400, $0x38;
	[tilespmem:$0x1D240] =	vst v63  }
0x69: {  	_ =	swait.ge [sflag:s0], $0x1400  }
0x6a: {  	[sflag:s0] =	ssyncset.done $0x0  }
0x6b: {  	s23 =	rddreg [dreg:$0xf];
	[sflag:s0] =	ssyncadd.s32 $0xFFFFEC00  }
0x6c: {  	[spmem:s23] =	stream.linear.scatter [tilespmem:s6], [sflag:$0xC], $0x500, $0x38;
	[tilespmem:$0x1D240] =	vst v63  }
0x6d: {  	_ =	swait.ge [sflag:s0], $0x500  }
0x6e: {  	[sflag:s0] =	ssyncset.done $0x0  }
0x6f: {  	s24 =	rddreg [dreg:$0x10];
	[sflag:s0] =	ssyncadd.s32 $0xFFFFFB00  }
0x70: {  	[spmem:s24] =	stream.linear.scatter [tilespmem:s3], [sflag:$0xC], $0x1400, $0x38;
	[tilespmem:$0x1D240] =	vst v63  }
0x71: {  	_ =	swait.ge [sflag:s0], $0x1400  }
0x72: {  	[sflag:s0] =	ssyncset.done $0x0  }
0x73: {  	s17 =	rddreg [dreg:$0x11];
	[sflag:s0] =	ssyncadd.s32 $0xFFFFEC00  }
0x74: {  	[spmem:s17] =	stream.linear.scatter [tilespmem:s6], [sflag:$0xC], $0x500, $0x38;
	[tilespmem:$0x1D240] =	vst v63  }
0x75: {  	_ =	swait.ge [sflag:s0], $0x500  }
0x76: {  	[sflag:s0] =	ssyncset.done $0x0  }
0x77: {  	s18 =	rddreg [dreg:$0x12];
	[sflag:s0] =	ssyncadd.s32 $0xFFFFFB00  }
0x78: {  	[spmem:s18] =	stream.linear.scatter [tilespmem:s3], [sflag:$0xC], $0x1400, $0x38;
	[tilespmem:$0x1D240] =	vst v63  }
0x79: {  	_ =	swait.ge [sflag:s0], $0x1400  }
0x7a: {  	[sflag:s0] =	ssyncset.done $0x0  }
0x7b: {  	s19 =	rddreg [dreg:$0x13];
	[sflag:s0] =	ssyncadd.s32 $0xFFFFEC00  }
0x7c: {  	[spmem:s19] =	stream.linear.scatter [tilespmem:s6], [sflag:$0xC], $0x500, $0x38;
	[tilespmem:$0x1D240] =	vst v63  }
0x7d: {  	_ =	swait.ge [sflag:s0], $0x500  }
0x7e: {  	[sflag:s0] =	ssyncset.done $0x0  }
0x7f: {  	s21 =	rddreg [dreg:$0x15];
	[sflag:s0] =	ssyncadd.s32 $0xFFFFFB00  }
0x80: {  	[spmem:s21] =	stream.linear.scatter [tilespmem:s3], [sflag:$0xC], $0x1400, $0x38;
	[tilespmem:$0x1D240] =	vst v63  }
0x81: {  	_ =	swait.ge [sflag:s0], $0x1400  }
0x82: {  	[sflag:s0] =	ssyncset.done $0x0  }
0x83: {  	s22 =	rddreg [dreg:$0x16];
	[sflag:s0] =	ssyncadd.s32 $0xFFFFEC00  }
0x84: {  	[spmem:s22] =	stream.linear.scatter [tilespmem:s6], [sflag:$0xC], $0x500, $0x38;
	[tilespmem:$0x1D240] =	vst v63  }
0x85: {  	_ =	swait.ge [sflag:s0], $0x500  }
0x86: {  	[sflag:s0] =	ssyncset.done $0x0  }
0x87: {  	s23 =	rddreg [dreg:$0x17];
	[sflag:s0] =	ssyncadd.s32 $0xFFFFFB00  }
0x88: {  	[spmem:s23] =	stream.linear.scatter [tilespmem:s3], [sflag:$0xC], $0x1400, $0x38;
	[tilespmem:$0x1D240] =	vst v63  }
0x89: {  	_ =	swait.ge [sflag:s0], $0x1400  }
0x8a: {  	[sflag:s0] =	ssyncset.done $0x0  }
0x8b: {  	s24 =	rddreg [dreg:$0x18];
	[sflag:s0] =	ssyncadd.s32 $0xFFFFEC00  }
0x8c: {  	[spmem:s24] =	stream.linear.scatter [tilespmem:s6], [sflag:$0xC], $0x500, $0x38;
	[tilespmem:$0x1D240] =	vst v63  }
0x8d: {  	_ =	swait.ge [sflag:s0], $0x500  }
0x8e: {  	[sflag:s0] =	ssyncset.done $0x0  }
0x8f: {  	[sflag:s0] =	ssyncadd.s32 $0xFFFFFB00  }
0x90: {  	[bflag:$0x0] =	sbarrier.arrive $0xFFFF  }
0x91: {  	v2 =	vld [tilespmem:$0x0]  }
.Ltmp3:
0x92: {  	_ = 	snop;
	(pc) =	sbr.rel @!p0 .LBB2_8-.Ltmp3, $2  }
0x93: {  	_ =	sdelay $0x2  }
0x94: {  	v2 =	vshll.u32 v2, $0x1  }
0x95: {  	v3 =	vld [tilespmem:$0x10]  }
0x96: {  	v4 =	vld [tilespmem:$0x20]  }
0x97: {  	v5 =	vld [tilespmem:$0x30]  }
0x98: {  	v6 =	vld [tilespmem:$0x40];
	_ =	sdelay $0x1  }
0x99: {  	v2 =	vor.u32 $0x1, v2;
	v3 =	vshll.u32 v3, $0x1  }
0x9a: {  	[tilespmem:$0x0] =	vst v2;
	v2 =	vor.u32 $0x1, v3;
	v3 =	vshll.u32 v4, $0x1  }
0x9b: {  	[tilespmem:$0x10] =	vst v2;
	v2 =	vor.u32 $0x1, v3;
	v3 =	vshll.u32 v5, $0x1  }
0x9c: {  	[tilespmem:$0x20] =	vst v2;
	v2 =	vor.u32 $0x1, v3;
	v3 =	vshll.u32 v6, $0x1  }
0x9d: {  	[tilespmem:$0x30] =	vst v2;
	v2 =	vor.u32 $0x1, v3  }
0x9e: {  	s18 =	simm.s32 $0x0;
	[tilespmem:$0x40] =	vst v2  }
0x9f: {  	[tilespmem:s3], [sflag:$0x1] =	stream.indirect.gather [hbm4b:s1+s7], $0x40, s18, s7, $0xb8;
	[tilespmem:$0x1D240] =	vst v63  }
0xa0: {  	v2 =	vld [tilespmem:$0x50]  }
0xa1: {  	v3 =	vld [tilespmem:$0x60]  }
0xa2: {  	v55 =	vld [tilespmem:$0x70]  }
0xa3: {  	v56 =	vld [tilespmem:$0x80]  }
0xa4: {  	v57 =	vld [tilespmem:$0x90]  }
0xa5: {  	v2 =	vshll.u32 v2, $0x1  }
0xa6: {  	v3 =	vshll.u32 v3, $0x1;
	v2 =	vor.u32 $0x1, v2  }
0xa7: {  	[tilespmem:$0x50] =	vst v2;
	v2 =	vor.u32 $0x1, v3;
	v3 =	vshll.u32 v55, $0x1  }
0xa8: {  	[tilespmem:$0x60] =	vst v2;
	v2 =	vor.u32 $0x1, v3;
	v3 =	vshll.u32 v56, $0x1  }
0xa9: {  	[tilespmem:$0x70] =	vst v2;
	v2 =	vor.u32 $0x1, v3;
	v3 =	vshll.u32 v57, $0x1  }
0xaa: {  	[tilespmem:$0x80] =	vst v2;
	v2 =	vor.u32 $0x1, v3  }
0xab: {  	[tilespmem:$0x90] =	vst v2  }
0xac: {  	[tilespmem:s25], [sflag:$0x2] =	stream.indirect.gather [hbm4b:s1+s7], $0x40, s7, s7, $0xb8;
	[tilespmem:$0x1D240] =	vst v63  }
0xad: {  	v2 =	vld [tilespmem:$0xA0]  }
0xae: {  	v3 =	vld [tilespmem:$0xB0]  }
0xaf: {  	v58 =	vld [tilespmem:$0xC0]  }
0xb0: {  	v59 =	vld [tilespmem:$0xD0]  }
0xb1: {  	v60 =	vld [tilespmem:$0xE0]  }
0xb2: {  	v2 =	vshll.u32 v2, $0x1  }
0xb3: {  	v3 =	vshll.u32 v3, $0x1;
	v2 =	vor.u32 $0x1, v2  }
0xb4: {  	[tilespmem:$0xA0] =	vst v2;
	v2 =	vor.u32 $0x1, v3;
	v3 =	vshll.u32 v58, $0x1  }
0xb5: {  	[tilespmem:$0xB0] =	vst v2;
	v2 =	vor.u32 $0x1, v3;
	v3 =	vshll.u32 v59, $0x1  }
0xb6: {  	[tilespmem:$0xC0] =	vst v2;
	v2 =	vor.u32 $0x1, v3;
	v3 =	vshll.u32 v60, $0x1  }
0xb7: {  	[tilespmem:$0xD0] =	vst v2;
	v2 =	vor.u32 $0x1, v3  }
0xb8: {  	s5 =	simm.s32 $0xA0;
	[tilespmem:$0xE0] =	vst v2  }
0xb9: {  	[tilespmem:s26], [sflag:$0x3] =	stream.indirect.gather [hbm4b:s1+s7], $0x40, s5, s7, $0xb8;
	[tilespmem:$0x1D240] =	vst v63  }
0xba: {  	v2 =	vld [tilespmem:$0xF0]  }
0xbb: {  	v3 =	vld [tilespmem:$0x100]  }
0xbc: {  	v61 =	vld [tilespmem:$0x110]  }
0xbd: {  	v62 =	vld [tilespmem:$0x120]  }
0xbe: {  	v63 =	vld [tilespmem:$0x130]  }
0xbf: {  	v2 =	vshll.u32 v2, $0x1  }
0xc0: {  	v3 =	vshll.u32 v3, $0x1;
	v2 =	vor.u32 $0x1, v2  }
0xc1: {  	[tilespmem:$0xF0] =	vst v2;
	v2 =	vor.u32 $0x1, v3;
	v3 =	vshll.u32 v61, $0x1  }
0xc2: {  	[tilespmem:$0x100] =	vst v2;
	v2 =	vor.u32 $0x1, v3;
	v3 =	vshll.u32 v62, $0x1  }
0xc3: {  	[tilespmem:$0x110] =	vst v2;
	v2 =	vor.u32 $0x1, v3;
	v3 =	vshll.u32 v63, $0x1  }
0xc4: {  	[tilespmem:$0x120] =	vst v2;
	v2 =	vor.u32 $0x1, v3  }
0xc5: {  	s24 =	simm.s32 $0xF0;
	s19 =	simm.s32 $0xFFFFFF86;
	[tilespmem:$0x130] =	vst v2  }
0xc6: {  	[tilespmem:s28], [sflag:$0x4] =	stream.indirect.gather [hbm4b:s1+s7], $0x40, s24, s7, $0xb8;
	[tilespmem:$0x1D240] =	vst v63  }
.LBB2_26:
0xc7: {  	_ =	swait.ge [sflag:s29], $0x1400  }
0xc8: {  	s21 =	sshra.s32 s18, $0x2;
	s23 =	sadd.s32 $0xFFFFFFFD, s19;
	[sflag:s29] =	ssyncset.done $0x0  }
0xc9: {  	s22 =	sadd.s32 $0x4E20, s21;
	p1 =	sgt.u32 s23, $0x7C;
	[sflag:s29] =	ssyncadd.s32 $0xFFFFEC00  }
0xca: {  	[spmem:s2] =	stream.indirect.scatter.add.f32 [tilespmem:s3], [sflag:$0x6], $0x40, s22, s7, $0xb8;
	[tilespmem:$0x1D240] =	vst v63  }
0xcb: {  	s23 =	simm.s32 @!p1 $0x50;
	s24 =	simm.s32 @!p1 $0x10040  }
0xcc: {  	[spmem:s4] =	stream.indirect.scatter.add.f32 @!p1 [tilespmem:s24], [sflag:$0xB], $0x10, s22, s23, $0xb8;
	[tilespmem:$0x1D240] =	vst v63  }
0xcd: {  	p1 =	seq.s32 s18, $0x0  }
0xce: {  	s22 =	simm.s32 @!p1 $0xA  }
0xcf: {  	_ =	swait.ge @!p1 [sflag:s22], $0x1400  }
0xd0: {  	[sflag:s22] =	ssyncset.done @!p1 $0x0  }
0xd1: {  	[sflag:s22] =	ssyncadd.s32 @!p1 $0xFFFFEC00  }
0xd2: {  	v2 =	vld [tilespmem:s21+$0x140]  }
0xd3: {  	v3 =	vld [tilespmem:s21+$0x150]  }
0xd4: {  	v4 =	vld [tilespmem:s21+$0x160]  }
0xd5: {  	v5 =	vld [tilespmem:s21+$0x170]  }
0xd6: {  	v6 =	vld [tilespmem:s21+$0x180]  }
0xd7: {  	v2 =	vshll.u32 v2, $0x1  }
0xd8: {  	v3 =	vshll.u32 v3, $0x1;
	v2 =	vor.u32 $0x1, v2  }
0xd9: {  	[tilespmem:s21+$0x140] =	vst v2;
	v2 =	vor.u32 $0x1, v3;
	v3 =	vshll.u32 v4, $0x1  }
0xda: {  	[tilespmem:s21+$0x150] =	vst v2;
	v2 =	vor.u32 $0x1, v3;
	v3 =	vshll.u32 v5, $0x1  }
0xdb: {  	[tilespmem:s21+$0x160] =	vst v2;
	v2 =	vor.u32 $0x1, v3;
	v3 =	vshll.u32 v6, $0x1  }
0xdc: {  	[tilespmem:s21+$0x170] =	vst v2;
	v2 =	vor.u32 $0x1, v3  }
0xdd: {  	s23 =	sadd.s32 $0x140, s21;
	[tilespmem:s21+$0x180] =	vst v2  }
0xde: {  	[tilespmem:s30], [sflag:$0x5] =	stream.indirect.gather [hbm4b:s1+s7], $0x40, s23, s7, $0xb8;
	[tilespmem:$0x1D240] =	vst v63  }
0xdf: {  	_ =	swait.ge [sflag:s31], $0x1400  }
0xe0: {  	s24 =	sadd.s32 $0xFFFFFFFE, s19;
	[sflag:s31] =	ssyncset.done $0x0  }
0xe1: {  	s22 =	sadd.s32 $0x4E70, s21;
	p1 =	sgt.u32 s24, $0x7C;
	[sflag:s31] =	ssyncadd.s32 $0xFFFFEC00  }
0xe2: {  	[spmem:s2] =	stream.indirect.scatter.add.f32 [tilespmem:s25], [sflag:$0x7], $0x40, s22, s7, $0xb8;
	[tilespmem:$0x1D240] =	vst v63  }
0xe3: {  	s24 =	simm.s32 @!p1 $0x10040;
	s23 =	simm.s32 @!p1 $0x50  }
0xe4: {  	[spmem:s4] =	stream.indirect.scatter.add.f32 @!p1 [tilespmem:s24], [sflag:$0xB], $0x10, s22, s23, $0xb8;
	[tilespmem:$0x1D240] =	vst v63  }
0xe5: {  	_ =	swait.ge [sflag:s20], $0x1400  }
0xe6: {  	p1 =	seq.s32 s18, $0x13240;
	[sflag:s20] =	ssyncset.done $0x0  }
0xe7: {  	s22 =	sshra.s32 @!p1 s18, $0x2;
	[sflag:s20] =	ssyncadd.s32 $0xFFFFEC00  }
0xe8: {  	v2 =	vld @!p1 [tilespmem:s22+$0x190]  }
0xe9: {  	v3 =	vld @!p1 [tilespmem:s22+$0x1A0]  }
0xea: {  	v4 =	vld @!p1 [tilespmem:s22+$0x1B0]  }
0xeb: {  	v5 =	vld @!p1 [tilespmem:s22+$0x1C0]  }
0xec: {  	v6 =	vld @!p1 [tilespmem:s22+$0x1D0]  }
0xed: {  	v2 =	vshll.u32 @!p1 v2, $0x1  }
0xee: {  	v3 =	vshll.u32 @!p1 v3, $0x1;
	v2 =	vor.u32 @!p1 $0x1, v2  }
0xef: {  	[tilespmem:s22+$0x190] =	vst @!p1 v2;
	v2 =	vor.u32 @!p1 $0x1, v3;
	v3 =	vshll.u32 @!p1 v4, $0x1  }
0xf0: {  	[tilespmem:s22+$0x1A0] =	vst @!p1 v2;
	v2 =	vor.u32 @!p1 $0x1, v3;
	v3 =	vshll.u32 @!p1 v5, $0x1  }
0xf1: {  	[tilespmem:s22+$0x1B0] =	vst @!p1 v2;
	v2 =	vor.u32 @!p1 $0x1, v3;
	v3 =	vshll.u32 @!p1 v6, $0x1  }
0xf2: {  	[tilespmem:s22+$0x1C0] =	vst @!p1 v2;
	v2 =	vor.u32 @!p1 $0x1, v3  }
0xf3: {  	s23 =	simm.s32 @!p1 $0x50;
	s17 =	simm.s32 @!p1 $0x9C40;
	s24 =	sadd.s32 @!p1 $0x190, s22;
	[tilespmem:s22+$0x1D0] =	vst @!p1 v2  }
0xf4: {  	[tilespmem:s17], [sflag:$0x1] =	stream.indirect.gather @!p1 [hbm4b:s1+s23], $0x40, s24, s23, $0xb8;
	[tilespmem:$0x1D240] =	vst v63  }
0xf5: {  	_ =	swait.ge [sflag:s8], $0x1400  }
0xf6: {  	s5 =	sadd.s32 $0xFFFFFFFF, s19;
	[sflag:s8] =	ssyncset.done $0x0  }
0xf7: {  	p2 =	sgt.u32 s5, $0x7C;
	s17 =	sadd.s32 $0x4EC0, s21;
	[sflag:s8] =	ssyncadd.s32 $0xFFFFEC00  }
0xf8: {  	[spmem:s2] =	stream.indirect.scatter.add.f32 [tilespmem:s26], [sflag:$0x8], $0x40, s17, s7, $0xb8;
	[tilespmem:$0x1D240] =	vst v63  }
0xf9: {  	s5 =	simm.s32 @!p2 $0x10040;
	s24 =	simm.s32 @!p2 $0x50  }
0xfa: {  	[spmem:s4] =	stream.indirect.scatter.add.f32 @!p2 [tilespmem:s5], [sflag:$0xB], $0x10, s17, s24, $0xb8;
	[tilespmem:$0x1D240] =	vst v63  }
0xfb: {  	_ =	swait.ge [sflag:s9], $0x1400  }
0xfc: {  	[sflag:s9] =	ssyncset.done $0x0  }
0xfd: {  	[sflag:s9] =	ssyncadd.s32 $0xFFFFEC00  }
0xfe: {  	v2 =	vld @!p1 [tilespmem:s22+$0x1E0]  }
0xff: {  	v3 =	vld @!p1 [tilespmem:s22+$0x1F0]  }
0x100: {  	v4 =	vld @!p1 [tilespmem:s22+$0x200]  }
0x101: {  	v5 =	vld @!p1 [tilespmem:s22+$0x210]  }
0x102: {  	v6 =	vld @!p1 [tilespmem:s22+$0x220]  }
0x103: {  	v2 =	vshll.u32 @!p1 v2, $0x1  }
0x104: {  	v3 =	vshll.u32 @!p1 v3, $0x1;
	v2 =	vor.u32 @!p1 $0x1, v2  }
0x105: {  	[tilespmem:s22+$0x1E0] =	vst @!p1 v2;
	v2 =	vor.u32 @!p1 $0x1, v3;
	v3 =	vshll.u32 @!p1 v4, $0x1  }
0x106: {  	[tilespmem:s22+$0x1F0] =	vst @!p1 v2;
	v2 =	vor.u32 @!p1 $0x1, v3;
	v3 =	vshll.u32 @!p1 v5, $0x1  }
0x107: {  	[tilespmem:s22+$0x200] =	vst @!p1 v2;
	v2 =	vor.u32 @!p1 $0x1, v3;
	v3 =	vshll.u32 @!p1 v6, $0x1  }
0x108: {  	[tilespmem:s22+$0x210] =	vst @!p1 v2;
	v2 =	vor.u32 @!p1 $0x1, v3  }
0x109: {  	s5 =	sadd.s32 @!p1 $0x1E0, s22;
	s17 =	simm.s32 @!p1 $0xB040;
	[tilespmem:s22+$0x220] =	vst @!p1 v2  }
0x10a: {  	[tilespmem:s17], [sflag:$0x2] =	stream.indirect.gather @!p1 [hbm4b:s1+s23], $0x40, s5, s23, $0xb8;
	[tilespmem:$0x1D240] =	vst v63  }
0x10b: {  	_ =	swait.ge [sflag:s10], $0x1400  }
0x10c: {  	[sflag:s10] =	ssyncset.done $0x0  }
0x10d: {  	p2 =	sgt.u32 s19, $0x7C;
	s5 =	sadd.s32 $0x4F10, s21;
	[sflag:s10] =	ssyncadd.s32 $0xFFFFEC00  }
0x10e: {  	[spmem:s2] =	stream.indirect.scatter.add.f32 [tilespmem:s28], [sflag:$0x9], $0x40, s5, s7, $0xb8;
	[tilespmem:$0x1D240] =	vst v63  }
0x10f: {  	s24 =	simm.s32 @!p2 $0x10040;
	s17 =	simm.s32 @!p2 $0x50  }
0x110: {  	[spmem:s4] =	stream.indirect.scatter.add.f32 @!p2 [tilespmem:s24], [sflag:$0xB], $0x10, s5, s17, $0xb8;
	[tilespmem:$0x1D240] =	vst v63  }
0x111: {  	_ =	swait.ge [sflag:s11], $0x1400  }
0x112: {  	[sflag:s11] =	ssyncset.done $0x0  }
0x113: {  	[sflag:s11] =	ssyncadd.s32 $0xFFFFEC00  }
0x114: {  	v2 =	vld @!p1 [tilespmem:s22+$0x230]  }
0x115: {  	v3 =	vld @!p1 [tilespmem:s22+$0x240]  }
0x116: {  	v4 =	vld @!p1 [tilespmem:s22+$0x250]  }
0x117: {  	v5 =	vld @!p1 [tilespmem:s22+$0x260]  }
0x118: {  	v6 =	vld @!p1 [tilespmem:s22+$0x270]  }
0x119: {  	v2 =	vshll.u32 @!p1 v2, $0x1  }
0x11a: {  	v3 =	vshll.u32 @!p1 v3, $0x1;
	v2 =	vor.u32 @!p1 $0x1, v2  }
0x11b: {  	[tilespmem:s22+$0x230] =	vst @!p1 v2;
	v2 =	vor.u32 @!p1 $0x1, v3;
	v3 =	vshll.u32 @!p1 v4, $0x1  }
0x11c: {  	[tilespmem:s22+$0x240] =	vst @!p1 v2;
	v2 =	vor.u32 @!p1 $0x1, v3;
	v3 =	vshll.u32 @!p1 v5, $0x1  }
0x11d: {  	[tilespmem:s22+$0x250] =	vst @!p1 v2;
	v2 =	vor.u32 @!p1 $0x1, v3;
	v3 =	vshll.u32 @!p1 v6, $0x1  }
0x11e: {  	[tilespmem:s22+$0x260] =	vst @!p1 v2;
	v2 =	vor.u32 @!p1 $0x1, v3  }
0x11f: {  	s5 =	sadd.s32 @!p1 $0x230, s22;
	s17 =	simm.s32 @!p1 $0xC440;
	[tilespmem:s22+$0x270] =	vst @!p1 v2  }
0x120: {  	[tilespmem:s17], [sflag:$0x3] =	stream.indirect.gather @!p1 [hbm4b:s1+s23], $0x40, s5, s23, $0xb8;
	[tilespmem:$0x1D240] =	vst v63  }
0x121: {  	_ =	swait.ge [sflag:s12], $0x1400  }
0x122: {  	s24 =	sadd.s32 $0x1, s19;
	[sflag:s12] =	ssyncset.done $0x0  }
0x123: {  	p2 =	sgt.u32 s24, $0x7C;
	s5 =	sadd.s32 $0x4F60, s21;
	[sflag:s12] =	ssyncadd.s32 $0xFFFFEC00  }
0x124: {  	[spmem:s2] =	stream.indirect.scatter.add.f32 [tilespmem:s30], [sflag:$0xA], $0x40, s5, s7, $0xb8;
	[tilespmem:$0x1D240] =	vst v63  }
.Ltmp4:
0x125: {  	s22 =	simm.s32 @!p2 $0x10040;
	s17 =	simm.s32 @!p2 $0x50;
	(pc) =	sbr.rel @p1 .LBB2_21-.Ltmp4, $4  }
0x126: {  	[spmem:s4] =	stream.indirect.scatter.add.f32 @!p2 [tilespmem:s22], [sflag:$0xB], $0x10, s5, s17, $0xb8;
	[tilespmem:$0x1D240] =	vst v63  }
0x127: {  	_ =	swait.ge [sflag:s13], $0x1400  }
0x128: {  	[sflag:s13] =	ssyncset.done $0x0  }
0x129: {  	[sflag:s13] =	ssyncadd.s32 $0xFFFFEC00  }
0x12a: {  	v2 =	vld [tilespmem:s21+$0x280]  }
0x12b: {  	v3 =	vld [tilespmem:s21+$0x290]  }
0x12c: {  	v4 =	vld [tilespmem:s21+$0x2A0]  }
0x12d: {  	v5 =	vld [tilespmem:s21+$0x2B0]  }
0x12e: {  	v6 =	vld [tilespmem:s21+$0x2C0]  }
0x12f: {  	v2 =	vshll.u32 v2, $0x1  }
0x130: {  	v3 =	vshll.u32 v3, $0x1;
	v2 =	vor.u32 $0x1, v2  }
0x131: {  	[tilespmem:s21+$0x280] =	vst v2;
	v2 =	vor.u32 $0x1, v3;
	v3 =	vshll.u32 v4, $0x1  }
.Ltmp5:
0x132: {  	[tilespmem:s21+$0x290] =	vst v2;
	v2 =	vor.u32 $0x1, v3;
	v3 =	vshll.u32 v5, $0x1;
	(pc) =	sbr.rel .LBB2_26-.Ltmp5, $4  }
0x133: {  	[tilespmem:s21+$0x2A0] =	vst v2;
	v2 =	vor.u32 $0x1, v3;
	v3 =	vshll.u32 v6, $0x1  }
0x134: {  	[tilespmem:s21+$0x2B0] =	vst v2;
	v2 =	vor.u32 $0x1, v3  }
0x135: {  	s5 =	sadd.s32 $0x280, s21;
	s18 =	sadd.s32 $0x640, s18;
	s19 =	sadd.s32 $0x5, s19;
	[tilespmem:s21+$0x2C0] =	vst v2  }
0x136: {  	[tilespmem:s28], [sflag:$0x4] =	stream.indirect.gather [hbm4b:s1+s7], $0x40, s5, s7, $0xb8;
	[tilespmem:$0x1D240] =	vst v63  }
.LBB2_8:
0x137: {  	v3 =	vld [tilespmem:$0x10]  }
0x138: {  	v4 =	vld [tilespmem:$0x20]  }
0x139: {  	v5 =	vld [tilespmem:$0x30]  }
0x13a: {  	v6 =	vld [tilespmem:$0x40];
	_ =	sdelay $0x1  }
0x13b: {  	[tilespmem:$0x0] =	vst v2;
	v2 =	vshll.u32 v3, $0x1  }
0x13c: {  	[tilespmem:$0x10] =	vst v2;
	v2 =	vshll.u32 v4, $0x1  }
0x13d: {  	[tilespmem:$0x20] =	vst v2;
	v2 =	vshll.u32 v5, $0x1  }
0x13e: {  	[tilespmem:$0x30] =	vst v2;
	v2 =	vshll.u32 v6, $0x1  }
0x13f: {  	s18 =	simm.s32 $0x0;
	[tilespmem:$0x40] =	vst v2  }
0x140: {  	[tilespmem:s3], [sflag:$0x1] =	stream.indirect.gather [hbm4b:s1+s7], $0x40, s18, s7, $0xb8;
	[tilespmem:$0x1D240] =	vst v63  }
0x141: {  	v2 =	vld [tilespmem:$0x50]  }
0x142: {  	v3 =	vld [tilespmem:$0x60]  }
0x143: {  	v55 =	vld [tilespmem:$0x70]  }
0x144: {  	v56 =	vld [tilespmem:$0x80]  }
0x145: {  	v57 =	vld [tilespmem:$0x90]  }
0x146: {  	v2 =	vshll.u32 v2, $0x1  }
0x147: {  	[tilespmem:$0x50] =	vst v2;
	v2 =	vshll.u32 v3, $0x1  }
0x148: {  	[tilespmem:$0x60] =	vst v2;
	v2 =	vshll.u32 v55, $0x1  }
0x149: {  	[tilespmem:$0x70] =	vst v2;
	v2 =	vshll.u32 v56, $0x1  }
0x14a: {  	[tilespmem:$0x80] =	vst v2;
	v2 =	vshll.u32 v57, $0x1  }
0x14b: {  	[tilespmem:$0x90] =	vst v2  }
0x14c: {  	[tilespmem:s25], [sflag:$0x2] =	stream.indirect.gather [hbm4b:s1+s7], $0x40, s7, s7, $0xb8;
	[tilespmem:$0x1D240] =	vst v63  }
0x14d: {  	v2 =	vld [tilespmem:$0xA0]  }
0x14e: {  	v3 =	vld [tilespmem:$0xB0]  }
0x14f: {  	v58 =	vld [tilespmem:$0xC0]  }
0x150: {  	v59 =	vld [tilespmem:$0xD0]  }
0x151: {  	v60 =	vld [tilespmem:$0xE0]  }
0x152: {  	v2 =	vshll.u32 v2, $0x1  }
0x153: {  	[tilespmem:$0xA0] =	vst v2;
	v2 =	vshll.u32 v3, $0x1  }
0x154: {  	[tilespmem:$0xB0] =	vst v2;
	v2 =	vshll.u32 v58, $0x1  }
0x155: {  	[tilespmem:$0xC0] =	vst v2;
	v2 =	vshll.u32 v59, $0x1  }
0x156: {  	[tilespmem:$0xD0] =	vst v2;
	v2 =	vshll.u32 v60, $0x1  }
0x157: {  	s5 =	simm.s32 $0xA0;
	[tilespmem:$0xE0] =	vst v2  }
0x158: {  	[tilespmem:s26], [sflag:$0x3] =	stream.indirect.gather [hbm4b:s1+s7], $0x40, s5, s7, $0xb8;
	[tilespmem:$0x1D240] =	vst v63  }
0x159: {  	v2 =	vld [tilespmem:$0xF0]  }
0x15a: {  	v3 =	vld [tilespmem:$0x100]  }
0x15b: {  	v61 =	vld [tilespmem:$0x110]  }
0x15c: {  	v62 =	vld [tilespmem:$0x120]  }
0x15d: {  	v63 =	vld [tilespmem:$0x130]  }
0x15e: {  	v2 =	vshll.u32 v2, $0x1  }
0x15f: {  	[tilespmem:$0xF0] =	vst v2;
	v2 =	vshll.u32 v3, $0x1  }
.Ltmp6:
0x160: {  	[tilespmem:$0x100] =	vst v2;
	v2 =	vshll.u32 v61, $0x1;
	(pc) =	sbr.rel .LBB2_9-.Ltmp6, $4  }
0x161: {  	[tilespmem:$0x110] =	vst v2;
	v2 =	vshll.u32 v62, $0x1  }
0x162: {  	[tilespmem:$0x120] =	vst v2;
	v2 =	vshll.u32 v63, $0x1  }
0x163: {  	s24 =	simm.s32 $0xF0;
	s19 =	simm.s32 $0x0;
	[tilespmem:$0x130] =	vst v2  }
0x164: {  	[tilespmem:s28], [sflag:$0x4] =	stream.indirect.gather [hbm4b:s1+s7], $0x40, s24, s7, $0xb8;
	[tilespmem:$0x1D240] =	vst v63  }
.LBB2_18:
0x165: {  	[spmem:s4] =	stream.indirect.scatter.add.f32 [tilespmem:s16], [sflag:$0xB], $0x10, s22, s7, $0xb8;
	[tilespmem:$0x1D240] =	vst v63  }
0x166: {  	_ =	swait.ge [sflag:s13], $0x1400  }
0x167: {  	[sflag:s13] =	ssyncset.done $0x0  }
0x168: {  	[sflag:s13] =	ssyncadd.s32 $0xFFFFEC00  }
.LBB2_20:
0x169: {  	v2 =	vld [tilespmem:s21+$0x280]  }
0x16a: {  	v3 =	vld [tilespmem:s21+$0x290]  }
0x16b: {  	v4 =	vld [tilespmem:s21+$0x2A0]  }
0x16c: {  	v5 =	vld [tilespmem:s21+$0x2B0]  }
0x16d: {  	v6 =	vld [tilespmem:s21+$0x2C0]  }
0x16e: {  	s18 =	sadd.s32 $0x640, s18;
	v2 =	vshll.u32 v2, $0x1  }
0x16f: {  	p1 =	seq.s32 s18, $0x13880;
	[tilespmem:s21+$0x280] =	vst v2;
	v2 =	vshll.u32 v3, $0x1  }
.Ltmp7:
0x170: {  	[tilespmem:s21+$0x290] =	vst v2;
	v2 =	vshll.u32 v4, $0x1;
	(pc) =	sbr.rel @p1 .LBB2_21-.Ltmp7, $4  }
0x171: {  	[tilespmem:s21+$0x2A0] =	vst v2;
	v2 =	vshll.u32 v5, $0x1  }
0x172: {  	[tilespmem:s21+$0x2B0] =	vst v2;
	v2 =	vshll.u32 v6, $0x1  }
0x173: {  	s22 =	sadd.s32 $0x280, s21;
	s19 =	sadd.s32 $0x1, s19;
	[tilespmem:s21+$0x2C0] =	vst v2  }
0x174: {  	[tilespmem:s28], [sflag:$0x4] =	stream.indirect.gather [hbm4b:s1+s7], $0x40, s22, s7, $0xb8;
	[tilespmem:$0x1D240] =	vst v63  }
.LBB2_9:
0x175: {  	_ =	swait.ge [sflag:s29], $0x1400  }
0x176: {  	s21 =	sshra.s32 s18, $0x2;
	p1 =	sgt.u32 s19, $0x18;
	[sflag:s29] =	ssyncset.done $0x0  }
0x177: {  	s24 =	sadd.s32 $0x4E20, s21;
	p2 =	seq.s32 @!p1 s18, $0x0;
	[sflag:s29] =	ssyncadd.s32 $0xFFFFEC00  }
0x178: {  	[spmem:s2] =	stream.indirect.scatter.add.f32 [tilespmem:s3], [sflag:$0x6], $0x40, s24, s7, $0xb8;
	[tilespmem:$0x1D240] =	vst v63  }
0x179: {  	s22 =	simm.s32 @!p1 $0x50;
	s23 =	simm.s32 @!p1 $0x10040;
	p2 =	por p1, !p2  }
0x17a: {  	[spmem:s4] =	stream.indirect.scatter.add.f32 @!p1 [tilespmem:s23], [sflag:$0xB], $0x10, s24, s22, $0xb8;
	[tilespmem:$0x1D240] =	vst v63  }
0x17b: {  	_ =	swait.ge @p2 [sflag:s14], $0x1400  }
0x17c: {  	[sflag:s14] =	ssyncset.done @p2 $0x0  }
0x17d: {  	[sflag:s14] =	ssyncadd.s32 @p2 $0xFFFFEC00  }
0x17e: {  	v2 =	vld [tilespmem:s21+$0x140]  }
0x17f: {  	v3 =	vld [tilespmem:s21+$0x150]  }
0x180: {  	v4 =	vld [tilespmem:s21+$0x160]  }
0x181: {  	v5 =	vld [tilespmem:s21+$0x170]  }
0x182: {  	v6 =	vld [tilespmem:s21+$0x180]  }
0x183: {  	v2 =	vshll.u32 v2, $0x1  }
0x184: {  	[tilespmem:s21+$0x140] =	vst v2;
	v2 =	vshll.u32 v3, $0x1  }
0x185: {  	[tilespmem:s21+$0x150] =	vst v2;
	v2 =	vshll.u32 v4, $0x1  }
0x186: {  	[tilespmem:s21+$0x160] =	vst v2;
	v2 =	vshll.u32 v5, $0x1  }
0x187: {  	[tilespmem:s21+$0x170] =	vst v2;
	v2 =	vshll.u32 v6, $0x1  }
0x188: {  	s17 =	sadd.s32 $0x140, s21;
	[tilespmem:s21+$0x180] =	vst v2  }
0x189: {  	[tilespmem:s30], [sflag:$0x5] =	stream.indirect.gather [hbm4b:s1+s7], $0x40, s17, s7, $0xb8;
	[tilespmem:$0x1D240] =	vst v63  }
0x18a: {  	_ =	swait.ge [sflag:s31], $0x1400  }
0x18b: {  	[sflag:s31] =	ssyncset.done $0x0  }
0x18c: {  	s24 =	sadd.s32 $0x4E70, s21;
	[sflag:s31] =	ssyncadd.s32 $0xFFFFEC00  }
0x18d: {  	[spmem:s2] =	stream.indirect.scatter.add.f32 [tilespmem:s25], [sflag:$0x7], $0x40, s24, s7, $0xb8;
	[tilespmem:$0x1D240] =	vst v63  }
0x18e: {  	_ = 	snop  }
0x18f: {  	[spmem:s4] =	stream.indirect.scatter.add.f32 @!p1 [tilespmem:s23], [sflag:$0xB], $0x10, s24, s22, $0xb8;
	[tilespmem:$0x1D240] =	vst v63  }
0x190: {  	_ =	swait.ge [sflag:s20], $0x1400  }
0x191: {  	p2 =	seq.s32 s18, $0x13240;
	[sflag:s20] =	ssyncset.done $0x0  }
0x192: {  	s22 =	sshra.s32 @!p2 s18, $0x2;
	[sflag:s20] =	ssyncadd.s32 $0xFFFFEC00  }
0x193: {  	v2 =	vld @!p2 [tilespmem:s22+$0x190]  }
0x194: {  	v3 =	vld @!p2 [tilespmem:s22+$0x1A0]  }
0x195: {  	v4 =	vld @!p2 [tilespmem:s22+$0x1B0]  }
0x196: {  	v5 =	vld @!p2 [tilespmem:s22+$0x1C0]  }
0x197: {  	v6 =	vld @!p2 [tilespmem:s22+$0x1D0]  }
0x198: {  	v2 =	vshll.u32 @!p2 v2, $0x1  }
0x199: {  	[tilespmem:s22+$0x190] =	vst @!p2 v2;
	v2 =	vshll.u32 @!p2 v3, $0x1  }
0x19a: {  	[tilespmem:s22+$0x1A0] =	vst @!p2 v2;
	v2 =	vshll.u32 @!p2 v4, $0x1  }
0x19b: {  	[tilespmem:s22+$0x1B0] =	vst @!p2 v2;
	v2 =	vshll.u32 @!p2 v5, $0x1  }
0x19c: {  	[tilespmem:s22+$0x1C0] =	vst @!p2 v2;
	v2 =	vshll.u32 @!p2 v6, $0x1  }
0x19d: {  	s24 =	simm.s32 @!p2 $0x9C40;
	s23 =	sadd.s32 @!p2 $0x190, s22;
	[tilespmem:s22+$0x1D0] =	vst @!p2 v2;
	s22 =	simm.s32 @!p2 $0x50  }
0x19e: {  	[tilespmem:s24], [sflag:$0x1] =	stream.indirect.gather @!p2 [hbm4b:s1+s22], $0x40, s23, s22, $0xb8;
	[tilespmem:$0x1D240] =	vst v63  }
.Ltmp8:
0x19f: {  	_ = 	snop;
	(pc) =	sbr.rel @p1 .LBB2_11-.Ltmp8, $4  }
0x1a0: {  	_ =	swait.ge [sflag:s8], $0x1400  }
0x1a1: {  	[sflag:s8] =	ssyncset.done $0x0  }
0x1a2: {  	s22 =	sadd.s32 $0x4EC0, s21;
	[sflag:s8] =	ssyncadd.s32 $0xFFFFEC00  }
0x1a3: {  	[spmem:s2] =	stream.indirect.scatter.add.f32 [tilespmem:s26], [sflag:$0x8], $0x40, s22, s7, $0xb8;
	[tilespmem:$0x1D240] =	vst v63  }
.Ltmp9:
0x1a4: {  	(pc) =	sbr.rel .LBB2_12-.Ltmp9, $4  }
0x1a5: {  	[spmem:s4] =	stream.indirect.scatter.add.f32 [tilespmem:s16], [sflag:$0xB], $0x10, s22, s7, $0xb8;
	[tilespmem:$0x1D240] =	vst v63  }
0x1a6: {  	_ =	swait.ge [sflag:s9], $0x1400  }
0x1a7: {  	[sflag:s9] =	ssyncset.done $0x0  }
0x1a8: {  	[sflag:s9] =	ssyncadd.s32 $0xFFFFEC00  }
.LBB2_11:
.Ltmp10:
0x1a9: {  	(pc) =	sbr.rel @p2 .LBB2_13-.Ltmp10, $4  }
0x1aa: {  	_ = 	snop  }
0x1ab: {  	_ =	swait.ge [sflag:s9], $0x1400  }
0x1ac: {  	[sflag:s9] =	ssyncset.done $0x0  }
0x1ad: {  	[sflag:s9] =	ssyncadd.s32 $0xFFFFEC00  }
.LBB2_12:
0x1ae: {  	v2 =	vld [tilespmem:s21+$0x1E0]  }
0x1af: {  	v3 =	vld [tilespmem:s21+$0x1F0]  }
0x1b0: {  	v4 =	vld [tilespmem:s21+$0x200]  }
0x1b1: {  	v5 =	vld [tilespmem:s21+$0x210]  }
0x1b2: {  	v6 =	vld [tilespmem:s21+$0x220]  }
0x1b3: {  	v2 =	vshll.u32 v2, $0x1  }
0x1b4: {  	[tilespmem:s21+$0x1E0] =	vst v2;
	v2 =	vshll.u32 v3, $0x1  }
0x1b5: {  	[tilespmem:s21+$0x1F0] =	vst v2;
	v2 =	vshll.u32 v4, $0x1  }
0x1b6: {  	[tilespmem:s21+$0x200] =	vst v2;
	v2 =	vshll.u32 v5, $0x1  }
0x1b7: {  	[tilespmem:s21+$0x210] =	vst v2;
	v2 =	vshll.u32 v6, $0x1  }
0x1b8: {  	s22 =	sadd.s32 $0x1E0, s21;
	[tilespmem:s21+$0x220] =	vst v2  }
0x1b9: {  	[tilespmem:s25], [sflag:$0x2] =	stream.indirect.gather [hbm4b:s1+s7], $0x40, s22, s7, $0xb8;
	[tilespmem:$0x1D240] =	vst v63  }
.LBB2_13:
.Ltmp11:
0x1ba: {  	(pc) =	sbr.rel @p1 .LBB2_15-.Ltmp11, $4  }
0x1bb: {  	_ =	swait.ge [sflag:s10], $0x1400  }
0x1bc: {  	[sflag:s10] =	ssyncset.done $0x0  }
0x1bd: {  	s22 =	sadd.s32 $0x4F10, s21;
	[sflag:s10] =	ssyncadd.s32 $0xFFFFEC00  }
0x1be: {  	[spmem:s2] =	stream.indirect.scatter.add.f32 [tilespmem:s28], [sflag:$0x9], $0x40, s22, s7, $0xb8;
	[tilespmem:$0x1D240] =	vst v63  }
.Ltmp12:
0x1bf: {  	(pc) =	sbr.rel .LBB2_16-.Ltmp12, $4  }
0x1c0: {  	[spmem:s4] =	stream.indirect.scatter.add.f32 [tilespmem:s16], [sflag:$0xB], $0x10, s22, s7, $0xb8;
	[tilespmem:$0x1D240] =	vst v63  }
0x1c1: {  	_ =	swait.ge [sflag:s11], $0x1400  }
0x1c2: {  	[sflag:s11] =	ssyncset.done $0x0  }
0x1c3: {  	[sflag:s11] =	ssyncadd.s32 $0xFFFFEC00  }
.LBB2_15:
.Ltmp13:
0x1c4: {  	(pc) =	sbr.rel @p2 .LBB2_17-.Ltmp13, $4  }
0x1c5: {  	_ = 	snop  }
0x1c6: {  	_ =	swait.ge [sflag:s11], $0x1400  }
0x1c7: {  	[sflag:s11] =	ssyncset.done $0x0  }
0x1c8: {  	[sflag:s11] =	ssyncadd.s32 $0xFFFFEC00  }
.LBB2_16:
0x1c9: {  	v2 =	vld [tilespmem:s21+$0x230]  }
0x1ca: {  	v3 =	vld [tilespmem:s21+$0x240]  }
0x1cb: {  	v4 =	vld [tilespmem:s21+$0x250]  }
0x1cc: {  	v5 =	vld [tilespmem:s21+$0x260]  }
0x1cd: {  	v6 =	vld [tilespmem:s21+$0x270]  }
0x1ce: {  	v2 =	vshll.u32 v2, $0x1  }
0x1cf: {  	[tilespmem:s21+$0x230] =	vst v2;
	v2 =	vshll.u32 v3, $0x1  }
0x1d0: {  	[tilespmem:s21+$0x240] =	vst v2;
	v2 =	vshll.u32 v4, $0x1  }
0x1d1: {  	[tilespmem:s21+$0x250] =	vst v2;
	v2 =	vshll.u32 v5, $0x1  }
0x1d2: {  	[tilespmem:s21+$0x260] =	vst v2;
	v2 =	vshll.u32 v6, $0x1  }
0x1d3: {  	s22 =	sadd.s32 $0x230, s21;
	[tilespmem:s21+$0x270] =	vst v2  }
0x1d4: {  	[tilespmem:s26], [sflag:$0x3] =	stream.indirect.gather [hbm4b:s1+s7], $0x40, s22, s7, $0xb8;
	[tilespmem:$0x1D240] =	vst v63  }
.LBB2_17:
.Ltmp14:
0x1d5: {  	(pc) =	sbr.rel @!p1 .LBB2_18-.Ltmp14, $4  }
0x1d6: {  	_ =	swait.ge [sflag:s12], $0x1400  }
0x1d7: {  	[sflag:s12] =	ssyncset.done $0x0  }
0x1d8: {  	s22 =	sadd.s32 $0x4F60, s21;
	[sflag:s12] =	ssyncadd.s32 $0xFFFFEC00  }
0x1d9: {  	[spmem:s2] =	stream.indirect.scatter.add.f32 [tilespmem:s30], [sflag:$0xA], $0x40, s22, s7, $0xb8;
	[tilespmem:$0x1D240] =	vst v63  }
.Ltmp15:
0x1da: {  	(pc) =	sbr.rel @!p2 .LBB2_20-.Ltmp15, $4  }
0x1db: {  	_ = 	snop  }
0x1dc: {  	_ =	swait.ge [sflag:s13], $0x1400  }
0x1dd: {  	[sflag:s13] =	ssyncset.done $0x0  }
0x1de: {  	[sflag:s13] =	ssyncadd.s32 $0xFFFFEC00  }
.LBB2_21:
0x1df: {  	_ =	swait.ge [sflag:s14], $0x1400  }
0x1e0: {  	[sflag:s14] =	ssyncset.done $0x0  }
0x1e1: {  	[sflag:s14] =	ssyncadd.s32 $0xFFFFEC00  }
0x1e2: {  	_ =	swait.ge [sflag:s15], $0x500  }
0x1e3: {  	s18 =	simm.s32 $0x7C;
	[sflag:s15] =	ssyncset.done $0x0  }
.LBB2_22:
0x1e4: {  	p1 =	sne.s32 s18, $0x1;
	s18 =	sadd.s32 $0xFFFFFFFF, s18;
	[sflag:s15] =	ssyncadd.s32 $0xFFFFFB00  }
.Ltmp16:
0x1e5: {  	(pc) =	sbr.rel @p1 .LBB2_22-.Ltmp16, $3  }
0x1e6: {  	_ =	sdelay $0x1  }
0x1e7: {  	_ =	swait.ge [sflag:s15], $0x500  }
0x1e8: {  	[sflag:s15] =	ssyncset.done $0x0  }
0x1e9: {  	[sflag:s15] =	ssyncadd.s32 $0xFFFFFB00  }
0x1ea: {  	[bflag:$0x0] =	sbarrier.arrive $0xFFFF  }
0x1eb: {  	s22 =	rddreg [dreg:$0x8]  }
0x1ec: {  	[tilespmem:s3], [sflag:$0xC] =	stream.linear.gather [spmem:s22], $0x1400, $0x38;
	[tilespmem:$0x1D240] =	vst v63  }
0x1ed: {  	_ =	swait.ge [sflag:s0], $0x1400  }
0x1ee: {  	[sflag:s0] =	ssyncset.done $0x0  }
0x1ef: {  	s17 =	simm.s32 $0x0;
	s5 =	rddreg [dreg:$0x19];
	[sflag:s0] =	ssyncadd.s32 $0xFFFFEC00  }
0x1f0: {  	[hbm4b:s5+s17] =	stream.linear.scatter [tilespmem:s3], [sflag:$0xC], $0x1400, $0x38;
	[tilespmem:$0x1D240] =	vst v63  }
0x1f1: {  	_ =	swait.ge [sflag:s0], $0x1400  }
0x1f2: {  	[sflag:s0] =	ssyncset.done $0x0  }
0x1f3: {  	s23 =	rddreg [dreg:$0x9];
	[sflag:s0] =	ssyncadd.s32 $0xFFFFEC00  }
0x1f4: {  	[tilespmem:s6], [sflag:$0xC] =	stream.linear.gather [spmem:s23], $0x500, $0x38;
	[tilespmem:$0x1D240] =	vst v63  }
0x1f5: {  	_ =	swait.ge [sflag:s0], $0x500  }
0x1f6: {  	[sflag:s0] =	ssyncset.done $0x0  }
0x1f7: {  	s19 =	rddreg [dreg:$0x14];
	[sflag:s0] =	ssyncadd.s32 $0xFFFFFB00  }
0x1f8: {  	[hbm4b:s19+s17] =	stream.linear.scatter [tilespmem:s6], [sflag:$0xC], $0x500, $0x38;
	[tilespmem:$0x1D240] =	vst v63  }
0x1f9: {  	_ =	swait.ge [sflag:s0], $0x500  }
0x1fa: {  	[sflag:s0] =	ssyncset.done $0x0  }
0x1fb: {  	s24 =	rddreg [dreg:$0xa];
	[sflag:s0] =	ssyncadd.s32 $0xFFFFFB00  }
0x1fc: {  	[tilespmem:s3], [sflag:$0xC] =	stream.linear.gather [spmem:s24], $0x1400, $0x38;
	[tilespmem:$0x1D240] =	vst v63  }
0x1fd: {  	_ =	swait.ge [sflag:s0], $0x1400  }
0x1fe: {  	[sflag:s0] =	ssyncset.done $0x0  }
0x1ff: {  	s21 =	rddreg [dreg:$0x1a];
	[sflag:s0] =	ssyncadd.s32 $0xFFFFEC00  }
0x200: {  	[hbm4b:s21+s17] =	stream.linear.scatter [tilespmem:s3], [sflag:$0xC], $0x1400, $0x38;
	[tilespmem:$0x1D240] =	vst v63  }
0x201: {  	_ =	swait.ge [sflag:s0], $0x1400  }
0x202: {  	[sflag:s0] =	ssyncset.done $0x0  }
0x203: {  	s18 =	rddreg [dreg:$0xb];
	[sflag:s0] =	ssyncadd.s32 $0xFFFFEC00  }
0x204: {  	[tilespmem:s6], [sflag:$0xC] =	stream.linear.gather [spmem:s18], $0x500, $0x38;
	[tilespmem:$0x1D240] =	vst v63  }
0x205: {  	_ =	swait.ge [sflag:s0], $0x500  }
0x206: {  	s19 =	sld [smem:$0x7F7]  }
0x207: {  	[sflag:s0] =	ssyncset.done $0x0  }
0x208: {  	[sflag:s0] =	ssyncadd.s32 $0xFFFFFB00  }
0x209: {  	[hbm4b:s19+s17] =	stream.linear.scatter [tilespmem:s6], [sflag:$0xC], $0x500, $0x38;
	[tilespmem:$0x1D240] =	vst v63  }
0x20a: {  	_ =	swait.ge [sflag:s0], $0x500  }
0x20b: {  	[sflag:s0] =	ssyncset.done $0x0  }
0x20c: {  	s21 =	rddreg [dreg:$0xc];
	[sflag:s0] =	ssyncadd.s32 $0xFFFFFB00  }
0x20d: {  	[tilespmem:s3], [sflag:$0xC] =	stream.linear.gather [spmem:s21], $0x1400, $0x38;
	[tilespmem:$0x1D240] =	vst v63  }
0x20e: {  	_ =	swait.ge [sflag:s0], $0x1400  }
0x20f: {  	[sflag:s0] =	ssyncset.done $0x0  }
0x210: {  	s18 =	rddreg [dreg:$0x1b];
	[sflag:s0] =	ssyncadd.s32 $0xFFFFEC00  }
0x211: {  	[hbm4b:s18+s17] =	stream.linear.scatter [tilespmem:s3], [sflag:$0xC], $0x1400, $0x38;
	[tilespmem:$0x1D240] =	vst v63  }
0x212: {  	_ =	swait.ge [sflag:s0], $0x1400  }
0x213: {  	[sflag:s0] =	ssyncset.done $0x0  }
0x214: {  	s19 =	rddreg [dreg:$0xd];
	[sflag:s0] =	ssyncadd.s32 $0xFFFFEC00  }
0x215: {  	[tilespmem:s6], [sflag:$0xC] =	stream.linear.gather [spmem:s19], $0x500, $0x38;
	[tilespmem:$0x1D240] =	vst v63  }
0x216: {  	_ =	swait.ge [sflag:s0], $0x500  }
0x217: {  	s21 =	sld [smem:$0x7F8]  }
0x218: {  	[sflag:s0] =	ssyncset.done $0x0  }
0x219: {  	[sflag:s0] =	ssyncadd.s32 $0xFFFFFB00  }
0x21a: {  	[hbm4b:s21+s17] =	stream.linear.scatter [tilespmem:s6], [sflag:$0xC], $0x500, $0x38;
	[tilespmem:$0x1D240] =	vst v63  }
0x21b: {  	_ =	swait.ge [sflag:s0], $0x500  }
0x21c: {  	[sflag:s0] =	ssyncset.done $0x0  }
0x21d: {  	s18 =	rddreg [dreg:$0xe];
	[sflag:s0] =	ssyncadd.s32 $0xFFFFFB00  }
0x21e: {  	[tilespmem:s3], [sflag:$0xC] =	stream.linear.gather [spmem:s18], $0x1400, $0x38;
	[tilespmem:$0x1D240] =	vst v63  }
0x21f: {  	_ =	swait.ge [sflag:s0], $0x1400  }
0x220: {  	[sflag:s0] =	ssyncset.done $0x0  }
0x221: {  	s19 =	rddreg [dreg:$0x1c];
	[sflag:s0] =	ssyncadd.s32 $0xFFFFEC00  }
0x222: {  	[hbm4b:s19+s17] =	stream.linear.scatter [tilespmem:s3], [sflag:$0xC], $0x1400, $0x38;
	[tilespmem:$0x1D240] =	vst v63  }
0x223: {  	_ =	swait.ge [sflag:s0], $0x1400  }
0x224: {  	[sflag:s0] =	ssyncset.done $0x0  }
0x225: {  	s21 =	rddreg [dreg:$0xf];
	[sflag:s0] =	ssyncadd.s32 $0xFFFFEC00  }
0x226: {  	[tilespmem:s6], [sflag:$0xC] =	stream.linear.gather [spmem:s21], $0x500, $0x38;
	[tilespmem:$0x1D240] =	vst v63  }
0x227: {  	_ =	swait.ge [sflag:s0], $0x500  }
0x228: {  	s18 =	sld [smem:$0x7F9]  }
0x229: {  	[sflag:s0] =	ssyncset.done $0x0  }
0x22a: {  	[sflag:s0] =	ssyncadd.s32 $0xFFFFFB00  }
0x22b: {  	[hbm4b:s18+s17] =	stream.linear.scatter [tilespmem:s6], [sflag:$0xC], $0x500, $0x38;
	[tilespmem:$0x1D240] =	vst v63  }
0x22c: {  	_ =	swait.ge [sflag:s0], $0x500  }
0x22d: {  	[sflag:s0] =	ssyncset.done $0x0  }
0x22e: {  	s19 =	rddreg [dreg:$0x10];
	[sflag:s0] =	ssyncadd.s32 $0xFFFFFB00  }
0x22f: {  	[tilespmem:s3], [sflag:$0xC] =	stream.linear.gather [spmem:s19], $0x1400, $0x38;
	[tilespmem:$0x1D240] =	vst v63  }
0x230: {  	_ =	swait.ge [sflag:s0], $0x1400  }
0x231: {  	[sflag:s0] =	ssyncset.done $0x0  }
0x232: {  	s21 =	rddreg [dreg:$0x1d];
	[sflag:s0] =	ssyncadd.s32 $0xFFFFEC00  }
0x233: {  	[hbm4b:s21+s17] =	stream.linear.scatter [tilespmem:s3], [sflag:$0xC], $0x1400, $0x38;
	[tilespmem:$0x1D240] =	vst v63  }
0x234: {  	_ =	swait.ge [sflag:s0], $0x1400  }
0x235: {  	[sflag:s0] =	ssyncset.done $0x0  }
0x236: {  	s18 =	rddreg [dreg:$0x11];
	[sflag:s0] =	ssyncadd.s32 $0xFFFFEC00  }
0x237: {  	[tilespmem:s6], [sflag:$0xC] =	stream.linear.gather [spmem:s18], $0x500, $0x38;
	[tilespmem:$0x1D240] =	vst v63  }
0x238: {  	_ =	swait.ge [sflag:s0], $0x500  }
0x239: {  	s19 =	sld [smem:$0x7FA]  }
0x23a: {  	[sflag:s0] =	ssyncset.done $0x0  }
0x23b: {  	[sflag:s0] =	ssyncadd.s32 $0xFFFFFB00  }
0x23c: {  	[hbm4b:s19+s17] =	stream.linear.scatter [tilespmem:s6], [sflag:$0xC], $0x500, $0x38;
	[tilespmem:$0x1D240] =	vst v63  }
0x23d: {  	_ =	swait.ge [sflag:s0], $0x500  }
0x23e: {  	[sflag:s0] =	ssyncset.done $0x0  }
0x23f: {  	s21 =	rddreg [dreg:$0x12];
	[sflag:s0] =	ssyncadd.s32 $0xFFFFFB00  }
0x240: {  	[tilespmem:s3], [sflag:$0xC] =	stream.linear.gather [spmem:s21], $0x1400, $0x38;
	[tilespmem:$0x1D240] =	vst v63  }
0x241: {  	_ =	swait.ge [sflag:s0], $0x1400  }
0x242: {  	[sflag:s0] =	ssyncset.done $0x0  }
0x243: {  	s18 =	rddreg [dreg:$0x1e];
	[sflag:s0] =	ssyncadd.s32 $0xFFFFEC00  }
0x244: {  	[hbm4b:s18+s17] =	stream.linear.scatter [tilespmem:s3], [sflag:$0xC], $0x1400, $0x38;
	[tilespmem:$0x1D240] =	vst v63  }
0x245: {  	_ =	swait.ge [sflag:s0], $0x1400  }
0x246: {  	[sflag:s0] =	ssyncset.done $0x0  }
0x247: {  	s19 =	rddreg [dreg:$0x13];
	[sflag:s0] =	ssyncadd.s32 $0xFFFFEC00  }
0x248: {  	[tilespmem:s6], [sflag:$0xC] =	stream.linear.gather [spmem:s19], $0x500, $0x38;
	[tilespmem:$0x1D240] =	vst v63  }
0x249: {  	_ =	swait.ge [sflag:s0], $0x500  }
0x24a: {  	s21 =	sld [smem:$0x7FB]  }
0x24b: {  	[sflag:s0] =	ssyncset.done $0x0  }
0x24c: {  	[sflag:s0] =	ssyncadd.s32 $0xFFFFFB00  }
0x24d: {  	[hbm4b:s21+s17] =	stream.linear.scatter [tilespmem:s6], [sflag:$0xC], $0x500, $0x38;
	[tilespmem:$0x1D240] =	vst v63  }
0x24e: {  	_ =	swait.ge [sflag:s0], $0x500  }
0x24f: {  	[sflag:s0] =	ssyncset.done $0x0  }
0x250: {  	s18 =	rddreg [dreg:$0x15];
	[sflag:s0] =	ssyncadd.s32 $0xFFFFFB00  }
0x251: {  	[tilespmem:s3], [sflag:$0xC] =	stream.linear.gather [spmem:s18], $0x1400, $0x38;
	[tilespmem:$0x1D240] =	vst v63  }
0x252: {  	_ =	swait.ge [sflag:s0], $0x1400  }
0x253: {  	[sflag:s0] =	ssyncset.done $0x0  }
0x254: {  	s19 =	rddreg [dreg:$0x1f];
	[sflag:s0] =	ssyncadd.s32 $0xFFFFEC00  }
0x255: {  	[hbm4b:s19+s17] =	stream.linear.scatter [tilespmem:s3], [sflag:$0xC], $0x1400, $0x38;
	[tilespmem:$0x1D240] =	vst v63  }
0x256: {  	_ =	swait.ge [sflag:s0], $0x1400  }
0x257: {  	[sflag:s0] =	ssyncset.done $0x0  }
0x258: {  	s21 =	rddreg [dreg:$0x16];
	[sflag:s0] =	ssyncadd.s32 $0xFFFFEC00  }
0x259: {  	[tilespmem:s6], [sflag:$0xC] =	stream.linear.gather [spmem:s21], $0x500, $0x38;
	[tilespmem:$0x1D240] =	vst v63  }
0x25a: {  	_ =	swait.ge [sflag:s0], $0x500  }
0x25b: {  	s18 =	sld [smem:$0x7FC]  }
0x25c: {  	[sflag:s0] =	ssyncset.done $0x0  }
0x25d: {  	[sflag:s0] =	ssyncadd.s32 $0xFFFFFB00  }
0x25e: {  	[hbm4b:s18+s17] =	stream.linear.scatter [tilespmem:s6], [sflag:$0xC], $0x500, $0x38;
	[tilespmem:$0x1D240] =	vst v63  }
0x25f: {  	_ =	swait.ge [sflag:s0], $0x500  }
0x260: {  	[sflag:s0] =	ssyncset.done $0x0  }
0x261: {  	s19 =	rddreg [dreg:$0x17];
	[sflag:s0] =	ssyncadd.s32 $0xFFFFFB00  }
0x262: {  	[tilespmem:s3], [sflag:$0xC] =	stream.linear.gather [spmem:s19], $0x1400, $0x38;
	[tilespmem:$0x1D240] =	vst v63  }
0x263: {  	_ =	swait.ge [sflag:s0], $0x1400  }
0x264: {  	s21 =	sld [smem:$0x7F5]  }
0x265: {  	[sflag:s0] =	ssyncset.done $0x0  }
0x266: {  	[sflag:s0] =	ssyncadd.s32 $0xFFFFEC00  }
0x267: {  	[hbm4b:s21+s17] =	stream.linear.scatter [tilespmem:s3], [sflag:$0xC], $0x1400, $0x38;
	[tilespmem:$0x1D240] =	vst v63  }
0x268: {  	_ =	swait.ge [sflag:s0], $0x1400  }
0x269: {  	[sflag:s0] =	ssyncset.done $0x0  }
0x26a: {  	s18 =	rddreg [dreg:$0x18];
	[sflag:s0] =	ssyncadd.s32 $0xFFFFEC00  }
0x26b: {  	[tilespmem:s6], [sflag:$0xC] =	stream.linear.gather [spmem:s18], $0x500, $0x38;
	[tilespmem:$0x1D240] =	vst v63  }
0x26c: {  	_ =	swait.ge [sflag:s0], $0x500  }
0x26d: {  	s19 =	sld [smem:$0x7FD]  }
0x26e: {  	[sflag:s0] =	ssyncset.done $0x0  }
0x26f: {  	[sflag:s0] =	ssyncadd.s32 $0xFFFFFB00  }
0x270: {  	[hbm4b:s19+s17] =	stream.linear.scatter [tilespmem:s6], [sflag:$0xC], $0x500, $0x38;
	[tilespmem:$0x1D240] =	vst v63  }
0x271: {  	_ =	swait.ge [sflag:s0], $0x500  }
0x272: {  	s18 =	sld [smem:$0x7F4]  }
0x273: {  	s21 =	sld [smem:$0x7F6];
	_ =	sdelay $0x1  }
0x274: {  	s18 =	sadd.s32 $0x1, s18  }
0x275: {  	p1 =	sne.s32 s18, s21  }
.Ltmp17:
0x276: {  	_ = 	snop;
	(pc) =	sbr.rel @p1 .LBB2_1-.Ltmp17, $3  }
0x277: {  	_ =	sdelay $0x1  }
0x278: {  	[sflag:s0] =	ssyncset.done $0x0  }
0x279: {  	[sflag:s0] =	ssyncadd.s32 $0xFFFFFB00  }
0x27a: {  	_ =	sfence.sel $0x180000  }
0x27b: {  	[bflag:$0x0] =	sbarrier.arrive $0xFFFF  }
0x27c: {  	_ =	strace $0x90000047  }
0x27d: {  	s0 =	stileid.u32;
	[bflag:$0x2] =	sbarrier.arrive $0xFFFF  }
0x27e: {  	p0 =	sne.s32 s0, $0x0;
	s0 =	rddreg [dreg:$0x5]  }
0x27f: {  	s0 =	sadd.s32 @!p0 $0x100000, s0  }
0x280: {  	[sflag:s0] =	ssyncadd.tile.s32 @!p0 $0x1;
	_ =	shalt  }
.Lfunc_end2:
_tile_overlayer_lowered:
.L_overlay_start_2:
0x281: {  	(tag) =	ssettag $0x2  }
0x282: {  	s0 =	rddreg [dreg:$0x0];
	s2 =	stileid.u32  }
0x283: {  	s1 =	rddreg [dreg:$0x1];
	p0 =	sne.s32 s2, $0x0  }
0x284: {  	s3 =	rddreg [dreg:$0x2];
	[bflag:$0x3] =	sbarrier.arrive $0xFFFF;
	s2 =	simm.s32 @!p0 $0x1C0C  }
0x285: {  	[timem:s3], [sflag:s2] =	dma.local @!p0 [hbm:s0], s1  }
0x286: {  	s0 =	simm.s32 @!p0 $0xC  }
0x287: {  	_ =	swait.ge @!p0 [sflag:s0], s1  }
0x288: {  	s1 =	ssub.s32 @!p0 $0x0, s1;
	[sflag:s0] =	ssyncset.done @!p0 $0x0  }
0x289: {  	[sflag:s0] =	ssyncadd.s32 @!p0 s1  }
0x28a: {  	[bflag:$0x3] =	sbarrier.arrive $0xFFFF  }
0x28b: {  	_ =	shalt  }

</sc_bundles>
